<compile_context>
chip_gen: v7x
topology: tpu7x:2x2x1
jax: 0.10.2.dev20260603
libtpu: 0.0.44.dev20260713+nightly
codegen_flags: <defaults>
</compile_context>

<pallas_src>
import functools
import math

import jax
import jax.numpy as jnp
from jax import lax
from jax.experimental import pallas as pl
from jax.experimental.pallas import tpu as pltpu
from jax.experimental.pallas import tpu_sc as plsc

N = 10000
HID = 128
PHYS = 10
TOT = PHYS + HID
E = 320000

NC = 2
NS = 16
NW = NC * NS
EPW = E // NW
C = 16
NCHUNK = EPW // C
NVEC = HID // 16
ZB = 80


def _qkv_tc(full_repr, W_all, b_all):
    B = 1000

    def body(x_ref, w_ref, b_ref, q_ref, kv_ref):
        y = jnp.dot(x_ref[...], w_ref[...], preferred_element_type=jnp.float32)
        y = y + b_ref[...]
        q_ref[...] = y[:, 0:HID]
        kv_ref[...] = y[:, HID:3 * HID]

    return pl.pallas_call(
        body,
        grid=(N // B,),
        in_specs=[
            pl.BlockSpec((B, TOT), lambda i: (i, 0)),
            pl.BlockSpec((TOT, 3 * HID), lambda i: (0, 0)),
            pl.BlockSpec((1, 3 * HID), lambda i: (0, 0)),
        ],
        out_specs=[
            pl.BlockSpec((B, HID), lambda i: (i, 0)),
            pl.BlockSpec((B, 2 * HID), lambda i: (i, 0)),
        ],
        out_shape=[
            jax.ShapeDtypeStruct((N, HID), jnp.float32),
            jax.ShapeDtypeStruct((N, 2 * HID), jnp.float32),
        ],
    )(full_repr, W_all, b_all)


def _make_edge_sc():
    mesh = plsc.VectorSubcoreMesh(core_axis_name="c", subcore_axis_name="s")

    @functools.partial(
        pl.kernel,
        out_type=(
            jax.ShapeDtypeStruct((NC, N, HID), jnp.float32),
            jax.ShapeDtypeStruct((NC * N,), jnp.float32),
        ),
        mesh=mesh,
        scratch_types=[
            pltpu.VMEM((EPW,), jnp.int32),
            pltpu.VMEM((C, HID), jnp.float32),
            pltpu.VMEM((C, HID), jnp.float32),
            pltpu.VMEM((C, HID), jnp.float32),
            pltpu.VMEM((C, HID), jnp.float32),
            pltpu.VMEM((C, 2 * HID), jnp.float32),
            pltpu.VMEM((C, 2 * HID), jnp.float32),
            pltpu.VMEM((C, 2 * HID), jnp.float32),
            pltpu.VMEM((C, 2 * HID), jnp.float32),
            pltpu.VMEM((C, HID), jnp.float32),
            pltpu.VMEM((C, HID), jnp.float32),
            pltpu.VMEM((C, HID), jnp.float32),
            pltpu.VMEM((C, HID), jnp.float32),
            pltpu.VMEM((C,), jnp.float32),
            pltpu.VMEM((C,), jnp.float32),
            pltpu.VMEM((C,), jnp.float32),
            pltpu.VMEM((C,), jnp.float32),
            pltpu.VMEM((16, 16), jnp.float32),
            pltpu.VMEM((ZB,), jnp.float32),
            pltpu.VMEM_SHARED((N, HID), jnp.float32),
            pltpu.VMEM_SHARED((N,), jnp.float32),
            pltpu.SemaphoreType.DMA,
            pltpu.SemaphoreType.DMA,
            pltpu.SemaphoreType.DMA,
            pltpu.SemaphoreType.DMA,
            pltpu.SemaphoreType.DMA,
            pltpu.SemaphoreType.DMA,
            pltpu.SemaphoreType.DMA,
            pltpu.SemaphoreType.DMA,
            pltpu.SemaphoreType.DMA,
        ],
        compiler_params=pltpu.CompilerParams(needs_layout_passes=False),
    )
    def edge_kernel(q_hbm, kv_hbm, pk_hbm, zo_hbm, zw_hbm, out_hbm, w_hbm,
                    slab, qd0, qd1, qd2, qd3, kv0, kv1, kv2, kv3,
                    msg0, msg1, msg2, msg3, pb0, pb1, pb2, pb3, tmp, wz,
                    out_acc, w_acc, sg0, sg1, sg2, sg3, ss0, ss1, ss2, ss3,
                    sz):
        cid = lax.axis_index("c")
        sid = lax.axis_index("s")
        wid = cid * NS + sid
        qd, kv = [qd0, qd1, qd2, qd3], [kv0, kv1, kv2, kv3]
        msg, pb = [msg0, msg1, msg2, msg3], [pb0, pb1, pb2, pb3]
        sg, ss = [sg0, sg1, sg2, sg3], [ss0, ss1, ss2, ss3]

        pltpu.sync_copy(pk_hbm.at[wid], slab)

        RPT = 624
        def zslice(j):
            r = N - (NS - 1) * RPT if j == NS - 1 else RPT
            return pl.ds(j * RPT, r)

        for j in range(NS):
            @pl.when(sid == j)
            def _():
                pltpu.async_copy(zo_hbm.at[zslice(j)],
                                 out_acc.at[zslice(j)], sz)

        @pl.when(sid == 0)
        def _():
            pltpu.async_copy(zw_hbm, w_acc, sz)

        for j in range(NS):
            @pl.when(sid == j)
            def _():
                pltpu.make_async_copy(zo_hbm.at[zslice(j)],
                                      out_acc.at[zslice(j)], sz).wait()

        @pl.when(sid == 0)
        def _():
            pltpu.make_async_copy(zw_hbm, w_acc, sz).wait()

        plsc.subcore_barrier()

        def unpack(c):
            pk = slab[pl.ds(C * c, C)]
            dstv = lax.shift_right_logical(pk, 16)
            srcv = jnp.bitwise_and(pk, 0xFFFF)
            return dstv, srcv

        def issue_gathers(b, dstv, srcv):
            pltpu.async_copy(q_hbm.at[dstv], qd[b], sg[b])
            pltpu.async_copy(kv_hbm.at[srcv], kv[b], sg[b])

        def wait_gathers(b, dstv, srcv):
            pltpu.make_async_copy(q_hbm.at[dstv], qd[b], sg[b]).wait()
            pltpu.make_async_copy(kv_hbm.at[srcv], kv[b], sg[b]).wait()

        def issue_scatter(b, dstv):
            pltpu.async_copy(msg[b], out_acc.at[dstv], ss[b], add=True)
            pltpu.async_copy(pb[b], w_acc.at[dstv], ss[b], add=True)

        def wait_scatter(b, dstv):
            pltpu.make_async_copy(msg[b], out_acc.at[dstv], ss[b]).wait()
            pltpu.make_async_copy(pb[b], w_acc.at[dstv], ss[b]).wait()

        def compute(b):
            qb, kb, mb = qd[b], kv[b], msg[b]

            @plsc.parallel_loop(0, C, unroll=4)
            def _(j):
                t = qb[j, pl.ds(0, 16)] * kb[j, pl.ds(0, 16)]
                for i in range(1, NVEC):
                    t = t + (qb[j, pl.ds(16 * i, 16)] *
                             kb[j, pl.ds(16 * i, 16)])
                tmp[j, :] = t

            rows = lax.iota(jnp.int32, 16)
            acc = plsc.load_gather(tmp, [rows, jnp.zeros((16,), jnp.int32)])
            for l in range(1, 16):
                acc = acc + plsc.load_gather(
                    tmp, [rows, jnp.full((16,), l, jnp.int32)])
            pv = jnp.exp(acc)
            pb[b][...] = pv

            @plsc.parallel_loop(0, C, unroll=4)
            def _(j):
                pe = pv[jnp.full((16,), j, jnp.int32)]
                for i in range(NVEC):
                    mb[j, pl.ds(16 * i, 16)] = (
                        kb[j, pl.ds(HID + 16 * i, 16)] * pe)

        D = 4
        for u in range(D):
            du, su = unpack(u)
            issue_gathers(u, du, su)

        def rot_body(cc, _):
            for u in range(D):
                c = D * cc + u
                dstv, srcv = unpack(c)
                wait_gathers(u, dstv, srcv)

                @pl.when(cc >= 1)
                def _():
                    wait_scatter(u, dstv)

                compute(u)

                @pl.when(c + D < NCHUNK)
                def _():
                    dn, sn = unpack(c + D)
                    issue_gathers(u, dn, sn)

                issue_scatter(u, dstv)
            return 0

        lax.fori_loop(0, NCHUNK // D, rot_body, 0)

        dl, sl_ = unpack(NCHUNK - 1)
        wait_gathers(0, dl, sl_)
        wait_scatter(0, dl)
        compute(0)
        issue_scatter(0, dl)
        for u in range(1, D):
            wait_scatter(u, dl)
        wait_scatter(0, dl)
        plsc.subcore_barrier()

        nzi = (N // ZB + NS - 1) // NS

        def dblk(k, _):
            base = (sid + NS * k) * ZB

            @pl.when(base < N)
            def _():
                pltpu.async_copy(out_acc.at[pl.ds(base, ZB)],
                                 out_hbm.at[cid, pl.ds(base, ZB)], sz)

            return 0

        def dblk_wait(k, _):
            base = (sid + NS * k) * ZB

            @pl.when(base < N)
            def _():
                pltpu.make_async_copy(out_acc.at[pl.ds(base, ZB)],
                                      out_hbm.at[cid, pl.ds(base, ZB)],
                                      sz).wait()
                pltpu.sync_copy(w_acc.at[pl.ds(base, ZB)], wz)
                pltpu.sync_copy(wz, w_hbm.at[pl.ds(cid * N + base, ZB)])

            return 0

        lax.fori_loop(0, nzi, dblk, 0)
        lax.fori_loop(0, nzi, dblk_wait, 0)

    return edge_kernel


def _finish_tc(out_p, w_p, emb, Wo, bo2, gamma2, beta2):
    B = 1000

    def body(op_ref, wp_ref, e_ref, wo_ref, bo_ref, g_ref, b_ref, y_ref):
        s = op_ref[0] + op_ref[1]
        w = wp_ref[0] + wp_ref[1]
        agg = s / (w + 1e-8)
        h = jnp.dot(agg, wo_ref[...], preferred_element_type=jnp.float32)
        h = h + bo_ref[...]
        x = e_ref[...] + h
        mu = jnp.mean(x, axis=-1, keepdims=True)
        xc = x - mu
        var = jnp.mean(xc * xc, axis=-1, keepdims=True)
        y_ref[...] = xc * lax.rsqrt(var + 1e-5) * g_ref[...] + b_ref[...]

    return pl.pallas_call(
        body,
        grid=(N // B,),
        in_specs=[
            pl.BlockSpec((NC, B, HID), lambda i: (0, i, 0)),
            pl.BlockSpec((NC, B, 1), lambda i: (0, i, 0)),
            pl.BlockSpec((B, HID), lambda i: (i, 0)),
            pl.BlockSpec((HID, HID), lambda i: (0, 0)),
            pl.BlockSpec((1, HID), lambda i: (0, 0)),
            pl.BlockSpec((1, HID), lambda i: (0, 0)),
            pl.BlockSpec((1, HID), lambda i: (0, 0)),
        ],
        out_specs=pl.BlockSpec((B, HID), lambda i: (i, 0)),
        out_shape=jax.ShapeDtypeStruct((N, HID), jnp.float32),
    )(out_p, w_p, emb, Wo, bo2, gamma2, beta2)


def kernel(physics_x, learnable_emb, edge_index, Wq, bq, Wk, bk, Wv, bv,
           Wo, bo, gamma, beta):
    invs = 1.0 / math.sqrt(HID)
    full_repr = jnp.concatenate([physics_x, learnable_emb], axis=-1)
    Wv_pad = jnp.concatenate(
        [jnp.zeros((PHYS, HID), jnp.float32), Wv], axis=0)
    W_all = jnp.concatenate([Wq * invs, Wk, Wv_pad], axis=1)
    b_all = jnp.concatenate([bq * invs, bk, bv]).reshape(1, 3 * HID)

    Q, KV = _qkv_tc(full_repr, W_all, b_all)

    src = edge_index[0].astype(jnp.int32)
    dst = edge_index[1].astype(jnp.int32)
    packed = jnp.bitwise_or(jnp.left_shift(dst, 16), src)
    packed = packed.reshape(NW, EPW)

    zo = jnp.zeros((N, HID), jnp.float32)
    zw = jnp.zeros((N,), jnp.float32)
    out_p, w_p = _make_edge_sc()(Q, KV, packed, zo, zw)

    return _finish_tc(out_p, w_p.reshape(NC, N, 1), learnable_emb, Wo,
                      bo.reshape(1, HID), gamma.reshape(1, HID),
                      beta.reshape(1, HID))

# --- scband reference (transcript-rebuilt; emitter-appended) ---
"""Pipeline reference for scband-physics-aware-gnn-86182813762316 (READ-ONLY COPY).

The authoritative reference and input builder live on the scoring server;
editing this copy changes nothing except your own understanding.
"""

import jax, jax.numpy as jnp
import numpy as np
import math

N = 10000
E = 320000
HID = 128
PHYS = 10
TOT = PHYS + HID

def setup_inputs(seed: int = 0) -> dict:
    key = jax.random.key(seed)
    ks = jax.random.split(key, 16)
    physics_x = jax.random.normal(ks[0], (N, PHYS), dtype=jnp.float32)
    learnable_emb = jax.random.normal(ks[1], (N, HID), dtype=jnp.float32)
    edge_index = jax.random.randint(ks[2], (2, E), 0, N, dtype=jnp.int64)
    def lin(kk, fan_in, fan_out):
        bound = 1.0 / math.sqrt(fan_in)
        k1, k2 = jax.random.split(kk)
        W = jax.random.uniform(k1, (fan_in, fan_out), minval=-bound, maxval=bound, dtype=jnp.float32)
        b = jax.random.uniform(k2, (fan_out,), minval=-bound, maxval=bound, dtype=jnp.float32)
        return W, b
    Wq, bq = lin(ks[3], TOT, HID)
    Wk, bk = lin(ks[4], TOT, HID)
    Wv, bv = lin(ks[5], HID, HID)
    Wo, bo = lin(ks[6], HID, HID)
    gamma = jnp.ones((HID,), dtype=jnp.float32)
    beta = jnp.zeros((HID,), dtype=jnp.float32)
    return {"physics_x": physics_x, "learnable_emb": learnable_emb, "edge_index": edge_index,
            "Wq": Wq, "bq": bq, "Wk": Wk, "bk": bk, "Wv": Wv, "bv": bv, "Wo": Wo, "bo": bo,
            "gamma": gamma, "beta": beta}

def _layer_norm(x, gamma, beta, eps=1e-5):
    mu = jnp.mean(x, axis=-1, keepdims=True)
    var = jnp.mean((x - mu) ** 2, axis=-1, keepdims=True)
    return (x - mu) / jnp.sqrt(var + eps) * gamma + beta

def reference(physics_x, learnable_emb, edge_index, Wq, bq, Wk, bk, Wv, bv, Wo, bo, gamma, beta):
    full_repr = jnp.concatenate([physics_x, learnable_emb], axis=-1)
    Q = full_repr @ Wq + bq
    K = full_repr @ Wk + bk
    V = learnable_emb @ Wv + bv
    src = edge_index[0]
    dst = edge_index[1]
    attn_scores = jnp.sum(Q[dst] * K[src], axis=-1) / math.sqrt(Q.shape[-1])
    exp_scores = jnp.exp(attn_scores)
    attn_weights = jnp.zeros((learnable_emb.shape[0],), dtype=learnable_emb.dtype).at[dst].add(exp_scores)
    attn_probs = exp_scores / (attn_weights[dst] + 1e-08)
    msg = V[src] * attn_probs[:, None]
    out = jnp.zeros_like(learnable_emb).at[dst].add(msg)
    out = out @ Wo + bo
    return _layer_norm(learnable_emb + out, gamma, beta)

if __name__ == "__main__":
    import jax
    _d = setup_inputs()
    print(jax.jit(kernel)(*tuple(_d.values())))

</pallas_src>

<mosaic_0001>
#map = affine_map<(d0, d1) -> (0, 0)>
#map1 = affine_map<(d0, d1) -> (0)>
#map2 = affine_map<(d0, d1) -> (0, 0, 0)>
module attributes {stable_mosaic.version = 14 : i64} {
  func.func @edge_kernel(%arg0: i32, %arg1: i32, %arg2: memref<10000x128xf32, #tpu.memory_space<hbm>>, %arg3: memref<10000x256xf32, #tpu.memory_space<hbm>>, %arg4: memref<32x10000xi32, #tpu.memory_space<hbm>>, %arg5: memref<10000x128xf32, #tpu.memory_space<hbm>>, %arg6: memref<10000xf32, #tpu.memory_space<hbm>>, %arg7: memref<2x10000x128xf32, #tpu.memory_space<hbm>>, %arg8: memref<20000xf32, #tpu.memory_space<hbm>>, %arg9: memref<10000xi32, #tpu.memory_space<vmem>>, %arg10: memref<16x128xf32, #tpu.memory_space<vmem>>, %arg11: memref<16x128xf32, #tpu.memory_space<vmem>>, %arg12: memref<16x128xf32, #tpu.memory_space<vmem>>, %arg13: memref<16x128xf32, #tpu.memory_space<vmem>>, %arg14: memref<16x256xf32, #tpu.memory_space<vmem>>, %arg15: memref<16x256xf32, #tpu.memory_space<vmem>>, %arg16: memref<16x256xf32, #tpu.memory_space<vmem>>, %arg17: memref<16x256xf32, #tpu.memory_space<vmem>>, %arg18: memref<16x128xf32, #tpu.memory_space<vmem>>, %arg19: memref<16x128xf32, #tpu.memory_space<vmem>>, %arg20: memref<16x128xf32, #tpu.memory_space<vmem>>, %arg21: memref<16x128xf32, #tpu.memory_space<vmem>>, %arg22: memref<16xf32, #tpu.memory_space<vmem>>, %arg23: memref<16xf32, #tpu.memory_space<vmem>>, %arg24: memref<16xf32, #tpu.memory_space<vmem>>, %arg25: memref<16xf32, #tpu.memory_space<vmem>>, %arg26: memref<16x16xf32, #tpu.memory_space<vmem>>, %arg27: memref<80xf32, #tpu.memory_space<vmem>>, %arg28: memref<10000x128xf32, #tpu.memory_space<vmem_shared>>, %arg29: memref<10000xf32, #tpu.memory_space<vmem_shared>>, %arg30: memref<!tpu.dma_semaphore, #tpu.memory_space<semaphore_mem>>, %arg31: memref<!tpu.dma_semaphore, #tpu.memory_space<semaphore_mem>>, %arg32: memref<!tpu.dma_semaphore, #tpu.memory_space<semaphore_mem>>, %arg33: memref<!tpu.dma_semaphore, #tpu.memory_space<semaphore_mem>>, %arg34: memref<!tpu.dma_semaphore, #tpu.memory_space<semaphore_mem>>, %arg35: memref<!tpu.dma_semaphore, #tpu.memory_space<semaphore_mem>>, %arg36: memref<!tpu.dma_semaphore, #tpu.memory_space<semaphore_mem>>, %arg37: memref<!tpu.dma_semaphore, #tpu.memory_space<semaphore_mem>>, %arg38: memref<!tpu.dma_semaphore, #tpu.memory_space<semaphore_mem>>) attributes {dimension_semantics = [#tpu.dimension_semantics<core_parallel>, #tpu.dimension_semantics<subcore_parallel>], iteration_bounds = array<i64: 2, 16>, scalar_prefetch = 0 : i64, scratch_operands = 30 : i64, tpu.core_type = #tpu.core_type<sc_vector_subcore>, window_params = [{transform_indices = #map}, {transform_indices = #map}, {transform_indices = #map}, {transform_indices = #map}, {transform_indices = #map1}, {transform_indices = #map2}, {transform_indices = #map1}]} {
    %mul3A = arith.constant 16 : i32
    %mul3A_0 = arith.muli %arg0, %mul3A : i32
    %add3A = arith.addi %mul3A_0, %arg1 : i32
    "tpu.region"() ({
      %run_scoped3A = tpu.sem_alloc : memref<!tpu.dma_semaphore, #tpu.memory_space<semaphore_mem>>
      %dma_start3A_351 = arith.constant 0 : i32
      %dma_start3A_352 = tpu.memref_slice %arg4[%add3A, %dma_start3A_351] : memref<32x10000xi32, #tpu.memory_space<hbm>> -> memref<1x10000xi32, #tpu.memory_space<hbm>>
      %dma_start3A_353 = tpu.memref_squeeze %dma_start3A_352 : memref<1x10000xi32, #tpu.memory_space<hbm>> -> memref<10000xi32, #tpu.memory_space<hbm>>
      %dma_start3A_354 = arith.constant 0 : i32
      %dma_start3A_355 = tpu.memref_slice %arg4[%add3A, %dma_start3A_354] : memref<32x10000xi32, #tpu.memory_space<hbm>> -> memref<1x10000xi32, #tpu.memory_space<hbm>>
      %dma_start3A_356 = tpu.memref_squeeze %dma_start3A_355 : memref<1x10000xi32, #tpu.memory_space<hbm>> -> memref<10000xi32, #tpu.memory_space<hbm>>
      tpu.enqueue_dma source(%dma_start3A_356 : memref<10000xi32, #tpu.memory_space<hbm>>) target(%arg9 : memref<10000xi32, #tpu.memory_space<vmem>>) target_semaphore(%run_scoped3A : memref<!tpu.dma_semaphore, #tpu.memory_space<semaphore_mem>>)
      %dma_wait3A_357 = arith.constant 0 : i32
      %dma_wait3A_358 = tpu.memref_slice %arg4[%add3A, %dma_wait3A_357] : memref<32x10000xi32, #tpu.memory_space<hbm>> -> memref<1x10000xi32, #tpu.memory_space<hbm>>
      %dma_wait3A_359 = tpu.memref_squeeze %dma_wait3A_358 : memref<1x10000xi32, #tpu.memory_space<hbm>> -> memref<10000xi32, #tpu.memory_space<hbm>>
      %dma_wait3A_360 = arith.constant 0 : i32
      %dma_wait3A_361 = tpu.memref_slice %arg4[%add3A, %dma_wait3A_360] : memref<32x10000xi32, #tpu.memory_space<hbm>> -> memref<1x10000xi32, #tpu.memory_space<hbm>>
      %dma_wait3A_362 = tpu.memref_squeeze %dma_wait3A_361 : memref<1x10000xi32, #tpu.memory_space<hbm>> -> memref<10000xi32, #tpu.memory_space<hbm>>
      tpu.wait_dma2 semaphore(%run_scoped3A : memref<!tpu.dma_semaphore, #tpu.memory_space<semaphore_mem>>) src(%dma_wait3A_362 : memref<10000xi32, #tpu.memory_space<hbm>>) dst(%arg9 : memref<10000xi32, #tpu.memory_space<vmem>>)
      tpu.yield
    }) : () -> ()
    %eq3A = arith.constant 0 : i32
    %eq3A_1 = arith.cmpi eq, %arg1, %eq3A : i32
    %convert_element_type3A = arith.extui %eq3A_1 : i1 to i32
    %cond3A = arith.constant 0 : i32
    %cond3A_2 = arith.cmpi ne, %convert_element_type3A, %cond3A : i32
    scf.if %cond3A_2 {
      %dma_start3A_351 = arith.constant 0 : i32
      %dma_start3A_352 = arith.constant 0 : i32
      %dma_start3A_353 = tpu.memref_slice %arg28[%dma_start3A_351, %dma_start3A_352] : memref<10000x128xf32, #tpu.memory_space<vmem_shared>> -> memref<624x128xf32, #tpu.memory_space<vmem_shared>>
      %dma_start3A_354 = arith.constant 0 : i32
      %dma_start3A_355 = arith.constant 0 : i32
      %dma_start3A_356 = tpu.memref_slice %arg5[%dma_start3A_354, %dma_start3A_355] : memref<10000x128xf32, #tpu.memory_space<hbm>> -> memref<624x128xf32, #tpu.memory_space<hbm>>
      tpu.enqueue_dma source(%dma_start3A_356 : memref<624x128xf32, #tpu.memory_space<hbm>>) target(%dma_start3A_353 : memref<624x128xf32, #tpu.memory_space<vmem_shared>>) target_semaphore(%arg38 : memref<!tpu.dma_semaphore, #tpu.memory_space<semaphore_mem>>)
    } else {
    }
    %eq3A_3 = arith.constant 1 : i32
    %eq3A_4 = arith.cmpi eq, %arg1, %eq3A_3 : i32
    %convert_element_type3A_5 = arith.extui %eq3A_4 : i1 to i32
    %cond3A_6 = arith.constant 0 : i32
    %cond3A_7 = arith.cmpi ne, %convert_element_type3A_5, %cond3A_6 : i32
    scf.if %cond3A_7 {
      %dma_start3A_351 = arith.constant 624 : i32
      %dma_start3A_352 = arith.constant 0 : i32
      %dma_start3A_353 = tpu.memref_slice %arg28[%dma_start3A_351, %dma_start3A_352] : memref<10000x128xf32, #tpu.memory_space<vmem_shared>> -> memref<624x128xf32, #tpu.memory_space<vmem_shared>>
      %dma_start3A_354 = arith.constant 624 : i32
      %dma_start3A_355 = arith.constant 0 : i32
      %dma_start3A_356 = tpu.memref_slice %arg5[%dma_start3A_354, %dma_start3A_355] : memref<10000x128xf32, #tpu.memory_space<hbm>> -> memref<624x128xf32, #tpu.memory_space<hbm>>
      tpu.enqueue_dma source(%dma_start3A_356 : memref<624x128xf32, #tpu.memory_space<hbm>>) target(%dma_start3A_353 : memref<624x128xf32, #tpu.memory_space<vmem_shared>>) target_semaphore(%arg38 : memref<!tpu.dma_semaphore, #tpu.memory_space<semaphore_mem>>)
    } else {
    }
    %eq3A_8 = arith.constant 2 : i32
    %eq3A_9 = arith.cmpi eq, %arg1, %eq3A_8 : i32
    %convert_element_type3A_10 = arith.extui %eq3A_9 : i1 to i32
    %cond3A_11 = arith.constant 0 : i32
    %cond3A_12 = arith.cmpi ne, %convert_element_type3A_10, %cond3A_11 : i32
    scf.if %cond3A_12 {
      %dma_start3A_351 = arith.constant 1248 : i32
      %dma_start3A_352 = arith.constant 0 : i32
      %dma_start3A_353 = tpu.memref_slice %arg28[%dma_start3A_351, %dma_start3A_352] : memref<10000x128xf32, #tpu.memory_space<vmem_shared>> -> memref<624x128xf32, #tpu.memory_space<vmem_shared>>
      %dma_start3A_354 = arith.constant 1248 : i32
      %dma_start3A_355 = arith.constant 0 : i32
      %dma_start3A_356 = tpu.memref_slice %arg5[%dma_start3A_354, %dma_start3A_355] : memref<10000x128xf32, #tpu.memory_space<hbm>> -> memref<624x128xf32, #tpu.memory_space<hbm>>
      tpu.enqueue_dma source(%dma_start3A_356 : memref<624x128xf32, #tpu.memory_space<hbm>>) target(%dma_start3A_353 : memref<624x128xf32, #tpu.memory_space<vmem_shared>>) target_semaphore(%arg38 : memref<!tpu.dma_semaphore, #tpu.memory_space<semaphore_mem>>)
    } else {
    }
    %eq3A_13 = arith.constant 3 : i32
    %eq3A_14 = arith.cmpi eq, %arg1, %eq3A_13 : i32
    %convert_element_type3A_15 = arith.extui %eq3A_14 : i1 to i32
    %cond3A_16 = arith.constant 0 : i32
    %cond3A_17 = arith.cmpi ne, %convert_element_type3A_15, %cond3A_16 : i32
    scf.if %cond3A_17 {
      %dma_start3A_351 = arith.constant 1872 : i32
      %dma_start3A_352 = arith.constant 0 : i32
      %dma_start3A_353 = tpu.memref_slice %arg28[%dma_start3A_351, %dma_start3A_352] : memref<10000x128xf32, #tpu.memory_space<vmem_shared>> -> memref<624x128xf32, #tpu.memory_space<vmem_shared>>
      %dma_start3A_354 = arith.constant 1872 : i32
      %dma_start3A_355 = arith.constant 0 : i32
      %dma_start3A_356 = tpu.memref_slice %arg5[%dma_start3A_354, %dma_start3A_355] : memref<10000x128xf32, #tpu.memory_space<hbm>> -> memref<624x128xf32, #tpu.memory_space<hbm>>
      tpu.enqueue_dma source(%dma_start3A_356 : memref<624x128xf32, #tpu.memory_space<hbm>>) target(%dma_start3A_353 : memref<624x128xf32, #tpu.memory_space<vmem_shared>>) target_semaphore(%arg38 : memref<!tpu.dma_semaphore, #tpu.memory_space<semaphore_mem>>)
    } else {
    }
    %eq3A_18 = arith.constant 4 : i32
    %eq3A_19 = arith.cmpi eq, %arg1, %eq3A_18 : i32
    %convert_element_type3A_20 = arith.extui %eq3A_19 : i1 to i32
    %cond3A_21 = arith.constant 0 : i32
    %cond3A_22 = arith.cmpi ne, %convert_element_type3A_20, %cond3A_21 : i32
    scf.if %cond3A_22 {
      %dma_start3A_351 = arith.constant 2496 : i32
      %dma_start3A_352 = arith.constant 0 : i32
      %dma_start3A_353 = tpu.memref_slice %arg28[%dma_start3A_351, %dma_start3A_352] : memref<10000x128xf32, #tpu.memory_space<vmem_shared>> -> memref<624x128xf32, #tpu.memory_space<vmem_shared>>
      %dma_start3A_354 = arith.constant 2496 : i32
      %dma_start3A_355 = arith.constant 0 : i32
      %dma_start3A_356 = tpu.memref_slice %arg5[%dma_start3A_354, %dma_start3A_355] : memref<10000x128xf32, #tpu.memory_space<hbm>> -> memref<624x128xf32, #tpu.memory_space<hbm>>
      tpu.enqueue_dma source(%dma_start3A_356 : memref<624x128xf32, #tpu.memory_space<hbm>>) target(%dma_start3A_353 : memref<624x128xf32, #tpu.memory_space<vmem_shared>>) target_semaphore(%arg38 : memref<!tpu.dma_semaphore, #tpu.memory_space<semaphore_mem>>)
    } else {
    }
    %eq3A_23 = arith.constant 5 : i32
    %eq3A_24 = arith.cmpi eq, %arg1, %eq3A_23 : i32
    %convert_element_type3A_25 = arith.extui %eq3A_24 : i1 to i32
    %cond3A_26 = arith.constant 0 : i32
    %cond3A_27 = arith.cmpi ne, %convert_element_type3A_25, %cond3A_26 : i32
    scf.if %cond3A_27 {
      %dma_start3A_351 = arith.constant 3120 : i32
      %dma_start3A_352 = arith.constant 0 : i32
      %dma_start3A_353 = tpu.memref_slice %arg28[%dma_start3A_351, %dma_start3A_352] : memref<10000x128xf32, #tpu.memory_space<vmem_shared>> -> memref<624x128xf32, #tpu.memory_space<vmem_shared>>
      %dma_start3A_354 = arith.constant 3120 : i32
      %dma_start3A_355 = arith.constant 0 : i32
      %dma_start3A_356 = tpu.memref_slice %arg5[%dma_start3A_354, %dma_start3A_355] : memref<10000x128xf32, #tpu.memory_space<hbm>> -> memref<624x128xf32, #tpu.memory_space<hbm>>
      tpu.enqueue_dma source(%dma_start3A_356 : memref<624x128xf32, #tpu.memory_space<hbm>>) target(%dma_start3A_353 : memref<624x128xf32, #tpu.memory_space<vmem_shared>>) target_semaphore(%arg38 : memref<!tpu.dma_semaphore, #tpu.memory_space<semaphore_mem>>)
    } else {
    }
    %eq3A_28 = arith.constant 6 : i32
    %eq3A_29 = arith.cmpi eq, %arg1, %eq3A_28 : i32
    %convert_element_type3A_30 = arith.extui %eq3A_29 : i1 to i32
    %cond3A_31 = arith.constant 0 : i32
    %cond3A_32 = arith.cmpi ne, %convert_element_type3A_30, %cond3A_31 : i32
    scf.if %cond3A_32 {
      %dma_start3A_351 = arith.constant 3744 : i32
      %dma_start3A_352 = arith.constant 0 : i32
      %dma_start3A_353 = tpu.memref_slice %arg28[%dma_start3A_351, %dma_start3A_352] : memref<10000x128xf32, #tpu.memory_space<vmem_shared>> -> memref<624x128xf32, #tpu.memory_space<vmem_shared>>
      %dma_start3A_354 = arith.constant 3744 : i32
      %dma_start3A_355 = arith.constant 0 : i32
      %dma_start3A_356 = tpu.memref_slice %arg5[%dma_start3A_354, %dma_start3A_355] : memref<10000x128xf32, #tpu.memory_space<hbm>> -> memref<624x128xf32, #tpu.memory_space<hbm>>
      tpu.enqueue_dma source(%dma_start3A_356 : memref<624x128xf32, #tpu.memory_space<hbm>>) target(%dma_start3A_353 : memref<624x128xf32, #tpu.memory_space<vmem_shared>>) target_semaphore(%arg38 : memref<!tpu.dma_semaphore, #tpu.memory_space<semaphore_mem>>)
    } else {
    }
    %eq3A_33 = arith.constant 7 : i32
    %eq3A_34 = arith.cmpi eq, %arg1, %eq3A_33 : i32
    %convert_element_type3A_35 = arith.extui %eq3A_34 : i1 to i32
    %cond3A_36 = arith.constant 0 : i32
    %cond3A_37 = arith.cmpi ne, %convert_element_type3A_35, %cond3A_36 : i32
    scf.if %cond3A_37 {
      %dma_start3A_351 = arith.constant 4368 : i32
      %dma_start3A_352 = arith.constant 0 : i32
      %dma_start3A_353 = tpu.memref_slice %arg28[%dma_start3A_351, %dma_start3A_352] : memref<10000x128xf32, #tpu.memory_space<vmem_shared>> -> memref<624x128xf32, #tpu.memory_space<vmem_shared>>
      %dma_start3A_354 = arith.constant 4368 : i32
      %dma_start3A_355 = arith.constant 0 : i32
      %dma_start3A_356 = tpu.memref_slice %arg5[%dma_start3A_354, %dma_start3A_355] : memref<10000x128xf32, #tpu.memory_space<hbm>> -> memref<624x128xf32, #tpu.memory_space<hbm>>
      tpu.enqueue_dma source(%dma_start3A_356 : memref<624x128xf32, #tpu.memory_space<hbm>>) target(%dma_start3A_353 : memref<624x128xf32, #tpu.memory_space<vmem_shared>>) target_semaphore(%arg38 : memref<!tpu.dma_semaphore, #tpu.memory_space<semaphore_mem>>)
    } else {
    }
    %eq3A_38 = arith.constant 8 : i32
    %eq3A_39 = arith.cmpi eq, %arg1, %eq3A_38 : i32
    %convert_element_type3A_40 = arith.extui %eq3A_39 : i1 to i32
    %cond3A_41 = arith.constant 0 : i32
    %cond3A_42 = arith.cmpi ne, %convert_element_type3A_40, %cond3A_41 : i32
    scf.if %cond3A_42 {
      %dma_start3A_351 = arith.constant 4992 : i32
      %dma_start3A_352 = arith.constant 0 : i32
      %dma_start3A_353 = tpu.memref_slice %arg28[%dma_start3A_351, %dma_start3A_352] : memref<10000x128xf32, #tpu.memory_space<vmem_shared>> -> memref<624x128xf32, #tpu.memory_space<vmem_shared>>
      %dma_start3A_354 = arith.constant 4992 : i32
      %dma_start3A_355 = arith.constant 0 : i32
      %dma_start3A_356 = tpu.memref_slice %arg5[%dma_start3A_354, %dma_start3A_355] : memref<10000x128xf32, #tpu.memory_space<hbm>> -> memref<624x128xf32, #tpu.memory_space<hbm>>
      tpu.enqueue_dma source(%dma_start3A_356 : memref<624x128xf32, #tpu.memory_space<hbm>>) target(%dma_start3A_353 : memref<624x128xf32, #tpu.memory_space<vmem_shared>>) target_semaphore(%arg38 : memref<!tpu.dma_semaphore, #tpu.memory_space<semaphore_mem>>)
    } else {
    }
    %eq3A_43 = arith.constant 9 : i32
    %eq3A_44 = arith.cmpi eq, %arg1, %eq3A_43 : i32
    %convert_element_type3A_45 = arith.extui %eq3A_44 : i1 to i32
    %cond3A_46 = arith.constant 0 : i32
    %cond3A_47 = arith.cmpi ne, %convert_element_type3A_45, %cond3A_46 : i32
    scf.if %cond3A_47 {
      %dma_start3A_351 = arith.constant 5616 : i32
      %dma_start3A_352 = arith.constant 0 : i32
      %dma_start3A_353 = tpu.memref_slice %arg28[%dma_start3A_351, %dma_start3A_352] : memref<10000x128xf32, #tpu.memory_space<vmem_shared>> -> memref<624x128xf32, #tpu.memory_space<vmem_shared>>
      %dma_start3A_354 = arith.constant 5616 : i32
      %dma_start3A_355 = arith.constant 0 : i32
      %dma_start3A_356 = tpu.memref_slice %arg5[%dma_start3A_354, %dma_start3A_355] : memref<10000x128xf32, #tpu.memory_space<hbm>> -> memref<624x128xf32, #tpu.memory_space<hbm>>
      tpu.enqueue_dma source(%dma_start3A_356 : memref<624x128xf32, #tpu.memory_space<hbm>>) target(%dma_start3A_353 : memref<624x128xf32, #tpu.memory_space<vmem_shared>>) target_semaphore(%arg38 : memref<!tpu.dma_semaphore, #tpu.memory_space<semaphore_mem>>)
    } else {
    }
    %eq3A_48 = arith.constant 10 : i32
    %eq3A_49 = arith.cmpi eq, %arg1, %eq3A_48 : i32
    %convert_element_type3A_50 = arith.extui %eq3A_49 : i1 to i32
    %cond3A_51 = arith.constant 0 : i32
    %cond3A_52 = arith.cmpi ne, %convert_element_type3A_50, %cond3A_51 : i32
    scf.if %cond3A_52 {
      %dma_start3A_351 = arith.constant 6240 : i32
      %dma_start3A_352 = arith.constant 0 : i32
      %dma_start3A_353 = tpu.memref_slice %arg28[%dma_start3A_351, %dma_start3A_352] : memref<10000x128xf32, #tpu.memory_space<vmem_shared>> -> memref<624x128xf32, #tpu.memory_space<vmem_shared>>
      %dma_start3A_354 = arith.constant 6240 : i32
      %dma_start3A_355 = arith.constant 0 : i32
      %dma_start3A_356 = tpu.memref_slice %arg5[%dma_start3A_354, %dma_start3A_355] : memref<10000x128xf32, #tpu.memory_space<hbm>> -> memref<624x128xf32, #tpu.memory_space<hbm>>
      tpu.enqueue_dma source(%dma_start3A_356 : memref<624x128xf32, #tpu.memory_space<hbm>>) target(%dma_start3A_353 : memref<624x128xf32, #tpu.memory_space<vmem_shared>>) target_semaphore(%arg38 : memref<!tpu.dma_semaphore, #tpu.memory_space<semaphore_mem>>)
    } else {
    }
    %eq3A_53 = arith.constant 11 : i32
    %eq3A_54 = arith.cmpi eq, %arg1, %eq3A_53 : i32
    %convert_element_type3A_55 = arith.extui %eq3A_54 : i1 to i32
    %cond3A_56 = arith.constant 0 : i32
    %cond3A_57 = arith.cmpi ne, %convert_element_type3A_55, %cond3A_56 : i32
    scf.if %cond3A_57 {
      %dma_start3A_351 = arith.constant 6864 : i32
      %dma_start3A_352 = arith.constant 0 : i32
      %dma_start3A_353 = tpu.memref_slice %arg28[%dma_start3A_351, %dma_start3A_352] : memref<10000x128xf32, #tpu.memory_space<vmem_shared>> -> memref<624x128xf32, #tpu.memory_space<vmem_shared>>
      %dma_start3A_354 = arith.constant 6864 : i32
      %dma_start3A_355 = arith.constant 0 : i32
      %dma_start3A_356 = tpu.memref_slice %arg5[%dma_start3A_354, %dma_start3A_355] : memref<10000x128xf32, #tpu.memory_space<hbm>> -> memref<624x128xf32, #tpu.memory_space<hbm>>
      tpu.enqueue_dma source(%dma_start3A_356 : memref<624x128xf32, #tpu.memory_space<hbm>>) target(%dma_start3A_353 : memref<624x128xf32, #tpu.memory_space<vmem_shared>>) target_semaphore(%arg38 : memref<!tpu.dma_semaphore, #tpu.memory_space<semaphore_mem>>)
    } else {
    }
    %eq3A_58 = arith.constant 12 : i32
    %eq3A_59 = arith.cmpi eq, %arg1, %eq3A_58 : i32
    %convert_element_type3A_60 = arith.extui %eq3A_59 : i1 to i32
    %cond3A_61 = arith.constant 0 : i32
    %cond3A_62 = arith.cmpi ne, %convert_element_type3A_60, %cond3A_61 : i32
    scf.if %cond3A_62 {
      %dma_start3A_351 = arith.constant 7488 : i32
      %dma_start3A_352 = arith.constant 0 : i32
      %dma_start3A_353 = tpu.memref_slice %arg28[%dma_start3A_351, %dma_start3A_352] : memref<10000x128xf32, #tpu.memory_space<vmem_shared>> -> memref<624x128xf32, #tpu.memory_space<vmem_shared>>
      %dma_start3A_354 = arith.constant 7488 : i32
      %dma_start3A_355 = arith.constant 0 : i32
      %dma_start3A_356 = tpu.memref_slice %arg5[%dma_start3A_354, %dma_start3A_355] : memref<10000x128xf32, #tpu.memory_space<hbm>> -> memref<624x128xf32, #tpu.memory_space<hbm>>
      tpu.enqueue_dma source(%dma_start3A_356 : memref<624x128xf32, #tpu.memory_space<hbm>>) target(%dma_start3A_353 : memref<624x128xf32, #tpu.memory_space<vmem_shared>>) target_semaphore(%arg38 : memref<!tpu.dma_semaphore, #tpu.memory_space<semaphore_mem>>)
    } else {
    }
    %eq3A_63 = arith.constant 13 : i32
    %eq3A_64 = arith.cmpi eq, %arg1, %eq3A_63 : i32
    %convert_element_type3A_65 = arith.extui %eq3A_64 : i1 to i32
    %cond3A_66 = arith.constant 0 : i32
    %cond3A_67 = arith.cmpi ne, %convert_element_type3A_65, %cond3A_66 : i32
    scf.if %cond3A_67 {
      %dma_start3A_351 = arith.constant 8112 : i32
      %dma_start3A_352 = arith.constant 0 : i32
      %dma_start3A_353 = tpu.memref_slice %arg28[%dma_start3A_351, %dma_start3A_352] : memref<10000x128xf32, #tpu.memory_space<vmem_shared>> -> memref<624x128xf32, #tpu.memory_space<vmem_shared>>
      %dma_start3A_354 = arith.constant 8112 : i32
      %dma_start3A_355 = arith.constant 0 : i32
      %dma_start3A_356 = tpu.memref_slice %arg5[%dma_start3A_354, %dma_start3A_355] : memref<10000x128xf32, #tpu.memory_space<hbm>> -> memref<624x128xf32, #tpu.memory_space<hbm>>
      tpu.enqueue_dma source(%dma_start3A_356 : memref<624x128xf32, #tpu.memory_space<hbm>>) target(%dma_start3A_353 : memref<624x128xf32, #tpu.memory_space<vmem_shared>>) target_semaphore(%arg38 : memref<!tpu.dma_semaphore, #tpu.memory_space<semaphore_mem>>)
    } else {
    }
    %eq3A_68 = arith.constant 14 : i32
    %eq3A_69 = arith.cmpi eq, %arg1, %eq3A_68 : i32
    %convert_element_type3A_70 = arith.extui %eq3A_69 : i1 to i32
    %cond3A_71 = arith.constant 0 : i32
    %cond3A_72 = arith.cmpi ne, %convert_element_type3A_70, %cond3A_71 : i32
    scf.if %cond3A_72 {
      %dma_start3A_351 = arith.constant 8736 : i32
      %dma_start3A_352 = arith.constant 0 : i32
      %dma_start3A_353 = tpu.memref_slice %arg28[%dma_start3A_351, %dma_start3A_352] : memref<10000x128xf32, #tpu.memory_space<vmem_shared>> -> memref<624x128xf32, #tpu.memory_space<vmem_shared>>
      %dma_start3A_354 = arith.constant 8736 : i32
      %dma_start3A_355 = arith.constant 0 : i32
      %dma_start3A_356 = tpu.memref_slice %arg5[%dma_start3A_354, %dma_start3A_355] : memref<10000x128xf32, #tpu.memory_space<hbm>> -> memref<624x128xf32, #tpu.memory_space<hbm>>
      tpu.enqueue_dma source(%dma_start3A_356 : memref<624x128xf32, #tpu.memory_space<hbm>>) target(%dma_start3A_353 : memref<624x128xf32, #tpu.memory_space<vmem_shared>>) target_semaphore(%arg38 : memref<!tpu.dma_semaphore, #tpu.memory_space<semaphore_mem>>)
    } else {
    }
    %eq3A_73 = arith.constant 15 : i32
    %eq3A_74 = arith.cmpi eq, %arg1, %eq3A_73 : i32
    %convert_element_type3A_75 = arith.extui %eq3A_74 : i1 to i32
    %cond3A_76 = arith.constant 0 : i32
    %cond3A_77 = arith.cmpi ne, %convert_element_type3A_75, %cond3A_76 : i32
    scf.if %cond3A_77 {
      %dma_start3A_351 = arith.constant 9360 : i32
      %dma_start3A_352 = arith.constant 0 : i32
      %dma_start3A_353 = tpu.memref_slice %arg28[%dma_start3A_351, %dma_start3A_352] : memref<10000x128xf32, #tpu.memory_space<vmem_shared>> -> memref<640x128xf32, #tpu.memory_space<vmem_shared>>
      %dma_start3A_354 = arith.constant 9360 : i32
      %dma_start3A_355 = arith.constant 0 : i32
      %dma_start3A_356 = tpu.memref_slice %arg5[%dma_start3A_354, %dma_start3A_355] : memref<10000x128xf32, #tpu.memory_space<hbm>> -> memref<640x128xf32, #tpu.memory_space<hbm>>
      tpu.enqueue_dma source(%dma_start3A_356 : memref<640x128xf32, #tpu.memory_space<hbm>>) target(%dma_start3A_353 : memref<640x128xf32, #tpu.memory_space<vmem_shared>>) target_semaphore(%arg38 : memref<!tpu.dma_semaphore, #tpu.memory_space<semaphore_mem>>)
    } else {
    }
    %eq3A_78 = arith.constant 0 : i32
    %eq3A_79 = arith.cmpi eq, %arg1, %eq3A_78 : i32
    %convert_element_type3A_80 = arith.extui %eq3A_79 : i1 to i32
    %cond3A_81 = arith.constant 0 : i32
    %cond3A_82 = arith.cmpi ne, %convert_element_type3A_80, %cond3A_81 : i32
    scf.if %cond3A_82 {
      tpu.enqueue_dma source(%arg6 : memref<10000xf32, #tpu.memory_space<hbm>>) target(%arg29 : memref<10000xf32, #tpu.memory_space<vmem_shared>>) target_semaphore(%arg38 : memref<!tpu.dma_semaphore, #tpu.memory_space<semaphore_mem>>)
    } else {
    }
    %eq3A_83 = arith.constant 0 : i32
    %eq3A_84 = arith.cmpi eq, %arg1, %eq3A_83 : i32
    %convert_element_type3A_85 = arith.extui %eq3A_84 : i1 to i32
    %cond3A_86 = arith.constant 0 : i32
    %cond3A_87 = arith.cmpi ne, %convert_element_type3A_85, %cond3A_86 : i32
    scf.if %cond3A_87 {
      %dma_wait3A_351 = arith.constant 0 : i32
      %dma_wait3A_352 = arith.constant 0 : i32
      %dma_wait3A_353 = tpu.memref_slice %arg28[%dma_wait3A_351, %dma_wait3A_352] : memref<10000x128xf32, #tpu.memory_space<vmem_shared>> -> memref<624x128xf32, #tpu.memory_space<vmem_shared>>
      %dma_wait3A_354 = arith.constant 0 : i32
      %dma_wait3A_355 = arith.constant 0 : i32
      %dma_wait3A_356 = tpu.memref_slice %arg5[%dma_wait3A_354, %dma_wait3A_355] : memref<10000x128xf32, #tpu.memory_space<hbm>> -> memref<624x128xf32, #tpu.memory_space<hbm>>
      tpu.wait_dma2 semaphore(%arg38 : memref<!tpu.dma_semaphore, #tpu.memory_space<semaphore_mem>>) src(%dma_wait3A_356 : memref<624x128xf32, #tpu.memory_space<hbm>>) dst(%dma_wait3A_353 : memref<624x128xf32, #tpu.memory_space<vmem_shared>>)
    } else {
    }
    %eq3A_88 = arith.constant 1 : i32
    %eq3A_89 = arith.cmpi eq, %arg1, %eq3A_88 : i32
    %convert_element_type3A_90 = arith.extui %eq3A_89 : i1 to i32
    %cond3A_91 = arith.constant 0 : i32
    %cond3A_92 = arith.cmpi ne, %convert_element_type3A_90, %cond3A_91 : i32
    scf.if %cond3A_92 {
      %dma_wait3A_351 = arith.constant 624 : i32
      %dma_wait3A_352 = arith.constant 0 : i32
      %dma_wait3A_353 = tpu.memref_slice %arg28[%dma_wait3A_351, %dma_wait3A_352] : memref<10000x128xf32, #tpu.memory_space<vmem_shared>> -> memref<624x128xf32, #tpu.memory_space<vmem_shared>>
      %dma_wait3A_354 = arith.constant 624 : i32
      %dma_wait3A_355 = arith.constant 0 : i32
      %dma_wait3A_356 = tpu.memref_slice %arg5[%dma_wait3A_354, %dma_wait3A_355] : memref<10000x128xf32, #tpu.memory_space<hbm>> -> memref<624x128xf32, #tpu.memory_space<hbm>>
      tpu.wait_dma2 semaphore(%arg38 : memref<!tpu.dma_semaphore, #tpu.memory_space<semaphore_mem>>) src(%dma_wait3A_356 : memref<624x128xf32, #tpu.memory_space<hbm>>) dst(%dma_wait3A_353 : memref<624x128xf32, #tpu.memory_space<vmem_shared>>)
    } else {
    }
    %eq3A_93 = arith.constant 2 : i32
    %eq3A_94 = arith.cmpi eq, %arg1, %eq3A_93 : i32
    %convert_element_type3A_95 = arith.extui %eq3A_94 : i1 to i32
    %cond3A_96 = arith.constant 0 : i32
    %cond3A_97 = arith.cmpi ne, %convert_element_type3A_95, %cond3A_96 : i32
    scf.if %cond3A_97 {
      %dma_wait3A_351 = arith.constant 1248 : i32
      %dma_wait3A_352 = arith.constant 0 : i32
      %dma_wait3A_353 = tpu.memref_slice %arg28[%dma_wait3A_351, %dma_wait3A_352] : memref<10000x128xf32, #tpu.memory_space<vmem_shared>> -> memref<624x128xf32, #tpu.memory_space<vmem_shared>>
      %dma_wait3A_354 = arith.constant 1248 : i32
      %dma_wait3A_355 = arith.constant 0 : i32
      %dma_wait3A_356 = tpu.memref_slice %arg5[%dma_wait3A_354, %dma_wait3A_355] : memref<10000x128xf32, #tpu.memory_space<hbm>> -> memref<624x128xf32, #tpu.memory_space<hbm>>
      tpu.wait_dma2 semaphore(%arg38 : memref<!tpu.dma_semaphore, #tpu.memory_space<semaphore_mem>>) src(%dma_wait3A_356 : memref<624x128xf32, #tpu.memory_space<hbm>>) dst(%dma_wait3A_353 : memref<624x128xf32, #tpu.memory_space<vmem_shared>>)
    } else {
    }
    %eq3A_98 = arith.constant 3 : i32
    %eq3A_99 = arith.cmpi eq, %arg1, %eq3A_98 : i32
    %convert_element_type3A_100 = arith.extui %eq3A_99 : i1 to i32
    %cond3A_101 = arith.constant 0 : i32
    %cond3A_102 = arith.cmpi ne, %convert_element_type3A_100, %cond3A_101 : i32
    scf.if %cond3A_102 {
      %dma_wait3A_351 = arith.constant 1872 : i32
      %dma_wait3A_352 = arith.constant 0 : i32
      %dma_wait3A_353 = tpu.memref_slice %arg28[%dma_wait3A_351, %dma_wait3A_352] : memref<10000x128xf32, #tpu.memory_space<vmem_shared>> -> memref<624x128xf32, #tpu.memory_space<vmem_shared>>
      %dma_wait3A_354 = arith.constant 1872 : i32
      %dma_wait3A_355 = arith.constant 0 : i32
      %dma_wait3A_356 = tpu.memref_slice %arg5[%dma_wait3A_354, %dma_wait3A_355] : memref<10000x128xf32, #tpu.memory_space<hbm>> -> memref<624x128xf32, #tpu.memory_space<hbm>>
      tpu.wait_dma2 semaphore(%arg38 : memref<!tpu.dma_semaphore, #tpu.memory_space<semaphore_mem>>) src(%dma_wait3A_356 : memref<624x128xf32, #tpu.memory_space<hbm>>) dst(%dma_wait3A_353 : memref<624x128xf32, #tpu.memory_space<vmem_shared>>)
    } else {
    }
    %eq3A_103 = arith.constant 4 : i32
    %eq3A_104 = arith.cmpi eq, %arg1, %eq3A_103 : i32
    %convert_element_type3A_105 = arith.extui %eq3A_104 : i1 to i32
    %cond3A_106 = arith.constant 0 : i32
    %cond3A_107 = arith.cmpi ne, %convert_element_type3A_105, %cond3A_106 : i32
    scf.if %cond3A_107 {
      %dma_wait3A_351 = arith.constant 2496 : i32
      %dma_wait3A_352 = arith.constant 0 : i32
      %dma_wait3A_353 = tpu.memref_slice %arg28[%dma_wait3A_351, %dma_wait3A_352] : memref<10000x128xf32, #tpu.memory_space<vmem_shared>> -> memref<624x128xf32, #tpu.memory_space<vmem_shared>>
      %dma_wait3A_354 = arith.constant 2496 : i32
      %dma_wait3A_355 = arith.constant 0 : i32
      %dma_wait3A_356 = tpu.memref_slice %arg5[%dma_wait3A_354, %dma_wait3A_355] : memref<10000x128xf32, #tpu.memory_space<hbm>> -> memref<624x128xf32, #tpu.memory_space<hbm>>
      tpu.wait_dma2 semaphore(%arg38 : memref<!tpu.dma_semaphore, #tpu.memory_space<semaphore_mem>>) src(%dma_wait3A_356 : memref<624x128xf32, #tpu.memory_space<hbm>>) dst(%dma_wait3A_353 : memref<624x128xf32, #tpu.memory_space<vmem_shared>>)
    } else {
    }
    %eq3A_108 = arith.constant 5 : i32
    %eq3A_109 = arith.cmpi eq, %arg1, %eq3A_108 : i32
    %convert_element_type3A_110 = arith.extui %eq3A_109 : i1 to i32
    %cond3A_111 = arith.constant 0 : i32
    %cond3A_112 = arith.cmpi ne, %convert_element_type3A_110, %cond3A_111 : i32
    scf.if %cond3A_112 {
      %dma_wait3A_351 = arith.constant 3120 : i32
      %dma_wait3A_352 = arith.constant 0 : i32
      %dma_wait3A_353 = tpu.memref_slice %arg28[%dma_wait3A_351, %dma_wait3A_352] : memref<10000x128xf32, #tpu.memory_space<vmem_shared>> -> memref<624x128xf32, #tpu.memory_space<vmem_shared>>
      %dma_wait3A_354 = arith.constant 3120 : i32
      %dma_wait3A_355 = arith.constant 0 : i32
      %dma_wait3A_356 = tpu.memref_slice %arg5[%dma_wait3A_354, %dma_wait3A_355] : memref<10000x128xf32, #tpu.memory_space<hbm>> -> memref<624x128xf32, #tpu.memory_space<hbm>>
      tpu.wait_dma2 semaphore(%arg38 : memref<!tpu.dma_semaphore, #tpu.memory_space<semaphore_mem>>) src(%dma_wait3A_356 : memref<624x128xf32, #tpu.memory_space<hbm>>) dst(%dma_wait3A_353 : memref<624x128xf32, #tpu.memory_space<vmem_shared>>)
    } else {
    }
    %eq3A_113 = arith.constant 6 : i32
    %eq3A_114 = arith.cmpi eq, %arg1, %eq3A_113 : i32
    %convert_element_type3A_115 = arith.extui %eq3A_114 : i1 to i32
    %cond3A_116 = arith.constant 0 : i32
    %cond3A_117 = arith.cmpi ne, %convert_element_type3A_115, %cond3A_116 : i32
    scf.if %cond3A_117 {
      %dma_wait3A_351 = arith.constant 3744 : i32
      %dma_wait3A_352 = arith.constant 0 : i32
      %dma_wait3A_353 = tpu.memref_slice %arg28[%dma_wait3A_351, %dma_wait3A_352] : memref<10000x128xf32, #tpu.memory_space<vmem_shared>> -> memref<624x128xf32, #tpu.memory_space<vmem_shared>>
      %dma_wait3A_354 = arith.constant 3744 : i32
      %dma_wait3A_355 = arith.constant 0 : i32
      %dma_wait3A_356 = tpu.memref_slice %arg5[%dma_wait3A_354, %dma_wait3A_355] : memref<10000x128xf32, #tpu.memory_space<hbm>> -> memref<624x128xf32, #tpu.memory_space<hbm>>
      tpu.wait_dma2 semaphore(%arg38 : memref<!tpu.dma_semaphore, #tpu.memory_space<semaphore_mem>>) src(%dma_wait3A_356 : memref<624x128xf32, #tpu.memory_space<hbm>>) dst(%dma_wait3A_353 : memref<624x128xf32, #tpu.memory_space<vmem_shared>>)
    } else {
    }
    %eq3A_118 = arith.constant 7 : i32
    %eq3A_119 = arith.cmpi eq, %arg1, %eq3A_118 : i32
    %convert_element_type3A_120 = arith.extui %eq3A_119 : i1 to i32
    %cond3A_121 = arith.constant 0 : i32
    %cond3A_122 = arith.cmpi ne, %convert_element_type3A_120, %cond3A_121 : i32
    scf.if %cond3A_122 {
      %dma_wait3A_351 = arith.constant 4368 : i32
      %dma_wait3A_352 = arith.constant 0 : i32
      %dma_wait3A_353 = tpu.memref_slice %arg28[%dma_wait3A_351, %dma_wait3A_352] : memref<10000x128xf32, #tpu.memory_space<vmem_shared>> -> memref<624x128xf32, #tpu.memory_space<vmem_shared>>
      %dma_wait3A_354 = arith.constant 4368 : i32
      %dma_wait3A_355 = arith.constant 0 : i32
      %dma_wait3A_356 = tpu.memref_slice %arg5[%dma_wait3A_354, %dma_wait3A_355] : memref<10000x128xf32, #tpu.memory_space<hbm>> -> memref<624x128xf32, #tpu.memory_space<hbm>>
      tpu.wait_dma2 semaphore(%arg38 : memref<!tpu.dma_semaphore, #tpu.memory_space<semaphore_mem>>) src(%dma_wait3A_356 : memref<624x128xf32, #tpu.memory_space<hbm>>) dst(%dma_wait3A_353 : memref<624x128xf32, #tpu.memory_space<vmem_shared>>)
    } else {
    }
    %eq3A_123 = arith.constant 8 : i32
    %eq3A_124 = arith.cmpi eq, %arg1, %eq3A_123 : i32
    %convert_element_type3A_125 = arith.extui %eq3A_124 : i1 to i32
    %cond3A_126 = arith.constant 0 : i32
    %cond3A_127 = arith.cmpi ne, %convert_element_type3A_125, %cond3A_126 : i32
    scf.if %cond3A_127 {
      %dma_wait3A_351 = arith.constant 4992 : i32
      %dma_wait3A_352 = arith.constant 0 : i32
      %dma_wait3A_353 = tpu.memref_slice %arg28[%dma_wait3A_351, %dma_wait3A_352] : memref<10000x128xf32, #tpu.memory_space<vmem_shared>> -> memref<624x128xf32, #tpu.memory_space<vmem_shared>>
      %dma_wait3A_354 = arith.constant 4992 : i32
      %dma_wait3A_355 = arith.constant 0 : i32
      %dma_wait3A_356 = tpu.memref_slice %arg5[%dma_wait3A_354, %dma_wait3A_355] : memref<10000x128xf32, #tpu.memory_space<hbm>> -> memref<624x128xf32, #tpu.memory_space<hbm>>
      tpu.wait_dma2 semaphore(%arg38 : memref<!tpu.dma_semaphore, #tpu.memory_space<semaphore_mem>>) src(%dma_wait3A_356 : memref<624x128xf32, #tpu.memory_space<hbm>>) dst(%dma_wait3A_353 : memref<624x128xf32, #tpu.memory_space<vmem_shared>>)
    } else {
    }
    %eq3A_128 = arith.constant 9 : i32
    %eq3A_129 = arith.cmpi eq, %arg1, %eq3A_128 : i32
    %convert_element_type3A_130 = arith.extui %eq3A_129 : i1 to i32
    %cond3A_131 = arith.constant 0 : i32
    %cond3A_132 = arith.cmpi ne, %convert_element_type3A_130, %cond3A_131 : i32
    scf.if %cond3A_132 {
      %dma_wait3A_351 = arith.constant 5616 : i32
      %dma_wait3A_352 = arith.constant 0 : i32
      %dma_wait3A_353 = tpu.memref_slice %arg28[%dma_wait3A_351, %dma_wait3A_352] : memref<10000x128xf32, #tpu.memory_space<vmem_shared>> -> memref<624x128xf32, #tpu.memory_space<vmem_shared>>
      %dma_wait3A_354 = arith.constant 5616 : i32
      %dma_wait3A_355 = arith.constant 0 : i32
      %dma_wait3A_356 = tpu.memref_slice %arg5[%dma_wait3A_354, %dma_wait3A_355] : memref<10000x128xf32, #tpu.memory_space<hbm>> -> memref<624x128xf32, #tpu.memory_space<hbm>>
      tpu.wait_dma2 semaphore(%arg38 : memref<!tpu.dma_semaphore, #tpu.memory_space<semaphore_mem>>) src(%dma_wait3A_356 : memref<624x128xf32, #tpu.memory_space<hbm>>) dst(%dma_wait3A_353 : memref<624x128xf32, #tpu.memory_space<vmem_shared>>)
    } else {
    }
    %eq3A_133 = arith.constant 10 : i32
    %eq3A_134 = arith.cmpi eq, %arg1, %eq3A_133 : i32
    %convert_element_type3A_135 = arith.extui %eq3A_134 : i1 to i32
    %cond3A_136 = arith.constant 0 : i32
    %cond3A_137 = arith.cmpi ne, %convert_element_type3A_135, %cond3A_136 : i32
    scf.if %cond3A_137 {
      %dma_wait3A_351 = arith.constant 6240 : i32
      %dma_wait3A_352 = arith.constant 0 : i32
      %dma_wait3A_353 = tpu.memref_slice %arg28[%dma_wait3A_351, %dma_wait3A_352] : memref<10000x128xf32, #tpu.memory_space<vmem_shared>> -> memref<624x128xf32, #tpu.memory_space<vmem_shared>>
      %dma_wait3A_354 = arith.constant 6240 : i32
      %dma_wait3A_355 = arith.constant 0 : i32
      %dma_wait3A_356 = tpu.memref_slice %arg5[%dma_wait3A_354, %dma_wait3A_355] : memref<10000x128xf32, #tpu.memory_space<hbm>> -> memref<624x128xf32, #tpu.memory_space<hbm>>
      tpu.wait_dma2 semaphore(%arg38 : memref<!tpu.dma_semaphore, #tpu.memory_space<semaphore_mem>>) src(%dma_wait3A_356 : memref<624x128xf32, #tpu.memory_space<hbm>>) dst(%dma_wait3A_353 : memref<624x128xf32, #tpu.memory_space<vmem_shared>>)
    } else {
    }
    %eq3A_138 = arith.constant 11 : i32
    %eq3A_139 = arith.cmpi eq, %arg1, %eq3A_138 : i32
    %convert_element_type3A_140 = arith.extui %eq3A_139 : i1 to i32
    %cond3A_141 = arith.constant 0 : i32
    %cond3A_142 = arith.cmpi ne, %convert_element_type3A_140, %cond3A_141 : i32
    scf.if %cond3A_142 {
      %dma_wait3A_351 = arith.constant 6864 : i32
      %dma_wait3A_352 = arith.constant 0 : i32
      %dma_wait3A_353 = tpu.memref_slice %arg28[%dma_wait3A_351, %dma_wait3A_352] : memref<10000x128xf32, #tpu.memory_space<vmem_shared>> -> memref<624x128xf32, #tpu.memory_space<vmem_shared>>
      %dma_wait3A_354 = arith.constant 6864 : i32
      %dma_wait3A_355 = arith.constant 0 : i32
      %dma_wait3A_356 = tpu.memref_slice %arg5[%dma_wait3A_354, %dma_wait3A_355] : memref<10000x128xf32, #tpu.memory_space<hbm>> -> memref<624x128xf32, #tpu.memory_space<hbm>>
      tpu.wait_dma2 semaphore(%arg38 : memref<!tpu.dma_semaphore, #tpu.memory_space<semaphore_mem>>) src(%dma_wait3A_356 : memref<624x128xf32, #tpu.memory_space<hbm>>) dst(%dma_wait3A_353 : memref<624x128xf32, #tpu.memory_space<vmem_shared>>)
    } else {
    }
    %eq3A_143 = arith.constant 12 : i32
    %eq3A_144 = arith.cmpi eq, %arg1, %eq3A_143 : i32
    %convert_element_type3A_145 = arith.extui %eq3A_144 : i1 to i32
    %cond3A_146 = arith.constant 0 : i32
    %cond3A_147 = arith.cmpi ne, %convert_element_type3A_145, %cond3A_146 : i32
    scf.if %cond3A_147 {
      %dma_wait3A_351 = arith.constant 7488 : i32
      %dma_wait3A_352 = arith.constant 0 : i32
      %dma_wait3A_353 = tpu.memref_slice %arg28[%dma_wait3A_351, %dma_wait3A_352] : memref<10000x128xf32, #tpu.memory_space<vmem_shared>> -> memref<624x128xf32, #tpu.memory_space<vmem_shared>>
      %dma_wait3A_354 = arith.constant 7488 : i32
      %dma_wait3A_355 = arith.constant 0 : i32
      %dma_wait3A_356 = tpu.memref_slice %arg5[%dma_wait3A_354, %dma_wait3A_355] : memref<10000x128xf32, #tpu.memory_space<hbm>> -> memref<624x128xf32, #tpu.memory_space<hbm>>
      tpu.wait_dma2 semaphore(%arg38 : memref<!tpu.dma_semaphore, #tpu.memory_space<semaphore_mem>>) src(%dma_wait3A_356 : memref<624x128xf32, #tpu.memory_space<hbm>>) dst(%dma_wait3A_353 : memref<624x128xf32, #tpu.memory_space<vmem_shared>>)
    } else {
    }
    %eq3A_148 = arith.constant 13 : i32
    %eq3A_149 = arith.cmpi eq, %arg1, %eq3A_148 : i32
    %convert_element_type3A_150 = arith.extui %eq3A_149 : i1 to i32
    %cond3A_151 = arith.constant 0 : i32
    %cond3A_152 = arith.cmpi ne, %convert_element_type3A_150, %cond3A_151 : i32
    scf.if %cond3A_152 {
      %dma_wait3A_351 = arith.constant 8112 : i32
      %dma_wait3A_352 = arith.constant 0 : i32
      %dma_wait3A_353 = tpu.memref_slice %arg28[%dma_wait3A_351, %dma_wait3A_352] : memref<10000x128xf32, #tpu.memory_space<vmem_shared>> -> memref<624x128xf32, #tpu.memory_space<vmem_shared>>
      %dma_wait3A_354 = arith.constant 8112 : i32
      %dma_wait3A_355 = arith.constant 0 : i32
      %dma_wait3A_356 = tpu.memref_slice %arg5[%dma_wait3A_354, %dma_wait3A_355] : memref<10000x128xf32, #tpu.memory_space<hbm>> -> memref<624x128xf32, #tpu.memory_space<hbm>>
      tpu.wait_dma2 semaphore(%arg38 : memref<!tpu.dma_semaphore, #tpu.memory_space<semaphore_mem>>) src(%dma_wait3A_356 : memref<624x128xf32, #tpu.memory_space<hbm>>) dst(%dma_wait3A_353 : memref<624x128xf32, #tpu.memory_space<vmem_shared>>)
    } else {
    }
    %eq3A_153 = arith.constant 14 : i32
    %eq3A_154 = arith.cmpi eq, %arg1, %eq3A_153 : i32
    %convert_element_type3A_155 = arith.extui %eq3A_154 : i1 to i32
    %cond3A_156 = arith.constant 0 : i32
    %cond3A_157 = arith.cmpi ne, %convert_element_type3A_155, %cond3A_156 : i32
    scf.if %cond3A_157 {
      %dma_wait3A_351 = arith.constant 8736 : i32
      %dma_wait3A_352 = arith.constant 0 : i32
      %dma_wait3A_353 = tpu.memref_slice %arg28[%dma_wait3A_351, %dma_wait3A_352] : memref<10000x128xf32, #tpu.memory_space<vmem_shared>> -> memref<624x128xf32, #tpu.memory_space<vmem_shared>>
      %dma_wait3A_354 = arith.constant 8736 : i32
      %dma_wait3A_355 = arith.constant 0 : i32
      %dma_wait3A_356 = tpu.memref_slice %arg5[%dma_wait3A_354, %dma_wait3A_355] : memref<10000x128xf32, #tpu.memory_space<hbm>> -> memref<624x128xf32, #tpu.memory_space<hbm>>
      tpu.wait_dma2 semaphore(%arg38 : memref<!tpu.dma_semaphore, #tpu.memory_space<semaphore_mem>>) src(%dma_wait3A_356 : memref<624x128xf32, #tpu.memory_space<hbm>>) dst(%dma_wait3A_353 : memref<624x128xf32, #tpu.memory_space<vmem_shared>>)
    } else {
    }
    %eq3A_158 = arith.constant 15 : i32
    %eq3A_159 = arith.cmpi eq, %arg1, %eq3A_158 : i32
    %convert_element_type3A_160 = arith.extui %eq3A_159 : i1 to i32
    %cond3A_161 = arith.constant 0 : i32
    %cond3A_162 = arith.cmpi ne, %convert_element_type3A_160, %cond3A_161 : i32
    scf.if %cond3A_162 {
      %dma_wait3A_351 = arith.constant 9360 : i32
      %dma_wait3A_352 = arith.constant 0 : i32
      %dma_wait3A_353 = tpu.memref_slice %arg28[%dma_wait3A_351, %dma_wait3A_352] : memref<10000x128xf32, #tpu.memory_space<vmem_shared>> -> memref<640x128xf32, #tpu.memory_space<vmem_shared>>
      %dma_wait3A_354 = arith.constant 9360 : i32
      %dma_wait3A_355 = arith.constant 0 : i32
      %dma_wait3A_356 = tpu.memref_slice %arg5[%dma_wait3A_354, %dma_wait3A_355] : memref<10000x128xf32, #tpu.memory_space<hbm>> -> memref<640x128xf32, #tpu.memory_space<hbm>>
      tpu.wait_dma2 semaphore(%arg38 : memref<!tpu.dma_semaphore, #tpu.memory_space<semaphore_mem>>) src(%dma_wait3A_356 : memref<640x128xf32, #tpu.memory_space<hbm>>) dst(%dma_wait3A_353 : memref<640x128xf32, #tpu.memory_space<vmem_shared>>)
    } else {
    }
    %eq3A_163 = arith.constant 0 : i32
    %eq3A_164 = arith.cmpi eq, %arg1, %eq3A_163 : i32
    %convert_element_type3A_165 = arith.extui %eq3A_164 : i1 to i32
    %cond3A_166 = arith.constant 0 : i32
    %cond3A_167 = arith.cmpi ne, %convert_element_type3A_165, %cond3A_166 : i32
    scf.if %cond3A_167 {
      tpu.wait_dma2 semaphore(%arg38 : memref<!tpu.dma_semaphore, #tpu.memory_space<semaphore_mem>>) src(%arg6 : memref<10000xf32, #tpu.memory_space<hbm>>) dst(%arg29 : memref<10000xf32, #tpu.memory_space<vmem_shared>>)
    } else {
    }
    %barrier3A = arith.constant 0 : index
    tpu.barrier barrier_id(%barrier3A)
    %get3A = arith.constant 0 : index
    %get3A_168 = tpu.vector_load %arg9[%get3A] {strides = array<i32>} : memref<10000xi32, #tpu.memory_space<vmem>>, vector<16xi32>,
    %shift_right_logical3A = arith.constant 16 : i32
    %shift_right_logical3A_169 = vector.broadcast %shift_right_logical3A : i32 to vector<16xi32>
    %shift_right_logical3A_170 = arith.shrui %get3A_168, %shift_right_logical3A_169 : vector<16xi32>
    %and3A = arith.constant 65535 : i32
    %and3A_171 = vector.broadcast %and3A : i32 to vector<16xi32>
    %and3A_172 = arith.andi %get3A_168, %and3A_171 : vector<16xi32>
    %dma_start3A = arith.constant 0 : i32
    %dma_start3A_173 = arith.constant 0 : i32
    %dma_start3A_174 = tpu.memref_slice %arg2[%dma_start3A, %dma_start3A_173] : memref<10000x128xf32, #tpu.memory_space<hbm>> -> memref<10000x128xf32, #tpu.memory_space<hbm>>
    tpu.enqueue_indirect_dma source(%dma_start3A_174 : memref<10000x128xf32, #tpu.memory_space<hbm>>) target(%arg10 : memref<16x128xf32, #tpu.memory_space<vmem>>) offsets(%shift_right_logical3A_170 : vector<16xi32>) semaphore(%arg30 : memref<!tpu.dma_semaphore, #tpu.memory_space<semaphore_mem>>)
    %dma_start3A_175 = arith.constant 0 : i32
    %dma_start3A_176 = arith.constant 0 : i32
    %dma_start3A_177 = tpu.memref_slice %arg3[%dma_start3A_175, %dma_start3A_176] : memref<10000x256xf32, #tpu.memory_space<hbm>> -> memref<10000x256xf32, #tpu.memory_space<hbm>>
    tpu.enqueue_indirect_dma source(%dma_start3A_177 : memref<10000x256xf32, #tpu.memory_space<hbm>>) target(%arg14 : memref<16x256xf32, #tpu.memory_space<vmem>>) offsets(%and3A_172 : vector<16xi32>) semaphore(%arg30 : memref<!tpu.dma_semaphore, #tpu.memory_space<semaphore_mem>>)
    %get3A_178 = arith.constant 16 : index
    %get3A_179 = tpu.vector_load %arg9[%get3A_178] {strides = array<i32>} : memref<10000xi32, #tpu.memory_space<vmem>>, vector<16xi32>,
    %shift_right_logical3A_180 = arith.constant 16 : i32
    %shift_right_logical3A_181 = vector.broadcast %shift_right_logical3A_180 : i32 to vector<16xi32>
    %shift_right_logical3A_182 = arith.shrui %get3A_179, %shift_right_logical3A_181 : vector<16xi32>
    %and3A_183 = arith.constant 65535 : i32
    %and3A_184 = vector.broadcast %and3A_183 : i32 to vector<16xi32>
    %and3A_185 = arith.andi %get3A_179, %and3A_184 : vector<16xi32>
    %dma_start3A_186 = arith.constant 0 : i32
    %dma_start3A_187 = arith.constant 0 : i32
    %dma_start3A_188 = tpu.memref_slice %arg2[%dma_start3A_186, %dma_start3A_187] : memref<10000x128xf32, #tpu.memory_space<hbm>> -> memref<10000x128xf32, #tpu.memory_space<hbm>>
    tpu.enqueue_indirect_dma source(%dma_start3A_188 : memref<10000x128xf32, #tpu.memory_space<hbm>>) target(%arg11 : memref<16x128xf32, #tpu.memory_space<vmem>>) offsets(%shift_right_logical3A_182 : vector<16xi32>) semaphore(%arg31 : memref<!tpu.dma_semaphore, #tpu.memory_space<semaphore_mem>>)
    %dma_start3A_189 = arith.constant 0 : i32
    %dma_start3A_190 = arith.constant 0 : i32
    %dma_start3A_191 = tpu.memref_slice %arg3[%dma_start3A_189, %dma_start3A_190] : memref<10000x256xf32, #tpu.memory_space<hbm>> -> memref<10000x256xf32, #tpu.memory_space<hbm>>
    tpu.enqueue_indirect_dma source(%dma_start3A_191 : memref<10000x256xf32, #tpu.memory_space<hbm>>) target(%arg15 : memref<16x256xf32, #tpu.memory_space<vmem>>) offsets(%and3A_185 : vector<16xi32>) semaphore(%arg31 : memref<!tpu.dma_semaphore, #tpu.memory_space<semaphore_mem>>)
    %get3A_192 = arith.constant 32 : index
    %get3A_193 = tpu.vector_load %arg9[%get3A_192] {strides = array<i32>} : memref<10000xi32, #tpu.memory_space<vmem>>, vector<16xi32>,
    %shift_right_logical3A_194 = arith.constant 16 : i32
    %shift_right_logical3A_195 = vector.broadcast %shift_right_logical3A_194 : i32 to vector<16xi32>
    %shift_right_logical3A_196 = arith.shrui %get3A_193, %shift_right_logical3A_195 : vector<16xi32>
    %and3A_197 = arith.constant 65535 : i32
    %and3A_198 = vector.broadcast %and3A_197 : i32 to vector<16xi32>
    %and3A_199 = arith.andi %get3A_193, %and3A_198 : vector<16xi32>
    %dma_start3A_200 = arith.constant 0 : i32
    %dma_start3A_201 = arith.constant 0 : i32
    %dma_start3A_202 = tpu.memref_slice %arg2[%dma_start3A_200, %dma_start3A_201] : memref<10000x128xf32, #tpu.memory_space<hbm>> -> memref<10000x128xf32, #tpu.memory_space<hbm>>
    tpu.enqueue_indirect_dma source(%dma_start3A_202 : memref<10000x128xf32, #tpu.memory_space<hbm>>) target(%arg12 : memref<16x128xf32, #tpu.memory_space<vmem>>) offsets(%shift_right_logical3A_196 : vector<16xi32>) semaphore(%arg32 : memref<!tpu.dma_semaphore, #tpu.memory_space<semaphore_mem>>)
    %dma_start3A_203 = arith.constant 0 : i32
    %dma_start3A_204 = arith.constant 0 : i32
    %dma_start3A_205 = tpu.memref_slice %arg3[%dma_start3A_203, %dma_start3A_204] : memref<10000x256xf32, #tpu.memory_space<hbm>> -> memref<10000x256xf32, #tpu.memory_space<hbm>>
    tpu.enqueue_indirect_dma source(%dma_start3A_205 : memref<10000x256xf32, #tpu.memory_space<hbm>>) target(%arg16 : memref<16x256xf32, #tpu.memory_space<vmem>>) offsets(%and3A_199 : vector<16xi32>) semaphore(%arg32 : memref<!tpu.dma_semaphore, #tpu.memory_space<semaphore_mem>>)
    %get3A_206 = arith.constant 48 : index
    %get3A_207 = tpu.vector_load %arg9[%get3A_206] {strides = array<i32>} : memref<10000xi32, #tpu.memory_space<vmem>>, vector<16xi32>,
    %shift_right_logical3A_208 = arith.constant 16 : i32
    %shift_right_logical3A_209 = vector.broadcast %shift_right_logical3A_208 : i32 to vector<16xi32>
    %shift_right_logical3A_210 = arith.shrui %get3A_207, %shift_right_logical3A_209 : vector<16xi32>
    %and3A_211 = arith.constant 65535 : i32
    %and3A_212 = vector.broadcast %and3A_211 : i32 to vector<16xi32>
    %and3A_213 = arith.andi %get3A_207, %and3A_212 : vector<16xi32>
    %dma_start3A_214 = arith.constant 0 : i32
    %dma_start3A_215 = arith.constant 0 : i32
    %dma_start3A_216 = tpu.memref_slice %arg2[%dma_start3A_214, %dma_start3A_215] : memref<10000x128xf32, #tpu.memory_space<hbm>> -> memref<10000x128xf32, #tpu.memory_space<hbm>>
    tpu.enqueue_indirect_dma source(%dma_start3A_216 : memref<10000x128xf32, #tpu.memory_space<hbm>>) target(%arg13 : memref<16x128xf32, #tpu.memory_space<vmem>>) offsets(%shift_right_logical3A_210 : vector<16xi32>) semaphore(%arg33 : memref<!tpu.dma_semaphore, #tpu.memory_space<semaphore_mem>>)
    %dma_start3A_217 = arith.constant 0 : i32
    %dma_start3A_218 = arith.constant 0 : i32
    %dma_start3A_219 = tpu.memref_slice %arg3[%dma_start3A_217, %dma_start3A_218] : memref<10000x256xf32, #tpu.memory_space<hbm>> -> memref<10000x256xf32, #tpu.memory_space<hbm>>
    tpu.enqueue_indirect_dma source(%dma_start3A_219 : memref<10000x256xf32, #tpu.memory_space<hbm>>) target(%arg17 : memref<16x256xf32, #tpu.memory_space<vmem>>) offsets(%and3A_213 : vector<16xi32>) semaphore(%arg33 : memref<!tpu.dma_semaphore, #tpu.memory_space<semaphore_mem>>)
    %scan3A = arith.constant 0 : i32
    %scan3A_220 = arith.constant 0 : i32
    %scan3A_221 = arith.constant 156 : i32
    %scan3A_222 = arith.addi %scan3A_220, %scan3A_221 : i32
    %scan3A_223 = arith.constant 1 : i32
    %scan3A_224 = scf.for %scan3A_351 = %scan3A_220 to %scan3A_222 step %scan3A_223 iter_args(%scan3A_352 = %scan3A) -> (i32)  : i32 {
      %mul3A_353 = arith.constant 4 : i32
      %mul3A_354 = arith.muli %mul3A_353, %scan3A_351 : i32
      %add3A_355 = arith.constant 0 : i32
      %add3A_356 = arith.addi %mul3A_354, %add3A_355 : i32
      %mul3A_357 = arith.constant 16 : i32
      %mul3A_358 = arith.muli %mul3A_357, %add3A_356 : i32
      %get3A_359 = arith.index_cast %mul3A_358 : i32 to index
      %get3A_360 = tpu.vector_load %arg9[%get3A_359] {strides = array<i32>} : memref<10000xi32, #tpu.memory_space<vmem>>, vector<16xi32>,
      %shift_right_logical3A_361 = arith.constant 16 : i32
      %shift_right_logical3A_362 = vector.broadcast %shift_right_logical3A_361 : i32 to vector<16xi32>
      %shift_right_logical3A_363 = arith.shrui %get3A_360, %shift_right_logical3A_362 : vector<16xi32>
      %and3A_364 = arith.constant 65535 : i32
      %and3A_365 = vector.broadcast %and3A_364 : i32 to vector<16xi32>
      %and3A_366 = arith.andi %get3A_360, %and3A_365 : vector<16xi32>
      %dma_wait3A_367 = arith.constant 0 : i32
      %dma_wait3A_368 = arith.constant 0 : i32
      %dma_wait3A_369 = tpu.memref_slice %arg2[%dma_wait3A_367, %dma_wait3A_368] : memref<10000x128xf32, #tpu.memory_space<hbm>> -> memref<10000x128xf32, #tpu.memory_space<hbm>>
      tpu.wait_indirect_dma semaphore(%arg30 : memref<!tpu.dma_semaphore, #tpu.memory_space<semaphore_mem>>) src(%dma_wait3A_369 : memref<10000x128xf32, #tpu.memory_space<hbm>>) dst(%arg10 : memref<16x128xf32, #tpu.memory_space<vmem>>)
      %dma_wait3A_370 = arith.constant 0 : i32
      %dma_wait3A_371 = arith.constant 0 : i32
      %dma_wait3A_372 = tpu.memref_slice %arg3[%dma_wait3A_370, %dma_wait3A_371] : memref<10000x256xf32, #tpu.memory_space<hbm>> -> memref<10000x256xf32, #tpu.memory_space<hbm>>
      tpu.wait_indirect_dma semaphore(%arg30 : memref<!tpu.dma_semaphore, #tpu.memory_space<semaphore_mem>>) src(%dma_wait3A_372 : memref<10000x256xf32, #tpu.memory_space<hbm>>) dst(%arg14 : memref<16x256xf32, #tpu.memory_space<vmem>>)
      %ge3A = arith.constant 1 : i32
      %ge3A_373 = arith.cmpi sge, %scan3A_351, %ge3A : i32
      %convert_element_type3A_374 = arith.extui %ge3A_373 : i1 to i32
      %cond3A_375 = arith.constant 0 : i32
      %cond3A_376 = arith.cmpi ne, %convert_element_type3A_374, %cond3A_375 : i32
      scf.if %cond3A_376 {
        %dma_wait3A_792 = arith.constant 0 : i32
        %dma_wait3A_793 = arith.constant 0 : i32
        %dma_wait3A_794 = tpu.memref_slice %arg28[%dma_wait3A_792, %dma_wait3A_793] : memref<10000x128xf32, #tpu.memory_space<vmem_shared>> -> memref<10000x128xf32, #tpu.memory_space<vmem_shared>>
        tpu.wait_indirect_dma semaphore(%arg34 : memref<!tpu.dma_semaphore, #tpu.memory_space<semaphore_mem>>) src(%arg18 : memref<16x128xf32, #tpu.memory_space<vmem>>) dst(%dma_wait3A_794 : memref<10000x128xf32, #tpu.memory_space<vmem_shared>>)
        %dma_wait3A_795 = arith.constant 0 : i32
        %dma_wait3A_796 = tpu.memref_slice %arg29[%dma_wait3A_795] : memref<10000xf32, #tpu.memory_space<vmem_shared>> -> memref<10000xf32, #tpu.memory_space<vmem_shared>>
        tpu.wait_indirect_dma semaphore(%arg34 : memref<!tpu.dma_semaphore, #tpu.memory_space<semaphore_mem>>) src(%arg22 : memref<16xf32, #tpu.memory_space<vmem>>) dst(%dma_wait3A_796 : memref<10000xf32, #tpu.memory_space<vmem_shared>>)
      } else {
      }
      %parallel_loop3A_377 = arith.constant 0 : i32
      %parallel_loop3A_378 = arith.constant 16 : i32
      %parallel_loop3A_379 = arith.constant 1 : i32
      scf.for %parallel_loop3A_792 = %parallel_loop3A_377 to %parallel_loop3A_378 step %parallel_loop3A_379  : i32 {
        %parallel_loop3A_793 = arith.index_cast %parallel_loop3A_792 : i32 to index
        %parallel_loop3A_794 = arith.constant 0 : index
        %parallel_loop3A_795 = tpu.vector_load %arg10[%parallel_loop3A_793, %parallel_loop3A_794] {strides = array<i32>} : memref<16x128xf32, #tpu.memory_space<vmem>>, vector<16xf32>,
        %parallel_loop3A_796 = arith.index_cast %parallel_loop3A_792 : i32 to index
        %parallel_loop3A_797 = arith.constant 0 : index
        %parallel_loop3A_798 = tpu.vector_load %arg14[%parallel_loop3A_796, %parallel_loop3A_797] {strides = array<i32>} : memref<16x256xf32, #tpu.memory_space<vmem>>, vector<16xf32>,
        %parallel_loop3A_799 = arith.mulf %parallel_loop3A_795, %parallel_loop3A_798 : vector<16xf32>
        %parallel_loop3A_800 = arith.index_cast %parallel_loop3A_792 : i32 to index
        %parallel_loop3A_801 = arith.constant 16 : index
        %parallel_loop3A_802 = tpu.vector_load %arg10[%parallel_loop3A_800, %parallel_loop3A_801] {strides = array<i32>} : memref<16x128xf32, #tpu.memory_space<vmem>>, vector<16xf32>,
        %parallel_loop3A_803 = arith.index_cast %parallel_loop3A_792 : i32 to index
        %parallel_loop3A_804 = arith.constant 16 : index
        %parallel_loop3A_805 = tpu.vector_load %arg14[%parallel_loop3A_803, %parallel_loop3A_804] {strides = array<i32>} : memref<16x256xf32, #tpu.memory_space<vmem>>, vector<16xf32>,
        %parallel_loop3A_806 = arith.mulf %parallel_loop3A_802, %parallel_loop3A_805 : vector<16xf32>
        %parallel_loop3A_807 = arith.addf %parallel_loop3A_799, %parallel_loop3A_806 : vector<16xf32>
        %parallel_loop3A_808 = arith.index_cast %parallel_loop3A_792 : i32 to index
        %parallel_loop3A_809 = arith.constant 32 : index
        %parallel_loop3A_810 = tpu.vector_load %arg10[%parallel_loop3A_808, %parallel_loop3A_809] {strides = array<i32>} : memref<16x128xf32, #tpu.memory_space<vmem>>, vector<16xf32>,
        %parallel_loop3A_811 = arith.index_cast %parallel_loop3A_792 : i32 to index
        %parallel_loop3A_812 = arith.constant 32 : index
        %parallel_loop3A_813 = tpu.vector_load %arg14[%parallel_loop3A_811, %parallel_loop3A_812] {strides = array<i32>} : memref<16x256xf32, #tpu.memory_space<vmem>>, vector<16xf32>,
        %parallel_loop3A_814 = arith.mulf %parallel_loop3A_810, %parallel_loop3A_813 : vector<16xf32>
        %parallel_loop3A_815 = arith.addf %parallel_loop3A_807, %parallel_loop3A_814 : vector<16xf32>
        %parallel_loop3A_816 = arith.index_cast %parallel_loop3A_792 : i32 to index
        %parallel_loop3A_817 = arith.constant 48 : index
        %parallel_loop3A_818 = tpu.vector_load %arg10[%parallel_loop3A_816, %parallel_loop3A_817] {strides = array<i32>} : memref<16x128xf32, #tpu.memory_space<vmem>>, vector<16xf32>,
        %parallel_loop3A_819 = arith.index_cast %parallel_loop3A_792 : i32 to index
        %parallel_loop3A_820 = arith.constant 48 : index
        %parallel_loop3A_821 = tpu.vector_load %arg14[%parallel_loop3A_819, %parallel_loop3A_820] {strides = array<i32>} : memref<16x256xf32, #tpu.memory_space<vmem>>, vector<16xf32>,
        %parallel_loop3A_822 = arith.mulf %parallel_loop3A_818, %parallel_loop3A_821 : vector<16xf32>
        %parallel_loop3A_823 = arith.addf %parallel_loop3A_815, %parallel_loop3A_822 : vector<16xf32>
        %parallel_loop3A_824 = arith.index_cast %parallel_loop3A_792 : i32 to index
        %parallel_loop3A_825 = arith.constant 64 : index
        %parallel_loop3A_826 = tpu.vector_load %arg10[%parallel_loop3A_824, %parallel_loop3A_825] {strides = array<i32>} : memref<16x128xf32, #tpu.memory_space<vmem>>, vector<16xf32>,
        %parallel_loop3A_827 = arith.index_cast %parallel_loop3A_792 : i32 to index
        %parallel_loop3A_828 = arith.constant 64 : index
        %parallel_loop3A_829 = tpu.vector_load %arg14[%parallel_loop3A_827, %parallel_loop3A_828] {strides = array<i32>} : memref<16x256xf32, #tpu.memory_space<vmem>>, vector<16xf32>,
        %parallel_loop3A_830 = arith.mulf %parallel_loop3A_826, %parallel_loop3A_829 : vector<16xf32>
        %parallel_loop3A_831 = arith.addf %parallel_loop3A_823, %parallel_loop3A_830 : vector<16xf32>
        %parallel_loop3A_832 = arith.index_cast %parallel_loop3A_792 : i32 to index
        %parallel_loop3A_833 = arith.constant 80 : index
        %parallel_loop3A_834 = tpu.vector_load %arg10[%parallel_loop3A_832, %parallel_loop3A_833] {strides = array<i32>} : memref<16x128xf32, #tpu.memory_space<vmem>>, vector<16xf32>,
        %parallel_loop3A_835 = arith.index_cast %parallel_loop3A_792 : i32 to index
        %parallel_loop3A_836 = arith.constant 80 : index
        %parallel_loop3A_837 = tpu.vector_load %arg14[%parallel_loop3A_835, %parallel_loop3A_836] {strides = array<i32>} : memref<16x256xf32, #tpu.memory_space<vmem>>, vector<16xf32>,
        %parallel_loop3A_838 = arith.mulf %parallel_loop3A_834, %parallel_loop3A_837 : vector<16xf32>
        %parallel_loop3A_839 = arith.addf %parallel_loop3A_831, %parallel_loop3A_838 : vector<16xf32>
        %parallel_loop3A_840 = arith.index_cast %parallel_loop3A_792 : i32 to index
        %parallel_loop3A_841 = arith.constant 96 : index
        %parallel_loop3A_842 = tpu.vector_load %arg10[%parallel_loop3A_840, %parallel_loop3A_841] {strides = array<i32>} : memref<16x128xf32, #tpu.memory_space<vmem>>, vector<16xf32>,
        %parallel_loop3A_843 = arith.index_cast %parallel_loop3A_792 : i32 to index
        %parallel_loop3A_844 = arith.constant 96 : index
        %parallel_loop3A_845 = tpu.vector_load %arg14[%parallel_loop3A_843, %parallel_loop3A_844] {strides = array<i32>} : memref<16x256xf32, #tpu.memory_space<vmem>>, vector<16xf32>,
        %parallel_loop3A_846 = arith.mulf %parallel_loop3A_842, %parallel_loop3A_845 : vector<16xf32>
        %parallel_loop3A_847 = arith.addf %parallel_loop3A_839, %parallel_loop3A_846 : vector<16xf32>
        %parallel_loop3A_848 = arith.index_cast %parallel_loop3A_792 : i32 to index
        %parallel_loop3A_849 = arith.constant 112 : index
        %parallel_loop3A_850 = tpu.vector_load %arg10[%parallel_loop3A_848, %parallel_loop3A_849] {strides = array<i32>} : memref<16x128xf32, #tpu.memory_space<vmem>>, vector<16xf32>,
        %parallel_loop3A_851 = arith.index_cast %parallel_loop3A_792 : i32 to index
        %parallel_loop3A_852 = arith.constant 112 : index
        %parallel_loop3A_853 = tpu.vector_load %arg14[%parallel_loop3A_851, %parallel_loop3A_852] {strides = array<i32>} : memref<16x256xf32, #tpu.memory_space<vmem>>, vector<16xf32>,
        %parallel_loop3A_854 = arith.mulf %parallel_loop3A_850, %parallel_loop3A_853 : vector<16xf32>
        %parallel_loop3A_855 = arith.addf %parallel_loop3A_847, %parallel_loop3A_854 : vector<16xf32>
        %parallel_loop3A_856 = arith.index_cast %parallel_loop3A_792 : i32 to index
        %parallel_loop3A_857 = arith.constant 0 : index
        %parallel_loop3A_858 = tpu.vector_load %arg26[%parallel_loop3A_856, %parallel_loop3A_857] {strides = array<i32>} : memref<16x16xf32, #tpu.memory_space<vmem>>, vector<16xf32>,
        tpu.vector_store %arg26[%parallel_loop3A_856, %parallel_loop3A_857], %parallel_loop3A_855 {strides = array<i32>} : memref<16x16xf32, #tpu.memory_space<vmem>>, vector<16xf32>,
      } {sc.loop_unroll_factor = 4 : i64, sc.parallel_access}
      %iota3A_380 = tpu.iota {dimensions = array<i32: 0>} : vector<16xi32>
      %broadcast_in_dim3A_381 = arith.constant 0 : i32
      %broadcast_in_dim3A_382 = vector.broadcast %broadcast_in_dim3A_381 : i32 to vector<16xi32>
      %gather3A_383 = tpu.vector_load_idx %arg26[%iota3A_380, %broadcast_in_dim3A_382] : memref<16x16xf32, #tpu.memory_space<vmem>>[vector<16xi32>, vector<16xi32>], vector<16xf32>,
      %broadcast_in_dim3A_384 = arith.constant 1 : i32
      %broadcast_in_dim3A_385 = vector.broadcast %broadcast_in_dim3A_384 : i32 to vector<16xi32>
      %gather3A_386 = tpu.vector_load_idx %arg26[%iota3A_380, %broadcast_in_dim3A_385] : memref<16x16xf32, #tpu.memory_space<vmem>>[vector<16xi32>, vector<16xi32>], vector<16xf32>,
      %add3A_387 = arith.addf %gather3A_383, %gather3A_386 : vector<16xf32>
      %broadcast_in_dim3A_388 = arith.constant 2 : i32
      %broadcast_in_dim3A_389 = vector.broadcast %broadcast_in_dim3A_388 : i32 to vector<16xi32>
      %gather3A_390 = tpu.vector_load_idx %arg26[%iota3A_380, %broadcast_in_dim3A_389] : memref<16x16xf32, #tpu.memory_space<vmem>>[vector<16xi32>, vector<16xi32>], vector<16xf32>,
      %add3A_391 = arith.addf %add3A_387, %gather3A_390 : vector<16xf32>
      %broadcast_in_dim3A_392 = arith.constant 3 : i32
      %broadcast_in_dim3A_393 = vector.broadcast %broadcast_in_dim3A_392 : i32 to vector<16xi32>
      %gather3A_394 = tpu.vector_load_idx %arg26[%iota3A_380, %broadcast_in_dim3A_393] : memref<16x16xf32, #tpu.memory_space<vmem>>[vector<16xi32>, vector<16xi32>], vector<16xf32>,
      %add3A_395 = arith.addf %add3A_391, %gather3A_394 : vector<16xf32>
      %broadcast_in_dim3A_396 = arith.constant 4 : i32
      %broadcast_in_dim3A_397 = vector.broadcast %broadcast_in_dim3A_396 : i32 to vector<16xi32>
      %gather3A_398 = tpu.vector_load_idx %arg26[%iota3A_380, %broadcast_in_dim3A_397] : memref<16x16xf32, #tpu.memory_space<vmem>>[vector<16xi32>, vector<16xi32>], vector<16xf32>,
      %add3A_399 = arith.addf %add3A_395, %gather3A_398 : vector<16xf32>
      %broadcast_in_dim3A_400 = arith.constant 5 : i32
      %broadcast_in_dim3A_401 = vector.broadcast %broadcast_in_dim3A_400 : i32 to vector<16xi32>
      %gather3A_402 = tpu.vector_load_idx %arg26[%iota3A_380, %broadcast_in_dim3A_401] : memref<16x16xf32, #tpu.memory_space<vmem>>[vector<16xi32>, vector<16xi32>], vector<16xf32>,
      %add3A_403 = arith.addf %add3A_399, %gather3A_402 : vector<16xf32>
      %broadcast_in_dim3A_404 = arith.constant 6 : i32
      %broadcast_in_dim3A_405 = vector.broadcast %broadcast_in_dim3A_404 : i32 to vector<16xi32>
      %gather3A_406 = tpu.vector_load_idx %arg26[%iota3A_380, %broadcast_in_dim3A_405] : memref<16x16xf32, #tpu.memory_space<vmem>>[vector<16xi32>, vector<16xi32>], vector<16xf32>,
      %add3A_407 = arith.addf %add3A_403, %gather3A_406 : vector<16xf32>
      %broadcast_in_dim3A_408 = arith.constant 7 : i32
      %broadcast_in_dim3A_409 = vector.broadcast %broadcast_in_dim3A_408 : i32 to vector<16xi32>
      %gather3A_410 = tpu.vector_load_idx %arg26[%iota3A_380, %broadcast_in_dim3A_409] : memref<16x16xf32, #tpu.memory_space<vmem>>[vector<16xi32>, vector<16xi32>], vector<16xf32>,
      %add3A_411 = arith.addf %add3A_407, %gather3A_410 : vector<16xf32>
      %broadcast_in_dim3A_412 = arith.constant 8 : i32
      %broadcast_in_dim3A_413 = vector.broadcast %broadcast_in_dim3A_412 : i32 to vector<16xi32>
      %gather3A_414 = tpu.vector_load_idx %arg26[%iota3A_380, %broadcast_in_dim3A_413] : memref<16x16xf32, #tpu.memory_space<vmem>>[vector<16xi32>, vector<16xi32>], vector<16xf32>,
      %add3A_415 = arith.addf %add3A_411, %gather3A_414 : vector<16xf32>
      %broadcast_in_dim3A_416 = arith.constant 9 : i32
      %broadcast_in_dim3A_417 = vector.broadcast %broadcast_in_dim3A_416 : i32 to vector<16xi32>
      %gather3A_418 = tpu.vector_load_idx %arg26[%iota3A_380, %broadcast_in_dim3A_417] : memref<16x16xf32, #tpu.memory_space<vmem>>[vector<16xi32>, vector<16xi32>], vector<16xf32>,
      %add3A_419 = arith.addf %add3A_415, %gather3A_418 : vector<16xf32>
      %broadcast_in_dim3A_420 = arith.constant 10 : i32
      %broadcast_in_dim3A_421 = vector.broadcast %broadcast_in_dim3A_420 : i32 to vector<16xi32>
      %gather3A_422 = tpu.vector_load_idx %arg26[%iota3A_380, %broadcast_in_dim3A_421] : memref<16x16xf32, #tpu.memory_space<vmem>>[vector<16xi32>, vector<16xi32>], vector<16xf32>,
      %add3A_423 = arith.addf %add3A_419, %gather3A_422 : vector<16xf32>
      %broadcast_in_dim3A_424 = arith.constant 11 : i32
      %broadcast_in_dim3A_425 = vector.broadcast %broadcast_in_dim3A_424 : i32 to vector<16xi32>
      %gather3A_426 = tpu.vector_load_idx %arg26[%iota3A_380, %broadcast_in_dim3A_425] : memref<16x16xf32, #tpu.memory_space<vmem>>[vector<16xi32>, vector<16xi32>], vector<16xf32>,
      %add3A_427 = arith.addf %add3A_423, %gather3A_426 : vector<16xf32>
      %broadcast_in_dim3A_428 = arith.constant 12 : i32
      %broadcast_in_dim3A_429 = vector.broadcast %broadcast_in_dim3A_428 : i32 to vector<16xi32>
      %gather3A_430 = tpu.vector_load_idx %arg26[%iota3A_380, %broadcast_in_dim3A_429] : memref<16x16xf32, #tpu.memory_space<vmem>>[vector<16xi32>, vector<16xi32>], vector<16xf32>,
      %add3A_431 = arith.addf %add3A_427, %gather3A_430 : vector<16xf32>
      %broadcast_in_dim3A_432 = arith.constant 13 : i32
      %broadcast_in_dim3A_433 = vector.broadcast %broadcast_in_dim3A_432 : i32 to vector<16xi32>
      %gather3A_434 = tpu.vector_load_idx %arg26[%iota3A_380, %broadcast_in_dim3A_433] : memref<16x16xf32, #tpu.memory_space<vmem>>[vector<16xi32>, vector<16xi32>], vector<16xf32>,
      %add3A_435 = arith.addf %add3A_431, %gather3A_434 : vector<16xf32>
      %broadcast_in_dim3A_436 = arith.constant 14 : i32
      %broadcast_in_dim3A_437 = vector.broadcast %broadcast_in_dim3A_436 : i32 to vector<16xi32>
      %gather3A_438 = tpu.vector_load_idx %arg26[%iota3A_380, %broadcast_in_dim3A_437] : memref<16x16xf32, #tpu.memory_space<vmem>>[vector<16xi32>, vector<16xi32>], vector<16xf32>,
      %add3A_439 = arith.addf %add3A_435, %gather3A_438 : vector<16xf32>
      %broadcast_in_dim3A_440 = arith.constant 15 : i32
      %broadcast_in_dim3A_441 = vector.broadcast %broadcast_in_dim3A_440 : i32 to vector<16xi32>
      %gather3A_442 = tpu.vector_load_idx %arg26[%iota3A_380, %broadcast_in_dim3A_441] : memref<16x16xf32, #tpu.memory_space<vmem>>[vector<16xi32>, vector<16xi32>], vector<16xf32>,
      %add3A_443 = arith.addf %add3A_439, %gather3A_442 : vector<16xf32>
      %exp3A_444 = math.exp %add3A_443 : vector<16xf32>
      %swap3A_445 = arith.constant 0 : index
      %swap3A_446 = tpu.vector_load %arg22[%swap3A_445] {strides = array<i32>} : memref<16xf32, #tpu.memory_space<vmem>>, vector<16xf32>,
      tpu.vector_store %arg22[%swap3A_445], %exp3A_444 {strides = array<i32>} : memref<16xf32, #tpu.memory_space<vmem>>, vector<16xf32>,
      %parallel_loop3A_447 = arith.constant 0 : i32
      %parallel_loop3A_448 = arith.constant 16 : i32
      %parallel_loop3A_449 = arith.constant 1 : i32
      scf.for %parallel_loop3A_792 = %parallel_loop3A_447 to %parallel_loop3A_448 step %parallel_loop3A_449  : i32 {
        %parallel_loop3A_793 = vector.broadcast %parallel_loop3A_792 : i32 to vector<16xi32>
        %parallel_loop3A_794 = arith.constant 0 : i32
        %parallel_loop3A_795 = vector.broadcast %parallel_loop3A_794 : i32 to vector<16xi32>
        %parallel_loop3A_796 = arith.cmpi slt, %parallel_loop3A_793, %parallel_loop3A_795 : vector<16xi32>
        %parallel_loop3A_797 = arith.constant 16 : i32
        %parallel_loop3A_798 = vector.broadcast %parallel_loop3A_797 : i32 to vector<16xi32>
        %parallel_loop3A_799 = arith.addi %parallel_loop3A_793, %parallel_loop3A_798 : vector<16xi32>
        %parallel_loop3A_800 = arith.select %parallel_loop3A_796, %parallel_loop3A_799, %parallel_loop3A_793 : vector<16xi1>, vector<16xi32>
        %parallel_loop3A_801 = vector.shape_cast %parallel_loop3A_800 : vector<16xi32> to vector<16x1xi32>
        %parallel_loop3A_802 = vector.shape_cast %parallel_loop3A_801 : vector<16x1xi32> to vector<16xi32>
        %parallel_loop3A_803 = tpu.dynamic_gather %exp3A_444[%parallel_loop3A_802] in [0] : vector<16xf32>, vector<16xi32> -> vector<16xf32>
        %parallel_loop3A_804 = arith.index_cast %parallel_loop3A_792 : i32 to index
        %parallel_loop3A_805 = arith.constant 128 : index
        %parallel_loop3A_806 = tpu.vector_load %arg14[%parallel_loop3A_804, %parallel_loop3A_805] {strides = array<i32>} : memref<16x256xf32, #tpu.memory_space<vmem>>, vector<16xf32>,
        %parallel_loop3A_807 = arith.mulf %parallel_loop3A_806, %parallel_loop3A_803 : vector<16xf32>
        %parallel_loop3A_808 = arith.index_cast %parallel_loop3A_792 : i32 to index
        %parallel_loop3A_809 = arith.constant 0 : index
        %parallel_loop3A_810 = tpu.vector_load %arg18[%parallel_loop3A_808, %parallel_loop3A_809] {strides = array<i32>} : memref<16x128xf32, #tpu.memory_space<vmem>>, vector<16xf32>,
        tpu.vector_store %arg18[%parallel_loop3A_808, %parallel_loop3A_809], %parallel_loop3A_807 {strides = array<i32>} : memref<16x128xf32, #tpu.memory_space<vmem>>, vector<16xf32>,
        %parallel_loop3A_811 = arith.index_cast %parallel_loop3A_792 : i32 to index
        %parallel_loop3A_812 = arith.constant 144 : index
        %parallel_loop3A_813 = tpu.vector_load %arg14[%parallel_loop3A_811, %parallel_loop3A_812] {strides = array<i32>} : memref<16x256xf32, #tpu.memory_space<vmem>>, vector<16xf32>,
        %parallel_loop3A_814 = arith.mulf %parallel_loop3A_813, %parallel_loop3A_803 : vector<16xf32>
        %parallel_loop3A_815 = arith.index_cast %parallel_loop3A_792 : i32 to index
        %parallel_loop3A_816 = arith.constant 16 : index
        %parallel_loop3A_817 = tpu.vector_load %arg18[%parallel_loop3A_815, %parallel_loop3A_816] {strides = array<i32>} : memref<16x128xf32, #tpu.memory_space<vmem>>, vector<16xf32>,
        tpu.vector_store %arg18[%parallel_loop3A_815, %parallel_loop3A_816], %parallel_loop3A_814 {strides = array<i32>} : memref<16x128xf32, #tpu.memory_space<vmem>>, vector<16xf32>,
        %parallel_loop3A_818 = arith.index_cast %parallel_loop3A_792 : i32 to index
        %parallel_loop3A_819 = arith.constant 160 : index
        %parallel_loop3A_820 = tpu.vector_load %arg14[%parallel_loop3A_818, %parallel_loop3A_819] {strides = array<i32>} : memref<16x256xf32, #tpu.memory_space<vmem>>, vector<16xf32>,
        %parallel_loop3A_821 = arith.mulf %parallel_loop3A_820, %parallel_loop3A_803 : vector<16xf32>
        %parallel_loop3A_822 = arith.index_cast %parallel_loop3A_792 : i32 to index
        %parallel_loop3A_823 = arith.constant 32 : index
        %parallel_loop3A_824 = tpu.vector_load %arg18[%parallel_loop3A_822, %parallel_loop3A_823] {strides = array<i32>} : memref<16x128xf32, #tpu.memory_space<vmem>>, vector<16xf32>,
        tpu.vector_store %arg18[%parallel_loop3A_822, %parallel_loop3A_823], %parallel_loop3A_821 {strides = array<i32>} : memref<16x128xf32, #tpu.memory_space<vmem>>, vector<16xf32>,
        %parallel_loop3A_825 = arith.index_cast %parallel_loop3A_792 : i32 to index
        %parallel_loop3A_826 = arith.constant 176 : index
        %parallel_loop3A_827 = tpu.vector_load %arg14[%parallel_loop3A_825, %parallel_loop3A_826] {strides = array<i32>} : memref<16x256xf32, #tpu.memory_space<vmem>>, vector<16xf32>,
        %parallel_loop3A_828 = arith.mulf %parallel_loop3A_827, %parallel_loop3A_803 : vector<16xf32>
        %parallel_loop3A_829 = arith.index_cast %parallel_loop3A_792 : i32 to index
        %parallel_loop3A_830 = arith.constant 48 : index
        %parallel_loop3A_831 = tpu.vector_load %arg18[%parallel_loop3A_829, %parallel_loop3A_830] {strides = array<i32>} : memref<16x128xf32, #tpu.memory_space<vmem>>, vector<16xf32>,
        tpu.vector_store %arg18[%parallel_loop3A_829, %parallel_loop3A_830], %parallel_loop3A_828 {strides = array<i32>} : memref<16x128xf32, #tpu.memory_space<vmem>>, vector<16xf32>,
        %parallel_loop3A_832 = arith.index_cast %parallel_loop3A_792 : i32 to index
        %parallel_loop3A_833 = arith.constant 192 : index
        %parallel_loop3A_834 = tpu.vector_load %arg14[%parallel_loop3A_832, %parallel_loop3A_833] {strides = array<i32>} : memref<16x256xf32, #tpu.memory_space<vmem>>, vector<16xf32>,
        %parallel_loop3A_835 = arith.mulf %parallel_loop3A_834, %parallel_loop3A_803 : vector<16xf32>
        %parallel_loop3A_836 = arith.index_cast %parallel_loop3A_792 : i32 to index
        %parallel_loop3A_837 = arith.constant 64 : index
        %parallel_loop3A_838 = tpu.vector_load %arg18[%parallel_loop3A_836, %parallel_loop3A_837] {strides = array<i32>} : memref<16x128xf32, #tpu.memory_space<vmem>>, vector<16xf32>,
        tpu.vector_store %arg18[%parallel_loop3A_836, %parallel_loop3A_837], %parallel_loop3A_835 {strides = array<i32>} : memref<16x128xf32, #tpu.memory_space<vmem>>, vector<16xf32>,
        %parallel_loop3A_839 = arith.index_cast %parallel_loop3A_792 : i32 to index
        %parallel_loop3A_840 = arith.constant 208 : index
        %parallel_loop3A_841 = tpu.vector_load %arg14[%parallel_loop3A_839, %parallel_loop3A_840] {strides = array<i32>} : memref<16x256xf32, #tpu.memory_space<vmem>>, vector<16xf32>,
        %parallel_loop3A_842 = arith.mulf %parallel_loop3A_841, %parallel_loop3A_803 : vector<16xf32>
        %parallel_loop3A_843 = arith.index_cast %parallel_loop3A_792 : i32 to index
        %parallel_loop3A_844 = arith.constant 80 : index
        %parallel_loop3A_845 = tpu.vector_load %arg18[%parallel_loop3A_843, %parallel_loop3A_844] {strides = array<i32>} : memref<16x128xf32, #tpu.memory_space<vmem>>, vector<16xf32>,
        tpu.vector_store %arg18[%parallel_loop3A_843, %parallel_loop3A_844], %parallel_loop3A_842 {strides = array<i32>} : memref<16x128xf32, #tpu.memory_space<vmem>>, vector<16xf32>,
        %parallel_loop3A_846 = arith.index_cast %parallel_loop3A_792 : i32 to index
        %parallel_loop3A_847 = arith.constant 224 : index
        %parallel_loop3A_848 = tpu.vector_load %arg14[%parallel_loop3A_846, %parallel_loop3A_847] {strides = array<i32>} : memref<16x256xf32, #tpu.memory_space<vmem>>, vector<16xf32>,
        %parallel_loop3A_849 = arith.mulf %parallel_loop3A_848, %parallel_loop3A_803 : vector<16xf32>
        %parallel_loop3A_850 = arith.index_cast %parallel_loop3A_792 : i32 to index
        %parallel_loop3A_851 = arith.constant 96 : index
        %parallel_loop3A_852 = tpu.vector_load %arg18[%parallel_loop3A_850, %parallel_loop3A_851] {strides = array<i32>} : memref<16x128xf32, #tpu.memory_space<vmem>>, vector<16xf32>,
        tpu.vector_store %arg18[%parallel_loop3A_850, %parallel_loop3A_851], %parallel_loop3A_849 {strides = array<i32>} : memref<16x128xf32, #tpu.memory_space<vmem>>, vector<16xf32>,
        %parallel_loop3A_853 = arith.index_cast %parallel_loop3A_792 : i32 to index
        %parallel_loop3A_854 = arith.constant 240 : index
        %parallel_loop3A_855 = tpu.vector_load %arg14[%parallel_loop3A_853, %parallel_loop3A_854] {strides = array<i32>} : memref<16x256xf32, #tpu.memory_space<vmem>>, vector<16xf32>,
        %parallel_loop3A_856 = arith.mulf %parallel_loop3A_855, %parallel_loop3A_803 : vector<16xf32>
        %parallel_loop3A_857 = arith.index_cast %parallel_loop3A_792 : i32 to index
        %parallel_loop3A_858 = arith.constant 112 : index
        %parallel_loop3A_859 = tpu.vector_load %arg18[%parallel_loop3A_857, %parallel_loop3A_858] {strides = array<i32>} : memref<16x128xf32, #tpu.memory_space<vmem>>, vector<16xf32>,
        tpu.vector_store %arg18[%parallel_loop3A_857, %parallel_loop3A_858], %parallel_loop3A_856 {strides = array<i32>} : memref<16x128xf32, #tpu.memory_space<vmem>>, vector<16xf32>,
      } {sc.loop_unroll_factor = 4 : i64, sc.parallel_access}
      %add3A_450 = arith.constant 4 : i32
      %add3A_451 = arith.addi %add3A_356, %add3A_450 : i32
      %lt3A = arith.constant 625 : i32
      %lt3A_452 = arith.cmpi slt, %add3A_451, %lt3A : i32
      %convert_element_type3A_453 = arith.extui %lt3A_452 : i1 to i32
      %cond3A_454 = arith.constant 0 : i32
      %cond3A_455 = arith.cmpi ne, %convert_element_type3A_453, %cond3A_454 : i32
      scf.if %cond3A_455 {
        %add3A_792 = arith.constant 4 : i32
        %add3A_793 = arith.addi %add3A_356, %add3A_792 : i32
        %mul3A_794 = arith.constant 16 : i32
        %mul3A_795 = arith.muli %mul3A_794, %add3A_793 : i32
        %get3A_796 = arith.index_cast %mul3A_795 : i32 to index
        %get3A_797 = tpu.vector_load %arg9[%get3A_796] {strides = array<i32>} : memref<10000xi32, #tpu.memory_space<vmem>>, vector<16xi32>,
        %shift_right_logical3A_798 = arith.constant 16 : i32
        %shift_right_logical3A_799 = vector.broadcast %shift_right_logical3A_798 : i32 to vector<16xi32>
        %shift_right_logical3A_800 = arith.shrui %get3A_797, %shift_right_logical3A_799 : vector<16xi32>
        %and3A_801 = arith.constant 65535 : i32
        %and3A_802 = vector.broadcast %and3A_801 : i32 to vector<16xi32>
        %and3A_803 = arith.andi %get3A_797, %and3A_802 : vector<16xi32>
        %dma_start3A_804 = arith.constant 0 : i32
        %dma_start3A_805 = arith.constant 0 : i32
        %dma_start3A_806 = tpu.memref_slice %arg2[%dma_start3A_804, %dma_start3A_805] : memref<10000x128xf32, #tpu.memory_space<hbm>> -> memref<10000x128xf32, #tpu.memory_space<hbm>>
        tpu.enqueue_indirect_dma source(%dma_start3A_806 : memref<10000x128xf32, #tpu.memory_space<hbm>>) target(%arg10 : memref<16x128xf32, #tpu.memory_space<vmem>>) offsets(%shift_right_logical3A_800 : vector<16xi32>) semaphore(%arg30 : memref<!tpu.dma_semaphore, #tpu.memory_space<semaphore_mem>>)
        %dma_start3A_807 = arith.constant 0 : i32
        %dma_start3A_808 = arith.constant 0 : i32
        %dma_start3A_809 = tpu.memref_slice %arg3[%dma_start3A_807, %dma_start3A_808] : memref<10000x256xf32, #tpu.memory_space<hbm>> -> memref<10000x256xf32, #tpu.memory_space<hbm>>
        tpu.enqueue_indirect_dma source(%dma_start3A_809 : memref<10000x256xf32, #tpu.memory_space<hbm>>) target(%arg14 : memref<16x256xf32, #tpu.memory_space<vmem>>) offsets(%and3A_803 : vector<16xi32>) semaphore(%arg30 : memref<!tpu.dma_semaphore, #tpu.memory_space<semaphore_mem>>)
      } else {
      }
      %dma_start3A_456 = arith.constant 0 : i32
      %dma_start3A_457 = arith.constant 0 : i32
      %dma_start3A_458 = tpu.memref_slice %arg28[%dma_start3A_456, %dma_start3A_457] : memref<10000x128xf32, #tpu.memory_space<vmem_shared>> -> memref<10000x128xf32, #tpu.memory_space<vmem_shared>>
      tpu.enqueue_indirect_dma source(%arg18 : memref<16x128xf32, #tpu.memory_space<vmem>>) target(%dma_start3A_458 : memref<10000x128xf32, #tpu.memory_space<vmem_shared>>) offsets(%shift_right_logical3A_363 : vector<16xi32>) semaphore(%arg34 : memref<!tpu.dma_semaphore, #tpu.memory_space<semaphore_mem>>) {add = true}
      %dma_start3A_459 = arith.constant 0 : i32
      %dma_start3A_460 = tpu.memref_slice %arg29[%dma_start3A_459] : memref<10000xf32, #tpu.memory_space<vmem_shared>> -> memref<10000xf32, #tpu.memory_space<vmem_shared>>
      tpu.enqueue_indirect_dma source(%arg22 : memref<16xf32, #tpu.memory_space<vmem>>) target(%dma_start3A_460 : memref<10000xf32, #tpu.memory_space<vmem_shared>>) offsets(%shift_right_logical3A_363 : vector<16xi32>) semaphore(%arg34 : memref<!tpu.dma_semaphore, #tpu.memory_space<semaphore_mem>>) {add = true}
      %mul3A_461 = arith.constant 4 : i32
      %mul3A_462 = arith.muli %mul3A_461, %scan3A_351 : i32
      %add3A_463 = arith.constant 1 : i32
      %add3A_464 = arith.addi %mul3A_462, %add3A_463 : i32
      %mul3A_465 = arith.constant 16 : i32
      %mul3A_466 = arith.muli %mul3A_465, %add3A_464 : i32
      %get3A_467 = arith.index_cast %mul3A_466 : i32 to index
      %get3A_468 = tpu.vector_load %arg9[%get3A_467] {strides = array<i32>} : memref<10000xi32, #tpu.memory_space<vmem>>, vector<16xi32>,
      %shift_right_logical3A_469 = arith.constant 16 : i32
      %shift_right_logical3A_470 = vector.broadcast %shift_right_logical3A_469 : i32 to vector<16xi32>
      %shift_right_logical3A_471 = arith.shrui %get3A_468, %shift_right_logical3A_470 : vector<16xi32>
      %and3A_472 = arith.constant 65535 : i32
      %and3A_473 = vector.broadcast %and3A_472 : i32 to vector<16xi32>
      %and3A_474 = arith.andi %get3A_468, %and3A_473 : vector<16xi32>
      %dma_wait3A_475 = arith.constant 0 : i32
      %dma_wait3A_476 = arith.constant 0 : i32
      %dma_wait3A_477 = tpu.memref_slice %arg2[%dma_wait3A_475, %dma_wait3A_476] : memref<10000x128xf32, #tpu.memory_space<hbm>> -> memref<10000x128xf32, #tpu.memory_space<hbm>>
      tpu.wait_indirect_dma semaphore(%arg31 : memref<!tpu.dma_semaphore, #tpu.memory_space<semaphore_mem>>) src(%dma_wait3A_477 : memref<10000x128xf32, #tpu.memory_space<hbm>>) dst(%arg11 : memref<16x128xf32, #tpu.memory_space<vmem>>)
      %dma_wait3A_478 = arith.constant 0 : i32
      %dma_wait3A_479 = arith.constant 0 : i32
      %dma_wait3A_480 = tpu.memref_slice %arg3[%dma_wait3A_478, %dma_wait3A_479] : memref<10000x256xf32, #tpu.memory_space<hbm>> -> memref<10000x256xf32, #tpu.memory_space<hbm>>
      tpu.wait_indirect_dma semaphore(%arg31 : memref<!tpu.dma_semaphore, #tpu.memory_space<semaphore_mem>>) src(%dma_wait3A_480 : memref<10000x256xf32, #tpu.memory_space<hbm>>) dst(%arg15 : memref<16x256xf32, #tpu.memory_space<vmem>>)
      %ge3A_481 = arith.constant 1 : i32
      %ge3A_482 = arith.cmpi sge, %scan3A_351, %ge3A_481 : i32
      %convert_element_type3A_483 = arith.extui %ge3A_482 : i1 to i32
      %cond3A_484 = arith.constant 0 : i32
      %cond3A_485 = arith.cmpi ne, %convert_element_type3A_483, %cond3A_484 : i32
      scf.if %cond3A_485 {
        %dma_wait3A_792 = arith.constant 0 : i32
        %dma_wait3A_793 = arith.constant 0 : i32
        %dma_wait3A_794 = tpu.memref_slice %arg28[%dma_wait3A_792, %dma_wait3A_793] : memref<10000x128xf32, #tpu.memory_space<vmem_shared>> -> memref<10000x128xf32, #tpu.memory_space<vmem_shared>>
        tpu.wait_indirect_dma semaphore(%arg35 : memref<!tpu.dma_semaphore, #tpu.memory_space<semaphore_mem>>) src(%arg19 : memref<16x128xf32, #tpu.memory_space<vmem>>) dst(%dma_wait3A_794 : memref<10000x128xf32, #tpu.memory_space<vmem_shared>>)
        %dma_wait3A_795 = arith.constant 0 : i32
        %dma_wait3A_796 = tpu.memref_slice %arg29[%dma_wait3A_795] : memref<10000xf32, #tpu.memory_space<vmem_shared>> -> memref<10000xf32, #tpu.memory_space<vmem_shared>>
        tpu.wait_indirect_dma semaphore(%arg35 : memref<!tpu.dma_semaphore, #tpu.memory_space<semaphore_mem>>) src(%arg23 : memref<16xf32, #tpu.memory_space<vmem>>) dst(%dma_wait3A_796 : memref<10000xf32, #tpu.memory_space<vmem_shared>>)
      } else {
      }
      %parallel_loop3A_486 = arith.constant 0 : i32
      %parallel_loop3A_487 = arith.constant 16 : i32
      %parallel_loop3A_488 = arith.constant 1 : i32
      scf.for %parallel_loop3A_792 = %parallel_loop3A_486 to %parallel_loop3A_487 step %parallel_loop3A_488  : i32 {
        %parallel_loop3A_793 = arith.index_cast %parallel_loop3A_792 : i32 to index
        %parallel_loop3A_794 = arith.constant 0 : index
        %parallel_loop3A_795 = tpu.vector_load %arg11[%parallel_loop3A_793, %parallel_loop3A_794] {strides = array<i32>} : memref<16x128xf32, #tpu.memory_space<vmem>>, vector<16xf32>,
        %parallel_loop3A_796 = arith.index_cast %parallel_loop3A_792 : i32 to index
        %parallel_loop3A_797 = arith.constant 0 : index
        %parallel_loop3A_798 = tpu.vector_load %arg15[%parallel_loop3A_796, %parallel_loop3A_797] {strides = array<i32>} : memref<16x256xf32, #tpu.memory_space<vmem>>, vector<16xf32>,
        %parallel_loop3A_799 = arith.mulf %parallel_loop3A_795, %parallel_loop3A_798 : vector<16xf32>
        %parallel_loop3A_800 = arith.index_cast %parallel_loop3A_792 : i32 to index
        %parallel_loop3A_801 = arith.constant 16 : index
        %parallel_loop3A_802 = tpu.vector_load %arg11[%parallel_loop3A_800, %parallel_loop3A_801] {strides = array<i32>} : memref<16x128xf32, #tpu.memory_space<vmem>>, vector<16xf32>,
        %parallel_loop3A_803 = arith.index_cast %parallel_loop3A_792 : i32 to index
        %parallel_loop3A_804 = arith.constant 16 : index
        %parallel_loop3A_805 = tpu.vector_load %arg15[%parallel_loop3A_803, %parallel_loop3A_804] {strides = array<i32>} : memref<16x256xf32, #tpu.memory_space<vmem>>, vector<16xf32>,
        %parallel_loop3A_806 = arith.mulf %parallel_loop3A_802, %parallel_loop3A_805 : vector<16xf32>
        %parallel_loop3A_807 = arith.addf %parallel_loop3A_799, %parallel_loop3A_806 : vector<16xf32>
        %parallel_loop3A_808 = arith.index_cast %parallel_loop3A_792 : i32 to index
        %parallel_loop3A_809 = arith.constant 32 : index
        %parallel_loop3A_810 = tpu.vector_load %arg11[%parallel_loop3A_808, %parallel_loop3A_809] {strides = array<i32>} : memref<16x128xf32, #tpu.memory_space<vmem>>, vector<16xf32>,
        %parallel_loop3A_811 = arith.index_cast %parallel_loop3A_792 : i32 to index
        %parallel_loop3A_812 = arith.constant 32 : index
        %parallel_loop3A_813 = tpu.vector_load %arg15[%parallel_loop3A_811, %parallel_loop3A_812] {strides = array<i32>} : memref<16x256xf32, #tpu.memory_space<vmem>>, vector<16xf32>,
        %parallel_loop3A_814 = arith.mulf %parallel_loop3A_810, %parallel_loop3A_813 : vector<16xf32>
        %parallel_loop3A_815 = arith.addf %parallel_loop3A_807, %parallel_loop3A_814 : vector<16xf32>
        %parallel_loop3A_816 = arith.index_cast %parallel_loop3A_792 : i32 to index
        %parallel_loop3A_817 = arith.constant 48 : index
        %parallel_loop3A_818 = tpu.vector_load %arg11[%parallel_loop3A_816, %parallel_loop3A_817] {strides = array<i32>} : memref<16x128xf32, #tpu.memory_space<vmem>>, vector<16xf32>,
        %parallel_loop3A_819 = arith.index_cast %parallel_loop3A_792 : i32 to index
        %parallel_loop3A_820 = arith.constant 48 : index
        %parallel_loop3A_821 = tpu.vector_load %arg15[%parallel_loop3A_819, %parallel_loop3A_820] {strides = array<i32>} : memref<16x256xf32, #tpu.memory_space<vmem>>, vector<16xf32>,
        %parallel_loop3A_822 = arith.mulf %parallel_loop3A_818, %parallel_loop3A_821 : vector<16xf32>
        %parallel_loop3A_823 = arith.addf %parallel_loop3A_815, %parallel_loop3A_822 : vector<16xf32>
        %parallel_loop3A_824 = arith.index_cast %parallel_loop3A_792 : i32 to index
        %parallel_loop3A_825 = arith.constant 64 : index
        %parallel_loop3A_826 = tpu.vector_load %arg11[%parallel_loop3A_824, %parallel_loop3A_825] {strides = array<i32>} : memref<16x128xf32, #tpu.memory_space<vmem>>, vector<16xf32>,
        %parallel_loop3A_827 = arith.index_cast %parallel_loop3A_792 : i32 to index
        %parallel_loop3A_828 = arith.constant 64 : index
        %parallel_loop3A_829 = tpu.vector_load %arg15[%parallel_loop3A_827, %parallel_loop3A_828] {strides = array<i32>} : memref<16x256xf32, #tpu.memory_space<vmem>>, vector<16xf32>,
        %parallel_loop3A_830 = arith.mulf %parallel_loop3A_826, %parallel_loop3A_829 : vector<16xf32>
        %parallel_loop3A_831 = arith.addf %parallel_loop3A_823, %parallel_loop3A_830 : vector<16xf32>
        %parallel_loop3A_832 = arith.index_cast %parallel_loop3A_792 : i32 to index
        %parallel_loop3A_833 = arith.constant 80 : index
        %parallel_loop3A_834 = tpu.vector_load %arg11[%parallel_loop3A_832, %parallel_loop3A_833] {strides = array<i32>} : memref<16x128xf32, #tpu.memory_space<vmem>>, vector<16xf32>,
        %parallel_loop3A_835 = arith.index_cast %parallel_loop3A_792 : i32 to index
        %parallel_loop3A_836 = arith.constant 80 : index
        %parallel_loop3A_837 = tpu.vector_load %arg15[%parallel_loop3A_835, %parallel_loop3A_836] {strides = array<i32>} : memref<16x256xf32, #tpu.memory_space<vmem>>, vector<16xf32>,
        %parallel_loop3A_838 = arith.mulf %parallel_loop3A_834, %parallel_loop3A_837 : vector<16xf32>
        %parallel_loop3A_839 = arith.addf %parallel_loop3A_831, %parallel_loop3A_838 : vector<16xf32>
        %parallel_loop3A_840 = arith.index_cast %parallel_loop3A_792 : i32 to index
        %parallel_loop3A_841 = arith.constant 96 : index
        %parallel_loop3A_842 = tpu.vector_load %arg11[%parallel_loop3A_840, %parallel_loop3A_841] {strides = array<i32>} : memref<16x128xf32, #tpu.memory_space<vmem>>, vector<16xf32>,
        %parallel_loop3A_843 = arith.index_cast %parallel_loop3A_792 : i32 to index
        %parallel_loop3A_844 = arith.constant 96 : index
        %parallel_loop3A_845 = tpu.vector_load %arg15[%parallel_loop3A_843, %parallel_loop3A_844] {strides = array<i32>} : memref<16x256xf32, #tpu.memory_space<vmem>>, vector<16xf32>,
        %parallel_loop3A_846 = arith.mulf %parallel_loop3A_842, %parallel_loop3A_845 : vector<16xf32>
        %parallel_loop3A_847 = arith.addf %parallel_loop3A_839, %parallel_loop3A_846 : vector<16xf32>
        %parallel_loop3A_848 = arith.index_cast %parallel_loop3A_792 : i32 to index
        %parallel_loop3A_849 = arith.constant 112 : index
        %parallel_loop3A_850 = tpu.vector_load %arg11[%parallel_loop3A_848, %parallel_loop3A_849] {strides = array<i32>} : memref<16x128xf32, #tpu.memory_space<vmem>>, vector<16xf32>,
        %parallel_loop3A_851 = arith.index_cast %parallel_loop3A_792 : i32 to index
        %parallel_loop3A_852 = arith.constant 112 : index
        %parallel_loop3A_853 = tpu.vector_load %arg15[%parallel_loop3A_851, %parallel_loop3A_852] {strides = array<i32>} : memref<16x256xf32, #tpu.memory_space<vmem>>, vector<16xf32>,
        %parallel_loop3A_854 = arith.mulf %parallel_loop3A_850, %parallel_loop3A_853 : vector<16xf32>
        %parallel_loop3A_855 = arith.addf %parallel_loop3A_847, %parallel_loop3A_854 : vector<16xf32>
        %parallel_loop3A_856 = arith.index_cast %parallel_loop3A_792 : i32 to index
        %parallel_loop3A_857 = arith.constant 0 : index
        %parallel_loop3A_858 = tpu.vector_load %arg26[%parallel_loop3A_856, %parallel_loop3A_857] {strides = array<i32>} : memref<16x16xf32, #tpu.memory_space<vmem>>, vector<16xf32>,
        tpu.vector_store %arg26[%parallel_loop3A_856, %parallel_loop3A_857], %parallel_loop3A_855 {strides = array<i32>} : memref<16x16xf32, #tpu.memory_space<vmem>>, vector<16xf32>,
      } {sc.loop_unroll_factor = 4 : i64, sc.parallel_access}
      %iota3A_489 = tpu.iota {dimensions = array<i32: 0>} : vector<16xi32>
      %broadcast_in_dim3A_490 = arith.constant 0 : i32
      %broadcast_in_dim3A_491 = vector.broadcast %broadcast_in_dim3A_490 : i32 to vector<16xi32>
      %gather3A_492 = tpu.vector_load_idx %arg26[%iota3A_489, %broadcast_in_dim3A_491] : memref<16x16xf32, #tpu.memory_space<vmem>>[vector<16xi32>, vector<16xi32>], vector<16xf32>,
      %broadcast_in_dim3A_493 = arith.constant 1 : i32
      %broadcast_in_dim3A_494 = vector.broadcast %broadcast_in_dim3A_493 : i32 to vector<16xi32>
      %gather3A_495 = tpu.vector_load_idx %arg26[%iota3A_489, %broadcast_in_dim3A_494] : memref<16x16xf32, #tpu.memory_space<vmem>>[vector<16xi32>, vector<16xi32>], vector<16xf32>,
      %add3A_496 = arith.addf %gather3A_492, %gather3A_495 : vector<16xf32>
      %broadcast_in_dim3A_497 = arith.constant 2 : i32
      %broadcast_in_dim3A_498 = vector.broadcast %broadcast_in_dim3A_497 : i32 to vector<16xi32>
      %gather3A_499 = tpu.vector_load_idx %arg26[%iota3A_489, %broadcast_in_dim3A_498] : memref<16x16xf32, #tpu.memory_space<vmem>>[vector<16xi32>, vector<16xi32>], vector<16xf32>,
      %add3A_500 = arith.addf %add3A_496, %gather3A_499 : vector<16xf32>
      %broadcast_in_dim3A_501 = arith.constant 3 : i32
      %broadcast_in_dim3A_502 = vector.broadcast %broadcast_in_dim3A_501 : i32 to vector<16xi32>
      %gather3A_503 = tpu.vector_load_idx %arg26[%iota3A_489, %broadcast_in_dim3A_502] : memref<16x16xf32, #tpu.memory_space<vmem>>[vector<16xi32>, vector<16xi32>], vector<16xf32>,
      %add3A_504 = arith.addf %add3A_500, %gather3A_503 : vector<16xf32>
      %broadcast_in_dim3A_505 = arith.constant 4 : i32
      %broadcast_in_dim3A_506 = vector.broadcast %broadcast_in_dim3A_505 : i32 to vector<16xi32>
      %gather3A_507 = tpu.vector_load_idx %arg26[%iota3A_489, %broadcast_in_dim3A_506] : memref<16x16xf32, #tpu.memory_space<vmem>>[vector<16xi32>, vector<16xi32>], vector<16xf32>,
      %add3A_508 = arith.addf %add3A_504, %gather3A_507 : vector<16xf32>
      %broadcast_in_dim3A_509 = arith.constant 5 : i32
      %broadcast_in_dim3A_510 = vector.broadcast %broadcast_in_dim3A_509 : i32 to vector<16xi32>
      %gather3A_511 = tpu.vector_load_idx %arg26[%iota3A_489, %broadcast_in_dim3A_510] : memref<16x16xf32, #tpu.memory_space<vmem>>[vector<16xi32>, vector<16xi32>], vector<16xf32>,
      %add3A_512 = arith.addf %add3A_508, %gather3A_511 : vector<16xf32>
      %broadcast_in_dim3A_513 = arith.constant 6 : i32
      %broadcast_in_dim3A_514 = vector.broadcast %broadcast_in_dim3A_513 : i32 to vector<16xi32>
      %gather3A_515 = tpu.vector_load_idx %arg26[%iota3A_489, %broadcast_in_dim3A_514] : memref<16x16xf32, #tpu.memory_space<vmem>>[vector<16xi32>, vector<16xi32>], vector<16xf32>,
      %add3A_516 = arith.addf %add3A_512, %gather3A_515 : vector<16xf32>
      %broadcast_in_dim3A_517 = arith.constant 7 : i32
      %broadcast_in_dim3A_518 = vector.broadcast %broadcast_in_dim3A_517 : i32 to vector<16xi32>
      %gather3A_519 = tpu.vector_load_idx %arg26[%iota3A_489, %broadcast_in_dim3A_518] : memref<16x16xf32, #tpu.memory_space<vmem>>[vector<16xi32>, vector<16xi32>], vector<16xf32>,
      %add3A_520 = arith.addf %add3A_516, %gather3A_519 : vector<16xf32>
      %broadcast_in_dim3A_521 = arith.constant 8 : i32
      %broadcast_in_dim3A_522 = vector.broadcast %broadcast_in_dim3A_521 : i32 to vector<16xi32>
      %gather3A_523 = tpu.vector_load_idx %arg26[%iota3A_489, %broadcast_in_dim3A_522] : memref<16x16xf32, #tpu.memory_space<vmem>>[vector<16xi32>, vector<16xi32>], vector<16xf32>,
      %add3A_524 = arith.addf %add3A_520, %gather3A_523 : vector<16xf32>
      %broadcast_in_dim3A_525 = arith.constant 9 : i32
      %broadcast_in_dim3A_526 = vector.broadcast %broadcast_in_dim3A_525 : i32 to vector<16xi32>
      %gather3A_527 = tpu.vector_load_idx %arg26[%iota3A_489, %broadcast_in_dim3A_526] : memref<16x16xf32, #tpu.memory_space<vmem>>[vector<16xi32>, vector<16xi32>], vector<16xf32>,
      %add3A_528 = arith.addf %add3A_524, %gather3A_527 : vector<16xf32>
      %broadcast_in_dim3A_529 = arith.constant 10 : i32
      %broadcast_in_dim3A_530 = vector.broadcast %broadcast_in_dim3A_529 : i32 to vector<16xi32>
      %gather3A_531 = tpu.vector_load_idx %arg26[%iota3A_489, %broadcast_in_dim3A_530] : memref<16x16xf32, #tpu.memory_space<vmem>>[vector<16xi32>, vector<16xi32>], vector<16xf32>,
      %add3A_532 = arith.addf %add3A_528, %gather3A_531 : vector<16xf32>
      %broadcast_in_dim3A_533 = arith.constant 11 : i32
      %broadcast_in_dim3A_534 = vector.broadcast %broadcast_in_dim3A_533 : i32 to vector<16xi32>
      %gather3A_535 = tpu.vector_load_idx %arg26[%iota3A_489, %broadcast_in_dim3A_534] : memref<16x16xf32, #tpu.memory_space<vmem>>[vector<16xi32>, vector<16xi32>], vector<16xf32>,
      %add3A_536 = arith.addf %add3A_532, %gather3A_535 : vector<16xf32>
      %broadcast_in_dim3A_537 = arith.constant 12 : i32
      %broadcast_in_dim3A_538 = vector.broadcast %broadcast_in_dim3A_537 : i32 to vector<16xi32>
      %gather3A_539 = tpu.vector_load_idx %arg26[%iota3A_489, %broadcast_in_dim3A_538] : memref<16x16xf32, #tpu.memory_space<vmem>>[vector<16xi32>, vector<16xi32>], vector<16xf32>,
      %add3A_540 = arith.addf %add3A_536, %gather3A_539 : vector<16xf32>
      %broadcast_in_dim3A_541 = arith.constant 13 : i32
      %broadcast_in_dim3A_542 = vector.broadcast %broadcast_in_dim3A_541 : i32 to vector<16xi32>
      %gather3A_543 = tpu.vector_load_idx %arg26[%iota3A_489, %broadcast_in_dim3A_542] : memref<16x16xf32, #tpu.memory_space<vmem>>[vector<16xi32>, vector<16xi32>], vector<16xf32>,
      %add3A_544 = arith.addf %add3A_540, %gather3A_543 : vector<16xf32>
      %broadcast_in_dim3A_545 = arith.constant 14 : i32
      %broadcast_in_dim3A_546 = vector.broadcast %broadcast_in_dim3A_545 : i32 to vector<16xi32>
      %gather3A_547 = tpu.vector_load_idx %arg26[%iota3A_489, %broadcast_in_dim3A_546] : memref<16x16xf32, #tpu.memory_space<vmem>>[vector<16xi32>, vector<16xi32>], vector<16xf32>,
      %add3A_548 = arith.addf %add3A_544, %gather3A_547 : vector<16xf32>
      %broadcast_in_dim3A_549 = arith.constant 15 : i32
      %broadcast_in_dim3A_550 = vector.broadcast %broadcast_in_dim3A_549 : i32 to vector<16xi32>
      %gather3A_551 = tpu.vector_load_idx %arg26[%iota3A_489, %broadcast_in_dim3A_550] : memref<16x16xf32, #tpu.memory_space<vmem>>[vector<16xi32>, vector<16xi32>], vector<16xf32>,
      %add3A_552 = arith.addf %add3A_548, %gather3A_551 : vector<16xf32>
      %exp3A_553 = math.exp %add3A_552 : vector<16xf32>
      %swap3A_554 = arith.constant 0 : index
      %swap3A_555 = tpu.vector_load %arg23[%swap3A_554] {strides = array<i32>} : memref<16xf32, #tpu.memory_space<vmem>>, vector<16xf32>,
      tpu.vector_store %arg23[%swap3A_554], %exp3A_553 {strides = array<i32>} : memref<16xf32, #tpu.memory_space<vmem>>, vector<16xf32>,
      %parallel_loop3A_556 = arith.constant 0 : i32
      %parallel_loop3A_557 = arith.constant 16 : i32
      %parallel_loop3A_558 = arith.constant 1 : i32
      scf.for %parallel_loop3A_792 = %parallel_loop3A_556 to %parallel_loop3A_557 step %parallel_loop3A_558  : i32 {
        %parallel_loop3A_793 = vector.broadcast %parallel_loop3A_792 : i32 to vector<16xi32>
        %parallel_loop3A_794 = arith.constant 0 : i32
        %parallel_loop3A_795 = vector.broadcast %parallel_loop3A_794 : i32 to vector<16xi32>
        %parallel_loop3A_796 = arith.cmpi slt, %parallel_loop3A_793, %parallel_loop3A_795 : vector<16xi32>
        %parallel_loop3A_797 = arith.constant 16 : i32
        %parallel_loop3A_798 = vector.broadcast %parallel_loop3A_797 : i32 to vector<16xi32>
        %parallel_loop3A_799 = arith.addi %parallel_loop3A_793, %parallel_loop3A_798 : vector<16xi32>
        %parallel_loop3A_800 = arith.select %parallel_loop3A_796, %parallel_loop3A_799, %parallel_loop3A_793 : vector<16xi1>, vector<16xi32>
        %parallel_loop3A_801 = vector.shape_cast %parallel_loop3A_800 : vector<16xi32> to vector<16x1xi32>
        %parallel_loop3A_802 = vector.shape_cast %parallel_loop3A_801 : vector<16x1xi32> to vector<16xi32>
        %parallel_loop3A_803 = tpu.dynamic_gather %exp3A_553[%parallel_loop3A_802] in [0] : vector<16xf32>, vector<16xi32> -> vector<16xf32>
        %parallel_loop3A_804 = arith.index_cast %parallel_loop3A_792 : i32 to index
        %parallel_loop3A_805 = arith.constant 128 : index
        %parallel_loop3A_806 = tpu.vector_load %arg15[%parallel_loop3A_804, %parallel_loop3A_805] {strides = array<i32>} : memref<16x256xf32, #tpu.memory_space<vmem>>, vector<16xf32>,
        %parallel_loop3A_807 = arith.mulf %parallel_loop3A_806, %parallel_loop3A_803 : vector<16xf32>
        %parallel_loop3A_808 = arith.index_cast %parallel_loop3A_792 : i32 to index
        %parallel_loop3A_809 = arith.constant 0 : index
        %parallel_loop3A_810 = tpu.vector_load %arg19[%parallel_loop3A_808, %parallel_loop3A_809] {strides = array<i32>} : memref<16x128xf32, #tpu.memory_space<vmem>>, vector<16xf32>,
        tpu.vector_store %arg19[%parallel_loop3A_808, %parallel_loop3A_809], %parallel_loop3A_807 {strides = array<i32>} : memref<16x128xf32, #tpu.memory_space<vmem>>, vector<16xf32>,
        %parallel_loop3A_811 = arith.index_cast %parallel_loop3A_792 : i32 to index
        %parallel_loop3A_812 = arith.constant 144 : index
        %parallel_loop3A_813 = tpu.vector_load %arg15[%parallel_loop3A_811, %parallel_loop3A_812] {strides = array<i32>} : memref<16x256xf32, #tpu.memory_space<vmem>>, vector<16xf32>,
        %parallel_loop3A_814 = arith.mulf %parallel_loop3A_813, %parallel_loop3A_803 : vector<16xf32>
        %parallel_loop3A_815 = arith.index_cast %parallel_loop3A_792 : i32 to index
        %parallel_loop3A_816 = arith.constant 16 : index
        %parallel_loop3A_817 = tpu.vector_load %arg19[%parallel_loop3A_815, %parallel_loop3A_816] {strides = array<i32>} : memref<16x128xf32, #tpu.memory_space<vmem>>, vector<16xf32>,
        tpu.vector_store %arg19[%parallel_loop3A_815, %parallel_loop3A_816], %parallel_loop3A_814 {strides = array<i32>} : memref<16x128xf32, #tpu.memory_space<vmem>>, vector<16xf32>,
        %parallel_loop3A_818 = arith.index_cast %parallel_loop3A_792 : i32 to index
        %parallel_loop3A_819 = arith.constant 160 : index
        %parallel_loop3A_820 = tpu.vector_load %arg15[%parallel_loop3A_818, %parallel_loop3A_819] {strides = array<i32>} : memref<16x256xf32, #tpu.memory_space<vmem>>, vector<16xf32>,
        %parallel_loop3A_821 = arith.mulf %parallel_loop3A_820, %parallel_loop3A_803 : vector<16xf32>
        %parallel_loop3A_822 = arith.index_cast %parallel_loop3A_792 : i32 to index
        %parallel_loop3A_823 = arith.constant 32 : index
        %parallel_loop3A_824 = tpu.vector_load %arg19[%parallel_loop3A_822, %parallel_loop3A_823] {strides = array<i32>} : memref<16x128xf32, #tpu.memory_space<vmem>>, vector<16xf32>,
        tpu.vector_store %arg19[%parallel_loop3A_822, %parallel_loop3A_823], %parallel_loop3A_821 {strides = array<i32>} : memref<16x128xf32, #tpu.memory_space<vmem>>, vector<16xf32>,
        %parallel_loop3A_825 = arith.index_cast %parallel_loop3A_792 : i32 to index
        %parallel_loop3A_826 = arith.constant 176 : index
        %parallel_loop3A_827 = tpu.vector_load %arg15[%parallel_loop3A_825, %parallel_loop3A_826] {strides = array<i32>} : memref<16x256xf32, #tpu.memory_space<vmem>>, vector<16xf32>,
        %parallel_loop3A_828 = arith.mulf %parallel_loop3A_827, %parallel_loop3A_803 : vector<16xf32>
        %parallel_loop3A_829 = arith.index_cast %parallel_loop3A_792 : i32 to index
        %parallel_loop3A_830 = arith.constant 48 : index
        %parallel_loop3A_831 = tpu.vector_load %arg19[%parallel_loop3A_829, %parallel_loop3A_830] {strides = array<i32>} : memref<16x128xf32, #tpu.memory_space<vmem>>, vector<16xf32>,
        tpu.vector_store %arg19[%parallel_loop3A_829, %parallel_loop3A_830], %parallel_loop3A_828 {strides = array<i32>} : memref<16x128xf32, #tpu.memory_space<vmem>>, vector<16xf32>,
        %parallel_loop3A_832 = arith.index_cast %parallel_loop3A_792 : i32 to index
        %parallel_loop3A_833 = arith.constant 192 : index
        %parallel_loop3A_834 = tpu.vector_load %arg15[%parallel_loop3A_832, %parallel_loop3A_833] {strides = array<i32>} : memref<16x256xf32, #tpu.memory_space<vmem>>, vector<16xf32>,
        %parallel_loop3A_835 = arith.mulf %parallel_loop3A_834, %parallel_loop3A_803 : vector<16xf32>
        %parallel_loop3A_836 = arith.index_cast %parallel_loop3A_792 : i32 to index
        %parallel_loop3A_837 = arith.constant 64 : index
        %parallel_loop3A_838 = tpu.vector_load %arg19[%parallel_loop3A_836, %parallel_loop3A_837] {strides = array<i32>} : memref<16x128xf32, #tpu.memory_space<vmem>>, vector<16xf32>,
        tpu.vector_store %arg19[%parallel_loop3A_836, %parallel_loop3A_837], %parallel_loop3A_835 {strides = array<i32>} : memref<16x128xf32, #tpu.memory_space<vmem>>, vector<16xf32>,
        %parallel_loop3A_839 = arith.index_cast %parallel_loop3A_792 : i32 to index
        %parallel_loop3A_840 = arith.constant 208 : index
        %parallel_loop3A_841 = tpu.vector_load %arg15[%parallel_loop3A_839, %parallel_loop3A_840] {strides = array<i32>} : memref<16x256xf32, #tpu.memory_space<vmem>>, vector<16xf32>,
        %parallel_loop3A_842 = arith.mulf %parallel_loop3A_841, %parallel_loop3A_803 : vector<16xf32>
        %parallel_loop3A_843 = arith.index_cast %parallel_loop3A_792 : i32 to index
        %parallel_loop3A_844 = arith.constant 80 : index
        %parallel_loop3A_845 = tpu.vector_load %arg19[%parallel_loop3A_843, %parallel_loop3A_844] {strides = array<i32>} : memref<16x128xf32, #tpu.memory_space<vmem>>, vector<16xf32>,
        tpu.vector_store %arg19[%parallel_loop3A_843, %parallel_loop3A_844], %parallel_loop3A_842 {strides = array<i32>} : memref<16x128xf32, #tpu.memory_space<vmem>>, vector<16xf32>,
        %parallel_loop3A_846 = arith.index_cast %parallel_loop3A_792 : i32 to index
        %parallel_loop3A_847 = arith.constant 224 : index
        %parallel_loop3A_848 = tpu.vector_load %arg15[%parallel_loop3A_846, %parallel_loop3A_847] {strides = array<i32>} : memref<16x256xf32, #tpu.memory_space<vmem>>, vector<16xf32>,
        %parallel_loop3A_849 = arith.mulf %parallel_loop3A_848, %parallel_loop3A_803 : vector<16xf32>
        %parallel_loop3A_850 = arith.index_cast %parallel_loop3A_792 : i32 to index
        %parallel_loop3A_851 = arith.constant 96 : index
        %parallel_loop3A_852 = tpu.vector_load %arg19[%parallel_loop3A_850, %parallel_loop3A_851] {strides = array<i32>} : memref<16x128xf32, #tpu.memory_space<vmem>>, vector<16xf32>,
        tpu.vector_store %arg19[%parallel_loop3A_850, %parallel_loop3A_851], %parallel_loop3A_849 {strides = array<i32>} : memref<16x128xf32, #tpu.memory_space<vmem>>, vector<16xf32>,
        %parallel_loop3A_853 = arith.index_cast %parallel_loop3A_792 : i32 to index
        %parallel_loop3A_854 = arith.constant 240 : index
        %parallel_loop3A_855 = tpu.vector_load %arg15[%parallel_loop3A_853, %parallel_loop3A_854] {strides = array<i32>} : memref<16x256xf32, #tpu.memory_space<vmem>>, vector<16xf32>,
        %parallel_loop3A_856 = arith.mulf %parallel_loop3A_855, %parallel_loop3A_803 : vector<16xf32>
        %parallel_loop3A_857 = arith.index_cast %parallel_loop3A_792 : i32 to index
        %parallel_loop3A_858 = arith.constant 112 : index
        %parallel_loop3A_859 = tpu.vector_load %arg19[%parallel_loop3A_857, %parallel_loop3A_858] {strides = array<i32>} : memref<16x128xf32, #tpu.memory_space<vmem>>, vector<16xf32>,
        tpu.vector_store %arg19[%parallel_loop3A_857, %parallel_loop3A_858], %parallel_loop3A_856 {strides = array<i32>} : memref<16x128xf32, #tpu.memory_space<vmem>>, vector<16xf32>,
      } {sc.loop_unroll_factor = 4 : i64, sc.parallel_access}
      %add3A_559 = arith.constant 4 : i32
      %add3A_560 = arith.addi %add3A_464, %add3A_559 : i32
      %lt3A_561 = arith.constant 625 : i32
      %lt3A_562 = arith.cmpi slt, %add3A_560, %lt3A_561 : i32
      %convert_element_type3A_563 = arith.extui %lt3A_562 : i1 to i32
      %cond3A_564 = arith.constant 0 : i32
      %cond3A_565 = arith.cmpi ne, %convert_element_type3A_563, %cond3A_564 : i32
      scf.if %cond3A_565 {
        %add3A_792 = arith.constant 4 : i32
        %add3A_793 = arith.addi %add3A_464, %add3A_792 : i32
        %mul3A_794 = arith.constant 16 : i32
        %mul3A_795 = arith.muli %mul3A_794, %add3A_793 : i32
        %get3A_796 = arith.index_cast %mul3A_795 : i32 to index
        %get3A_797 = tpu.vector_load %arg9[%get3A_796] {strides = array<i32>} : memref<10000xi32, #tpu.memory_space<vmem>>, vector<16xi32>,
        %shift_right_logical3A_798 = arith.constant 16 : i32
        %shift_right_logical3A_799 = vector.broadcast %shift_right_logical3A_798 : i32 to vector<16xi32>
        %shift_right_logical3A_800 = arith.shrui %get3A_797, %shift_right_logical3A_799 : vector<16xi32>
        %and3A_801 = arith.constant 65535 : i32
        %and3A_802 = vector.broadcast %and3A_801 : i32 to vector<16xi32>
        %and3A_803 = arith.andi %get3A_797, %and3A_802 : vector<16xi32>
        %dma_start3A_804 = arith.constant 0 : i32
        %dma_start3A_805 = arith.constant 0 : i32
        %dma_start3A_806 = tpu.memref_slice %arg2[%dma_start3A_804, %dma_start3A_805] : memref<10000x128xf32, #tpu.memory_space<hbm>> -> memref<10000x128xf32, #tpu.memory_space<hbm>>
        tpu.enqueue_indirect_dma source(%dma_start3A_806 : memref<10000x128xf32, #tpu.memory_space<hbm>>) target(%arg11 : memref<16x128xf32, #tpu.memory_space<vmem>>) offsets(%shift_right_logical3A_800 : vector<16xi32>) semaphore(%arg31 : memref<!tpu.dma_semaphore, #tpu.memory_space<semaphore_mem>>)
        %dma_start3A_807 = arith.constant 0 : i32
        %dma_start3A_808 = arith.constant 0 : i32
        %dma_start3A_809 = tpu.memref_slice %arg3[%dma_start3A_807, %dma_start3A_808] : memref<10000x256xf32, #tpu.memory_space<hbm>> -> memref<10000x256xf32, #tpu.memory_space<hbm>>
        tpu.enqueue_indirect_dma source(%dma_start3A_809 : memref<10000x256xf32, #tpu.memory_space<hbm>>) target(%arg15 : memref<16x256xf32, #tpu.memory_space<vmem>>) offsets(%and3A_803 : vector<16xi32>) semaphore(%arg31 : memref<!tpu.dma_semaphore, #tpu.memory_space<semaphore_mem>>)
      } else {
      }
      %dma_start3A_566 = arith.constant 0 : i32
      %dma_start3A_567 = arith.constant 0 : i32
      %dma_start3A_568 = tpu.memref_slice %arg28[%dma_start3A_566, %dma_start3A_567] : memref<10000x128xf32, #tpu.memory_space<vmem_shared>> -> memref<10000x128xf32, #tpu.memory_space<vmem_shared>>
      tpu.enqueue_indirect_dma source(%arg19 : memref<16x128xf32, #tpu.memory_space<vmem>>) target(%dma_start3A_568 : memref<10000x128xf32, #tpu.memory_space<vmem_shared>>) offsets(%shift_right_logical3A_471 : vector<16xi32>) semaphore(%arg35 : memref<!tpu.dma_semaphore, #tpu.memory_space<semaphore_mem>>) {add = true}
      %dma_start3A_569 = arith.constant 0 : i32
      %dma_start3A_570 = tpu.memref_slice %arg29[%dma_start3A_569] : memref<10000xf32, #tpu.memory_space<vmem_shared>> -> memref<10000xf32, #tpu.memory_space<vmem_shared>>
      tpu.enqueue_indirect_dma source(%arg23 : memref<16xf32, #tpu.memory_space<vmem>>) target(%dma_start3A_570 : memref<10000xf32, #tpu.memory_space<vmem_shared>>) offsets(%shift_right_logical3A_471 : vector<16xi32>) semaphore(%arg35 : memref<!tpu.dma_semaphore, #tpu.memory_space<semaphore_mem>>) {add = true}
      %mul3A_571 = arith.constant 4 : i32
      %mul3A_572 = arith.muli %mul3A_571, %scan3A_351 : i32
      %add3A_573 = arith.constant 2 : i32
      %add3A_574 = arith.addi %mul3A_572, %add3A_573 : i32
      %mul3A_575 = arith.constant 16 : i32
      %mul3A_576 = arith.muli %mul3A_575, %add3A_574 : i32
      %get3A_577 = arith.index_cast %mul3A_576 : i32 to index
      %get3A_578 = tpu.vector_load %arg9[%get3A_577] {strides = array<i32>} : memref<10000xi32, #tpu.memory_space<vmem>>, vector<16xi32>,
      %shift_right_logical3A_579 = arith.constant 16 : i32
      %shift_right_logical3A_580 = vector.broadcast %shift_right_logical3A_579 : i32 to vector<16xi32>
      %shift_right_logical3A_581 = arith.shrui %get3A_578, %shift_right_logical3A_580 : vector<16xi32>
      %and3A_582 = arith.constant 65535 : i32
      %and3A_583 = vector.broadcast %and3A_582 : i32 to vector<16xi32>
      %and3A_584 = arith.andi %get3A_578, %and3A_583 : vector<16xi32>
      %dma_wait3A_585 = arith.constant 0 : i32
      %dma_wait3A_586 = arith.constant 0 : i32
      %dma_wait3A_587 = tpu.memref_slice %arg2[%dma_wait3A_585, %dma_wait3A_586] : memref<10000x128xf32, #tpu.memory_space<hbm>> -> memref<10000x128xf32, #tpu.memory_space<hbm>>
      tpu.wait_indirect_dma semaphore(%arg32 : memref<!tpu.dma_semaphore, #tpu.memory_space<semaphore_mem>>) src(%dma_wait3A_587 : memref<10000x128xf32, #tpu.memory_space<hbm>>) dst(%arg12 : memref<16x128xf32, #tpu.memory_space<vmem>>)
      %dma_wait3A_588 = arith.constant 0 : i32
      %dma_wait3A_589 = arith.constant 0 : i32
      %dma_wait3A_590 = tpu.memref_slice %arg3[%dma_wait3A_588, %dma_wait3A_589] : memref<10000x256xf32, #tpu.memory_space<hbm>> -> memref<10000x256xf32, #tpu.memory_space<hbm>>
      tpu.wait_indirect_dma semaphore(%arg32 : memref<!tpu.dma_semaphore, #tpu.memory_space<semaphore_mem>>) src(%dma_wait3A_590 : memref<10000x256xf32, #tpu.memory_space<hbm>>) dst(%arg16 : memref<16x256xf32, #tpu.memory_space<vmem>>)
      %ge3A_591 = arith.constant 1 : i32
      %ge3A_592 = arith.cmpi sge, %scan3A_351, %ge3A_591 : i32
      %convert_element_type3A_593 = arith.extui %ge3A_592 : i1 to i32
      %cond3A_594 = arith.constant 0 : i32
      %cond3A_595 = arith.cmpi ne, %convert_element_type3A_593, %cond3A_594 : i32
      scf.if %cond3A_595 {
        %dma_wait3A_792 = arith.constant 0 : i32
        %dma_wait3A_793 = arith.constant 0 : i32
        %dma_wait3A_794 = tpu.memref_slice %arg28[%dma_wait3A_792, %dma_wait3A_793] : memref<10000x128xf32, #tpu.memory_space<vmem_shared>> -> memref<10000x128xf32, #tpu.memory_space<vmem_shared>>
        tpu.wait_indirect_dma semaphore(%arg36 : memref<!tpu.dma_semaphore, #tpu.memory_space<semaphore_mem>>) src(%arg20 : memref<16x128xf32, #tpu.memory_space<vmem>>) dst(%dma_wait3A_794 : memref<10000x128xf32, #tpu.memory_space<vmem_shared>>)
        %dma_wait3A_795 = arith.constant 0 : i32
        %dma_wait3A_796 = tpu.memref_slice %arg29[%dma_wait3A_795] : memref<10000xf32, #tpu.memory_space<vmem_shared>> -> memref<10000xf32, #tpu.memory_space<vmem_shared>>
        tpu.wait_indirect_dma semaphore(%arg36 : memref<!tpu.dma_semaphore, #tpu.memory_space<semaphore_mem>>) src(%arg24 : memref<16xf32, #tpu.memory_space<vmem>>) dst(%dma_wait3A_796 : memref<10000xf32, #tpu.memory_space<vmem_shared>>)
      } else {
      }
      %parallel_loop3A_596 = arith.constant 0 : i32
      %parallel_loop3A_597 = arith.constant 16 : i32
      %parallel_loop3A_598 = arith.constant 1 : i32
      scf.for %parallel_loop3A_792 = %parallel_loop3A_596 to %parallel_loop3A_597 step %parallel_loop3A_598  : i32 {
        %parallel_loop3A_793 = arith.index_cast %parallel_loop3A_792 : i32 to index
        %parallel_loop3A_794 = arith.constant 0 : index
        %parallel_loop3A_795 = tpu.vector_load %arg12[%parallel_loop3A_793, %parallel_loop3A_794] {strides = array<i32>} : memref<16x128xf32, #tpu.memory_space<vmem>>, vector<16xf32>,
        %parallel_loop3A_796 = arith.index_cast %parallel_loop3A_792 : i32 to index
        %parallel_loop3A_797 = arith.constant 0 : index
        %parallel_loop3A_798 = tpu.vector_load %arg16[%parallel_loop3A_796, %parallel_loop3A_797] {strides = array<i32>} : memref<16x256xf32, #tpu.memory_space<vmem>>, vector<16xf32>,
        %parallel_loop3A_799 = arith.mulf %parallel_loop3A_795, %parallel_loop3A_798 : vector<16xf32>
        %parallel_loop3A_800 = arith.index_cast %parallel_loop3A_792 : i32 to index
        %parallel_loop3A_801 = arith.constant 16 : index
        %parallel_loop3A_802 = tpu.vector_load %arg12[%parallel_loop3A_800, %parallel_loop3A_801] {strides = array<i32>} : memref<16x128xf32, #tpu.memory_space<vmem>>, vector<16xf32>,
        %parallel_loop3A_803 = arith.index_cast %parallel_loop3A_792 : i32 to index
        %parallel_loop3A_804 = arith.constant 16 : index
        %parallel_loop3A_805 = tpu.vector_load %arg16[%parallel_loop3A_803, %parallel_loop3A_804] {strides = array<i32>} : memref<16x256xf32, #tpu.memory_space<vmem>>, vector<16xf32>,
        %parallel_loop3A_806 = arith.mulf %parallel_loop3A_802, %parallel_loop3A_805 : vector<16xf32>
        %parallel_loop3A_807 = arith.addf %parallel_loop3A_799, %parallel_loop3A_806 : vector<16xf32>
        %parallel_loop3A_808 = arith.index_cast %parallel_loop3A_792 : i32 to index
        %parallel_loop3A_809 = arith.constant 32 : index
        %parallel_loop3A_810 = tpu.vector_load %arg12[%parallel_loop3A_808, %parallel_loop3A_809] {strides = array<i32>} : memref<16x128xf32, #tpu.memory_space<vmem>>, vector<16xf32>,
        %parallel_loop3A_811 = arith.index_cast %parallel_loop3A_792 : i32 to index
        %parallel_loop3A_812 = arith.constant 32 : index
        %parallel_loop3A_813 = tpu.vector_load %arg16[%parallel_loop3A_811, %parallel_loop3A_812] {strides = array<i32>} : memref<16x256xf32, #tpu.memory_space<vmem>>, vector<16xf32>,
        %parallel_loop3A_814 = arith.mulf %parallel_loop3A_810, %parallel_loop3A_813 : vector<16xf32>
        %parallel_loop3A_815 = arith.addf %parallel_loop3A_807, %parallel_loop3A_814 : vector<16xf32>
        %parallel_loop3A_816 = arith.index_cast %parallel_loop3A_792 : i32 to index
        %parallel_loop3A_817 = arith.constant 48 : index
        %parallel_loop3A_818 = tpu.vector_load %arg12[%parallel_loop3A_816, %parallel_loop3A_817] {strides = array<i32>} : memref<16x128xf32, #tpu.memory_space<vmem>>, vector<16xf32>,
        %parallel_loop3A_819 = arith.index_cast %parallel_loop3A_792 : i32 to index
        %parallel_loop3A_820 = arith.constant 48 : index
        %parallel_loop3A_821 = tpu.vector_load %arg16[%parallel_loop3A_819, %parallel_loop3A_820] {strides = array<i32>} : memref<16x256xf32, #tpu.memory_space<vmem>>, vector<16xf32>,
        %parallel_loop3A_822 = arith.mulf %parallel_loop3A_818, %parallel_loop3A_821 : vector<16xf32>
        %parallel_loop3A_823 = arith.addf %parallel_loop3A_815, %parallel_loop3A_822 : vector<16xf32>
        %parallel_loop3A_824 = arith.index_cast %parallel_loop3A_792 : i32 to index
        %parallel_loop3A_825 = arith.constant 64 : index
        %parallel_loop3A_826 = tpu.vector_load %arg12[%parallel_loop3A_824, %parallel_loop3A_825] {strides = array<i32>} : memref<16x128xf32, #tpu.memory_space<vmem>>, vector<16xf32>,
        %parallel_loop3A_827 = arith.index_cast %parallel_loop3A_792 : i32 to index
        %parallel_loop3A_828 = arith.constant 64 : index
        %parallel_loop3A_829 = tpu.vector_load %arg16[%parallel_loop3A_827, %parallel_loop3A_828] {strides = array<i32>} : memref<16x256xf32, #tpu.memory_space<vmem>>, vector<16xf32>,
        %parallel_loop3A_830 = arith.mulf %parallel_loop3A_826, %parallel_loop3A_829 : vector<16xf32>
        %parallel_loop3A_831 = arith.addf %parallel_loop3A_823, %parallel_loop3A_830 : vector<16xf32>
        %parallel_loop3A_832 = arith.index_cast %parallel_loop3A_792 : i32 to index
        %parallel_loop3A_833 = arith.constant 80 : index
        %parallel_loop3A_834 = tpu.vector_load %arg12[%parallel_loop3A_832, %parallel_loop3A_833] {strides = array<i32>} : memref<16x128xf32, #tpu.memory_space<vmem>>, vector<16xf32>,
        %parallel_loop3A_835 = arith.index_cast %parallel_loop3A_792 : i32 to index
        %parallel_loop3A_836 = arith.constant 80 : index
        %parallel_loop3A_837 = tpu.vector_load %arg16[%parallel_loop3A_835, %parallel_loop3A_836] {strides = array<i32>} : memref<16x256xf32, #tpu.memory_space<vmem>>, vector<16xf32>,
        %parallel_loop3A_838 = arith.mulf %parallel_loop3A_834, %parallel_loop3A_837 : vector<16xf32>
        %parallel_loop3A_839 = arith.addf %parallel_loop3A_831, %parallel_loop3A_838 : vector<16xf32>
        %parallel_loop3A_840 = arith.index_cast %parallel_loop3A_792 : i32 to index
        %parallel_loop3A_841 = arith.constant 96 : index
        %parallel_loop3A_842 = tpu.vector_load %arg12[%parallel_loop3A_840, %parallel_loop3A_841] {strides = array<i32>} : memref<16x128xf32, #tpu.memory_space<vmem>>, vector<16xf32>,
        %parallel_loop3A_843 = arith.index_cast %parallel_loop3A_792 : i32 to index
        %parallel_loop3A_844 = arith.constant 96 : index
        %parallel_loop3A_845 = tpu.vector_load %arg16[%parallel_loop3A_843, %parallel_loop3A_844] {strides = array<i32>} : memref<16x256xf32, #tpu.memory_space<vmem>>, vector<16xf32>,
        %parallel_loop3A_846 = arith.mulf %parallel_loop3A_842, %parallel_loop3A_845 : vector<16xf32>
        %parallel_loop3A_847 = arith.addf %parallel_loop3A_839, %parallel_loop3A_846 : vector<16xf32>
        %parallel_loop3A_848 = arith.index_cast %parallel_loop3A_792 : i32 to index
        %parallel_loop3A_849 = arith.constant 112 : index
        %parallel_loop3A_850 = tpu.vector_load %arg12[%parallel_loop3A_848, %parallel_loop3A_849] {strides = array<i32>} : memref<16x128xf32, #tpu.memory_space<vmem>>, vector<16xf32>,
        %parallel_loop3A_851 = arith.index_cast %parallel_loop3A_792 : i32 to index
        %parallel_loop3A_852 = arith.constant 112 : index
        %parallel_loop3A_853 = tpu.vector_load %arg16[%parallel_loop3A_851, %parallel_loop3A_852] {strides = array<i32>} : memref<16x256xf32, #tpu.memory_space<vmem>>, vector<16xf32>,
        %parallel_loop3A_854 = arith.mulf %parallel_loop3A_850, %parallel_loop3A_853 : vector<16xf32>
        %parallel_loop3A_855 = arith.addf %parallel_loop3A_847, %parallel_loop3A_854 : vector<16xf32>
        %parallel_loop3A_856 = arith.index_cast %parallel_loop3A_792 : i32 to index
        %parallel_loop3A_857 = arith.constant 0 : index
        %parallel_loop3A_858 = tpu.vector_load %arg26[%parallel_loop3A_856, %parallel_loop3A_857] {strides = array<i32>} : memref<16x16xf32, #tpu.memory_space<vmem>>, vector<16xf32>,
        tpu.vector_store %arg26[%parallel_loop3A_856, %parallel_loop3A_857], %parallel_loop3A_855 {strides = array<i32>} : memref<16x16xf32, #tpu.memory_space<vmem>>, vector<16xf32>,
      } {sc.loop_unroll_factor = 4 : i64, sc.parallel_access}
      %iota3A_599 = tpu.iota {dimensions = array<i32: 0>} : vector<16xi32>
      %broadcast_in_dim3A_600 = arith.constant 0 : i32
      %broadcast_in_dim3A_601 = vector.broadcast %broadcast_in_dim3A_600 : i32 to vector<16xi32>
      %gather3A_602 = tpu.vector_load_idx %arg26[%iota3A_599, %broadcast_in_dim3A_601] : memref<16x16xf32, #tpu.memory_space<vmem>>[vector<16xi32>, vector<16xi32>], vector<16xf32>,
      %broadcast_in_dim3A_603 = arith.constant 1 : i32
      %broadcast_in_dim3A_604 = vector.broadcast %broadcast_in_dim3A_603 : i32 to vector<16xi32>
      %gather3A_605 = tpu.vector_load_idx %arg26[%iota3A_599, %broadcast_in_dim3A_604] : memref<16x16xf32, #tpu.memory_space<vmem>>[vector<16xi32>, vector<16xi32>], vector<16xf32>,
      %add3A_606 = arith.addf %gather3A_602, %gather3A_605 : vector<16xf32>
      %broadcast_in_dim3A_607 = arith.constant 2 : i32
      %broadcast_in_dim3A_608 = vector.broadcast %broadcast_in_dim3A_607 : i32 to vector<16xi32>
      %gather3A_609 = tpu.vector_load_idx %arg26[%iota3A_599, %broadcast_in_dim3A_608] : memref<16x16xf32, #tpu.memory_space<vmem>>[vector<16xi32>, vector<16xi32>], vector<16xf32>,
      %add3A_610 = arith.addf %add3A_606, %gather3A_609 : vector<16xf32>
      %broadcast_in_dim3A_611 = arith.constant 3 : i32
      %broadcast_in_dim3A_612 = vector.broadcast %broadcast_in_dim3A_611 : i32 to vector<16xi32>
      %gather3A_613 = tpu.vector_load_idx %arg26[%iota3A_599, %broadcast_in_dim3A_612] : memref<16x16xf32, #tpu.memory_space<vmem>>[vector<16xi32>, vector<16xi32>], vector<16xf32>,
      %add3A_614 = arith.addf %add3A_610, %gather3A_613 : vector<16xf32>
      %broadcast_in_dim3A_615 = arith.constant 4 : i32
      %broadcast_in_dim3A_616 = vector.broadcast %broadcast_in_dim3A_615 : i32 to vector<16xi32>
      %gather3A_617 = tpu.vector_load_idx %arg26[%iota3A_599, %broadcast_in_dim3A_616] : memref<16x16xf32, #tpu.memory_space<vmem>>[vector<16xi32>, vector<16xi32>], vector<16xf32>,
      %add3A_618 = arith.addf %add3A_614, %gather3A_617 : vector<16xf32>
      %broadcast_in_dim3A_619 = arith.constant 5 : i32
      %broadcast_in_dim3A_620 = vector.broadcast %broadcast_in_dim3A_619 : i32 to vector<16xi32>
      %gather3A_621 = tpu.vector_load_idx %arg26[%iota3A_599, %broadcast_in_dim3A_620] : memref<16x16xf32, #tpu.memory_space<vmem>>[vector<16xi32>, vector<16xi32>], vector<16xf32>,
      %add3A_622 = arith.addf %add3A_618, %gather3A_621 : vector<16xf32>
      %broadcast_in_dim3A_623 = arith.constant 6 : i32
      %broadcast_in_dim3A_624 = vector.broadcast %broadcast_in_dim3A_623 : i32 to vector<16xi32>
      %gather3A_625 = tpu.vector_load_idx %arg26[%iota3A_599, %broadcast_in_dim3A_624] : memref<16x16xf32, #tpu.memory_space<vmem>>[vector<16xi32>, vector<16xi32>], vector<16xf32>,
      %add3A_626 = arith.addf %add3A_622, %gather3A_625 : vector<16xf32>
      %broadcast_in_dim3A_627 = arith.constant 7 : i32
      %broadcast_in_dim3A_628 = vector.broadcast %broadcast_in_dim3A_627 : i32 to vector<16xi32>
      %gather3A_629 = tpu.vector_load_idx %arg26[%iota3A_599, %broadcast_in_dim3A_628] : memref<16x16xf32, #tpu.memory_space<vmem>>[vector<16xi32>, vector<16xi32>], vector<16xf32>,
      %add3A_630 = arith.addf %add3A_626, %gather3A_629 : vector<16xf32>
      %broadcast_in_dim3A_631 = arith.constant 8 : i32
      %broadcast_in_dim3A_632 = vector.broadcast %broadcast_in_dim3A_631 : i32 to vector<16xi32>
      %gather3A_633 = tpu.vector_load_idx %arg26[%iota3A_599, %broadcast_in_dim3A_632] : memref<16x16xf32, #tpu.memory_space<vmem>>[vector<16xi32>, vector<16xi32>], vector<16xf32>,
      %add3A_634 = arith.addf %add3A_630, %gather3A_633 : vector<16xf32>
      %broadcast_in_dim3A_635 = arith.constant 9 : i32
      %broadcast_in_dim3A_636 = vector.broadcast %broadcast_in_dim3A_635 : i32 to vector<16xi32>
      %gather3A_637 = tpu.vector_load_idx %arg26[%iota3A_599, %broadcast_in_dim3A_636] : memref<16x16xf32, #tpu.memory_space<vmem>>[vector<16xi32>, vector<16xi32>], vector<16xf32>,
      %add3A_638 = arith.addf %add3A_634, %gather3A_637 : vector<16xf32>
      %broadcast_in_dim3A_639 = arith.constant 10 : i32
      %broadcast_in_dim3A_640 = vector.broadcast %broadcast_in_dim3A_639 : i32 to vector<16xi32>
      %gather3A_641 = tpu.vector_load_idx %arg26[%iota3A_599, %broadcast_in_dim3A_640] : memref<16x16xf32, #tpu.memory_space<vmem>>[vector<16xi32>, vector<16xi32>], vector<16xf32>,
      %add3A_642 = arith.addf %add3A_638, %gather3A_641 : vector<16xf32>
      %broadcast_in_dim3A_643 = arith.constant 11 : i32
      %broadcast_in_dim3A_644 = vector.broadcast %broadcast_in_dim3A_643 : i32 to vector<16xi32>
      %gather3A_645 = tpu.vector_load_idx %arg26[%iota3A_599, %broadcast_in_dim3A_644] : memref<16x16xf32, #tpu.memory_space<vmem>>[vector<16xi32>, vector<16xi32>], vector<16xf32>,
      %add3A_646 = arith.addf %add3A_642, %gather3A_645 : vector<16xf32>
      %broadcast_in_dim3A_647 = arith.constant 12 : i32
      %broadcast_in_dim3A_648 = vector.broadcast %broadcast_in_dim3A_647 : i32 to vector<16xi32>
      %gather3A_649 = tpu.vector_load_idx %arg26[%iota3A_599, %broadcast_in_dim3A_648] : memref<16x16xf32, #tpu.memory_space<vmem>>[vector<16xi32>, vector<16xi32>], vector<16xf32>,
      %add3A_650 = arith.addf %add3A_646, %gather3A_649 : vector<16xf32>
      %broadcast_in_dim3A_651 = arith.constant 13 : i32
      %broadcast_in_dim3A_652 = vector.broadcast %broadcast_in_dim3A_651 : i32 to vector<16xi32>
      %gather3A_653 = tpu.vector_load_idx %arg26[%iota3A_599, %broadcast_in_dim3A_652] : memref<16x16xf32, #tpu.memory_space<vmem>>[vector<16xi32>, vector<16xi32>], vector<16xf32>,
      %add3A_654 = arith.addf %add3A_650, %gather3A_653 : vector<16xf32>
      %broadcast_in_dim3A_655 = arith.constant 14 : i32
      %broadcast_in_dim3A_656 = vector.broadcast %broadcast_in_dim3A_655 : i32 to vector<16xi32>
      %gather3A_657 = tpu.vector_load_idx %arg26[%iota3A_599, %broadcast_in_dim3A_656] : memref<16x16xf32, #tpu.memory_space<vmem>>[vector<16xi32>, vector<16xi32>], vector<16xf32>,
      %add3A_658 = arith.addf %add3A_654, %gather3A_657 : vector<16xf32>
      %broadcast_in_dim3A_659 = arith.constant 15 : i32
      %broadcast_in_dim3A_660 = vector.broadcast %broadcast_in_dim3A_659 : i32 to vector<16xi32>
      %gather3A_661 = tpu.vector_load_idx %arg26[%iota3A_599, %broadcast_in_dim3A_660] : memref<16x16xf32, #tpu.memory_space<vmem>>[vector<16xi32>, vector<16xi32>], vector<16xf32>,
      %add3A_662 = arith.addf %add3A_658, %gather3A_661 : vector<16xf32>
      %exp3A_663 = math.exp %add3A_662 : vector<16xf32>
      %swap3A_664 = arith.constant 0 : index
      %swap3A_665 = tpu.vector_load %arg24[%swap3A_664] {strides = array<i32>} : memref<16xf32, #tpu.memory_space<vmem>>, vector<16xf32>,
      tpu.vector_store %arg24[%swap3A_664], %exp3A_663 {strides = array<i32>} : memref<16xf32, #tpu.memory_space<vmem>>, vector<16xf32>,
      %parallel_loop3A_666 = arith.constant 0 : i32
      %parallel_loop3A_667 = arith.constant 16 : i32
      %parallel_loop3A_668 = arith.constant 1 : i32
      scf.for %parallel_loop3A_792 = %parallel_loop3A_666 to %parallel_loop3A_667 step %parallel_loop3A_668  : i32 {
        %parallel_loop3A_793 = vector.broadcast %parallel_loop3A_792 : i32 to vector<16xi32>
        %parallel_loop3A_794 = arith.constant 0 : i32
        %parallel_loop3A_795 = vector.broadcast %parallel_loop3A_794 : i32 to vector<16xi32>
        %parallel_loop3A_796 = arith.cmpi slt, %parallel_loop3A_793, %parallel_loop3A_795 : vector<16xi32>
        %parallel_loop3A_797 = arith.constant 16 : i32
        %parallel_loop3A_798 = vector.broadcast %parallel_loop3A_797 : i32 to vector<16xi32>
        %parallel_loop3A_799 = arith.addi %parallel_loop3A_793, %parallel_loop3A_798 : vector<16xi32>
        %parallel_loop3A_800 = arith.select %parallel_loop3A_796, %parallel_loop3A_799, %parallel_loop3A_793 : vector<16xi1>, vector<16xi32>
        %parallel_loop3A_801 = vector.shape_cast %parallel_loop3A_800 : vector<16xi32> to vector<16x1xi32>
        %parallel_loop3A_802 = vector.shape_cast %parallel_loop3A_801 : vector<16x1xi32> to vector<16xi32>
        %parallel_loop3A_803 = tpu.dynamic_gather %exp3A_663[%parallel_loop3A_802] in [0] : vector<16xf32>, vector<16xi32> -> vector<16xf32>
        %parallel_loop3A_804 = arith.index_cast %parallel_loop3A_792 : i32 to index
        %parallel_loop3A_805 = arith.constant 128 : index
        %parallel_loop3A_806 = tpu.vector_load %arg16[%parallel_loop3A_804, %parallel_loop3A_805] {strides = array<i32>} : memref<16x256xf32, #tpu.memory_space<vmem>>, vector<16xf32>,
        %parallel_loop3A_807 = arith.mulf %parallel_loop3A_806, %parallel_loop3A_803 : vector<16xf32>
        %parallel_loop3A_808 = arith.index_cast %parallel_loop3A_792 : i32 to index
        %parallel_loop3A_809 = arith.constant 0 : index
        %parallel_loop3A_810 = tpu.vector_load %arg20[%parallel_loop3A_808, %parallel_loop3A_809] {strides = array<i32>} : memref<16x128xf32, #tpu.memory_space<vmem>>, vector<16xf32>,
        tpu.vector_store %arg20[%parallel_loop3A_808, %parallel_loop3A_809], %parallel_loop3A_807 {strides = array<i32>} : memref<16x128xf32, #tpu.memory_space<vmem>>, vector<16xf32>,
        %parallel_loop3A_811 = arith.index_cast %parallel_loop3A_792 : i32 to index
        %parallel_loop3A_812 = arith.constant 144 : index
        %parallel_loop3A_813 = tpu.vector_load %arg16[%parallel_loop3A_811, %parallel_loop3A_812] {strides = array<i32>} : memref<16x256xf32, #tpu.memory_space<vmem>>, vector<16xf32>,
        %parallel_loop3A_814 = arith.mulf %parallel_loop3A_813, %parallel_loop3A_803 : vector<16xf32>
        %parallel_loop3A_815 = arith.index_cast %parallel_loop3A_792 : i32 to index
        %parallel_loop3A_816 = arith.constant 16 : index
        %parallel_loop3A_817 = tpu.vector_load %arg20[%parallel_loop3A_815, %parallel_loop3A_816] {strides = array<i32>} : memref<16x128xf32, #tpu.memory_space<vmem>>, vector<16xf32>,
        tpu.vector_store %arg20[%parallel_loop3A_815, %parallel_loop3A_816], %parallel_loop3A_814 {strides = array<i32>} : memref<16x128xf32, #tpu.memory_space<vmem>>, vector<16xf32>,
        %parallel_loop3A_818 = arith.index_cast %parallel_loop3A_792 : i32 to index
        %parallel_loop3A_819 = arith.constant 160 : index
        %parallel_loop3A_820 = tpu.vector_load %arg16[%parallel_loop3A_818, %parallel_loop3A_819] {strides = array<i32>} : memref<16x256xf32, #tpu.memory_space<vmem>>, vector<16xf32>,
        %parallel_loop3A_821 = arith.mulf %parallel_loop3A_820, %parallel_loop3A_803 : vector<16xf32>
        %parallel_loop3A_822 = arith.index_cast %parallel_loop3A_792 : i32 to index
        %parallel_loop3A_823 = arith.constant 32 : index
        %parallel_loop3A_824 = tpu.vector_load %arg20[%parallel_loop3A_822, %parallel_loop3A_823] {strides = array<i32>} : memref<16x128xf32, #tpu.memory_space<vmem>>, vector<16xf32>,
        tpu.vector_store %arg20[%parallel_loop3A_822, %parallel_loop3A_823], %parallel_loop3A_821 {strides = array<i32>} : memref<16x128xf32, #tpu.memory_space<vmem>>, vector<16xf32>,
        %parallel_loop3A_825 = arith.index_cast %parallel_loop3A_792 : i32 to index
        %parallel_loop3A_826 = arith.constant 176 : index
        %parallel_loop3A_827 = tpu.vector_load %arg16[%parallel_loop3A_825, %parallel_loop3A_826] {strides = array<i32>} : memref<16x256xf32, #tpu.memory_space<vmem>>, vector<16xf32>,
        %parallel_loop3A_828 = arith.mulf %parallel_loop3A_827, %parallel_loop3A_803 : vector<16xf32>
        %parallel_loop3A_829 = arith.index_cast %parallel_loop3A_792 : i32 to index
        %parallel_loop3A_830 = arith.constant 48 : index
        %parallel_loop3A_831 = tpu.vector_load %arg20[%parallel_loop3A_829, %parallel_loop3A_830] {strides = array<i32>} : memref<16x128xf32, #tpu.memory_space<vmem>>, vector<16xf32>,
        tpu.vector_store %arg20[%parallel_loop3A_829, %parallel_loop3A_830], %parallel_loop3A_828 {strides = array<i32>} : memref<16x128xf32, #tpu.memory_space<vmem>>, vector<16xf32>,
        %parallel_loop3A_832 = arith.index_cast %parallel_loop3A_792 : i32 to index
        %parallel_loop3A_833 = arith.constant 192 : index
        %parallel_loop3A_834 = tpu.vector_load %arg16[%parallel_loop3A_832, %parallel_loop3A_833] {strides = array<i32>} : memref<16x256xf32, #tpu.memory_space<vmem>>, vector<16xf32>,
        %parallel_loop3A_835 = arith.mulf %parallel_loop3A_834, %parallel_loop3A_803 : vector<16xf32>
        %parallel_loop3A_836 = arith.index_cast %parallel_loop3A_792 : i32 to index
        %parallel_loop3A_837 = arith.constant 64 : index
        %parallel_loop3A_838 = tpu.vector_load %arg20[%parallel_loop3A_836, %parallel_loop3A_837] {strides = array<i32>} : memref<16x128xf32, #tpu.memory_space<vmem>>, vector<16xf32>,
        tpu.vector_store %arg20[%parallel_loop3A_836, %parallel_loop3A_837], %parallel_loop3A_835 {strides = array<i32>} : memref<16x128xf32, #tpu.memory_space<vmem>>, vector<16xf32>,
        %parallel_loop3A_839 = arith.index_cast %parallel_loop3A_792 : i32 to index
        %parallel_loop3A_840 = arith.constant 208 : index
        %parallel_loop3A_841 = tpu.vector_load %arg16[%parallel_loop3A_839, %parallel_loop3A_840] {strides = array<i32>} : memref<16x256xf32, #tpu.memory_space<vmem>>, vector<16xf32>,
        %parallel_loop3A_842 = arith.mulf %parallel_loop3A_841, %parallel_loop3A_803 : vector<16xf32>
        %parallel_loop3A_843 = arith.index_cast %parallel_loop3A_792 : i32 to index
        %parallel_loop3A_844 = arith.constant 80 : index
        %parallel_loop3A_845 = tpu.vector_load %arg20[%parallel_loop3A_843, %parallel_loop3A_844] {strides = array<i32>} : memref<16x128xf32, #tpu.memory_space<vmem>>, vector<16xf32>,
        tpu.vector_store %arg20[%parallel_loop3A_843, %parallel_loop3A_844], %parallel_loop3A_842 {strides = array<i32>} : memref<16x128xf32, #tpu.memory_space<vmem>>, vector<16xf32>,
        %parallel_loop3A_846 = arith.index_cast %parallel_loop3A_792 : i32 to index
        %parallel_loop3A_847 = arith.constant 224 : index
        %parallel_loop3A_848 = tpu.vector_load %arg16[%parallel_loop3A_846, %parallel_loop3A_847] {strides = array<i32>} : memref<16x256xf32, #tpu.memory_space<vmem>>, vector<16xf32>,
        %parallel_loop3A_849 = arith.mulf %parallel_loop3A_848, %parallel_loop3A_803 : vector<16xf32>
        %parallel_loop3A_850 = arith.index_cast %parallel_loop3A_792 : i32 to index
        %parallel_loop3A_851 = arith.constant 96 : index
        %parallel_loop3A_852 = tpu.vector_load %arg20[%parallel_loop3A_850, %parallel_loop3A_851] {strides = array<i32>} : memref<16x128xf32, #tpu.memory_space<vmem>>, vector<16xf32>,
        tpu.vector_store %arg20[%parallel_loop3A_850, %parallel_loop3A_851], %parallel_loop3A_849 {strides = array<i32>} : memref<16x128xf32, #tpu.memory_space<vmem>>, vector<16xf32>,
        %parallel_loop3A_853 = arith.index_cast %parallel_loop3A_792 : i32 to index
        %parallel_loop3A_854 = arith.constant 240 : index
        %parallel_loop3A_855 = tpu.vector_load %arg16[%parallel_loop3A_853, %parallel_loop3A_854] {strides = array<i32>} : memref<16x256xf32, #tpu.memory_space<vmem>>, vector<16xf32>,
        %parallel_loop3A_856 = arith.mulf %parallel_loop3A_855, %parallel_loop3A_803 : vector<16xf32>
        %parallel_loop3A_857 = arith.index_cast %parallel_loop3A_792 : i32 to index
        %parallel_loop3A_858 = arith.constant 112 : index
        %parallel_loop3A_859 = tpu.vector_load %arg20[%parallel_loop3A_857, %parallel_loop3A_858] {strides = array<i32>} : memref<16x128xf32, #tpu.memory_space<vmem>>, vector<16xf32>,
        tpu.vector_store %arg20[%parallel_loop3A_857, %parallel_loop3A_858], %parallel_loop3A_856 {strides = array<i32>} : memref<16x128xf32, #tpu.memory_space<vmem>>, vector<16xf32>,
      } {sc.loop_unroll_factor = 4 : i64, sc.parallel_access}
      %add3A_669 = arith.constant 4 : i32
      %add3A_670 = arith.addi %add3A_574, %add3A_669 : i32
      %lt3A_671 = arith.constant 625 : i32
      %lt3A_672 = arith.cmpi slt, %add3A_670, %lt3A_671 : i32
      %convert_element_type3A_673 = arith.extui %lt3A_672 : i1 to i32
      %cond3A_674 = arith.constant 0 : i32
      %cond3A_675 = arith.cmpi ne, %convert_element_type3A_673, %cond3A_674 : i32
      scf.if %cond3A_675 {
        %add3A_792 = arith.constant 4 : i32
        %add3A_793 = arith.addi %add3A_574, %add3A_792 : i32
        %mul3A_794 = arith.constant 16 : i32
        %mul3A_795 = arith.muli %mul3A_794, %add3A_793 : i32
        %get3A_796 = arith.index_cast %mul3A_795 : i32 to index
        %get3A_797 = tpu.vector_load %arg9[%get3A_796] {strides = array<i32>} : memref<10000xi32, #tpu.memory_space<vmem>>, vector<16xi32>,
        %shift_right_logical3A_798 = arith.constant 16 : i32
        %shift_right_logical3A_799 = vector.broadcast %shift_right_logical3A_798 : i32 to vector<16xi32>
        %shift_right_logical3A_800 = arith.shrui %get3A_797, %shift_right_logical3A_799 : vector<16xi32>
        %and3A_801 = arith.constant 65535 : i32
        %and3A_802 = vector.broadcast %and3A_801 : i32 to vector<16xi32>
        %and3A_803 = arith.andi %get3A_797, %and3A_802 : vector<16xi32>
        %dma_start3A_804 = arith.constant 0 : i32
        %dma_start3A_805 = arith.constant 0 : i32
        %dma_start3A_806 = tpu.memref_slice %arg2[%dma_start3A_804, %dma_start3A_805] : memref<10000x128xf32, #tpu.memory_space<hbm>> -> memref<10000x128xf32, #tpu.memory_space<hbm>>
        tpu.enqueue_indirect_dma source(%dma_start3A_806 : memref<10000x128xf32, #tpu.memory_space<hbm>>) target(%arg12 : memref<16x128xf32, #tpu.memory_space<vmem>>) offsets(%shift_right_logical3A_800 : vector<16xi32>) semaphore(%arg32 : memref<!tpu.dma_semaphore, #tpu.memory_space<semaphore_mem>>)
        %dma_start3A_807 = arith.constant 0 : i32
        %dma_start3A_808 = arith.constant 0 : i32
        %dma_start3A_809 = tpu.memref_slice %arg3[%dma_start3A_807, %dma_start3A_808] : memref<10000x256xf32, #tpu.memory_space<hbm>> -> memref<10000x256xf32, #tpu.memory_space<hbm>>
        tpu.enqueue_indirect_dma source(%dma_start3A_809 : memref<10000x256xf32, #tpu.memory_space<hbm>>) target(%arg16 : memref<16x256xf32, #tpu.memory_space<vmem>>) offsets(%and3A_803 : vector<16xi32>) semaphore(%arg32 : memref<!tpu.dma_semaphore, #tpu.memory_space<semaphore_mem>>)
      } else {
      }
      %dma_start3A_676 = arith.constant 0 : i32
      %dma_start3A_677 = arith.constant 0 : i32
      %dma_start3A_678 = tpu.memref_slice %arg28[%dma_start3A_676, %dma_start3A_677] : memref<10000x128xf32, #tpu.memory_space<vmem_shared>> -> memref<10000x128xf32, #tpu.memory_space<vmem_shared>>
      tpu.enqueue_indirect_dma source(%arg20 : memref<16x128xf32, #tpu.memory_space<vmem>>) target(%dma_start3A_678 : memref<10000x128xf32, #tpu.memory_space<vmem_shared>>) offsets(%shift_right_logical3A_581 : vector<16xi32>) semaphore(%arg36 : memref<!tpu.dma_semaphore, #tpu.memory_space<semaphore_mem>>) {add = true}
      %dma_start3A_679 = arith.constant 0 : i32
      %dma_start3A_680 = tpu.memref_slice %arg29[%dma_start3A_679] : memref<10000xf32, #tpu.memory_space<vmem_shared>> -> memref<10000xf32, #tpu.memory_space<vmem_shared>>
      tpu.enqueue_indirect_dma source(%arg24 : memref<16xf32, #tpu.memory_space<vmem>>) target(%dma_start3A_680 : memref<10000xf32, #tpu.memory_space<vmem_shared>>) offsets(%shift_right_logical3A_581 : vector<16xi32>) semaphore(%arg36 : memref<!tpu.dma_semaphore, #tpu.memory_space<semaphore_mem>>) {add = true}
      %mul3A_681 = arith.constant 4 : i32
      %mul3A_682 = arith.muli %mul3A_681, %scan3A_351 : i32
      %add3A_683 = arith.constant 3 : i32
      %add3A_684 = arith.addi %mul3A_682, %add3A_683 : i32
      %mul3A_685 = arith.constant 16 : i32
      %mul3A_686 = arith.muli %mul3A_685, %add3A_684 : i32
      %get3A_687 = arith.index_cast %mul3A_686 : i32 to index
      %get3A_688 = tpu.vector_load %arg9[%get3A_687] {strides = array<i32>} : memref<10000xi32, #tpu.memory_space<vmem>>, vector<16xi32>,
      %shift_right_logical3A_689 = arith.constant 16 : i32
      %shift_right_logical3A_690 = vector.broadcast %shift_right_logical3A_689 : i32 to vector<16xi32>
      %shift_right_logical3A_691 = arith.shrui %get3A_688, %shift_right_logical3A_690 : vector<16xi32>
      %and3A_692 = arith.constant 65535 : i32
      %and3A_693 = vector.broadcast %and3A_692 : i32 to vector<16xi32>
      %and3A_694 = arith.andi %get3A_688, %and3A_693 : vector<16xi32>
      %dma_wait3A_695 = arith.constant 0 : i32
      %dma_wait3A_696 = arith.constant 0 : i32
      %dma_wait3A_697 = tpu.memref_slice %arg2[%dma_wait3A_695, %dma_wait3A_696] : memref<10000x128xf32, #tpu.memory_space<hbm>> -> memref<10000x128xf32, #tpu.memory_space<hbm>>
      tpu.wait_indirect_dma semaphore(%arg33 : memref<!tpu.dma_semaphore, #tpu.memory_space<semaphore_mem>>) src(%dma_wait3A_697 : memref<10000x128xf32, #tpu.memory_space<hbm>>) dst(%arg13 : memref<16x128xf32, #tpu.memory_space<vmem>>)
      %dma_wait3A_698 = arith.constant 0 : i32
      %dma_wait3A_699 = arith.constant 0 : i32
      %dma_wait3A_700 = tpu.memref_slice %arg3[%dma_wait3A_698, %dma_wait3A_699] : memref<10000x256xf32, #tpu.memory_space<hbm>> -> memref<10000x256xf32, #tpu.memory_space<hbm>>
      tpu.wait_indirect_dma semaphore(%arg33 : memref<!tpu.dma_semaphore, #tpu.memory_space<semaphore_mem>>) src(%dma_wait3A_700 : memref<10000x256xf32, #tpu.memory_space<hbm>>) dst(%arg17 : memref<16x256xf32, #tpu.memory_space<vmem>>)
      %ge3A_701 = arith.constant 1 : i32
      %ge3A_702 = arith.cmpi sge, %scan3A_351, %ge3A_701 : i32
      %convert_element_type3A_703 = arith.extui %ge3A_702 : i1 to i32
      %cond3A_704 = arith.constant 0 : i32
      %cond3A_705 = arith.cmpi ne, %convert_element_type3A_703, %cond3A_704 : i32
      scf.if %cond3A_705 {
        %dma_wait3A_792 = arith.constant 0 : i32
        %dma_wait3A_793 = arith.constant 0 : i32
        %dma_wait3A_794 = tpu.memref_slice %arg28[%dma_wait3A_792, %dma_wait3A_793] : memref<10000x128xf32, #tpu.memory_space<vmem_shared>> -> memref<10000x128xf32, #tpu.memory_space<vmem_shared>>
        tpu.wait_indirect_dma semaphore(%arg37 : memref<!tpu.dma_semaphore, #tpu.memory_space<semaphore_mem>>) src(%arg21 : memref<16x128xf32, #tpu.memory_space<vmem>>) dst(%dma_wait3A_794 : memref<10000x128xf32, #tpu.memory_space<vmem_shared>>)
        %dma_wait3A_795 = arith.constant 0 : i32
        %dma_wait3A_796 = tpu.memref_slice %arg29[%dma_wait3A_795] : memref<10000xf32, #tpu.memory_space<vmem_shared>> -> memref<10000xf32, #tpu.memory_space<vmem_shared>>
        tpu.wait_indirect_dma semaphore(%arg37 : memref<!tpu.dma_semaphore, #tpu.memory_space<semaphore_mem>>) src(%arg25 : memref<16xf32, #tpu.memory_space<vmem>>) dst(%dma_wait3A_796 : memref<10000xf32, #tpu.memory_space<vmem_shared>>)
      } else {
      }
      %parallel_loop3A_706 = arith.constant 0 : i32
      %parallel_loop3A_707 = arith.constant 16 : i32
      %parallel_loop3A_708 = arith.constant 1 : i32
      scf.for %parallel_loop3A_792 = %parallel_loop3A_706 to %parallel_loop3A_707 step %parallel_loop3A_708  : i32 {
        %parallel_loop3A_793 = arith.index_cast %parallel_loop3A_792 : i32 to index
        %parallel_loop3A_794 = arith.constant 0 : index
        %parallel_loop3A_795 = tpu.vector_load %arg13[%parallel_loop3A_793, %parallel_loop3A_794] {strides = array<i32>} : memref<16x128xf32, #tpu.memory_space<vmem>>, vector<16xf32>,
        %parallel_loop3A_796 = arith.index_cast %parallel_loop3A_792 : i32 to index
        %parallel_loop3A_797 = arith.constant 0 : index
        %parallel_loop3A_798 = tpu.vector_load %arg17[%parallel_loop3A_796, %parallel_loop3A_797] {strides = array<i32>} : memref<16x256xf32, #tpu.memory_space<vmem>>, vector<16xf32>,
        %parallel_loop3A_799 = arith.mulf %parallel_loop3A_795, %parallel_loop3A_798 : vector<16xf32>
        %parallel_loop3A_800 = arith.index_cast %parallel_loop3A_792 : i32 to index
        %parallel_loop3A_801 = arith.constant 16 : index
        %parallel_loop3A_802 = tpu.vector_load %arg13[%parallel_loop3A_800, %parallel_loop3A_801] {strides = array<i32>} : memref<16x128xf32, #tpu.memory_space<vmem>>, vector<16xf32>,
        %parallel_loop3A_803 = arith.index_cast %parallel_loop3A_792 : i32 to index
        %parallel_loop3A_804 = arith.constant 16 : index
        %parallel_loop3A_805 = tpu.vector_load %arg17[%parallel_loop3A_803, %parallel_loop3A_804] {strides = array<i32>} : memref<16x256xf32, #tpu.memory_space<vmem>>, vector<16xf32>,
        %parallel_loop3A_806 = arith.mulf %parallel_loop3A_802, %parallel_loop3A_805 : vector<16xf32>
        %parallel_loop3A_807 = arith.addf %parallel_loop3A_799, %parallel_loop3A_806 : vector<16xf32>
        %parallel_loop3A_808 = arith.index_cast %parallel_loop3A_792 : i32 to index
        %parallel_loop3A_809 = arith.constant 32 : index
        %parallel_loop3A_810 = tpu.vector_load %arg13[%parallel_loop3A_808, %parallel_loop3A_809] {strides = array<i32>} : memref<16x128xf32, #tpu.memory_space<vmem>>, vector<16xf32>,
        %parallel_loop3A_811 = arith.index_cast %parallel_loop3A_792 : i32 to index
        %parallel_loop3A_812 = arith.constant 32 : index
        %parallel_loop3A_813 = tpu.vector_load %arg17[%parallel_loop3A_811, %parallel_loop3A_812] {strides = array<i32>} : memref<16x256xf32, #tpu.memory_space<vmem>>, vector<16xf32>,
        %parallel_loop3A_814 = arith.mulf %parallel_loop3A_810, %parallel_loop3A_813 : vector<16xf32>
        %parallel_loop3A_815 = arith.addf %parallel_loop3A_807, %parallel_loop3A_814 : vector<16xf32>
        %parallel_loop3A_816 = arith.index_cast %parallel_loop3A_792 : i32 to index
        %parallel_loop3A_817 = arith.constant 48 : index
        %parallel_loop3A_818 = tpu.vector_load %arg13[%parallel_loop3A_816, %parallel_loop3A_817] {strides = array<i32>} : memref<16x128xf32, #tpu.memory_space<vmem>>, vector<16xf32>,
        %parallel_loop3A_819 = arith.index_cast %parallel_loop3A_792 : i32 to index
        %parallel_loop3A_820 = arith.constant 48 : index
        %parallel_loop3A_821 = tpu.vector_load %arg17[%parallel_loop3A_819, %parallel_loop3A_820] {strides = array<i32>} : memref<16x256xf32, #tpu.memory_space<vmem>>, vector<16xf32>,
        %parallel_loop3A_822 = arith.mulf %parallel_loop3A_818, %parallel_loop3A_821 : vector<16xf32>
        %parallel_loop3A_823 = arith.addf %parallel_loop3A_815, %parallel_loop3A_822 : vector<16xf32>
        %parallel_loop3A_824 = arith.index_cast %parallel_loop3A_792 : i32 to index
        %parallel_loop3A_825 = arith.constant 64 : index
        %parallel_loop3A_826 = tpu.vector_load %arg13[%parallel_loop3A_824, %parallel_loop3A_825] {strides = array<i32>} : memref<16x128xf32, #tpu.memory_space<vmem>>, vector<16xf32>,
        %parallel_loop3A_827 = arith.index_cast %parallel_loop3A_792 : i32 to index
        %parallel_loop3A_828 = arith.constant 64 : index
        %parallel_loop3A_829 = tpu.vector_load %arg17[%parallel_loop3A_827, %parallel_loop3A_828] {strides = array<i32>} : memref<16x256xf32, #tpu.memory_space<vmem>>, vector<16xf32>,
        %parallel_loop3A_830 = arith.mulf %parallel_loop3A_826, %parallel_loop3A_829 : vector<16xf32>
        %parallel_loop3A_831 = arith.addf %parallel_loop3A_823, %parallel_loop3A_830 : vector<16xf32>
        %parallel_loop3A_832 = arith.index_cast %parallel_loop3A_792 : i32 to index
        %parallel_loop3A_833 = arith.constant 80 : index
        %parallel_loop3A_834 = tpu.vector_load %arg13[%parallel_loop3A_832, %parallel_loop3A_833] {strides = array<i32>} : memref<16x128xf32, #tpu.memory_space<vmem>>, vector<16xf32>,
        %parallel_loop3A_835 = arith.index_cast %parallel_loop3A_792 : i32 to index
        %parallel_loop3A_836 = arith.constant 80 : index
        %parallel_loop3A_837 = tpu.vector_load %arg17[%parallel_loop3A_835, %parallel_loop3A_836] {strides = array<i32>} : memref<16x256xf32, #tpu.memory_space<vmem>>, vector<16xf32>,
        %parallel_loop3A_838 = arith.mulf %parallel_loop3A_834, %parallel_loop3A_837 : vector<16xf32>
        %parallel_loop3A_839 = arith.addf %parallel_loop3A_831, %parallel_loop3A_838 : vector<16xf32>
        %parallel_loop3A_840 = arith.index_cast %parallel_loop3A_792 : i32 to index
        %parallel_loop3A_841 = arith.constant 96 : index
        %parallel_loop3A_842 = tpu.vector_load %arg13[%parallel_loop3A_840, %parallel_loop3A_841] {strides = array<i32>} : memref<16x128xf32, #tpu.memory_space<vmem>>, vector<16xf32>,
        %parallel_loop3A_843 = arith.index_cast %parallel_loop3A_792 : i32 to index
        %parallel_loop3A_844 = arith.constant 96 : index
        %parallel_loop3A_845 = tpu.vector_load %arg17[%parallel_loop3A_843, %parallel_loop3A_844] {strides = array<i32>} : memref<16x256xf32, #tpu.memory_space<vmem>>, vector<16xf32>,
        %parallel_loop3A_846 = arith.mulf %parallel_loop3A_842, %parallel_loop3A_845 : vector<16xf32>
        %parallel_loop3A_847 = arith.addf %parallel_loop3A_839, %parallel_loop3A_846 : vector<16xf32>
        %parallel_loop3A_848 = arith.index_cast %parallel_loop3A_792 : i32 to index
        %parallel_loop3A_849 = arith.constant 112 : index
        %parallel_loop3A_850 = tpu.vector_load %arg13[%parallel_loop3A_848, %parallel_loop3A_849] {strides = array<i32>} : memref<16x128xf32, #tpu.memory_space<vmem>>, vector<16xf32>,
        %parallel_loop3A_851 = arith.index_cast %parallel_loop3A_792 : i32 to index
        %parallel_loop3A_852 = arith.constant 112 : index
        %parallel_loop3A_853 = tpu.vector_load %arg17[%parallel_loop3A_851, %parallel_loop3A_852] {strides = array<i32>} : memref<16x256xf32, #tpu.memory_space<vmem>>, vector<16xf32>,
        %parallel_loop3A_854 = arith.mulf %parallel_loop3A_850, %parallel_loop3A_853 : vector<16xf32>
        %parallel_loop3A_855 = arith.addf %parallel_loop3A_847, %parallel_loop3A_854 : vector<16xf32>
        %parallel_loop3A_856 = arith.index_cast %parallel_loop3A_792 : i32 to index
        %parallel_loop3A_857 = arith.constant 0 : index
        %parallel_loop3A_858 = tpu.vector_load %arg26[%parallel_loop3A_856, %parallel_loop3A_857] {strides = array<i32>} : memref<16x16xf32, #tpu.memory_space<vmem>>, vector<16xf32>,
        tpu.vector_store %arg26[%parallel_loop3A_856, %parallel_loop3A_857], %parallel_loop3A_855 {strides = array<i32>} : memref<16x16xf32, #tpu.memory_space<vmem>>, vector<16xf32>,
      } {sc.loop_unroll_factor = 4 : i64, sc.parallel_access}
      %iota3A_709 = tpu.iota {dimensions = array<i32: 0>} : vector<16xi32>
      %broadcast_in_dim3A_710 = arith.constant 0 : i32
      %broadcast_in_dim3A_711 = vector.broadcast %broadcast_in_dim3A_710 : i32 to vector<16xi32>
      %gather3A_712 = tpu.vector_load_idx %arg26[%iota3A_709, %broadcast_in_dim3A_711] : memref<16x16xf32, #tpu.memory_space<vmem>>[vector<16xi32>, vector<16xi32>], vector<16xf32>,
      %broadcast_in_dim3A_713 = arith.constant 1 : i32
      %broadcast_in_dim3A_714 = vector.broadcast %broadcast_in_dim3A_713 : i32 to vector<16xi32>
      %gather3A_715 = tpu.vector_load_idx %arg26[%iota3A_709, %broadcast_in_dim3A_714] : memref<16x16xf32, #tpu.memory_space<vmem>>[vector<16xi32>, vector<16xi32>], vector<16xf32>,
      %add3A_716 = arith.addf %gather3A_712, %gather3A_715 : vector<16xf32>
      %broadcast_in_dim3A_717 = arith.constant 2 : i32
      %broadcast_in_dim3A_718 = vector.broadcast %broadcast_in_dim3A_717 : i32 to vector<16xi32>
      %gather3A_719 = tpu.vector_load_idx %arg26[%iota3A_709, %broadcast_in_dim3A_718] : memref<16x16xf32, #tpu.memory_space<vmem>>[vector<16xi32>, vector<16xi32>], vector<16xf32>,
      %add3A_720 = arith.addf %add3A_716, %gather3A_719 : vector<16xf32>
      %broadcast_in_dim3A_721 = arith.constant 3 : i32
      %broadcast_in_dim3A_722 = vector.broadcast %broadcast_in_dim3A_721 : i32 to vector<16xi32>
      %gather3A_723 = tpu.vector_load_idx %arg26[%iota3A_709, %broadcast_in_dim3A_722] : memref<16x16xf32, #tpu.memory_space<vmem>>[vector<16xi32>, vector<16xi32>], vector<16xf32>,
      %add3A_724 = arith.addf %add3A_720, %gather3A_723 : vector<16xf32>
      %broadcast_in_dim3A_725 = arith.constant 4 : i32
      %broadcast_in_dim3A_726 = vector.broadcast %broadcast_in_dim3A_725 : i32 to vector<16xi32>
      %gather3A_727 = tpu.vector_load_idx %arg26[%iota3A_709, %broadcast_in_dim3A_726] : memref<16x16xf32, #tpu.memory_space<vmem>>[vector<16xi32>, vector<16xi32>], vector<16xf32>,
      %add3A_728 = arith.addf %add3A_724, %gather3A_727 : vector<16xf32>
      %broadcast_in_dim3A_729 = arith.constant 5 : i32
      %broadcast_in_dim3A_730 = vector.broadcast %broadcast_in_dim3A_729 : i32 to vector<16xi32>
      %gather3A_731 = tpu.vector_load_idx %arg26[%iota3A_709, %broadcast_in_dim3A_730] : memref<16x16xf32, #tpu.memory_space<vmem>>[vector<16xi32>, vector<16xi32>], vector<16xf32>,
      %add3A_732 = arith.addf %add3A_728, %gather3A_731 : vector<16xf32>
      %broadcast_in_dim3A_733 = arith.constant 6 : i32
      %broadcast_in_dim3A_734 = vector.broadcast %broadcast_in_dim3A_733 : i32 to vector<16xi32>
      %gather3A_735 = tpu.vector_load_idx %arg26[%iota3A_709, %broadcast_in_dim3A_734] : memref<16x16xf32, #tpu.memory_space<vmem>>[vector<16xi32>, vector<16xi32>], vector<16xf32>,
      %add3A_736 = arith.addf %add3A_732, %gather3A_735 : vector<16xf32>
      %broadcast_in_dim3A_737 = arith.constant 7 : i32
      %broadcast_in_dim3A_738 = vector.broadcast %broadcast_in_dim3A_737 : i32 to vector<16xi32>
      %gather3A_739 = tpu.vector_load_idx %arg26[%iota3A_709, %broadcast_in_dim3A_738] : memref<16x16xf32, #tpu.memory_space<vmem>>[vector<16xi32>, vector<16xi32>], vector<16xf32>,
      %add3A_740 = arith.addf %add3A_736, %gather3A_739 : vector<16xf32>
      %broadcast_in_dim3A_741 = arith.constant 8 : i32
      %broadcast_in_dim3A_742 = vector.broadcast %broadcast_in_dim3A_741 : i32 to vector<16xi32>
      %gather3A_743 = tpu.vector_load_idx %arg26[%iota3A_709, %broadcast_in_dim3A_742] : memref<16x16xf32, #tpu.memory_space<vmem>>[vector<16xi32>, vector<16xi32>], vector<16xf32>,
      %add3A_744 = arith.addf %add3A_740, %gather3A_743 : vector<16xf32>
      %broadcast_in_dim3A_745 = arith.constant 9 : i32
      %broadcast_in_dim3A_746 = vector.broadcast %broadcast_in_dim3A_745 : i32 to vector<16xi32>
      %gather3A_747 = tpu.vector_load_idx %arg26[%iota3A_709, %broadcast_in_dim3A_746] : memref<16x16xf32, #tpu.memory_space<vmem>>[vector<16xi32>, vector<16xi32>], vector<16xf32>,
      %add3A_748 = arith.addf %add3A_744, %gather3A_747 : vector<16xf32>
      %broadcast_in_dim3A_749 = arith.constant 10 : i32
      %broadcast_in_dim3A_750 = vector.broadcast %broadcast_in_dim3A_749 : i32 to vector<16xi32>
      %gather3A_751 = tpu.vector_load_idx %arg26[%iota3A_709, %broadcast_in_dim3A_750] : memref<16x16xf32, #tpu.memory_space<vmem>>[vector<16xi32>, vector<16xi32>], vector<16xf32>,
      %add3A_752 = arith.addf %add3A_748, %gather3A_751 : vector<16xf32>
      %broadcast_in_dim3A_753 = arith.constant 11 : i32
      %broadcast_in_dim3A_754 = vector.broadcast %broadcast_in_dim3A_753 : i32 to vector<16xi32>
      %gather3A_755 = tpu.vector_load_idx %arg26[%iota3A_709, %broadcast_in_dim3A_754] : memref<16x16xf32, #tpu.memory_space<vmem>>[vector<16xi32>, vector<16xi32>], vector<16xf32>,
      %add3A_756 = arith.addf %add3A_752, %gather3A_755 : vector<16xf32>
      %broadcast_in_dim3A_757 = arith.constant 12 : i32
      %broadcast_in_dim3A_758 = vector.broadcast %broadcast_in_dim3A_757 : i32 to vector<16xi32>
      %gather3A_759 = tpu.vector_load_idx %arg26[%iota3A_709, %broadcast_in_dim3A_758] : memref<16x16xf32, #tpu.memory_space<vmem>>[vector<16xi32>, vector<16xi32>], vector<16xf32>,
      %add3A_760 = arith.addf %add3A_756, %gather3A_759 : vector<16xf32>
      %broadcast_in_dim3A_761 = arith.constant 13 : i32
      %broadcast_in_dim3A_762 = vector.broadcast %broadcast_in_dim3A_761 : i32 to vector<16xi32>
      %gather3A_763 = tpu.vector_load_idx %arg26[%iota3A_709, %broadcast_in_dim3A_762] : memref<16x16xf32, #tpu.memory_space<vmem>>[vector<16xi32>, vector<16xi32>], vector<16xf32>,
      %add3A_764 = arith.addf %add3A_760, %gather3A_763 : vector<16xf32>
      %broadcast_in_dim3A_765 = arith.constant 14 : i32
      %broadcast_in_dim3A_766 = vector.broadcast %broadcast_in_dim3A_765 : i32 to vector<16xi32>
      %gather3A_767 = tpu.vector_load_idx %arg26[%iota3A_709, %broadcast_in_dim3A_766] : memref<16x16xf32, #tpu.memory_space<vmem>>[vector<16xi32>, vector<16xi32>], vector<16xf32>,
      %add3A_768 = arith.addf %add3A_764, %gather3A_767 : vector<16xf32>
      %broadcast_in_dim3A_769 = arith.constant 15 : i32
      %broadcast_in_dim3A_770 = vector.broadcast %broadcast_in_dim3A_769 : i32 to vector<16xi32>
      %gather3A_771 = tpu.vector_load_idx %arg26[%iota3A_709, %broadcast_in_dim3A_770] : memref<16x16xf32, #tpu.memory_space<vmem>>[vector<16xi32>, vector<16xi32>], vector<16xf32>,
      %add3A_772 = arith.addf %add3A_768, %gather3A_771 : vector<16xf32>
      %exp3A_773 = math.exp %add3A_772 : vector<16xf32>
      %swap3A_774 = arith.constant 0 : index
      %swap3A_775 = tpu.vector_load %arg25[%swap3A_774] {strides = array<i32>} : memref<16xf32, #tpu.memory_space<vmem>>, vector<16xf32>,
      tpu.vector_store %arg25[%swap3A_774], %exp3A_773 {strides = array<i32>} : memref<16xf32, #tpu.memory_space<vmem>>, vector<16xf32>,
      %parallel_loop3A_776 = arith.constant 0 : i32
      %parallel_loop3A_777 = arith.constant 16 : i32
      %parallel_loop3A_778 = arith.constant 1 : i32
      scf.for %parallel_loop3A_792 = %parallel_loop3A_776 to %parallel_loop3A_777 step %parallel_loop3A_778  : i32 {
        %parallel_loop3A_793 = vector.broadcast %parallel_loop3A_792 : i32 to vector<16xi32>
        %parallel_loop3A_794 = arith.constant 0 : i32
        %parallel_loop3A_795 = vector.broadcast %parallel_loop3A_794 : i32 to vector<16xi32>
        %parallel_loop3A_796 = arith.cmpi slt, %parallel_loop3A_793, %parallel_loop3A_795 : vector<16xi32>
        %parallel_loop3A_797 = arith.constant 16 : i32
        %parallel_loop3A_798 = vector.broadcast %parallel_loop3A_797 : i32 to vector<16xi32>
        %parallel_loop3A_799 = arith.addi %parallel_loop3A_793, %parallel_loop3A_798 : vector<16xi32>
        %parallel_loop3A_800 = arith.select %parallel_loop3A_796, %parallel_loop3A_799, %parallel_loop3A_793 : vector<16xi1>, vector<16xi32>
        %parallel_loop3A_801 = vector.shape_cast %parallel_loop3A_800 : vector<16xi32> to vector<16x1xi32>
        %parallel_loop3A_802 = vector.shape_cast %parallel_loop3A_801 : vector<16x1xi32> to vector<16xi32>
        %parallel_loop3A_803 = tpu.dynamic_gather %exp3A_773[%parallel_loop3A_802] in [0] : vector<16xf32>, vector<16xi32> -> vector<16xf32>
        %parallel_loop3A_804 = arith.index_cast %parallel_loop3A_792 : i32 to index
        %parallel_loop3A_805 = arith.constant 128 : index
        %parallel_loop3A_806 = tpu.vector_load %arg17[%parallel_loop3A_804, %parallel_loop3A_805] {strides = array<i32>} : memref<16x256xf32, #tpu.memory_space<vmem>>, vector<16xf32>,
        %parallel_loop3A_807 = arith.mulf %parallel_loop3A_806, %parallel_loop3A_803 : vector<16xf32>
        %parallel_loop3A_808 = arith.index_cast %parallel_loop3A_792 : i32 to index
        %parallel_loop3A_809 = arith.constant 0 : index
        %parallel_loop3A_810 = tpu.vector_load %arg21[%parallel_loop3A_808, %parallel_loop3A_809] {strides = array<i32>} : memref<16x128xf32, #tpu.memory_space<vmem>>, vector<16xf32>,
        tpu.vector_store %arg21[%parallel_loop3A_808, %parallel_loop3A_809], %parallel_loop3A_807 {strides = array<i32>} : memref<16x128xf32, #tpu.memory_space<vmem>>, vector<16xf32>,
        %parallel_loop3A_811 = arith.index_cast %parallel_loop3A_792 : i32 to index
        %parallel_loop3A_812 = arith.constant 144 : index
        %parallel_loop3A_813 = tpu.vector_load %arg17[%parallel_loop3A_811, %parallel_loop3A_812] {strides = array<i32>} : memref<16x256xf32, #tpu.memory_space<vmem>>, vector<16xf32>,
        %parallel_loop3A_814 = arith.mulf %parallel_loop3A_813, %parallel_loop3A_803 : vector<16xf32>
        %parallel_loop3A_815 = arith.index_cast %parallel_loop3A_792 : i32 to index
        %parallel_loop3A_816 = arith.constant 16 : index
        %parallel_loop3A_817 = tpu.vector_load %arg21[%parallel_loop3A_815, %parallel_loop3A_816] {strides = array<i32>} : memref<16x128xf32, #tpu.memory_space<vmem>>, vector<16xf32>,
        tpu.vector_store %arg21[%parallel_loop3A_815, %parallel_loop3A_816], %parallel_loop3A_814 {strides = array<i32>} : memref<16x128xf32, #tpu.memory_space<vmem>>, vector<16xf32>,
        %parallel_loop3A_818 = arith.index_cast %parallel_loop3A_792 : i32 to index
        %parallel_loop3A_819 = arith.constant 160 : index
        %parallel_loop3A_820 = tpu.vector_load %arg17[%parallel_loop3A_818, %parallel_loop3A_819] {strides = array<i32>} : memref<16x256xf32, #tpu.memory_space<vmem>>, vector<16xf32>,
        %parallel_loop3A_821 = arith.mulf %parallel_loop3A_820, %parallel_loop3A_803 : vector<16xf32>
        %parallel_loop3A_822 = arith.index_cast %parallel_loop3A_792 : i32 to index
        %parallel_loop3A_823 = arith.constant 32 : index
        %parallel_loop3A_824 = tpu.vector_load %arg21[%parallel_loop3A_822, %parallel_loop3A_823] {strides = array<i32>} : memref<16x128xf32, #tpu.memory_space<vmem>>, vector<16xf32>,
        tpu.vector_store %arg21[%parallel_loop3A_822, %parallel_loop3A_823], %parallel_loop3A_821 {strides = array<i32>} : memref<16x128xf32, #tpu.memory_space<vmem>>, vector<16xf32>,
        %parallel_loop3A_825 = arith.index_cast %parallel_loop3A_792 : i32 to index
        %parallel_loop3A_826 = arith.constant 176 : index
        %parallel_loop3A_827 = tpu.vector_load %arg17[%parallel_loop3A_825, %parallel_loop3A_826] {strides = array<i32>} : memref<16x256xf32, #tpu.memory_space<vmem>>, vector<16xf32>,
        %parallel_loop3A_828 = arith.mulf %parallel_loop3A_827, %parallel_loop3A_803 : vector<16xf32>
        %parallel_loop3A_829 = arith.index_cast %parallel_loop3A_792 : i32 to index
        %parallel_loop3A_830 = arith.constant 48 : index
        %parallel_loop3A_831 = tpu.vector_load %arg21[%parallel_loop3A_829, %parallel_loop3A_830] {strides = array<i32>} : memref<16x128xf32, #tpu.memory_space<vmem>>, vector<16xf32>,
        tpu.vector_store %arg21[%parallel_loop3A_829, %parallel_loop3A_830], %parallel_loop3A_828 {strides = array<i32>} : memref<16x128xf32, #tpu.memory_space<vmem>>, vector<16xf32>,
        %parallel_loop3A_832 = arith.index_cast %parallel_loop3A_792 : i32 to index
        %parallel_loop3A_833 = arith.constant 192 : index
        %parallel_loop3A_834 = tpu.vector_load %arg17[%parallel_loop3A_832, %parallel_loop3A_833] {strides = array<i32>} : memref<16x256xf32, #tpu.memory_space<vmem>>, vector<16xf32>,
        %parallel_loop3A_835 = arith.mulf %parallel_loop3A_834, %parallel_loop3A_803 : vector<16xf32>
        %parallel_loop3A_836 = arith.index_cast %parallel_loop3A_792 : i32 to index
        %parallel_loop3A_837 = arith.constant 64 : index
        %parallel_loop3A_838 = tpu.vector_load %arg21[%parallel_loop3A_836, %parallel_loop3A_837] {strides = array<i32>} : memref<16x128xf32, #tpu.memory_space<vmem>>, vector<16xf32>,
        tpu.vector_store %arg21[%parallel_loop3A_836, %parallel_loop3A_837], %parallel_loop3A_835 {strides = array<i32>} : memref<16x128xf32, #tpu.memory_space<vmem>>, vector<16xf32>,
        %parallel_loop3A_839 = arith.index_cast %parallel_loop3A_792 : i32 to index
        %parallel_loop3A_840 = arith.constant 208 : index
        %parallel_loop3A_841 = tpu.vector_load %arg17[%parallel_loop3A_839, %parallel_loop3A_840] {strides = array<i32>} : memref<16x256xf32, #tpu.memory_space<vmem>>, vector<16xf32>,
        %parallel_loop3A_842 = arith.mulf %parallel_loop3A_841, %parallel_loop3A_803 : vector<16xf32>
        %parallel_loop3A_843 = arith.index_cast %parallel_loop3A_792 : i32 to index
        %parallel_loop3A_844 = arith.constant 80 : index
        %parallel_loop3A_845 = tpu.vector_load %arg21[%parallel_loop3A_843, %parallel_loop3A_844] {strides = array<i32>} : memref<16x128xf32, #tpu.memory_space<vmem>>, vector<16xf32>,
        tpu.vector_store %arg21[%parallel_loop3A_843, %parallel_loop3A_844], %parallel_loop3A_842 {strides = array<i32>} : memref<16x128xf32, #tpu.memory_space<vmem>>, vector<16xf32>,
        %parallel_loop3A_846 = arith.index_cast %parallel_loop3A_792 : i32 to index
        %parallel_loop3A_847 = arith.constant 224 : index
        %parallel_loop3A_848 = tpu.vector_load %arg17[%parallel_loop3A_846, %parallel_loop3A_847] {strides = array<i32>} : memref<16x256xf32, #tpu.memory_space<vmem>>, vector<16xf32>,
        %parallel_loop3A_849 = arith.mulf %parallel_loop3A_848, %parallel_loop3A_803 : vector<16xf32>
        %parallel_loop3A_850 = arith.index_cast %parallel_loop3A_792 : i32 to index
        %parallel_loop3A_851 = arith.constant 96 : index
        %parallel_loop3A_852 = tpu.vector_load %arg21[%parallel_loop3A_850, %parallel_loop3A_851] {strides = array<i32>} : memref<16x128xf32, #tpu.memory_space<vmem>>, vector<16xf32>,
        tpu.vector_store %arg21[%parallel_loop3A_850, %parallel_loop3A_851], %parallel_loop3A_849 {strides = array<i32>} : memref<16x128xf32, #tpu.memory_space<vmem>>, vector<16xf32>,
        %parallel_loop3A_853 = arith.index_cast %parallel_loop3A_792 : i32 to index
        %parallel_loop3A_854 = arith.constant 240 : index
        %parallel_loop3A_855 = tpu.vector_load %arg17[%parallel_loop3A_853, %parallel_loop3A_854] {strides = array<i32>} : memref<16x256xf32, #tpu.memory_space<vmem>>, vector<16xf32>,
        %parallel_loop3A_856 = arith.mulf %parallel_loop3A_855, %parallel_loop3A_803 : vector<16xf32>
        %parallel_loop3A_857 = arith.index_cast %parallel_loop3A_792 : i32 to index
        %parallel_loop3A_858 = arith.constant 112 : index
        %parallel_loop3A_859 = tpu.vector_load %arg21[%parallel_loop3A_857, %parallel_loop3A_858] {strides = array<i32>} : memref<16x128xf32, #tpu.memory_space<vmem>>, vector<16xf32>,
        tpu.vector_store %arg21[%parallel_loop3A_857, %parallel_loop3A_858], %parallel_loop3A_856 {strides = array<i32>} : memref<16x128xf32, #tpu.memory_space<vmem>>, vector<16xf32>,
      } {sc.loop_unroll_factor = 4 : i64, sc.parallel_access}
      %add3A_779 = arith.constant 4 : i32
      %add3A_780 = arith.addi %add3A_684, %add3A_779 : i32
      %lt3A_781 = arith.constant 625 : i32
      %lt3A_782 = arith.cmpi slt, %add3A_780, %lt3A_781 : i32
      %convert_element_type3A_783 = arith.extui %lt3A_782 : i1 to i32
      %cond3A_784 = arith.constant 0 : i32
      %cond3A_785 = arith.cmpi ne, %convert_element_type3A_783, %cond3A_784 : i32
      scf.if %cond3A_785 {
        %add3A_792 = arith.constant 4 : i32
        %add3A_793 = arith.addi %add3A_684, %add3A_792 : i32
        %mul3A_794 = arith.constant 16 : i32
        %mul3A_795 = arith.muli %mul3A_794, %add3A_793 : i32
        %get3A_796 = arith.index_cast %mul3A_795 : i32 to index
        %get3A_797 = tpu.vector_load %arg9[%get3A_796] {strides = array<i32>} : memref<10000xi32, #tpu.memory_space<vmem>>, vector<16xi32>,
        %shift_right_logical3A_798 = arith.constant 16 : i32
        %shift_right_logical3A_799 = vector.broadcast %shift_right_logical3A_798 : i32 to vector<16xi32>
        %shift_right_logical3A_800 = arith.shrui %get3A_797, %shift_right_logical3A_799 : vector<16xi32>
        %and3A_801 = arith.constant 65535 : i32
        %and3A_802 = vector.broadcast %and3A_801 : i32 to vector<16xi32>
        %and3A_803 = arith.andi %get3A_797, %and3A_802 : vector<16xi32>
        %dma_start3A_804 = arith.constant 0 : i32
        %dma_start3A_805 = arith.constant 0 : i32
        %dma_start3A_806 = tpu.memref_slice %arg2[%dma_start3A_804, %dma_start3A_805] : memref<10000x128xf32, #tpu.memory_space<hbm>> -> memref<10000x128xf32, #tpu.memory_space<hbm>>
        tpu.enqueue_indirect_dma source(%dma_start3A_806 : memref<10000x128xf32, #tpu.memory_space<hbm>>) target(%arg13 : memref<16x128xf32, #tpu.memory_space<vmem>>) offsets(%shift_right_logical3A_800 : vector<16xi32>) semaphore(%arg33 : memref<!tpu.dma_semaphore, #tpu.memory_space<semaphore_mem>>)
        %dma_start3A_807 = arith.constant 0 : i32
        %dma_start3A_808 = arith.constant 0 : i32
        %dma_start3A_809 = tpu.memref_slice %arg3[%dma_start3A_807, %dma_start3A_808] : memref<10000x256xf32, #tpu.memory_space<hbm>> -> memref<10000x256xf32, #tpu.memory_space<hbm>>
        tpu.enqueue_indirect_dma source(%dma_start3A_809 : memref<10000x256xf32, #tpu.memory_space<hbm>>) target(%arg17 : memref<16x256xf32, #tpu.memory_space<vmem>>) offsets(%and3A_803 : vector<16xi32>) semaphore(%arg33 : memref<!tpu.dma_semaphore, #tpu.memory_space<semaphore_mem>>)
      } else {
      }
      %dma_start3A_786 = arith.constant 0 : i32
      %dma_start3A_787 = arith.constant 0 : i32
      %dma_start3A_788 = tpu.memref_slice %arg28[%dma_start3A_786, %dma_start3A_787] : memref<10000x128xf32, #tpu.memory_space<vmem_shared>> -> memref<10000x128xf32, #tpu.memory_space<vmem_shared>>
      tpu.enqueue_indirect_dma source(%arg21 : memref<16x128xf32, #tpu.memory_space<vmem>>) target(%dma_start3A_788 : memref<10000x128xf32, #tpu.memory_space<vmem_shared>>) offsets(%shift_right_logical3A_691 : vector<16xi32>) semaphore(%arg37 : memref<!tpu.dma_semaphore, #tpu.memory_space<semaphore_mem>>) {add = true}
      %dma_start3A_789 = arith.constant 0 : i32
      %dma_start3A_790 = tpu.memref_slice %arg29[%dma_start3A_789] : memref<10000xf32, #tpu.memory_space<vmem_shared>> -> memref<10000xf32, #tpu.memory_space<vmem_shared>>
      tpu.enqueue_indirect_dma source(%arg25 : memref<16xf32, #tpu.memory_space<vmem>>) target(%dma_start3A_790 : memref<10000xf32, #tpu.memory_space<vmem_shared>>) offsets(%shift_right_logical3A_691 : vector<16xi32>) semaphore(%arg37 : memref<!tpu.dma_semaphore, #tpu.memory_space<semaphore_mem>>) {add = true}
      %scan3A_791 = arith.constant 0 : i32
      scf.yield %scan3A_791 : i32
    }
    %scan3A_225 = arith.constant 156 : i32
    %get3A_226 = arith.constant 9984 : index
    %get3A_227 = tpu.vector_load %arg9[%get3A_226] {strides = array<i32>} : memref<10000xi32, #tpu.memory_space<vmem>>, vector<16xi32>,
    %shift_right_logical3A_228 = arith.constant 16 : i32
    %shift_right_logical3A_229 = vector.broadcast %shift_right_logical3A_228 : i32 to vector<16xi32>
    %shift_right_logical3A_230 = arith.shrui %get3A_227, %shift_right_logical3A_229 : vector<16xi32>
    %and3A_231 = arith.constant 65535 : i32
    %and3A_232 = vector.broadcast %and3A_231 : i32 to vector<16xi32>
    %and3A_233 = arith.andi %get3A_227, %and3A_232 : vector<16xi32>
    %dma_wait3A = arith.constant 0 : i32
    %dma_wait3A_234 = arith.constant 0 : i32
    %dma_wait3A_235 = tpu.memref_slice %arg2[%dma_wait3A, %dma_wait3A_234] : memref<10000x128xf32, #tpu.memory_space<hbm>> -> memref<10000x128xf32, #tpu.memory_space<hbm>>
    tpu.wait_indirect_dma semaphore(%arg30 : memref<!tpu.dma_semaphore, #tpu.memory_space<semaphore_mem>>) src(%dma_wait3A_235 : memref<10000x128xf32, #tpu.memory_space<hbm>>) dst(%arg10 : memref<16x128xf32, #tpu.memory_space<vmem>>)
    %dma_wait3A_236 = arith.constant 0 : i32
    %dma_wait3A_237 = arith.constant 0 : i32
    %dma_wait3A_238 = tpu.memref_slice %arg3[%dma_wait3A_236, %dma_wait3A_237] : memref<10000x256xf32, #tpu.memory_space<hbm>> -> memref<10000x256xf32, #tpu.memory_space<hbm>>
    tpu.wait_indirect_dma semaphore(%arg30 : memref<!tpu.dma_semaphore, #tpu.memory_space<semaphore_mem>>) src(%dma_wait3A_238 : memref<10000x256xf32, #tpu.memory_space<hbm>>) dst(%arg14 : memref<16x256xf32, #tpu.memory_space<vmem>>)
    %dma_wait3A_239 = arith.constant 0 : i32
    %dma_wait3A_240 = arith.constant 0 : i32
    %dma_wait3A_241 = tpu.memref_slice %arg28[%dma_wait3A_239, %dma_wait3A_240] : memref<10000x128xf32, #tpu.memory_space<vmem_shared>> -> memref<10000x128xf32, #tpu.memory_space<vmem_shared>>
    tpu.wait_indirect_dma semaphore(%arg34 : memref<!tpu.dma_semaphore, #tpu.memory_space<semaphore_mem>>) src(%arg18 : memref<16x128xf32, #tpu.memory_space<vmem>>) dst(%dma_wait3A_241 : memref<10000x128xf32, #tpu.memory_space<vmem_shared>>)
    %dma_wait3A_242 = arith.constant 0 : i32
    %dma_wait3A_243 = tpu.memref_slice %arg29[%dma_wait3A_242] : memref<10000xf32, #tpu.memory_space<vmem_shared>> -> memref<10000xf32, #tpu.memory_space<vmem_shared>>
    tpu.wait_indirect_dma semaphore(%arg34 : memref<!tpu.dma_semaphore, #tpu.memory_space<semaphore_mem>>) src(%arg22 : memref<16xf32, #tpu.memory_space<vmem>>) dst(%dma_wait3A_243 : memref<10000xf32, #tpu.memory_space<vmem_shared>>)
    %parallel_loop3A = arith.constant 0 : i32
    %parallel_loop3A_244 = arith.constant 16 : i32
    %parallel_loop3A_245 = arith.constant 1 : i32
    scf.for %parallel_loop3A_351 = %parallel_loop3A to %parallel_loop3A_244 step %parallel_loop3A_245  : i32 {
      %parallel_loop3A_352 = arith.index_cast %parallel_loop3A_351 : i32 to index
      %parallel_loop3A_353 = arith.constant 0 : index
      %parallel_loop3A_354 = tpu.vector_load %arg10[%parallel_loop3A_352, %parallel_loop3A_353] {strides = array<i32>} : memref<16x128xf32, #tpu.memory_space<vmem>>, vector<16xf32>,
      %parallel_loop3A_355 = arith.index_cast %parallel_loop3A_351 : i32 to index
      %parallel_loop3A_356 = arith.constant 0 : index
      %parallel_loop3A_357 = tpu.vector_load %arg14[%parallel_loop3A_355, %parallel_loop3A_356] {strides = array<i32>} : memref<16x256xf32, #tpu.memory_space<vmem>>, vector<16xf32>,
      %parallel_loop3A_358 = arith.mulf %parallel_loop3A_354, %parallel_loop3A_357 : vector<16xf32>
      %parallel_loop3A_359 = arith.index_cast %parallel_loop3A_351 : i32 to index
      %parallel_loop3A_360 = arith.constant 16 : index
      %parallel_loop3A_361 = tpu.vector_load %arg10[%parallel_loop3A_359, %parallel_loop3A_360] {strides = array<i32>} : memref<16x128xf32, #tpu.memory_space<vmem>>, vector<16xf32>,
      %parallel_loop3A_362 = arith.index_cast %parallel_loop3A_351 : i32 to index
      %parallel_loop3A_363 = arith.constant 16 : index
      %parallel_loop3A_364 = tpu.vector_load %arg14[%parallel_loop3A_362, %parallel_loop3A_363] {strides = array<i32>} : memref<16x256xf32, #tpu.memory_space<vmem>>, vector<16xf32>,
      %parallel_loop3A_365 = arith.mulf %parallel_loop3A_361, %parallel_loop3A_364 : vector<16xf32>
      %parallel_loop3A_366 = arith.addf %parallel_loop3A_358, %parallel_loop3A_365 : vector<16xf32>
      %parallel_loop3A_367 = arith.index_cast %parallel_loop3A_351 : i32 to index
      %parallel_loop3A_368 = arith.constant 32 : index
      %parallel_loop3A_369 = tpu.vector_load %arg10[%parallel_loop3A_367, %parallel_loop3A_368] {strides = array<i32>} : memref<16x128xf32, #tpu.memory_space<vmem>>, vector<16xf32>,
      %parallel_loop3A_370 = arith.index_cast %parallel_loop3A_351 : i32 to index
      %parallel_loop3A_371 = arith.constant 32 : index
      %parallel_loop3A_372 = tpu.vector_load %arg14[%parallel_loop3A_370, %parallel_loop3A_371] {strides = array<i32>} : memref<16x256xf32, #tpu.memory_space<vmem>>, vector<16xf32>,
      %parallel_loop3A_373 = arith.mulf %parallel_loop3A_369, %parallel_loop3A_372 : vector<16xf32>
      %parallel_loop3A_374 = arith.addf %parallel_loop3A_366, %parallel_loop3A_373 : vector<16xf32>
      %parallel_loop3A_375 = arith.index_cast %parallel_loop3A_351 : i32 to index
      %parallel_loop3A_376 = arith.constant 48 : index
      %parallel_loop3A_377 = tpu.vector_load %arg10[%parallel_loop3A_375, %parallel_loop3A_376] {strides = array<i32>} : memref<16x128xf32, #tpu.memory_space<vmem>>, vector<16xf32>,
      %parallel_loop3A_378 = arith.index_cast %parallel_loop3A_351 : i32 to index
      %parallel_loop3A_379 = arith.constant 48 : index
      %parallel_loop3A_380 = tpu.vector_load %arg14[%parallel_loop3A_378, %parallel_loop3A_379] {strides = array<i32>} : memref<16x256xf32, #tpu.memory_space<vmem>>, vector<16xf32>,
      %parallel_loop3A_381 = arith.mulf %parallel_loop3A_377, %parallel_loop3A_380 : vector<16xf32>
      %parallel_loop3A_382 = arith.addf %parallel_loop3A_374, %parallel_loop3A_381 : vector<16xf32>
      %parallel_loop3A_383 = arith.index_cast %parallel_loop3A_351 : i32 to index
      %parallel_loop3A_384 = arith.constant 64 : index
      %parallel_loop3A_385 = tpu.vector_load %arg10[%parallel_loop3A_383, %parallel_loop3A_384] {strides = array<i32>} : memref<16x128xf32, #tpu.memory_space<vmem>>, vector<16xf32>,
      %parallel_loop3A_386 = arith.index_cast %parallel_loop3A_351 : i32 to index
      %parallel_loop3A_387 = arith.constant 64 : index
      %parallel_loop3A_388 = tpu.vector_load %arg14[%parallel_loop3A_386, %parallel_loop3A_387] {strides = array<i32>} : memref<16x256xf32, #tpu.memory_space<vmem>>, vector<16xf32>,
      %parallel_loop3A_389 = arith.mulf %parallel_loop3A_385, %parallel_loop3A_388 : vector<16xf32>
      %parallel_loop3A_390 = arith.addf %parallel_loop3A_382, %parallel_loop3A_389 : vector<16xf32>
      %parallel_loop3A_391 = arith.index_cast %parallel_loop3A_351 : i32 to index
      %parallel_loop3A_392 = arith.constant 80 : index
      %parallel_loop3A_393 = tpu.vector_load %arg10[%parallel_loop3A_391, %parallel_loop3A_392] {strides = array<i32>} : memref<16x128xf32, #tpu.memory_space<vmem>>, vector<16xf32>,
      %parallel_loop3A_394 = arith.index_cast %parallel_loop3A_351 : i32 to index
      %parallel_loop3A_395 = arith.constant 80 : index
      %parallel_loop3A_396 = tpu.vector_load %arg14[%parallel_loop3A_394, %parallel_loop3A_395] {strides = array<i32>} : memref<16x256xf32, #tpu.memory_space<vmem>>, vector<16xf32>,
      %parallel_loop3A_397 = arith.mulf %parallel_loop3A_393, %parallel_loop3A_396 : vector<16xf32>
      %parallel_loop3A_398 = arith.addf %parallel_loop3A_390, %parallel_loop3A_397 : vector<16xf32>
      %parallel_loop3A_399 = arith.index_cast %parallel_loop3A_351 : i32 to index
      %parallel_loop3A_400 = arith.constant 96 : index
      %parallel_loop3A_401 = tpu.vector_load %arg10[%parallel_loop3A_399, %parallel_loop3A_400] {strides = array<i32>} : memref<16x128xf32, #tpu.memory_space<vmem>>, vector<16xf32>,
      %parallel_loop3A_402 = arith.index_cast %parallel_loop3A_351 : i32 to index
      %parallel_loop3A_403 = arith.constant 96 : index
      %parallel_loop3A_404 = tpu.vector_load %arg14[%parallel_loop3A_402, %parallel_loop3A_403] {strides = array<i32>} : memref<16x256xf32, #tpu.memory_space<vmem>>, vector<16xf32>,
      %parallel_loop3A_405 = arith.mulf %parallel_loop3A_401, %parallel_loop3A_404 : vector<16xf32>
      %parallel_loop3A_406 = arith.addf %parallel_loop3A_398, %parallel_loop3A_405 : vector<16xf32>
      %parallel_loop3A_407 = arith.index_cast %parallel_loop3A_351 : i32 to index
      %parallel_loop3A_408 = arith.constant 112 : index
      %parallel_loop3A_409 = tpu.vector_load %arg10[%parallel_loop3A_407, %parallel_loop3A_408] {strides = array<i32>} : memref<16x128xf32, #tpu.memory_space<vmem>>, vector<16xf32>,
      %parallel_loop3A_410 = arith.index_cast %parallel_loop3A_351 : i32 to index
      %parallel_loop3A_411 = arith.constant 112 : index
      %parallel_loop3A_412 = tpu.vector_load %arg14[%parallel_loop3A_410, %parallel_loop3A_411] {strides = array<i32>} : memref<16x256xf32, #tpu.memory_space<vmem>>, vector<16xf32>,
      %parallel_loop3A_413 = arith.mulf %parallel_loop3A_409, %parallel_loop3A_412 : vector<16xf32>
      %parallel_loop3A_414 = arith.addf %parallel_loop3A_406, %parallel_loop3A_413 : vector<16xf32>
      %parallel_loop3A_415 = arith.index_cast %parallel_loop3A_351 : i32 to index
      %parallel_loop3A_416 = arith.constant 0 : index
      %parallel_loop3A_417 = tpu.vector_load %arg26[%parallel_loop3A_415, %parallel_loop3A_416] {strides = array<i32>} : memref<16x16xf32, #tpu.memory_space<vmem>>, vector<16xf32>,
      tpu.vector_store %arg26[%parallel_loop3A_415, %parallel_loop3A_416], %parallel_loop3A_414 {strides = array<i32>} : memref<16x16xf32, #tpu.memory_space<vmem>>, vector<16xf32>,
    } {sc.loop_unroll_factor = 4 : i64, sc.parallel_access}
    %iota3A = tpu.iota {dimensions = array<i32: 0>} : vector<16xi32>
    %broadcast_in_dim3A = arith.constant 0 : i32
    %broadcast_in_dim3A_246 = vector.broadcast %broadcast_in_dim3A : i32 to vector<16xi32>
    %gather3A = tpu.vector_load_idx %arg26[%iota3A, %broadcast_in_dim3A_246] : memref<16x16xf32, #tpu.memory_space<vmem>>[vector<16xi32>, vector<16xi32>], vector<16xf32>,
    %broadcast_in_dim3A_247 = arith.constant 1 : i32
    %broadcast_in_dim3A_248 = vector.broadcast %broadcast_in_dim3A_247 : i32 to vector<16xi32>
    %gather3A_249 = tpu.vector_load_idx %arg26[%iota3A, %broadcast_in_dim3A_248] : memref<16x16xf32, #tpu.memory_space<vmem>>[vector<16xi32>, vector<16xi32>], vector<16xf32>,
    %add3A_250 = arith.addf %gather3A, %gather3A_249 : vector<16xf32>
    %broadcast_in_dim3A_251 = arith.constant 2 : i32
    %broadcast_in_dim3A_252 = vector.broadcast %broadcast_in_dim3A_251 : i32 to vector<16xi32>
    %gather3A_253 = tpu.vector_load_idx %arg26[%iota3A, %broadcast_in_dim3A_252] : memref<16x16xf32, #tpu.memory_space<vmem>>[vector<16xi32>, vector<16xi32>], vector<16xf32>,
    %add3A_254 = arith.addf %add3A_250, %gather3A_253 : vector<16xf32>
    %broadcast_in_dim3A_255 = arith.constant 3 : i32
    %broadcast_in_dim3A_256 = vector.broadcast %broadcast_in_dim3A_255 : i32 to vector<16xi32>
    %gather3A_257 = tpu.vector_load_idx %arg26[%iota3A, %broadcast_in_dim3A_256] : memref<16x16xf32, #tpu.memory_space<vmem>>[vector<16xi32>, vector<16xi32>], vector<16xf32>,
    %add3A_258 = arith.addf %add3A_254, %gather3A_257 : vector<16xf32>
    %broadcast_in_dim3A_259 = arith.constant 4 : i32
    %broadcast_in_dim3A_260 = vector.broadcast %broadcast_in_dim3A_259 : i32 to vector<16xi32>
    %gather3A_261 = tpu.vector_load_idx %arg26[%iota3A, %broadcast_in_dim3A_260] : memref<16x16xf32, #tpu.memory_space<vmem>>[vector<16xi32>, vector<16xi32>], vector<16xf32>,
    %add3A_262 = arith.addf %add3A_258, %gather3A_261 : vector<16xf32>
    %broadcast_in_dim3A_263 = arith.constant 5 : i32
    %broadcast_in_dim3A_264 = vector.broadcast %broadcast_in_dim3A_263 : i32 to vector<16xi32>
    %gather3A_265 = tpu.vector_load_idx %arg26[%iota3A, %broadcast_in_dim3A_264] : memref<16x16xf32, #tpu.memory_space<vmem>>[vector<16xi32>, vector<16xi32>], vector<16xf32>,
    %add3A_266 = arith.addf %add3A_262, %gather3A_265 : vector<16xf32>
    %broadcast_in_dim3A_267 = arith.constant 6 : i32
    %broadcast_in_dim3A_268 = vector.broadcast %broadcast_in_dim3A_267 : i32 to vector<16xi32>
    %gather3A_269 = tpu.vector_load_idx %arg26[%iota3A, %broadcast_in_dim3A_268] : memref<16x16xf32, #tpu.memory_space<vmem>>[vector<16xi32>, vector<16xi32>], vector<16xf32>,
    %add3A_270 = arith.addf %add3A_266, %gather3A_269 : vector<16xf32>
    %broadcast_in_dim3A_271 = arith.constant 7 : i32
    %broadcast_in_dim3A_272 = vector.broadcast %broadcast_in_dim3A_271 : i32 to vector<16xi32>
    %gather3A_273 = tpu.vector_load_idx %arg26[%iota3A, %broadcast_in_dim3A_272] : memref<16x16xf32, #tpu.memory_space<vmem>>[vector<16xi32>, vector<16xi32>], vector<16xf32>,
    %add3A_274 = arith.addf %add3A_270, %gather3A_273 : vector<16xf32>
    %broadcast_in_dim3A_275 = arith.constant 8 : i32
    %broadcast_in_dim3A_276 = vector.broadcast %broadcast_in_dim3A_275 : i32 to vector<16xi32>
    %gather3A_277 = tpu.vector_load_idx %arg26[%iota3A, %broadcast_in_dim3A_276] : memref<16x16xf32, #tpu.memory_space<vmem>>[vector<16xi32>, vector<16xi32>], vector<16xf32>,
    %add3A_278 = arith.addf %add3A_274, %gather3A_277 : vector<16xf32>
    %broadcast_in_dim3A_279 = arith.constant 9 : i32
    %broadcast_in_dim3A_280 = vector.broadcast %broadcast_in_dim3A_279 : i32 to vector<16xi32>
    %gather3A_281 = tpu.vector_load_idx %arg26[%iota3A, %broadcast_in_dim3A_280] : memref<16x16xf32, #tpu.memory_space<vmem>>[vector<16xi32>, vector<16xi32>], vector<16xf32>,
    %add3A_282 = arith.addf %add3A_278, %gather3A_281 : vector<16xf32>
    %broadcast_in_dim3A_283 = arith.constant 10 : i32
    %broadcast_in_dim3A_284 = vector.broadcast %broadcast_in_dim3A_283 : i32 to vector<16xi32>
    %gather3A_285 = tpu.vector_load_idx %arg26[%iota3A, %broadcast_in_dim3A_284] : memref<16x16xf32, #tpu.memory_space<vmem>>[vector<16xi32>, vector<16xi32>], vector<16xf32>,
    %add3A_286 = arith.addf %add3A_282, %gather3A_285 : vector<16xf32>
    %broadcast_in_dim3A_287 = arith.constant 11 : i32
    %broadcast_in_dim3A_288 = vector.broadcast %broadcast_in_dim3A_287 : i32 to vector<16xi32>
    %gather3A_289 = tpu.vector_load_idx %arg26[%iota3A, %broadcast_in_dim3A_288] : memref<16x16xf32, #tpu.memory_space<vmem>>[vector<16xi32>, vector<16xi32>], vector<16xf32>,
    %add3A_290 = arith.addf %add3A_286, %gather3A_289 : vector<16xf32>
    %broadcast_in_dim3A_291 = arith.constant 12 : i32
    %broadcast_in_dim3A_292 = vector.broadcast %broadcast_in_dim3A_291 : i32 to vector<16xi32>
    %gather3A_293 = tpu.vector_load_idx %arg26[%iota3A, %broadcast_in_dim3A_292] : memref<16x16xf32, #tpu.memory_space<vmem>>[vector<16xi32>, vector<16xi32>], vector<16xf32>,
    %add3A_294 = arith.addf %add3A_290, %gather3A_293 : vector<16xf32>
    %broadcast_in_dim3A_295 = arith.constant 13 : i32
    %broadcast_in_dim3A_296 = vector.broadcast %broadcast_in_dim3A_295 : i32 to vector<16xi32>
    %gather3A_297 = tpu.vector_load_idx %arg26[%iota3A, %broadcast_in_dim3A_296] : memref<16x16xf32, #tpu.memory_space<vmem>>[vector<16xi32>, vector<16xi32>], vector<16xf32>,
    %add3A_298 = arith.addf %add3A_294, %gather3A_297 : vector<16xf32>
    %broadcast_in_dim3A_299 = arith.constant 14 : i32
    %broadcast_in_dim3A_300 = vector.broadcast %broadcast_in_dim3A_299 : i32 to vector<16xi32>
    %gather3A_301 = tpu.vector_load_idx %arg26[%iota3A, %broadcast_in_dim3A_300] : memref<16x16xf32, #tpu.memory_space<vmem>>[vector<16xi32>, vector<16xi32>], vector<16xf32>,
    %add3A_302 = arith.addf %add3A_298, %gather3A_301 : vector<16xf32>
    %broadcast_in_dim3A_303 = arith.constant 15 : i32
    %broadcast_in_dim3A_304 = vector.broadcast %broadcast_in_dim3A_303 : i32 to vector<16xi32>
    %gather3A_305 = tpu.vector_load_idx %arg26[%iota3A, %broadcast_in_dim3A_304] : memref<16x16xf32, #tpu.memory_space<vmem>>[vector<16xi32>, vector<16xi32>], vector<16xf32>,
    %add3A_306 = arith.addf %add3A_302, %gather3A_305 : vector<16xf32>
    %exp3A = math.exp %add3A_306 : vector<16xf32>
    %swap3A = arith.constant 0 : index
    %swap3A_307 = tpu.vector_load %arg22[%swap3A] {strides = array<i32>} : memref<16xf32, #tpu.memory_space<vmem>>, vector<16xf32>,
    tpu.vector_store %arg22[%swap3A], %exp3A {strides = array<i32>} : memref<16xf32, #tpu.memory_space<vmem>>, vector<16xf32>,
    %parallel_loop3A_308 = arith.constant 0 : i32
    %parallel_loop3A_309 = arith.constant 16 : i32
    %parallel_loop3A_310 = arith.constant 1 : i32
    scf.for %parallel_loop3A_351 = %parallel_loop3A_308 to %parallel_loop3A_309 step %parallel_loop3A_310  : i32 {
      %parallel_loop3A_352 = vector.broadcast %parallel_loop3A_351 : i32 to vector<16xi32>
      %parallel_loop3A_353 = arith.constant 0 : i32
      %parallel_loop3A_354 = vector.broadcast %parallel_loop3A_353 : i32 to vector<16xi32>
      %parallel_loop3A_355 = arith.cmpi slt, %parallel_loop3A_352, %parallel_loop3A_354 : vector<16xi32>
      %parallel_loop3A_356 = arith.constant 16 : i32
      %parallel_loop3A_357 = vector.broadcast %parallel_loop3A_356 : i32 to vector<16xi32>
      %parallel_loop3A_358 = arith.addi %parallel_loop3A_352, %parallel_loop3A_357 : vector<16xi32>
      %parallel_loop3A_359 = arith.select %parallel_loop3A_355, %parallel_loop3A_358, %parallel_loop3A_352 : vector<16xi1>, vector<16xi32>
      %parallel_loop3A_360 = vector.shape_cast %parallel_loop3A_359 : vector<16xi32> to vector<16x1xi32>
      %parallel_loop3A_361 = vector.shape_cast %parallel_loop3A_360 : vector<16x1xi32> to vector<16xi32>
      %parallel_loop3A_362 = tpu.dynamic_gather %exp3A[%parallel_loop3A_361] in [0] : vector<16xf32>, vector<16xi32> -> vector<16xf32>
      %parallel_loop3A_363 = arith.index_cast %parallel_loop3A_351 : i32 to index
      %parallel_loop3A_364 = arith.constant 128 : index
      %parallel_loop3A_365 = tpu.vector_load %arg14[%parallel_loop3A_363, %parallel_loop3A_364] {strides = array<i32>} : memref<16x256xf32, #tpu.memory_space<vmem>>, vector<16xf32>,
      %parallel_loop3A_366 = arith.mulf %parallel_loop3A_365, %parallel_loop3A_362 : vector<16xf32>
      %parallel_loop3A_367 = arith.index_cast %parallel_loop3A_351 : i32 to index
      %parallel_loop3A_368 = arith.constant 0 : index
      %parallel_loop3A_369 = tpu.vector_load %arg18[%parallel_loop3A_367, %parallel_loop3A_368] {strides = array<i32>} : memref<16x128xf32, #tpu.memory_space<vmem>>, vector<16xf32>,
      tpu.vector_store %arg18[%parallel_loop3A_367, %parallel_loop3A_368], %parallel_loop3A_366 {strides = array<i32>} : memref<16x128xf32, #tpu.memory_space<vmem>>, vector<16xf32>,
      %parallel_loop3A_370 = arith.index_cast %parallel_loop3A_351 : i32 to index
      %parallel_loop3A_371 = arith.constant 144 : index
      %parallel_loop3A_372 = tpu.vector_load %arg14[%parallel_loop3A_370, %parallel_loop3A_371] {strides = array<i32>} : memref<16x256xf32, #tpu.memory_space<vmem>>, vector<16xf32>,
      %parallel_loop3A_373 = arith.mulf %parallel_loop3A_372, %parallel_loop3A_362 : vector<16xf32>
      %parallel_loop3A_374 = arith.index_cast %parallel_loop3A_351 : i32 to index
      %parallel_loop3A_375 = arith.constant 16 : index
      %parallel_loop3A_376 = tpu.vector_load %arg18[%parallel_loop3A_374, %parallel_loop3A_375] {strides = array<i32>} : memref<16x128xf32, #tpu.memory_space<vmem>>, vector<16xf32>,
      tpu.vector_store %arg18[%parallel_loop3A_374, %parallel_loop3A_375], %parallel_loop3A_373 {strides = array<i32>} : memref<16x128xf32, #tpu.memory_space<vmem>>, vector<16xf32>,
      %parallel_loop3A_377 = arith.index_cast %parallel_loop3A_351 : i32 to index
      %parallel_loop3A_378 = arith.constant 160 : index
      %parallel_loop3A_379 = tpu.vector_load %arg14[%parallel_loop3A_377, %parallel_loop3A_378] {strides = array<i32>} : memref<16x256xf32, #tpu.memory_space<vmem>>, vector<16xf32>,
      %parallel_loop3A_380 = arith.mulf %parallel_loop3A_379, %parallel_loop3A_362 : vector<16xf32>
      %parallel_loop3A_381 = arith.index_cast %parallel_loop3A_351 : i32 to index
      %parallel_loop3A_382 = arith.constant 32 : index
      %parallel_loop3A_383 = tpu.vector_load %arg18[%parallel_loop3A_381, %parallel_loop3A_382] {strides = array<i32>} : memref<16x128xf32, #tpu.memory_space<vmem>>, vector<16xf32>,
      tpu.vector_store %arg18[%parallel_loop3A_381, %parallel_loop3A_382], %parallel_loop3A_380 {strides = array<i32>} : memref<16x128xf32, #tpu.memory_space<vmem>>, vector<16xf32>,
      %parallel_loop3A_384 = arith.index_cast %parallel_loop3A_351 : i32 to index
      %parallel_loop3A_385 = arith.constant 176 : index
      %parallel_loop3A_386 = tpu.vector_load %arg14[%parallel_loop3A_384, %parallel_loop3A_385] {strides = array<i32>} : memref<16x256xf32, #tpu.memory_space<vmem>>, vector<16xf32>,
      %parallel_loop3A_387 = arith.mulf %parallel_loop3A_386, %parallel_loop3A_362 : vector<16xf32>
      %parallel_loop3A_388 = arith.index_cast %parallel_loop3A_351 : i32 to index
      %parallel_loop3A_389 = arith.constant 48 : index
      %parallel_loop3A_390 = tpu.vector_load %arg18[%parallel_loop3A_388, %parallel_loop3A_389] {strides = array<i32>} : memref<16x128xf32, #tpu.memory_space<vmem>>, vector<16xf32>,
      tpu.vector_store %arg18[%parallel_loop3A_388, %parallel_loop3A_389], %parallel_loop3A_387 {strides = array<i32>} : memref<16x128xf32, #tpu.memory_space<vmem>>, vector<16xf32>,
      %parallel_loop3A_391 = arith.index_cast %parallel_loop3A_351 : i32 to index
      %parallel_loop3A_392 = arith.constant 192 : index
      %parallel_loop3A_393 = tpu.vector_load %arg14[%parallel_loop3A_391, %parallel_loop3A_392] {strides = array<i32>} : memref<16x256xf32, #tpu.memory_space<vmem>>, vector<16xf32>,
      %parallel_loop3A_394 = arith.mulf %parallel_loop3A_393, %parallel_loop3A_362 : vector<16xf32>
      %parallel_loop3A_395 = arith.index_cast %parallel_loop3A_351 : i32 to index
      %parallel_loop3A_396 = arith.constant 64 : index
      %parallel_loop3A_397 = tpu.vector_load %arg18[%parallel_loop3A_395, %parallel_loop3A_396] {strides = array<i32>} : memref<16x128xf32, #tpu.memory_space<vmem>>, vector<16xf32>,
      tpu.vector_store %arg18[%parallel_loop3A_395, %parallel_loop3A_396], %parallel_loop3A_394 {strides = array<i32>} : memref<16x128xf32, #tpu.memory_space<vmem>>, vector<16xf32>,
      %parallel_loop3A_398 = arith.index_cast %parallel_loop3A_351 : i32 to index
      %parallel_loop3A_399 = arith.constant 208 : index
      %parallel_loop3A_400 = tpu.vector_load %arg14[%parallel_loop3A_398, %parallel_loop3A_399] {strides = array<i32>} : memref<16x256xf32, #tpu.memory_space<vmem>>, vector<16xf32>,
      %parallel_loop3A_401 = arith.mulf %parallel_loop3A_400, %parallel_loop3A_362 : vector<16xf32>
      %parallel_loop3A_402 = arith.index_cast %parallel_loop3A_351 : i32 to index
      %parallel_loop3A_403 = arith.constant 80 : index
      %parallel_loop3A_404 = tpu.vector_load %arg18[%parallel_loop3A_402, %parallel_loop3A_403] {strides = array<i32>} : memref<16x128xf32, #tpu.memory_space<vmem>>, vector<16xf32>,
      tpu.vector_store %arg18[%parallel_loop3A_402, %parallel_loop3A_403], %parallel_loop3A_401 {strides = array<i32>} : memref<16x128xf32, #tpu.memory_space<vmem>>, vector<16xf32>,
      %parallel_loop3A_405 = arith.index_cast %parallel_loop3A_351 : i32 to index
      %parallel_loop3A_406 = arith.constant 224 : index
      %parallel_loop3A_407 = tpu.vector_load %arg14[%parallel_loop3A_405, %parallel_loop3A_406] {strides = array<i32>} : memref<16x256xf32, #tpu.memory_space<vmem>>, vector<16xf32>,
      %parallel_loop3A_408 = arith.mulf %parallel_loop3A_407, %parallel_loop3A_362 : vector<16xf32>
      %parallel_loop3A_409 = arith.index_cast %parallel_loop3A_351 : i32 to index
      %parallel_loop3A_410 = arith.constant 96 : index
      %parallel_loop3A_411 = tpu.vector_load %arg18[%parallel_loop3A_409, %parallel_loop3A_410] {strides = array<i32>} : memref<16x128xf32, #tpu.memory_space<vmem>>, vector<16xf32>,
      tpu.vector_store %arg18[%parallel_loop3A_409, %parallel_loop3A_410], %parallel_loop3A_408 {strides = array<i32>} : memref<16x128xf32, #tpu.memory_space<vmem>>, vector<16xf32>,
      %parallel_loop3A_412 = arith.index_cast %parallel_loop3A_351 : i32 to index
      %parallel_loop3A_413 = arith.constant 240 : index
      %parallel_loop3A_414 = tpu.vector_load %arg14[%parallel_loop3A_412, %parallel_loop3A_413] {strides = array<i32>} : memref<16x256xf32, #tpu.memory_space<vmem>>, vector<16xf32>,
      %parallel_loop3A_415 = arith.mulf %parallel_loop3A_414, %parallel_loop3A_362 : vector<16xf32>
      %parallel_loop3A_416 = arith.index_cast %parallel_loop3A_351 : i32 to index
      %parallel_loop3A_417 = arith.constant 112 : index
      %parallel_loop3A_418 = tpu.vector_load %arg18[%parallel_loop3A_416, %parallel_loop3A_417] {strides = array<i32>} : memref<16x128xf32, #tpu.memory_space<vmem>>, vector<16xf32>,
      tpu.vector_store %arg18[%parallel_loop3A_416, %parallel_loop3A_417], %parallel_loop3A_415 {strides = array<i32>} : memref<16x128xf32, #tpu.memory_space<vmem>>, vector<16xf32>,
    } {sc.loop_unroll_factor = 4 : i64, sc.parallel_access}
    %dma_start3A_311 = arith.constant 0 : i32
    %dma_start3A_312 = arith.constant 0 : i32
    %dma_start3A_313 = tpu.memref_slice %arg28[%dma_start3A_311, %dma_start3A_312] : memref<10000x128xf32, #tpu.memory_space<vmem_shared>> -> memref<10000x128xf32, #tpu.memory_space<vmem_shared>>
    tpu.enqueue_indirect_dma source(%arg18 : memref<16x128xf32, #tpu.memory_space<vmem>>) target(%dma_start3A_313 : memref<10000x128xf32, #tpu.memory_space<vmem_shared>>) offsets(%shift_right_logical3A_230 : vector<16xi32>) semaphore(%arg34 : memref<!tpu.dma_semaphore, #tpu.memory_space<semaphore_mem>>) {add = true}
    %dma_start3A_314 = arith.constant 0 : i32
    %dma_start3A_315 = tpu.memref_slice %arg29[%dma_start3A_314] : memref<10000xf32, #tpu.memory_space<vmem_shared>> -> memref<10000xf32, #tpu.memory_space<vmem_shared>>
    tpu.enqueue_indirect_dma source(%arg22 : memref<16xf32, #tpu.memory_space<vmem>>) target(%dma_start3A_315 : memref<10000xf32, #tpu.memory_space<vmem_shared>>) offsets(%shift_right_logical3A_230 : vector<16xi32>) semaphore(%arg34 : memref<!tpu.dma_semaphore, #tpu.memory_space<semaphore_mem>>) {add = true}
    %dma_wait3A_316 = arith.constant 0 : i32
    %dma_wait3A_317 = arith.constant 0 : i32
    %dma_wait3A_318 = tpu.memref_slice %arg28[%dma_wait3A_316, %dma_wait3A_317] : memref<10000x128xf32, #tpu.memory_space<vmem_shared>> -> memref<10000x128xf32, #tpu.memory_space<vmem_shared>>
    tpu.wait_indirect_dma semaphore(%arg35 : memref<!tpu.dma_semaphore, #tpu.memory_space<semaphore_mem>>) src(%arg19 : memref<16x128xf32, #tpu.memory_space<vmem>>) dst(%dma_wait3A_318 : memref<10000x128xf32, #tpu.memory_space<vmem_shared>>)
    %dma_wait3A_319 = arith.constant 0 : i32
    %dma_wait3A_320 = tpu.memref_slice %arg29[%dma_wait3A_319] : memref<10000xf32, #tpu.memory_space<vmem_shared>> -> memref<10000xf32, #tpu.memory_space<vmem_shared>>
    tpu.wait_indirect_dma semaphore(%arg35 : memref<!tpu.dma_semaphore, #tpu.memory_space<semaphore_mem>>) src(%arg23 : memref<16xf32, #tpu.memory_space<vmem>>) dst(%dma_wait3A_320 : memref<10000xf32, #tpu.memory_space<vmem_shared>>)
    %dma_wait3A_321 = arith.constant 0 : i32
    %dma_wait3A_322 = arith.constant 0 : i32
    %dma_wait3A_323 = tpu.memref_slice %arg28[%dma_wait3A_321, %dma_wait3A_322] : memref<10000x128xf32, #tpu.memory_space<vmem_shared>> -> memref<10000x128xf32, #tpu.memory_space<vmem_shared>>
    tpu.wait_indirect_dma semaphore(%arg36 : memref<!tpu.dma_semaphore, #tpu.memory_space<semaphore_mem>>) src(%arg20 : memref<16x128xf32, #tpu.memory_space<vmem>>) dst(%dma_wait3A_323 : memref<10000x128xf32, #tpu.memory_space<vmem_shared>>)
    %dma_wait3A_324 = arith.constant 0 : i32
    %dma_wait3A_325 = tpu.memref_slice %arg29[%dma_wait3A_324] : memref<10000xf32, #tpu.memory_space<vmem_shared>> -> memref<10000xf32, #tpu.memory_space<vmem_shared>>
    tpu.wait_indirect_dma semaphore(%arg36 : memref<!tpu.dma_semaphore, #tpu.memory_space<semaphore_mem>>) src(%arg24 : memref<16xf32, #tpu.memory_space<vmem>>) dst(%dma_wait3A_325 : memref<10000xf32, #tpu.memory_space<vmem_shared>>)
    %dma_wait3A_326 = arith.constant 0 : i32
    %dma_wait3A_327 = arith.constant 0 : i32
    %dma_wait3A_328 = tpu.memref_slice %arg28[%dma_wait3A_326, %dma_wait3A_327] : memref<10000x128xf32, #tpu.memory_space<vmem_shared>> -> memref<10000x128xf32, #tpu.memory_space<vmem_shared>>
    tpu.wait_indirect_dma semaphore(%arg37 : memref<!tpu.dma_semaphore, #tpu.memory_space<semaphore_mem>>) src(%arg21 : memref<16x128xf32, #tpu.memory_space<vmem>>) dst(%dma_wait3A_328 : memref<10000x128xf32, #tpu.memory_space<vmem_shared>>)
    %dma_wait3A_329 = arith.constant 0 : i32
    %dma_wait3A_330 = tpu.memref_slice %arg29[%dma_wait3A_329] : memref<10000xf32, #tpu.memory_space<vmem_shared>> -> memref<10000xf32, #tpu.memory_space<vmem_shared>>
    tpu.wait_indirect_dma semaphore(%arg37 : memref<!tpu.dma_semaphore, #tpu.memory_space<semaphore_mem>>) src(%arg25 : memref<16xf32, #tpu.memory_space<vmem>>) dst(%dma_wait3A_330 : memref<10000xf32, #tpu.memory_space<vmem_shared>>)
    %dma_wait3A_331 = arith.constant 0 : i32
    %dma_wait3A_332 = arith.constant 0 : i32
    %dma_wait3A_333 = tpu.memref_slice %arg28[%dma_wait3A_331, %dma_wait3A_332] : memref<10000x128xf32, #tpu.memory_space<vmem_shared>> -> memref<10000x128xf32, #tpu.memory_space<vmem_shared>>
    tpu.wait_indirect_dma semaphore(%arg34 : memref<!tpu.dma_semaphore, #tpu.memory_space<semaphore_mem>>) src(%arg18 : memref<16x128xf32, #tpu.memory_space<vmem>>) dst(%dma_wait3A_333 : memref<10000x128xf32, #tpu.memory_space<vmem_shared>>)
    %dma_wait3A_334 = arith.constant 0 : i32
    %dma_wait3A_335 = tpu.memref_slice %arg29[%dma_wait3A_334] : memref<10000xf32, #tpu.memory_space<vmem_shared>> -> memref<10000xf32, #tpu.memory_space<vmem_shared>>
    tpu.wait_indirect_dma semaphore(%arg34 : memref<!tpu.dma_semaphore, #tpu.memory_space<semaphore_mem>>) src(%arg22 : memref<16xf32, #tpu.memory_space<vmem>>) dst(%dma_wait3A_335 : memref<10000xf32, #tpu.memory_space<vmem_shared>>)
    %barrier3A_336 = arith.constant 0 : index
    tpu.barrier barrier_id(%barrier3A_336)
    %scan3A_337 = arith.constant 0 : i32
    %scan3A_338 = arith.constant 0 : i32
    %scan3A_339 = arith.constant 8 : i32
    %scan3A_340 = arith.addi %scan3A_338, %scan3A_339 : i32
    %scan3A_341 = arith.constant 1 : i32
    %scan3A_342 = scf.for %scan3A_351 = %scan3A_338 to %scan3A_340 step %scan3A_341 iter_args(%scan3A_352 = %scan3A_337) -> (i32)  : i32 {
      %mul3A_353 = arith.constant 16 : i32
      %mul3A_354 = arith.muli %mul3A_353, %scan3A_351 : i32
      %add3A_355 = arith.addi %arg1, %mul3A_354 : i32
      %mul3A_356 = arith.constant 80 : i32
      %mul3A_357 = arith.muli %add3A_355, %mul3A_356 : i32
      %lt3A = arith.constant 10000 : i32
      %lt3A_358 = arith.cmpi slt, %mul3A_357, %lt3A : i32
      %convert_element_type3A_359 = arith.extui %lt3A_358 : i1 to i32
      %cond3A_360 = arith.constant 0 : i32
      %cond3A_361 = arith.cmpi ne, %convert_element_type3A_359, %cond3A_360 : i32
      scf.if %cond3A_361 {
        %dma_start3A_363 = arith.constant 0 : i32
        %dma_start3A_364 = tpu.memref_slice %arg7[%arg0, %mul3A_357, %dma_start3A_363] : memref<2x10000x128xf32, #tpu.memory_space<hbm>> -> memref<1x80x128xf32, #tpu.memory_space<hbm>>
        %dma_start3A_365 = tpu.memref_squeeze %dma_start3A_364 : memref<1x80x128xf32, #tpu.memory_space<hbm>> -> memref<80x128xf32, #tpu.memory_space<hbm>>
        %dma_start3A_366 = arith.constant 0 : i32
        %dma_start3A_367 = tpu.memref_slice %arg28[%mul3A_357, %dma_start3A_366] : memref<10000x128xf32, #tpu.memory_space<vmem_shared>> -> memref<80x128xf32, #tpu.memory_space<vmem_shared>>
        tpu.enqueue_dma source(%dma_start3A_367 : memref<80x128xf32, #tpu.memory_space<vmem_shared>>) target(%dma_start3A_365 : memref<80x128xf32, #tpu.memory_space<hbm>>) target_semaphore(%arg38 : memref<!tpu.dma_semaphore, #tpu.memory_space<semaphore_mem>>)
      } else {
      }
      %scan3A_362 = arith.constant 0 : i32
      scf.yield %scan3A_362 : i32
    }
    %scan3A_343 = arith.constant 8 : i32
    %scan3A_344 = arith.constant 0 : i32
    %scan3A_345 = arith.constant 0 : i32
    %scan3A_346 = arith.constant 8 : i32
    %scan3A_347 = arith.addi %scan3A_345, %scan3A_346 : i32
    %scan3A_348 = arith.constant 1 : i32
    %scan3A_349 = scf.for %scan3A_351 = %scan3A_345 to %scan3A_347 step %scan3A_348 iter_args(%scan3A_352 = %scan3A_344) -> (i32)  : i32 {
      %mul3A_353 = arith.constant 16 : i32
      %mul3A_354 = arith.muli %mul3A_353, %scan3A_351 : i32
      %add3A_355 = arith.addi %arg1, %mul3A_354 : i32
      %mul3A_356 = arith.constant 80 : i32
      %mul3A_357 = arith.muli %add3A_355, %mul3A_356 : i32
      %lt3A = arith.constant 10000 : i32
      %lt3A_358 = arith.cmpi slt, %mul3A_357, %lt3A : i32
      %convert_element_type3A_359 = arith.extui %lt3A_358 : i1 to i32
      %cond3A_360 = arith.constant 0 : i32
      %cond3A_361 = arith.cmpi ne, %convert_element_type3A_359, %cond3A_360 : i32
      scf.if %cond3A_361 {
        %dma_wait3A_363 = arith.constant 0 : i32
        %dma_wait3A_364 = tpu.memref_slice %arg7[%arg0, %mul3A_357, %dma_wait3A_363] : memref<2x10000x128xf32, #tpu.memory_space<hbm>> -> memref<1x80x128xf32, #tpu.memory_space<hbm>>
        %dma_wait3A_365 = tpu.memref_squeeze %dma_wait3A_364 : memref<1x80x128xf32, #tpu.memory_space<hbm>> -> memref<80x128xf32, #tpu.memory_space<hbm>>
        %dma_wait3A_366 = arith.constant 0 : i32
        %dma_wait3A_367 = tpu.memref_slice %arg28[%mul3A_357, %dma_wait3A_366] : memref<10000x128xf32, #tpu.memory_space<vmem_shared>> -> memref<80x128xf32, #tpu.memory_space<vmem_shared>>
        tpu.wait_dma2 semaphore(%arg38 : memref<!tpu.dma_semaphore, #tpu.memory_space<semaphore_mem>>) src(%dma_wait3A_367 : memref<80x128xf32, #tpu.memory_space<vmem_shared>>) dst(%dma_wait3A_365 : memref<80x128xf32, #tpu.memory_space<hbm>>)
        "tpu.region"() ({
          %run_scoped3A = tpu.sem_alloc : memref<!tpu.dma_semaphore, #tpu.memory_space<semaphore_mem>>
          %dma_start3A_371 = tpu.memref_slice %arg29[%mul3A_357] : memref<10000xf32, #tpu.memory_space<vmem_shared>> -> memref<80xf32, #tpu.memory_space<vmem_shared>>
          %dma_start3A_372 = tpu.memref_slice %arg29[%mul3A_357] : memref<10000xf32, #tpu.memory_space<vmem_shared>> -> memref<80xf32, #tpu.memory_space<vmem_shared>>
          tpu.enqueue_dma source(%dma_start3A_372 : memref<80xf32, #tpu.memory_space<vmem_shared>>) target(%arg27 : memref<80xf32, #tpu.memory_space<vmem>>) target_semaphore(%run_scoped3A : memref<!tpu.dma_semaphore, #tpu.memory_space<semaphore_mem>>)
          %dma_wait3A_373 = tpu.memref_slice %arg29[%mul3A_357] : memref<10000xf32, #tpu.memory_space<vmem_shared>> -> memref<80xf32, #tpu.memory_space<vmem_shared>>
          %dma_wait3A_374 = tpu.memref_slice %arg29[%mul3A_357] : memref<10000xf32, #tpu.memory_space<vmem_shared>> -> memref<80xf32, #tpu.memory_space<vmem_shared>>
          tpu.wait_dma2 semaphore(%run_scoped3A : memref<!tpu.dma_semaphore, #tpu.memory_space<semaphore_mem>>) src(%dma_wait3A_374 : memref<80xf32, #tpu.memory_space<vmem_shared>>) dst(%arg27 : memref<80xf32, #tpu.memory_space<vmem>>)
          tpu.yield
        }) : () -> ()
        %mul3A_368 = arith.constant 10000 : i32
        %mul3A_369 = arith.muli %arg0, %mul3A_368 : i32
        %add3A_370 = arith.addi %mul3A_369, %mul3A_357 : i32
        "tpu.region"() ({
          %run_scoped3A = tpu.sem_alloc : memref<!tpu.dma_semaphore, #tpu.memory_space<semaphore_mem>>
          %dma_start3A_371 = tpu.memref_slice %arg8[%add3A_370] : memref<20000xf32, #tpu.memory_space<hbm>> -> memref<80xf32, #tpu.memory_space<hbm>>
          %dma_start3A_372 = tpu.memref_slice %arg8[%add3A_370] : memref<20000xf32, #tpu.memory_space<hbm>> -> memref<80xf32, #tpu.memory_space<hbm>>
          tpu.enqueue_dma source(%arg27 : memref<80xf32, #tpu.memory_space<vmem>>) target(%dma_start3A_372 : memref<80xf32, #tpu.memory_space<hbm>>) target_semaphore(%run_scoped3A : memref<!tpu.dma_semaphore, #tpu.memory_space<semaphore_mem>>)
          %dma_wait3A_373 = tpu.memref_slice %arg8[%add3A_370] : memref<20000xf32, #tpu.memory_space<hbm>> -> memref<80xf32, #tpu.memory_space<hbm>>
          %dma_wait3A_374 = tpu.memref_slice %arg8[%add3A_370] : memref<20000xf32, #tpu.memory_space<hbm>> -> memref<80xf32, #tpu.memory_space<hbm>>
          tpu.wait_dma2 semaphore(%run_scoped3A : memref<!tpu.dma_semaphore, #tpu.memory_space<semaphore_mem>>) src(%arg27 : memref<80xf32, #tpu.memory_space<vmem>>) dst(%dma_wait3A_374 : memref<80xf32, #tpu.memory_space<hbm>>)
          tpu.yield
        }) : () -> ()
      } else {
      }
      %scan3A_362 = arith.constant 0 : i32
      scf.yield %scan3A_362 : i32
    }
    %scan3A_350 = arith.constant 8 : i32
    return
  }
}

module attributes {stable_mosaic.version = 14 : i64} {
  func.func @body(%arg0: i32, %arg1: memref<1000x138xf32, #tpu.memory_space<vmem>>, %arg2: memref<138x384xf32, #tpu.memory_space<vmem>>, %arg3: memref<1x384xf32, #tpu.memory_space<vmem>>, %arg4: memref<1000x128xf32, #tpu.memory_space<vmem>>, %arg5: memref<1000x256xf32, #tpu.memory_space<vmem>>) attributes {dimension_semantics = [#tpu.dimension_semantics<arbitrary>], iteration_bounds = array<i64: 10>, scalar_prefetch = 0 : i64, scratch_operands = 0 : i64, tpu.core_type = #tpu.core_type<tc>, window_params = [{transform_indices = @transform_0, window_bounds = array<i64: 1000, 138>}, {pipeline_mode = #tpu.pipeline_mode<synchronous>, transform_indices = @transform_1, window_bounds = array<i64: 138, 384>}, {pipeline_mode = #tpu.pipeline_mode<synchronous>, transform_indices = @transform_2, window_bounds = array<i64: 1, 384>}, {transform_indices = @transform_3, window_bounds = array<i64: 1000, 128>}, {transform_indices = @transform_4, window_bounds = array<i64: 1000, 256>}]} {
    %get3A = arith.constant 0 : index
    %get3A_0 = arith.constant 0 : index
    %get3A_1 = vector.load %arg1[%get3A, %get3A_0] : memref<1000x138xf32, #tpu.memory_space<vmem>>, vector<1000x138xf32>
    %get3A_2 = arith.constant 0 : index
    %get3A_3 = arith.constant 0 : index
    %get3A_4 = vector.load %arg2[%get3A_2, %get3A_3] : memref<138x384xf32, #tpu.memory_space<vmem>>, vector<138x384xf32>
    %dot_general3A = arith.constant dense<0.000000e+00> : vector<1000x384xf32>
    %dot_general3A_5 = tpu.matmul %get3A_1, %get3A_4, %dot_general3A {dimension_numbers = #tpu.dot_dimension_numbers<[1], [0], [0], [1], [0, 0, 1, 1], [], []>, transpose_lhs_hint = false} : vector<1000x138xf32>, vector<138x384xf32>, vector<1000x384xf32> -> vector<1000x384xf32>
    %get3A_6 = arith.constant 0 : index
    %get3A_7 = arith.constant 0 : index
    %get3A_8 = vector.load %arg3[%get3A_6, %get3A_7] : memref<1x384xf32, #tpu.memory_space<vmem>>, vector<1x384xf32>
    %add3A = vector.broadcast %get3A_8 : vector<1x384xf32> to vector<1000x384xf32>
    %add3A_9 = arith.addf %dot_general3A_5, %add3A : vector<1000x384xf32>
    %slice3A = vector.extract_strided_slice %add3A_9 {offsets = [0, 0], sizes = [1000, 128], strides = [1, 1]} : vector<1000x384xf32> to vector<1000x128xf32>
    %swap3A = arith.constant 0 : index
    %swap3A_10 = arith.constant 0 : index
    %swap3A_11 = vector.load %arg4[%swap3A, %swap3A_10] : memref<1000x128xf32, #tpu.memory_space<vmem>>, vector<1000x128xf32>
    tpu.vector_store %arg4[%swap3A, %swap3A_10], %slice3A {strides = array<i32>} : memref<1000x128xf32, #tpu.memory_space<vmem>>, vector<1000x128xf32>,
    %slice3A_12 = vector.extract_strided_slice %add3A_9 {offsets = [0, 128], sizes = [1000, 256], strides = [1, 1]} : vector<1000x384xf32> to vector<1000x256xf32>
    %swap3A_13 = arith.constant 0 : index
    %swap3A_14 = arith.constant 0 : index
    %swap3A_15 = vector.load %arg5[%swap3A_13, %swap3A_14] : memref<1000x256xf32, #tpu.memory_space<vmem>>, vector<1000x256xf32>
    tpu.vector_store %arg5[%swap3A_13, %swap3A_14], %slice3A_12 {strides = array<i32>} : memref<1000x256xf32, #tpu.memory_space<vmem>>, vector<1000x256xf32>,
    return
  }
  func.func @transform_0(%arg0: i32) -> (i32, i32) {
    %c0_i32 = arith.constant 0 : i32
    %c0_i32_0 = arith.constant 0 : i32
    return %arg0, %c0_i32 : i32, i32
  }
  func.func @transform_1(%arg0: i32) -> (i32, i32) {
    %c0_i32 = arith.constant 0 : i32
    %c0_i32_0 = arith.constant 0 : i32
    %c0_i32_1 = arith.constant 0 : i32
    return %c0_i32, %c0_i32_0 : i32, i32
  }
  func.func @transform_2(%arg0: i32) -> (i32, i32) {
    %c0_i32 = arith.constant 0 : i32
    %c0_i32_0 = arith.constant 0 : i32
    %c0_i32_1 = arith.constant 0 : i32
    return %c0_i32, %c0_i32_0 : i32, i32
  }
  func.func @transform_3(%arg0: i32) -> (i32, i32) {
    %c0_i32 = arith.constant 0 : i32
    %c0_i32_0 = arith.constant 0 : i32
    return %arg0, %c0_i32 : i32, i32
  }
  func.func @transform_4(%arg0: i32) -> (i32, i32) {
    %c0_i32 = arith.constant 0 : i32
    %c0_i32_0 = arith.constant 0 : i32
    return %arg0, %c0_i32 : i32, i32
  }
}

module attributes {stable_mosaic.version = 14 : i64} {
  func.func @body(%arg0: i32, %arg1: memref<2x1000x128xf32, #tpu.memory_space<vmem>>, %arg2: memref<2x1000x1xf32, #tpu.memory_space<vmem>>, %arg3: memref<1000x128xf32, #tpu.memory_space<vmem>>, %arg4: memref<128x128xf32, #tpu.memory_space<vmem>>, %arg5: memref<1x128xf32, #tpu.memory_space<vmem>>, %arg6: memref<1x128xf32, #tpu.memory_space<vmem>>, %arg7: memref<1x128xf32, #tpu.memory_space<vmem>>, %arg8: memref<1000x128xf32, #tpu.memory_space<vmem>>) attributes {dimension_semantics = [#tpu.dimension_semantics<arbitrary>], iteration_bounds = array<i64: 10>, scalar_prefetch = 0 : i64, scratch_operands = 0 : i64, tpu.core_type = #tpu.core_type<tc>, window_params = [{transform_indices = @transform_0, window_bounds = array<i64: 2, 1000, 128>}, {transform_indices = @transform_1, window_bounds = array<i64: 2, 1000, 1>}, {transform_indices = @transform_2, window_bounds = array<i64: 1000, 128>}, {pipeline_mode = #tpu.pipeline_mode<synchronous>, transform_indices = @transform_3, window_bounds = array<i64: 128, 128>}, {pipeline_mode = #tpu.pipeline_mode<synchronous>, transform_indices = @transform_4, window_bounds = array<i64: 1, 128>}, {pipeline_mode = #tpu.pipeline_mode<synchronous>, transform_indices = @transform_5, window_bounds = array<i64: 1, 128>}, {pipeline_mode = #tpu.pipeline_mode<synchronous>, transform_indices = @transform_6, window_bounds = array<i64: 1, 128>}, {transform_indices = @transform_7, window_bounds = array<i64: 1000, 128>}]} {
    %get3A = arith.constant 0 : index
    %get3A_0 = arith.constant 0 : index
    %get3A_1 = arith.constant 0 : index
    %get3A_2 = vector.load %arg1[%get3A, %get3A_0, %get3A_1] : memref<2x1000x128xf32, #tpu.memory_space<vmem>>, vector<1x1000x128xf32>
    %get3A_3 = vector.shape_cast %get3A_2 : vector<1x1000x128xf32> to vector<1000x128xf32>
    %get3A_4 = arith.constant 1 : index
    %get3A_5 = arith.constant 0 : index
    %get3A_6 = arith.constant 0 : index
    %get3A_7 = vector.load %arg1[%get3A_4, %get3A_5, %get3A_6] : memref<2x1000x128xf32, #tpu.memory_space<vmem>>, vector<1x1000x128xf32>
    %get3A_8 = vector.shape_cast %get3A_7 : vector<1x1000x128xf32> to vector<1000x128xf32>
    %add3A = arith.addf %get3A_3, %get3A_8 : vector<1000x128xf32>
    %get3A_9 = arith.constant 0 : index
    %get3A_10 = arith.constant 0 : index
    %get3A_11 = arith.constant 0 : index
    %get3A_12 = vector.load %arg2[%get3A_9, %get3A_10, %get3A_11] : memref<2x1000x1xf32, #tpu.memory_space<vmem>>, vector<1x1000x1xf32>
    %get3A_13 = vector.shape_cast %get3A_12 : vector<1x1000x1xf32> to vector<1000x1xf32>
    %get3A_14 = arith.constant 1 : index
    %get3A_15 = arith.constant 0 : index
    %get3A_16 = arith.constant 0 : index
    %get3A_17 = vector.load %arg2[%get3A_14, %get3A_15, %get3A_16] : memref<2x1000x1xf32, #tpu.memory_space<vmem>>, vector<1x1000x1xf32>
    %get3A_18 = vector.shape_cast %get3A_17 : vector<1x1000x1xf32> to vector<1000x1xf32>
    %add3A_19 = arith.addf %get3A_13, %get3A_18 : vector<1000x1xf32>
    %add3A_20 = arith.constant 9.99999993E-9 : f32
    %add3A_21 = vector.broadcast %add3A_20 : f32 to vector<1000x1xf32>
    %add3A_22 = arith.addf %add3A_19, %add3A_21 : vector<1000x1xf32>
    %div3A = vector.broadcast %add3A_22 : vector<1000x1xf32> to vector<1000x128xf32>
    %div3A_23 = arith.divf %add3A, %div3A : vector<1000x128xf32>
    %get3A_24 = arith.constant 0 : index
    %get3A_25 = arith.constant 0 : index
    %get3A_26 = vector.load %arg4[%get3A_24, %get3A_25] : memref<128x128xf32, #tpu.memory_space<vmem>>, vector<128x128xf32>
    %dot_general3A = arith.constant dense<0.000000e+00> : vector<1000x128xf32>
    %dot_general3A_27 = tpu.matmul %div3A_23, %get3A_26, %dot_general3A {dimension_numbers = #tpu.dot_dimension_numbers<[1], [0], [0], [1], [0, 0, 1, 1], [], []>, transpose_lhs_hint = false} : vector<1000x128xf32>, vector<128x128xf32>, vector<1000x128xf32> -> vector<1000x128xf32>
    %get3A_28 = arith.constant 0 : index
    %get3A_29 = arith.constant 0 : index
    %get3A_30 = vector.load %arg5[%get3A_28, %get3A_29] : memref<1x128xf32, #tpu.memory_space<vmem>>, vector<1x128xf32>
    %add3A_31 = vector.broadcast %get3A_30 : vector<1x128xf32> to vector<1000x128xf32>
    %add3A_32 = arith.addf %dot_general3A_27, %add3A_31 : vector<1000x128xf32>
    %get3A_33 = arith.constant 0 : index
    %get3A_34 = arith.constant 0 : index
    %get3A_35 = vector.load %arg3[%get3A_33, %get3A_34] : memref<1000x128xf32, #tpu.memory_space<vmem>>, vector<1000x128xf32>
    %add3A_36 = arith.addf %get3A_35, %add3A_32 : vector<1000x128xf32>
    %reduce_sum3A = arith.constant dense<0.000000e+00> : vector<1000xf32>
    %reduce_sum3A_37 = vector.multi_reduction <add>, %add3A_36, %reduce_sum3A [1] : vector<1000x128xf32> to vector<1000xf32>
    %broadcast_in_dim3A = vector.shape_cast %reduce_sum3A_37 : vector<1000xf32> to vector<1000x1xf32>
    %div3A_38 = arith.constant 1.280000e+02 : f32
    %div3A_39 = vector.broadcast %div3A_38 : f32 to vector<1000x1xf32>
    %div3A_40 = arith.divf %broadcast_in_dim3A, %div3A_39 : vector<1000x1xf32>
    %sub3A = vector.broadcast %div3A_40 : vector<1000x1xf32> to vector<1000x128xf32>
    %sub3A_41 = arith.subf %add3A_36, %sub3A : vector<1000x128xf32>
    %mul3A = arith.mulf %sub3A_41, %sub3A_41 : vector<1000x128xf32>
    %reduce_sum3A_42 = arith.constant dense<0.000000e+00> : vector<1000xf32>
    %reduce_sum3A_43 = vector.multi_reduction <add>, %mul3A, %reduce_sum3A_42 [1] : vector<1000x128xf32> to vector<1000xf32>
    %broadcast_in_dim3A_44 = vector.shape_cast %reduce_sum3A_43 : vector<1000xf32> to vector<1000x1xf32>
    %div3A_45 = arith.constant 1.280000e+02 : f32
    %div3A_46 = vector.broadcast %div3A_45 : f32 to vector<1000x1xf32>
    %div3A_47 = arith.divf %broadcast_in_dim3A_44, %div3A_46 : vector<1000x1xf32>
    %add3A_48 = arith.constant 9.99999974E-6 : f32
    %add3A_49 = vector.broadcast %add3A_48 : f32 to vector<1000x1xf32>
    %add3A_50 = arith.addf %div3A_47, %add3A_49 : vector<1000x1xf32>
    %rsqrt3A = math.rsqrt %add3A_50 : vector<1000x1xf32>
    %mul3A_51 = vector.broadcast %rsqrt3A : vector<1000x1xf32> to vector<1000x128xf32>
    %mul3A_52 = arith.mulf %sub3A_41, %mul3A_51 : vector<1000x128xf32>
    %get3A_53 = arith.constant 0 : index
    %get3A_54 = arith.constant 0 : index
    %get3A_55 = vector.load %arg6[%get3A_53, %get3A_54] : memref<1x128xf32, #tpu.memory_space<vmem>>, vector<1x128xf32>
    %mul3A_56 = vector.broadcast %get3A_55 : vector<1x128xf32> to vector<1000x128xf32>
    %mul3A_57 = arith.mulf %mul3A_52, %mul3A_56 : vector<1000x128xf32>
    %get3A_58 = arith.constant 0 : index
    %get3A_59 = arith.constant 0 : index
    %get3A_60 = vector.load %arg7[%get3A_58, %get3A_59] : memref<1x128xf32, #tpu.memory_space<vmem>>, vector<1x128xf32>
    %add3A_61 = vector.broadcast %get3A_60 : vector<1x128xf32> to vector<1000x128xf32>
    %add3A_62 = arith.addf %mul3A_57, %add3A_61 : vector<1000x128xf32>
    %swap3A = arith.constant 0 : index
    %swap3A_63 = arith.constant 0 : index
    %swap3A_64 = vector.load %arg8[%swap3A, %swap3A_63] : memref<1000x128xf32, #tpu.memory_space<vmem>>, vector<1000x128xf32>
    tpu.vector_store %arg8[%swap3A, %swap3A_63], %add3A_62 {strides = array<i32>} : memref<1000x128xf32, #tpu.memory_space<vmem>>, vector<1000x128xf32>,
    return
  }
  func.func @transform_0(%arg0: i32) -> (i32, i32, i32) {
    %c0_i32 = arith.constant 0 : i32
    %c0_i32_0 = arith.constant 0 : i32
    %c0_i32_1 = arith.constant 0 : i32
    return %c0_i32, %arg0, %c0_i32_0 : i32, i32, i32
  }
  func.func @transform_1(%arg0: i32) -> (i32, i32, i32) {
    %c0_i32 = arith.constant 0 : i32
    %c0_i32_0 = arith.constant 0 : i32
    %c0_i32_1 = arith.constant 0 : i32
    return %c0_i32, %arg0, %c0_i32_0 : i32, i32, i32
  }
  func.func @transform_2(%arg0: i32) -> (i32, i32) {
    %c0_i32 = arith.constant 0 : i32
    %c0_i32_0 = arith.constant 0 : i32
    return %arg0, %c0_i32 : i32, i32
  }
  func.func @transform_3(%arg0: i32) -> (i32, i32) {
    %c0_i32 = arith.constant 0 : i32
    %c0_i32_0 = arith.constant 0 : i32
    %c0_i32_1 = arith.constant 0 : i32
    return %c0_i32, %c0_i32_0 : i32, i32
  }
  func.func @transform_4(%arg0: i32) -> (i32, i32) {
    %c0_i32 = arith.constant 0 : i32
    %c0_i32_0 = arith.constant 0 : i32
    %c0_i32_1 = arith.constant 0 : i32
    return %c0_i32, %c0_i32_0 : i32, i32
  }
  func.func @transform_5(%arg0: i32) -> (i32, i32) {
    %c0_i32 = arith.constant 0 : i32
    %c0_i32_0 = arith.constant 0 : i32
    %c0_i32_1 = arith.constant 0 : i32
    return %c0_i32, %c0_i32_0 : i32, i32
  }
  func.func @transform_6(%arg0: i32) -> (i32, i32) {
    %c0_i32 = arith.constant 0 : i32
    %c0_i32_0 = arith.constant 0 : i32
    %c0_i32_1 = arith.constant 0 : i32
    return %c0_i32, %c0_i32_0 : i32, i32
  }
  func.func @transform_7(%arg0: i32) -> (i32, i32) {
    %c0_i32 = arith.constant 0 : i32
    %c0_i32_0 = arith.constant 0 : i32
    return %arg0, %c0_i32 : i32, i32
  }
}

</mosaic_0001>

<sc_bundles>
// kernel: kernel.5.cloned.1.call-start
scs
__scs_entry_jumppad:
0x0: {  	(pc) =	sbr.rel $0x88, $3  }
0x1: {  	(tag) =	ssettag $0x0;
	lr =	simm.s32 $0x1  }
0x2: {  	[smem:$0x3F94] =	sst lr;
	_ =	strace $0xD0000000  }
0x3: {  	_ = 	snop  }
0x4: {  	_ = 	snop  }
0x5: {  	_ = 	snop  }
0x6: {  	_ = 	snop  }
0x7: {  	_ = 	snop  }
__scs_overlays_trampoline_lowered:
0x8: {  	[smem:$0x3FA3] =	sst s0  }
0x9: {  	[smem:$0x3FA4] =	sst s1  }
0xa: {  	[smem:$0x3FA5] =	sst s2  }
0xb: {  	[smem:$0x3FA6] =	sst s3  }
0xc: {  	[smem:$0x3FA7] =	sst s4  }
0xd: {  	[smem:$0x3FA8] =	sst s5  }
0xe: {  	[smem:$0x3FA9] =	sst s6  }
0xf: {  	[smem:$0x3FAA] =	sst s7  }
0x10: {  	[smem:$0x3FAB] =	sst s8  }
0x11: {  	[smem:$0x3FAC] =	sst s9;
	s0 =	simm.s32 @!p0 $0x0  }
0x12: {  	s1 =	sld [smem:$0x3F92];
	s0 =	simm.s32 @p0 $0x1  }
0x13: {  	[smem:$0x3FAD] =	sst s0;
	s0 =	simm.s32 @!p1 $0x0  }
0x14: {  	s2 =	sld [smem:$0x3F91];
	s0 =	simm.s32 @p1 $0x1  }
0x15: {  	[smem:$0x3FAE] =	sst s0;
	s0 =	simm.s32 @!p2 $0x0  }
0x16: {  	s3 =	sld [smem:$0x3FDB];
	s0 =	simm.s32 @p2 $0x1  }
0x17: {  	s4 =	simm.s32 $0x1BF5;
	[smem:$0x3FB0] =	sst s0  }
0x18: {  	s0 =	sld [smem:$0x3F93];
	_ =	swait.ge [sflag:s4], $0x0  }
0x19: {  	s7 =	sld [smem:$0x3F94]  }
0x1a: {  	s8 =	sadd.s32 $0xFFFFE003, lr  }
0x1b: {  	s9 =	sadd.s32 $0xFFFFFEF7, lr;
	s5 =	simm.s32 $0xFFFFFFFF;
	p2 =	slt.u32 s8, $0xFFFFF086  }
0x1c: {  	p1 =	slt.u32 s9, $0xF7A;
	s5 =	simm.s32 @!p2 $0x0  }
0x1d: {  	s5 =	simm.s32 @p1 $0x1;
	p0 =	seq.s32 s7, s2  }
0x1e: {  	s7 =	smul.u32 @!p0 $0xF7A, s2;
	p2 =	seq.s32 @!p0 s5, $0x0  }
0x1f: {  	s9 =	smul.u32 $0xF7A, s1;
	s8 =	simm.s32 @!p0 $0x1BF5;
	p2 =	por !p2, p0  }
0x20: {  	[sflag:s8] =	ssyncset.s32 @!p0 $0xFFFFF086;
	s6 =	sadd.s32 @!p0 s3, s7;
	s7 =	simm.s32 @!p0 $0x108  }
0x21: {  	s3 =	sadd.s32 s3, s9;
	s6 =	sadd.s32 @!p0 $0x88, s6;
	s7 =	simm.s32 @p2 $0x1082  }
0x22: {  	[simem:s7], [sflag:s8] =	dma.local @!p0 [hbm:s6], $0xF7A  }
0x23: {  	s9 =	sor.u32 $0xD0000000, s2;
	s6 =	simm.s32 $0x108;
	_ =	swait.ge @!p0 [sflag:s8], $0x0  }
0x24: {  	s3 =	sadd.s32 $0x88, s3;
	s6 =	simm.s32 @!p1 $0x1082;
	[sflag:s4] =	ssyncset.s32 $0xFFFFF086  }
0x25: {  	[simem:s6], [sflag:s4] =	dma.local [hbm:s3], $0xF7A  }
0x26: {  	[smem:$0x3F94] =	sst s1;
	(tag) =	ssettag s2;
	_ =	strace s9  }
0x27: {  	s1 =	sld [smem:$0x3FA4]  }
0x28: {  	s2 =	sld [smem:$0x3FA5]  }
0x29: {  	s4 =	sld [smem:$0x3FA7]  }
0x2a: {  	p0 =	seq.s32 s5, $0x0;
	s5 =	sld [smem:$0x3FA8]  }
0x2b: {  	s6 =	sld [smem:$0x3FA9]  }
0x2c: {  	s7 =	sld [smem:$0x3FAA]  }
0x2d: {  	s3 =	simm.s32 $0x108;
	s8 =	sld [smem:$0x3FAB]  }
0x2e: {  	s3 =	simm.s32 @!p0 $0x1082;
	s9 =	sld [smem:$0x3FAC]  }
0x2f: {  	lr =	sadd.s32 s0, s3;
	s0 =	sld [smem:$0x3FA3]  }
0x30: {  	s3 =	sld [smem:$0x3FA6]  }
0x31: {  	[smem:$0x3FAF] =	sst s10  }
0x32: {  	s10 =	sld [smem:$0x3FAD];
	_ =	sdelay $0x3  }
0x33: {  	p0 =	seq.s32 s10, $0x1;
	s10 =	sld [smem:$0x3FAF];
	_ =	sdelay $0x3  }
0x34: {  	[smem:$0x3FAF] =	sst s10  }
0x35: {  	s10 =	sld [smem:$0x3FAE];
	_ =	sdelay $0x3  }
0x36: {  	p1 =	seq.s32 s10, $0x1;
	s10 =	sld [smem:$0x3FAF];
	_ =	sdelay $0x3  }
0x37: {  	[smem:$0x3FAF] =	sst s10  }
0x38: {  	s10 =	sld [smem:$0x3FB0]  }
0x39: {  	_ = 	snop;
	(pc) =	sbr.ind lr, $3  }
0x3a: {  	_ = 	snop  }
0x3b: {  	_ = 	snop  }
0x3c: {  	p2 =	seq.s32 s10, $0x1;
	s10 =	sld [smem:$0x3FAF]  }
0x3d: {  	_ =	shalt  }
0x3e: {  	_ =	shalt  }
0x3f: {  	_ =	shalt  }
0x40: {  	_ =	shalt  }
0x41: {  	_ =	shalt  }
0x42: {  	_ =	shalt  }
0x43: {  	_ =	shalt  }
0x44: {  	_ =	shalt  }
0x45: {  	_ =	shalt  }
0x46: {  	_ =	shalt  }
0x47: {  	_ =	shalt  }
0x48: {  	_ =	shalt  }
0x49: {  	_ =	shalt  }
0x4a: {  	_ =	shalt  }
0x4b: {  	_ =	shalt  }
0x4c: {  	_ =	shalt  }
0x4d: {  	_ =	shalt  }
0x4e: {  	_ =	shalt  }
0x4f: {  	_ =	shalt  }
0x50: {  	_ =	shalt  }
0x51: {  	_ =	shalt  }
0x52: {  	_ =	shalt  }
0x53: {  	_ =	shalt  }
0x54: {  	_ =	shalt  }
0x55: {  	_ =	shalt  }
0x56: {  	_ =	shalt  }
0x57: {  	_ =	shalt  }
0x58: {  	_ =	shalt  }
0x59: {  	_ =	shalt  }
0x5a: {  	_ =	shalt  }
0x5b: {  	_ =	shalt  }
0x5c: {  	_ =	shalt  }
0x5d: {  	_ =	shalt  }
0x5e: {  	_ =	shalt  }
0x5f: {  	_ =	shalt  }
0x60: {  	_ =	shalt  }
0x61: {  	_ =	shalt  }
0x62: {  	_ =	shalt  }
0x63: {  	_ =	shalt  }
0x64: {  	_ =	shalt  }
0x65: {  	_ =	shalt  }
0x66: {  	_ =	shalt  }
0x67: {  	_ =	shalt  }
0x68: {  	_ =	shalt  }
0x69: {  	_ =	shalt  }
0x6a: {  	_ =	shalt  }
0x6b: {  	_ =	shalt  }
0x6c: {  	_ =	shalt  }
0x6d: {  	_ =	shalt  }
0x6e: {  	_ =	shalt  }
0x6f: {  	_ =	shalt  }
0x70: {  	_ =	shalt  }
0x71: {  	_ =	shalt  }
0x72: {  	_ =	shalt  }
0x73: {  	_ =	shalt  }
0x74: {  	_ =	shalt  }
0x75: {  	_ =	shalt  }
0x76: {  	_ =	shalt  }
0x77: {  	_ =	shalt  }
0x78: {  	_ =	shalt  }
0x79: {  	_ =	shalt  }
0x7a: {  	_ =	shalt  }
0x7b: {  	_ =	shalt  }
0x7c: {  	_ =	shalt  }
0x7d: {  	_ =	shalt  }
0x7e: {  	_ =	shalt  }
0x7f: {  	_ =	shalt  }
0x80: {  	_ =	shalt  }
0x81: {  	_ =	shalt  }
0x82: {  	_ =	shalt  }
0x83: {  	_ =	shalt  }
0x84: {  	_ =	shalt  }
0x85: {  	_ =	shalt  }
0x86: {  	_ =	shalt  }
0x87: {  	_ =	shalt  }
.Lfunc_end0:
.L_simem_size_0:
called_computation_lowered:
.L_overlay_start_0:
0x88: {  	s2 =	sld [smem:$0x3FD9]  }
0x89: {  	s3 =	sld [smem:$0x3FFE];
	_ =	sdelay $0x1  }
0x8a: {  	s1 =	srdreg.scid  }
0x8b: {  	s0 =	sand.u32 $0x1, s1  }
0x8c: {  	s17 =	sshll.u32 s0, $0xA;
	s2 =	sadd.s32 s3, s2  }
0x8d: {  	s2 =	sadd.s32 s2, s17  }
0x8e: {  	[smem:$0x3FBB] =	sst s2  }
0x8f: {  	_ = 	snop  }
0x90: {  	s2 =	sld [smem:$0x3FD0];
	(tm) =	ssettm $0x1  }
0x91: {  	s18 =	sld [smem:$0x3FFB];
	_ =	sdelay $0x3  }
0x92: {  	_ =	strace s18  }
0x93: {  	s3 =	sld [smem:$0x3FFC];
	_ =	sdelay $0x3  }
0x94: {  	_ =	strace s3  }
0x95: {  	s3 =	sld [smem:$0x3FFD];
	_ =	sdelay $0x3  }
0x96: {  	_ =	strace s3  }
0x97: {  	_ =	strace $0x8FFFFFFF  }
0x98: {  	s19 =	sld [smem:$0x3FDB];
	_ =	sdelay $0x1  }
0x99: {  	s4 =	simm.s32 $_scs_section_size  }
0x9a: {  	s5 =	simm.s32 $_size__tile_overlayer_lowered;
	s6 =	simm.s32 $_tile_overlayer_lowered  }
0x9b: {  	s22 =	simm.s32 $0x1BFF;
	s21 =	sshll.u32 s6, $0x1;
	s3 =	sadd.s32 s4, s19  }
0x9c: {  	s7 =	simm.s32 $0x0;
	s20 =	sshll.u32 s5, $0x1;
	s5 =	sadd.s32 s21, s3  }
0x9d: {  	[timem:s7], [sflag:s22] =	dma.local [hbm:s5], s20  }
0x9e: {  	_ =	swait.ge [sflag:s22], s20  }
0x9f: {  	s4 =	ssub.s32 $0x0, s20;
	[sflag:s22] =	ssyncset.done $0x0  }
0xa0: {  	[sflag:s22] =	ssyncadd.s32 s4;
	_ =	sdelay $0x1  }
0xa1: {  	s23 =	simm.s32 $0x1B8B  }
0xa2: {  	_ =	swait.ge [sflag:s23], $0x1  }
0xa3: {  	[sflag:s23] =	ssyncset.done $0x0  }
0xa4: {  	s25 =	simm.s32 $0x1B8E;
	s24 =	sld [smem:$0x3FFE];
	[sflag:s23] =	ssyncadd.s32 $0xFFFFFFFF  }
0xa5: {  	s26 =	simm.s32 $execute0_lowered;
	[smem:$0x3FD2] =	sst s25  }
0xa6: {  	s5 =	sshll.u32 s26, $0x1;
	_ =	strace $0x80000046;
	[dreg:$0x1] =	wrdreg $0xFFFFFFFF  }
0xa7: {  	s28 =	simm.s32 $_size_execute0_lowered;
	s3 =	sadd.s32 s3, s5;
	[dreg:$0x0] =	wrdreg $0x0  }
0xa8: {  	s5 =	sshll.u32 s28, $0x1;
	[dreg:$0x2] =	wrdreg s3  }
0xa9: {  	[dreg:$0x3] =	wrdreg s5  }
0xaa: {  	[dreg:$0x4] =	wrdreg $0xC0  }
0xab: {  	_ =	task [dreg:s7], $0x5FFFF  }
0xac: {  	[dreg:$0x1] =	wrdreg $0xFFFFFFFF  }
0xad: {  	[dreg:$0x0] =	wrdreg $0x60  }
0xae: {  	[dreg:$0x2] =	wrdreg s2  }
0xaf: {  	[dreg:$0x3] =	wrdreg s24  }
0xb0: {  	[dreg:$0x4] =	wrdreg $0xB2000  }
0xb1: {  	[dreg:$0x5] =	wrdreg $0x1EA800  }
0xb2: {  	[dreg:$0x6] =	wrdreg $0x9  }
0xb3: {  	_ =	task.clear_ibuf [dreg:s7], $0x7FFFF;
	_ =	strace $0x90000046  }
0xb4: {  	s29 =	simm.s32 $0x9;
	_ =	strace $0x80000048  }
0xb5: {  	_ =	swait.ge [sflag:s29], $0x1  }
0xb6: {  	[sflag:s29] =	ssyncadd.s32 $0xFFFFFFFF  }
0xb7: {  	_ =	strace $0x90000048  }
0xb8: {  	_ =	sfence  }
0xb9: {  	s30 =	sld [smem:$0x0];
	_ =	sdelay $0x2  }
0xba: {  	s31 =	sshll.u32 s1, $0xD;
	s1 =	sshrl.u32 s1, $0x2  }
0xbb: {  	s3 =	sand.u32 $0x4000, s31;
	s1 =	sadd.s32 s1, s30  }
0xbc: {  	s0 =	sor.u32 s3, s0;
	s1 =	sshll.u32 s1, $0x11  }
0xbd: {  	s0 =	sor.u32 s1, s0  }
0xbe: {  	s0 =	sadd.s32 $0x8F2B, s0  }
0xbf: {  	[sflag:s0] =	ssyncadd.remote.s32 $0x1  }
0xc0: {  	_ =	sfence.sel $0xFFFF  }
0xc1: {  	[dreg:$0x0] =	wrdreg $0xFFFFFFFF;
	(pc) =	sbr.abs _section_cstart, $3  }
0xc2: {  	[dreg:$0x1] =	wrdreg $0xFFFFFFFF  }
0xc3: {  	_ =	task.clear_ibuf [dreg:s7], $0x2FFFF;
	_ =	strace $0x9FFFFFFF  }
0xc4: {  	(tm) =	ssettm $0x7FFFFFFF  }
0xc5: {  	_ =	shalt  }
tec
execute0_lowered:
.L_overlay_start_1:
0x0: {  	(tag) =	ssettag $0x1  }
0x1: {  	s1 =	rddreg [dreg:$0x1]  }
0x2: {  	s0 =	rddreg [dreg:$0x2]  }
0x3: {  	s2 =	srdreg.scid;
	s5 =	rddreg [dreg:$0x3]  }
0x4: {  	s6 =	simm.s32 $0x0;
	s3 =	sand.u32 $0x1, s2;
	s2 =	stileid.u32  }
0x5: {  	[smem:$0x7FF] =	sst s6;
	s30 =	sadd.s32 $0x82400, s1;
	s7 =	smul.u32 $0x2710, s3  }
0x6: {  	s4 =	sshll.u32 s3, $0x4;
	_ =	strace $0x80000047;
	s8 =	smul.u32 $0x50, s2  }
0x7: {  	p0 =	sgt.s32 s2, $0x1;
	s29 =	sshll.u32 s2, $0x7;
	s10 =	smul.u32 $0x138800, s3  }
0x8: {  	s11 =	smul.u32 $0x2800, s2;
	s12 =	sor.u32 $0x10, s2;
	s3 =	ssub.s32 $0x2, s3  }
0x9: {  	s4 =	sor.u32 s2, s4;
	p1 =	seq.s32 @p0 s2, $0x2;
	p3 =	seq.s32 @!p0 s2, $0x0  }
0xa: {  	s6 =	sand.u32 $0x380, s29;
	s13 =	smul.u32 $0x2800, s12;
	s19 =	sshrl.u32 s3, $0x1  }
0xb: {  	s29 =	sadd.s32 $0x5A800, s1;
	s4 =	sshrl.u32 s4, $0x3;
	p4 =	por !p1, !p0  }
0xc: {  	p5 =	por p1, !p0;
	[dreg:$0xe] =	wrdreg s29;
	s29 =	smul.u32 $0xA000, s2  }
0xd: {  	s16 =	sadd.s32 s8, s7;
	s7 =	sor.u32 $0x40, s2;
	s4 =	smul.u32 $0x13C00, s4  }
0xe: {  	p1 =	por !p3, p0;
	s8 =	sor.u32 $0x50, s2;
	s18 =	smul.u32 $0x2800, s7  }
0xf: {  	s19 =	ssub.s32 s3, s19;
	s3 =	sor.u32 $0x70, s2;
	s20 =	smul.u32 $0x2800, s8  }
0x10: {  	p6 =	por p3, p0;
	s11 =	sadd.s32 s10, s11;
	s22 =	smul.u32 $0x2800, s3  }
0x11: {  	s9 =	simm.s32 @!p1 $0x0;
	s13 =	sadd.s32 s10, s13;
	s7 =	smul.u32 $0xA000, s7  }
0x12: {  	s11 =	sshrl.u32 s11, $0x3;
	s8 =	smul.u32 $0xA000, s8;
	s9 =	simm.s32 @p1 $0x1  }
0x13: {  	p1 =	sgt.s32 s2, $0x5;
	s13 =	sshrl.u32 s13, $0x3;
	s11 =	sadd.s32 s30, s11  }
0x14: {  	[smem:$0x7E6] =	sst s9;
	p0 =	seq.s32 @p1 s2, $0x6;
	p3 =	seq.s32 @!p1 s2, $0x4  }
0x15: {  	s4 =	sor.u32 s6, s4;
	s18 =	sadd.s32 s10, s18;
	s20 =	sadd.s32 s10, s20  }
0x16: {  	[dreg:$0x5] =	wrdreg s11;
	s31 =	sadd.s32 s30, s13;
	p2 =	por !p0, !p1  }
0x17: {  	p0 =	por p0, !p1;
	s6 =	sshrl.u32 s4, $0x3;
	s4 =	sor.u32 $0x20, s2  }
0x18: {  	[dreg:$0x6] =	wrdreg s31;
	s24 =	sshrl.u32 s20, $0x3;
	s31 =	sadd.s32 $0x7F100, s1  }
0x19: {  	s20 =	sadd.s32 $0x70700, s1;
	s9 =	simm.s32 @!p2 $0x0;
	s15 =	sadd.s32 s6, s1  }
0x1a: {  	s14 =	smul.u32 $0x2800, s4;
	s6 =	sor.u32 $0x30, s2;
	[dreg:$0x10] =	wrdreg s31  }
0x1b: {  	[dreg:$0x16] =	wrdreg s20;
	s9 =	simm.s32 @p2 $0x1;
	p2 =	por !p3, p1  }
0x1c: {  	p1 =	por p3, p1;
	s17 =	smul.u32 $0x2800, s6;
	s28 =	sadd.s32 $0x2200, s15  }
0x1d: {  	s15 =	sadd.s32 $0x7A300, s1;
	s6 =	smul.u32 $0xA000, s6;
	[smem:$0x7E0] =	sst s9  }
0x1e: {  	p3 =	sgt.u32 s3, $0x7C;
	s9 =	sor.u32 $0x60, s2;
	[dreg:$0xd] =	wrdreg s28  }
0x1f: {  	s14 =	sadd.s32 s10, s14;
	[dreg:$0x12] =	wrdreg s15;
	s28 =	sadd.s32 $0x5F600, s1  }
0x20: {  	s13 =	sshrl.u32 s14, $0x3;
	[dreg:$0x1d] =	wrdreg s28;
	s28 =	sadd.s32 $0xEA000, s0  }
0x21: {  	s17 =	sadd.s32 s10, s17;
	s11 =	sadd.s32 s30, s13;
	[smem:$0x7F9] =	sst s28  }
0x22: {  	s14 =	sshrl.u32 s17, $0x3;
	s13 =	sadd.s32 $0x7CA00, s1;
	[dreg:$0x7] =	wrdreg s11  }
0x23: {  	s17 =	sshrl.u32 s18, $0x3;
	s18 =	sadd.s32 s30, s14;
	[dreg:$0x11] =	wrdreg s13  }
0x24: {  	s21 =	smul.u32 $0x2800, s9;
	s23 =	sadd.s32 s30, s17;
	[dreg:$0x8] =	wrdreg s18  }
0x25: {  	s3 =	smul.u32 $0xA000, s3;
	s11 =	sadd.s32 s30, s24;
	[dreg:$0x9] =	wrdreg s23  }
0x26: {  	s21 =	sadd.s32 s10, s21;
	s17 =	sadd.s32 $0x75500, s1;
	[dreg:$0xa] =	wrdreg s11  }
0x27: {  	s10 =	sadd.s32 s10, s22;
	s22 =	sadd.s32 $0x6B900, s1;
	[dreg:$0x14] =	wrdreg s17  }
0x28: {  	s6 =	sshrl.u32 s6, $0x2;
	s24 =	sadd.s32 $0x66B00, s1;
	[dreg:$0x18] =	wrdreg s22  }
0x29: {  	s3 =	sshrl.u32 s3, $0x2;
	s6 =	sadd.s32 s6, s0;
	[dreg:$0x1a] =	wrdreg s24  }
0x2a: {  	s3 =	sadd.s32 s3, s0;
	s20 =	sshrl.u32 s6, $0x3;
	s17 =	sld [smem:$0x7E0]  }
0x2b: {  	s7 =	sshrl.u32 s7, $0x2;
	s3 =	sshrl.u32 @!p3 s3, $0x3;
	[smem:$0x7EC] =	sst s20  }
0x2c: {  	s13 =	sshrl.u32 s29, $0x2;
	s29 =	sadd.s32 $0xD6800, s0;
	[smem:$0x7F0] =	sst s3  }
0x2d: {  	s8 =	sshrl.u32 s8, $0x2;
	s18 =	sadd.s32 $0x72E00, s1;
	[smem:$0x7FA] =	sst s29  }
0x2e: {  	s25 =	sshrl.u32 s21, $0x3;
	s21 =	sadd.s32 $0x6E000, s1;
	[dreg:$0x15] =	wrdreg s18  }
0x2f: {  	s7 =	sadd.s32 s7, s0;
	s23 =	sadd.s32 $0x69200, s1;
	[dreg:$0x17] =	wrdreg s21  }
0x30: {  	s8 =	sadd.s32 s8, s0;
	s31 =	smul.u32 $0xA000, s4;
	[dreg:$0x19] =	wrdreg s23  }
0x31: {  	s15 =	smul.u32 $0x140, s2;
	s22 =	sshrl.u32 s8, $0x3;
	s18 =	sld [smem:$0x7E6]  }
0x32: {  	s10 =	sshrl.u32 s10, $0x3;
	s26 =	sadd.s32 s30, s25;
	[smem:$0x7EE] =	sst s22  }
0x33: {  	s9 =	smul.u32 $0xA000, s9;
	s10 =	sadd.s32 s30, s10;
	[dreg:$0xb] =	wrdreg s26  }
0x34: {  	s11 =	smul.u32 $0xA000, s12;
	s30 =	sadd.s32 $0x5A200, s1;
	[dreg:$0xc] =	wrdreg s10  }
0x35: {  	s12 =	sshrl.u32 s15, $0x2;
	s25 =	sadd.s32 $0x64400, s1;
	[dreg:$0xf] =	wrdreg s30  }
0x36: {  	s4 =	sadd.s32 s13, s0;
	s5 =	sadd.s32 s12, s5;
	[dreg:$0x1b] =	wrdreg s25  }
0x37: {  	s9 =	sshrl.u32 s9, $0x2;
	s4 =	sshrl.u32 s4, $0x3;
	[smem:$0x7D8] =	sst s5  }
0x38: {  	s9 =	sadd.s32 s9, s0;
	s21 =	sshrl.u32 s7, $0x3;
	[smem:$0x7E9] =	sst s4  }
0x39: {  	s16 =	sshrl.u32 s16, $0x3;
	s23 =	sshrl.u32 s9, $0x3;
	[smem:$0x7ED] =	sst s21  }
0x3a: {  	s10 =	sadd.s32 s16, s1;
	s16 =	sadd.s32 $0x77C00, s1;
	[smem:$0x7EF] =	sst s23  }
0x3b: {  	s26 =	sadd.s32 $0x61D00, s1;
	[dreg:$0x13] =	wrdreg s16  }
0x3c: {  	s14 =	sadd.s32 $0xC000, s1;
	s1 =	sadd.s32 $0x5CF00, s1;
	[dreg:$0x1c] =	wrdreg s26  }
0x3d: {  	s30 =	smax.u32 s19, $0x1;
	[dreg:$0x1e] =	wrdreg s1  }
0x3e: {  	s5 =	simm.s32 @!p4 $0x0;
	[dreg:$0x1f] =	wrdreg s30;
	s16 =	sadd.s32 $0x81A00, s10  }
0x3f: {  	s10 =	sadd.s32 $0x27000, s0;
	s5 =	simm.s32 @p4 $0x1;
	[smem:$0x7D9] =	sst s16  }
0x40: {  	s12 =	sadd.s32 $0x13800, s0;
	[smem:$0x7DA] =	sst s5;
	s5 =	sshrl.u32 @!p4 s10, $0x3  }
0x41: {  	s26 =	sadd.s32 $0xFD800, s0;
	[smem:$0x7DB] =	sst s5;
	s5 =	simm.s32 @!p5 $0x0  }
0x42: {  	s10 =	sadd.s32 $0x3A800, s0;
	[smem:$0x7F8] =	sst s26;
	s5 =	simm.s32 @p5 $0x1  }
0x43: {  	s1 =	sshrl.u32 s31, $0x2;
	[smem:$0x7DC] =	sst s5;
	s5 =	sshrl.u32 @!p5 s10, $0x3  }
0x44: {  	s30 =	sadd.s32 $0xC3000, s0;
	[smem:$0x7DD] =	sst s5;
	s5 =	simm.s32 @!p6 $0x0  }
0x45: {  	[smem:$0x7FB] =	sst s30;
	s10 =	sadd.s32 $0x75000, s0;
	s5 =	simm.s32 @p6 $0x1  }
0x46: {  	[smem:$0x7DE] =	sst s5;
	s5 =	sshrl.u32 @!p6 s12, $0x3;
	p6 =	seq.s32 s17, $0x1  }
0x47: {  	s1 =	sadd.s32 s1, s0;
	[smem:$0x7DF] =	sst s5;
	s5 =	sshrl.u32 @!p6 s10, $0x3  }
0x48: {  	s1 =	sshrl.u32 s1, $0x3;
	[smem:$0x7E1] =	sst s5;
	s5 =	simm.s32 @!p0 $0x0  }
0x49: {  	[smem:$0x7EB] =	sst s1;
	s10 =	sadd.s32 $0x88800, s0;
	s5 =	simm.s32 @p0 $0x1  }
0x4a: {  	s24 =	sadd.s32 $0x111000, s0;
	[smem:$0x7E2] =	sst s5;
	s5 =	sshrl.u32 @!p0 s10, $0x3  }
0x4b: {  	s1 =	sshrl.u32 s24, $0x3;
	[smem:$0x7E3] =	sst s5;
	s5 =	simm.s32 @!p2 $0x0  }
0x4c: {  	[smem:$0x7F1] =	sst s1;
	s12 =	sadd.s32 $0x4E000, s0;
	s5 =	simm.s32 @p2 $0x1  }
0x4d: {  	s11 =	sshrl.u32 s11, $0x2;
	[smem:$0x7E4] =	sst s5;
	s5 =	sshrl.u32 @!p2 s12, $0x3  }
0x4e: {  	s25 =	sadd.s32 $0x124800, s0;
	[smem:$0x7E5] =	sst s5;
	s5 =	simm.s32 @!p1 $0x0  }
0x4f: {  	s1 =	sshrl.u32 s25, $0x3;
	s10 =	sadd.s32 $0x61800, s0;
	s5 =	simm.s32 @p1 $0x1  }
0x50: {  	[smem:$0x7E7] =	sst s5;
	s5 =	sshrl.u32 @!p1 s10, $0x3;
	p1 =	sgt.s32 s2, $0x7  }
0x51: {  	s11 =	sadd.s32 s11, s0;
	[smem:$0x7F2] =	sst s1;
	s1 =	simm.s32 @!p1 $0x0  }
0x52: {  	p0 =	por p3, p3;
	p3 =	sgt.s32 s2, $0x3;
	s1 =	simm.s32 @p1 $0x1  }
0x53: {  	s31 =	sadd.s32 $0xAF800, s0;
	[smem:$0x7F3] =	sst s1;
	s1 =	simm.s32 @!p3 $0x0  }
0x54: {  	v3 =	vlaneseq.u32;
	[smem:$0x7FC] =	sst s31;
	s1 =	simm.s32 @p3 $0x1;
	p3 =	sgt.s32 s2, $0xB  }
0x55: {  	vm0 =	vmmov $0xffff;
	v2 =	vshrl.u32 v3, $0x3;
	v0 =	vmul.u32 $0x80, v3;
	s19 =	sshrl.u32 s11, $0x3;
	[smem:$0x7F4] =	sst s1;
	s1 =	simm.s32 @!p3 $0x0  }
0x56: {  	v1 =	vand.u32 $0x7, v3;
	v3 =	vor.u32 $0x8, v3;
	v2 =	vmul.u32 $0x8, v2;
	[smem:$0x7EA] =	sst s19;
	p1 =	sgt.s32 s2, $0x9;
	s1 =	simm.s32 @p3 $0x1  }
0x57: {  	v4 =	vor.u32 $0x1, v0;
	v5 =	vor.u32 $0x2, v0;
	v6 =	vor.u32 $0x3, v0;
	s0 =	sadd.s32 $0x9C000, s0;
	[smem:$0x7F5] =	sst s1;
	s1 =	simm.s32 @!p1 $0x0  }
0x58: {  	v7 =	vor.u32 $0x4, v0;
	v8 =	vor.u32 $0x5, v0;
	v9 =	vor.u32 $0x6, v0;
	[smem:$0x7FD] =	sst s0;
	s1 =	simm.s32 @p1 $0x1;
	p1 =	seq.s32 @p1 s2, $0xA  }
0x59: {  	v10 =	vor.u32 $0x7, v0;
	v11 =	vor.u32 $0x8, v0;
	v12 =	vor.u32 $0x9, v0;
	[smem:$0x7F6] =	sst s1;
	s1 =	simm.s32 @!p1 $0x0  }
0x5a: {  	v13 =	vor.u32 $0xA, v0;
	v14 =	vor.u32 $0xB, v0;
	v15 =	vor.u32 $0xC, v0;
	s9 =	simm.s32 $0xA980;
	[smem:$0x7E8] =	sst s5;
	s1 =	simm.s32 @p1 $0x1  }
0x5b: {  	v16 =	vor.u32 $0xD, v0;
	v17 =	vor.u32 $0xE, v0;
	v18 =	vor.u32 $0xF, v0;
	p2 =	seq.s32 s18, $0x1;
	[smem:$0x7F7] =	sst s1;
	s1 =	simm.s32 $0x0  }
.LBB2_1:
0x5c: {  	[smem:$0x7D7] =	sst s1  }
0x5d: {  	s0 =	simm.s32 $0x0;
	s29 =	rddreg [dreg:$0xd]  }
0x5e: {  	s3 =	simm.s32 $0x80;
	s4 =	simm.s32 $0x400;
	s30 =	simm.s32 $0xA  }
0x5f: {  	[tilespmem:s0], [sflag:$0xA] =	stream.strided.gather [hbm4b:s29+s3], $0x2780, s4, s3, $0x38;
	[tilespmem:$0x1ECF8] =	vst v63  }
0x60: {  	_ =	swait.ge [sflag:s30], $0x2780  }
0x61: {  	s31 =	sld [smem:$0x7F3];
	_ =	sdelay $0x2  }
0x62: {  	p1 =	seq.s32 s31, $0x1  }
.Ltmp0:
0x63: {  	_ = 	snop;
	(pc) =	sbr.rel @p1 .LBB2_5-.Ltmp0, $3  }
0x64: {  	_ =	sdelay $0x1  }
0x65: {  	[sflag:s30] =	ssyncset.done $0x0  }
0x66: {  	[sflag:s30] =	ssyncadd.s32 $0xFFFFD880  }
0x67: {  	s0 =	sld [smem:$0x7F4];
	_ =	sdelay $0x2  }
0x68: {  	p1 =	seq.s32 s0, $0x1  }
.Ltmp1:
0x69: {  	_ = 	snop;
	(pc) =	sbr.rel @p1 .LBB2_4-.Ltmp1, $1  }
0x6a: {  	_ =	sdelay $0x3  }
0x6b: {  	s0 =	sld [smem:$0x7DA];
	_ =	sdelay $0x1  }
0x6c: {  	s3 =	sld [smem:$0x7DB]  }
0x6d: {  	p1 =	seq.s32 s0, $0x1  }
0x6e: {  	s0 =	rddreg [dreg:$0x1d];
	s1 =	simm.s32 @!p1 $0x1C89  }
0x6f: {  	[spmem:s3], [sflag:s1] =	dma.local @!p1 [hbm:s0], $0x2700  }
0x70: {  	s1 =	simm.s32 @!p1 $0x9  }
0x71: {  	_ =	swait.ge @!p1 [sflag:s1], $0x2700  }
0x72: {  	s30 =	sld [smem:$0x7DC];
	_ =	sdelay $0x1  }
0x73: {  	[sflag:s1] =	ssyncset.done @!p1 $0x0;
	s3 =	sld [smem:$0x7DD]  }
0x74: {  	[sflag:s1] =	ssyncadd.s32 @!p1 $0xFFFFD900;
	p1 =	seq.s32 s30, $0x1  }
0x75: {  	s0 =	rddreg [dreg:$0x1c];
	s1 =	simm.s32 @!p1 $0x1CC9  }
0x76: {  	[spmem:s3], [sflag:s1] =	dma.local @!p1 [hbm:s0], $0x2700  }
0x77: {  	s1 =	simm.s32 @!p1 $0x9  }
0x78: {  	_ =	swait.ge @!p1 [sflag:s1], $0x2700  }
0x79: {  	[sflag:s1] =	ssyncset.done @!p1 $0x0  }
0x7a: {  	[sflag:s1] =	ssyncadd.s32 @!p1 $0xFFFFD900  }
0x7b: {  	s0 =	rddreg [dreg:$0x2]  }
0x7c: {  	s3 =	simm.s32 @!p2 $0x1C09;
	s1 =	sshrl.u32 @!p2 s0, $0x3;
	s0 =	rddreg [dreg:$0xe]  }
0x7d: {  	[spmem:s1], [sflag:s3] =	dma.local @!p2 [hbm:s0], $0x2700  }
0x7e: {  	s0 =	rddreg [dreg:$0x3]  }
0x7f: {  	s1 =	sshrl.u32 @!p2 s0, $0x3;
	s0 =	rddreg [dreg:$0xf]  }
0x80: {  	[spmem:s1], [sflag:s3] =	dma.local @!p2 [hbm:s0], $0x4F0  }
0x81: {  	s1 =	simm.s32 @!p2 $0x9  }
0x82: {  	_ =	swait.ge @!p2 [sflag:s1], $0x2700  }
0x83: {  	[sflag:s1] =	ssyncset.done @!p2 $0x0  }
0x84: {  	[sflag:s1] =	ssyncadd.s32 @!p2 $0xFFFFD900  }
0x85: {  	_ =	swait.ge @!p2 [sflag:s1], $0x4F0  }
0x86: {  	s31 =	sld [smem:$0x7DE];
	_ =	sdelay $0x1  }
0x87: {  	s3 =	sld [smem:$0x7DF]  }
0x88: {  	[sflag:s1] =	ssyncset.done @!p2 $0x0;
	p1 =	seq.s32 s31, $0x1  }
0x89: {  	s0 =	rddreg [dreg:$0x1e];
	[sflag:s1] =	ssyncadd.s32 @!p2 $0xFFFFFB10;
	s1 =	simm.s32 @!p1 $0x1C49  }
0x8a: {  	[spmem:s3], [sflag:s1] =	dma.local @!p1 [hbm:s0], $0x2700  }
.Ltmp2:
0x8b: {  	_ = 	snop;
	(pc) =	sbr.rel .LBB2_10-.Ltmp2, $4  }
0x8c: {  	s1 =	simm.s32 @!p1 $0x9  }
0x8d: {  	_ =	swait.ge @!p1 [sflag:s1], $0x2700  }
0x8e: {  	[sflag:s1] =	ssyncset.done @!p1 $0x0  }
0x8f: {  	[sflag:s1] =	ssyncadd.s32 @!p1 $0xFFFFD900  }
.LBB2_5:
0x90: {  	s0 =	sld [smem:$0x7F5];
	_ =	sdelay $0x2  }
0x91: {  	p1 =	seq.s32 s0, $0x1  }
.Ltmp3:
0x92: {  	_ = 	snop;
	(pc) =	sbr.rel @p1 .LBB2_7-.Ltmp3, $1  }
0x93: {  	_ =	sdelay $0x3  }
0x94: {  	s0 =	sld [smem:$0x7F6]  }
0x95: {  	s31 =	sld [smem:$0x7F7];
	_ =	sdelay $0x1  }
0x96: {  	p5 =	seq.s32 s0, $0x1;
	s0 =	sld [smem:$0x7FB]  }
0x97: {  	p3 =	seq.s32 s31, $0x1  }
0x98: {  	p1 =	por !p3, !p5  }
0x99: {  	s3 =	simm.s32 @!p1 $0x1E89;
	s1 =	sshrl.u32 @!p1 s0, $0x3;
	s0 =	rddreg [dreg:$0x15]  }
0x9a: {  	[spmem:s1], [sflag:s3] =	dma.local @!p1 [hbm:s0], $0x2700  }
0x9b: {  	s1 =	simm.s32 @!p1 $0x9  }
0x9c: {  	_ =	swait.ge @!p1 [sflag:s1], $0x2700  }
0x9d: {  	s0 =	sld [smem:$0x7FA]  }
0x9e: {  	p3 =	por p3, !p5  }
0x9f: {  	s3 =	simm.s32 @!p3 $0x1EC9;
	[sflag:s1] =	ssyncset.done @!p1 $0x0  }
0xa0: {  	[sflag:s1] =	ssyncadd.s32 @!p1 $0xFFFFD900;
	s1 =	sshrl.u32 @!p3 s0, $0x3;
	s0 =	rddreg [dreg:$0x14]  }
0xa1: {  	[spmem:s1], [sflag:s3] =	dma.local @!p3 [hbm:s0], $0x2700  }
0xa2: {  	s1 =	simm.s32 @!p3 $0x9  }
0xa3: {  	_ =	swait.ge @!p3 [sflag:s1], $0x2700  }
0xa4: {  	p1 =	seq.s32 @!p5 s2, $0x8;
	s0 =	sld [smem:$0x7FD]  }
0xa5: {  	p4 =	por !p1, p5  }
0xa6: {  	s3 =	simm.s32 @!p4 $0x1E09;
	[sflag:s1] =	ssyncset.done @!p3 $0x0  }
0xa7: {  	[sflag:s1] =	ssyncadd.s32 @!p3 $0xFFFFD900;
	s1 =	sshrl.u32 @!p4 s0, $0x3;
	s0 =	rddreg [dreg:$0x17]  }
0xa8: {  	[spmem:s1], [sflag:s3] =	dma.local @!p4 [hbm:s0], $0x2700  }
0xa9: {  	s1 =	simm.s32 @!p4 $0x9  }
0xaa: {  	_ =	swait.ge @!p4 [sflag:s1], $0x2700  }
0xab: {  	s0 =	sld [smem:$0x7FC]  }
0xac: {  	p1 =	por p1, p5  }
0xad: {  	s3 =	simm.s32 @!p1 $0x1E49;
	[sflag:s1] =	ssyncset.done @!p4 $0x0  }
0xae: {  	[sflag:s1] =	ssyncadd.s32 @!p4 $0xFFFFD900;
	s1 =	sshrl.u32 @!p1 s0, $0x3;
	s0 =	rddreg [dreg:$0x16]  }
0xaf: {  	[spmem:s1], [sflag:s3] =	dma.local @!p1 [hbm:s0], $0x2700  }
.Ltmp4:
0xb0: {  	_ = 	snop;
	(pc) =	sbr.rel .LBB2_10-.Ltmp4, $4  }
0xb1: {  	s1 =	simm.s32 @!p1 $0x9  }
0xb2: {  	_ =	swait.ge @!p1 [sflag:s1], $0x2700  }
0xb3: {  	[sflag:s1] =	ssyncset.done @!p1 $0x0  }
0xb4: {  	[sflag:s1] =	ssyncadd.s32 @!p1 $0xFFFFD900  }
.LBB2_4:
0xb5: {  	s3 =	sld [smem:$0x7E1];
	_ =	sdelay $0x1  }
0xb6: {  	s1 =	simm.s32 @!p6 $0x1D89;
	s0 =	rddreg [dreg:$0x19]  }
0xb7: {  	[spmem:s3], [sflag:s1] =	dma.local @!p6 [hbm:s0], $0x2700  }
0xb8: {  	s1 =	simm.s32 @!p6 $0x9  }
0xb9: {  	_ =	swait.ge @!p6 [sflag:s1], $0x2700  }
0xba: {  	s29 =	sld [smem:$0x7E2];
	_ =	sdelay $0x1  }
0xbb: {  	s3 =	sld [smem:$0x7E3]  }
0xbc: {  	p1 =	por p0, p0;
	[sflag:s1] =	ssyncset.done @!p6 $0x0;
	p0 =	seq.s32 s29, $0x1  }
0xbd: {  	s0 =	rddreg [dreg:$0x18];
	[sflag:s1] =	ssyncadd.s32 @!p6 $0xFFFFD900;
	s1 =	simm.s32 @!p0 $0x1DC9  }
0xbe: {  	[spmem:s3], [sflag:s1] =	dma.local @!p0 [hbm:s0], $0x2700  }
0xbf: {  	s1 =	simm.s32 @!p0 $0x9  }
0xc0: {  	_ =	swait.ge @!p0 [sflag:s1], $0x2700  }
0xc1: {  	s30 =	sld [smem:$0x7E4];
	_ =	sdelay $0x1  }
0xc2: {  	[sflag:s1] =	ssyncset.done @!p0 $0x0;
	s3 =	sld [smem:$0x7E5]  }
0xc3: {  	[sflag:s1] =	ssyncadd.s32 @!p0 $0xFFFFD900;
	p0 =	seq.s32 s30, $0x1  }
0xc4: {  	s0 =	rddreg [dreg:$0x1b];
	s1 =	simm.s32 @!p0 $0x1D09  }
0xc5: {  	[spmem:s3], [sflag:s1] =	dma.local @!p0 [hbm:s0], $0x2700  }
0xc6: {  	s1 =	simm.s32 @!p0 $0x9  }
0xc7: {  	_ =	swait.ge @!p0 [sflag:s1], $0x2700  }
0xc8: {  	s31 =	sld [smem:$0x7E7];
	_ =	sdelay $0x1  }
0xc9: {  	[sflag:s1] =	ssyncset.done @!p0 $0x0;
	s3 =	sld [smem:$0x7E8]  }
0xca: {  	[sflag:s1] =	ssyncadd.s32 @!p0 $0xFFFFD900;
	p0 =	seq.s32 s31, $0x1  }
0xcb: {  	s0 =	rddreg [dreg:$0x1a];
	s1 =	simm.s32 @!p0 $0x1D49  }
0xcc: {  	[spmem:s3], [sflag:s1] =	dma.local @!p0 [hbm:s0], $0x2700  }
.Ltmp5:
0xcd: {  	_ = 	snop;
	(pc) =	sbr.rel .LBB2_10-.Ltmp5, $4  }
0xce: {  	s1 =	simm.s32 @!p0 $0x9  }
0xcf: {  	_ =	swait.ge @!p0 [sflag:s1], $0x2700  }
0xd0: {  	[sflag:s1] =	ssyncset.done @!p0 $0x0  }
0xd1: {  	[sflag:s1] =	ssyncadd.s32 @!p0 $0xFFFFD900;
	p0 =	por p1, p1  }
.LBB2_7:
0xd2: {  	p1 =	sgt.s32 s2, $0xD  }
.Ltmp6:
0xd3: {  	_ = 	snop;
	(pc) =	sbr.rel @p1 .LBB2_9-.Ltmp6, $1  }
0xd4: {  	_ =	sdelay $0x3  }
0xd5: {  	s0 =	sld [smem:$0x7F9];
	_ =	sdelay $0x1  }
0xd6: {  	p1 =	seq.s32 s2, $0xC  }
0xd7: {  	s3 =	simm.s32 @p1 $0x1F09;
	s1 =	sshrl.u32 @p1 s0, $0x3;
	s0 =	rddreg [dreg:$0x13]  }
0xd8: {  	[spmem:s1], [sflag:s3] =	dma.local @p1 [hbm:s0], $0x2700  }
0xd9: {  	s1 =	simm.s32 @p1 $0x9  }
0xda: {  	_ =	swait.ge @p1 [sflag:s1], $0x2700  }
0xdb: {  	s0 =	sld [smem:$0x7F8];
	_ =	sdelay $0x1  }
0xdc: {  	s3 =	simm.s32 @!p1 $0x1F49;
	[sflag:s1] =	ssyncset.done @p1 $0x0  }
0xdd: {  	[sflag:s1] =	ssyncadd.s32 @p1 $0xFFFFD900;
	s1 =	sshrl.u32 @!p1 s0, $0x3;
	s0 =	rddreg [dreg:$0x12]  }
0xde: {  	[spmem:s1], [sflag:s3] =	dma.local @!p1 [hbm:s0], $0x2700  }
.Ltmp7:
0xdf: {  	_ = 	snop;
	(pc) =	sbr.rel .LBB2_10-.Ltmp7, $4  }
0xe0: {  	s1 =	simm.s32 @!p1 $0x9  }
0xe1: {  	_ =	swait.ge @!p1 [sflag:s1], $0x2700  }
0xe2: {  	[sflag:s1] =	ssyncset.done @!p1 $0x0  }
0xe3: {  	[sflag:s1] =	ssyncadd.s32 @!p1 $0xFFFFD900  }
.LBB2_9:
0xe4: {  	p1 =	seq.s32 s2, $0xE  }
0xe5: {  	s1 =	sld @p1 [smem:$0x7F1];
	_ =	sdelay $0x1  }
0xe6: {  	s0 =	rddreg @p1 [dreg:$0x11];
	s3 =	simm.s32 @p1 $0x1F89  }
0xe7: {  	[spmem:s1], [sflag:s3] =	dma.local @p1 [hbm:s0], $0x2700  }
0xe8: {  	s0 =	simm.s32 @p1 $0x9  }
0xe9: {  	_ =	swait.ge @p1 [sflag:s0], $0x2700  }
0xea: {  	s1 =	sld @!p1 [smem:$0x7F2]  }
0xeb: {  	[sflag:s0] =	ssyncset.done @p1 $0x0  }
0xec: {  	s3 =	simm.s32 @!p1 $0x1FC9;
	[sflag:s0] =	ssyncadd.s32 @p1 $0xFFFFD900;
	s0 =	rddreg @!p1 [dreg:$0x10]  }
0xed: {  	[spmem:s1], [sflag:s3] =	dma.local @!p1 [hbm:s0], $0x2800  }
0xee: {  	s0 =	simm.s32 @!p1 $0x9  }
0xef: {  	_ =	swait.ge @!p1 [sflag:s0], $0x2800  }
0xf0: {  	[sflag:s0] =	ssyncset.done @!p1 $0x0  }
0xf1: {  	[sflag:s0] =	ssyncadd.s32 @!p1 $0xFFFFD800  }
.LBB2_10:
0xf2: {  	[bflag:$0x0] =	sbarrier.arrive $0xFFFF  }
0xf3: {  	v19 =	vld [tilespmem:$0x0];
	_ =	sdelay $0x4  }
0xf4: {  	v20 =	vshll.u32 v19, $0x1  }
0xf5: {  	v21 =	vand.u32 $0x7, v19;
	v20 =	vand.u32 $0x1FFF0, v20  }
0xf6: {  	v20 =	vor.u32 v21, v20  }
0xf7: {  	v19 =	vshrl.u32 v19, $0x10;
	v21 =	vperm.xlane v20, v1;
	_ =	sdelay $0x1  }
0xf8: {  	v20 =	vperm.xlane v20, v3;
	v21 =	vadd.s32 v2, v21;
	_ =	sdelay $0x1  }
0xf9: {  	s3 =	simm.s32 $0x0;
	s1 =	simm.s32 $0x2780;
	s0 =	rddreg [dreg:$0x0];
	v20 =	vadd.s32 v2, v20  }
0xfa: {  	[tilespmem:s1], [sflag:$0x1] =	stream.indirect_vreg.gather [hbm4b:s0+s3], $0x80, v19, vm0, $0xb8;
	[tilespmem:$0x1ECF8] =	vst v63  }
0xfb: {  	s20 =	simm.s32 $0x4780  }
0xfc: {  	[tilespmem:s20], [sflag:$0x1] =	stream.indirect_vreg.gather [hbm4b:s14+s3], $0x80, v21, vm0, $0xb8;
	[tilespmem:$0x1ECF8] =	vst v63  }
0xfd: {  	s21 =	simm.s32 $0x4F80  }
0xfe: {  	[tilespmem:s21], [sflag:$0x1] =	stream.indirect_vreg.gather [hbm4b:s14+s3], $0x80, v20, vm0, $0xb8;
	[tilespmem:$0x1ECF8] =	vst v63  }
0xff: {  	v19 =	vld [tilespmem:$0x10];
	_ =	sdelay $0x4  }
0x100: {  	v20 =	vshll.u32 v19, $0x1  }
0x101: {  	v61 =	vand.u32 $0x7, v19;
	v20 =	vand.u32 $0x1FFF0, v20  }
0x102: {  	v20 =	vor.u32 v61, v20  }
0x103: {  	v19 =	vshrl.u32 v19, $0x10;
	v21 =	vperm.xlane v20, v1;
	_ =	sdelay $0x1  }
0x104: {  	v20 =	vperm.xlane v20, v3;
	v21 =	vadd.s32 v2, v21;
	_ =	sdelay $0x1  }
0x105: {  	s22 =	simm.s32 $0x2F80;
	v20 =	vadd.s32 v2, v20  }
0x106: {  	[tilespmem:s22], [sflag:$0x2] =	stream.indirect_vreg.gather [hbm4b:s0+s3], $0x80, v19, vm0, $0xb8;
	[tilespmem:$0x1ECF8] =	vst v63  }
0x107: {  	s23 =	simm.s32 $0x5780  }
0x108: {  	[tilespmem:s23], [sflag:$0x2] =	stream.indirect_vreg.gather [hbm4b:s14+s3], $0x80, v21, vm0, $0xb8;
	[tilespmem:$0x1ECF8] =	vst v63  }
0x109: {  	s24 =	simm.s32 $0x5F80  }
0x10a: {  	[tilespmem:s24], [sflag:$0x2] =	stream.indirect_vreg.gather [hbm4b:s14+s3], $0x80, v20, vm0, $0xb8;
	[tilespmem:$0x1ECF8] =	vst v63  }
0x10b: {  	v19 =	vld [tilespmem:$0x20];
	_ =	sdelay $0x4  }
0x10c: {  	v20 =	vshll.u32 v19, $0x1  }
0x10d: {  	v62 =	vand.u32 $0x7, v19;
	v20 =	vand.u32 $0x1FFF0, v20  }
0x10e: {  	v20 =	vor.u32 v62, v20  }
0x10f: {  	v19 =	vshrl.u32 v19, $0x10;
	v21 =	vperm.xlane v20, v1;
	_ =	sdelay $0x1  }
0x110: {  	v20 =	vperm.xlane v20, v3;
	v21 =	vadd.s32 v2, v21;
	_ =	sdelay $0x1  }
0x111: {  	s25 =	simm.s32 $0x3780;
	v20 =	vadd.s32 v2, v20  }
0x112: {  	[tilespmem:s25], [sflag:$0x3] =	stream.indirect_vreg.gather [hbm4b:s0+s3], $0x80, v19, vm0, $0xb8;
	[tilespmem:$0x1ECF8] =	vst v63  }
0x113: {  	s26 =	simm.s32 $0x6780  }
0x114: {  	[tilespmem:s26], [sflag:$0x3] =	stream.indirect_vreg.gather [hbm4b:s14+s3], $0x80, v21, vm0, $0xb8;
	[tilespmem:$0x1ECF8] =	vst v63  }
0x115: {  	s28 =	simm.s32 $0x6F80  }
0x116: {  	[tilespmem:s28], [sflag:$0x3] =	stream.indirect_vreg.gather [hbm4b:s14+s3], $0x80, v20, vm0, $0xb8;
	[tilespmem:$0x1ECF8] =	vst v63  }
0x117: {  	v19 =	vld [tilespmem:$0x30];
	_ =	sdelay $0x4  }
0x118: {  	v20 =	vshll.u32 v19, $0x1  }
0x119: {  	v63 =	vand.u32 $0x7, v19;
	v20 =	vand.u32 $0x1FFF0, v20  }
0x11a: {  	v20 =	vor.u32 v63, v20  }
0x11b: {  	v19 =	vshrl.u32 v19, $0x10;
	v21 =	vperm.xlane v20, v1;
	_ =	sdelay $0x1  }
0x11c: {  	v20 =	vperm.xlane v20, v3;
	v21 =	vadd.s32 v2, v21;
	_ =	sdelay $0x1  }
0x11d: {  	s29 =	simm.s32 $0x3F80;
	v20 =	vadd.s32 v2, v20  }
0x11e: {  	[tilespmem:s29], [sflag:$0x4] =	stream.indirect_vreg.gather [hbm4b:s0+s3], $0x80, v19, vm0, $0xb8;
	[tilespmem:$0x1ECF8] =	vst v63  }
0x11f: {  	s30 =	simm.s32 $0x7780  }
0x120: {  	[tilespmem:s30], [sflag:$0x4] =	stream.indirect_vreg.gather [hbm4b:s14+s3], $0x80, v21, vm0, $0xb8;
	[tilespmem:$0x1ECF8] =	vst v63  }
0x121: {  	s31 =	simm.s32 $0x7F80;
	s16 =	simm.s32 $0x0  }
0x122: {  	[tilespmem:s31], [sflag:$0x4] =	stream.indirect_vreg.gather [hbm4b:s14+s3], $0x80, v20, vm0, $0xb8;
	[tilespmem:$0x1ECF8] =	vst v63  }
.LBB2_11:
0x123: {  	s1 =	sshll.u32 s16, $0x6  }
0x124: {  	s0 =	simm.s32 $0x1;
	s17 =	sand.u32 $0x3FFFFFC0, s1  }
0x125: {  	v19 =	vld [tilespmem:s17+$0x0];
	_ =	swait.ge [sflag:s0], $0x800  }
0x126: {  	[sflag:s0] =	ssyncset.done $0x0  }
0x127: {  	[sflag:s0] =	ssyncadd.s32 $0xFFFFF800  }
0x128: {  	_ =	swait.ge [sflag:s0], $0x1000  }
0x129: {  	p1 =	seq.s32 s16, $0x0;
	[sflag:s0] =	ssyncset.done $0x0  }
0x12a: {  	s1 =	simm.s32 @!p1 $0x5;
	[sflag:s0] =	ssyncadd.s32 $0xFFFFF000  }
0x12b: {  	_ =	swait.ge @!p1 [sflag:s1], $0x800  }
0x12c: {  	[sflag:s1] =	ssyncset.done @!p1 $0x0  }
0x12d: {  	[sflag:s1] =	ssyncadd.s32 @!p1 $0xFFFFF800  }
0x12e: {  	_ =	swait.ge @!p1 [sflag:s1], $0x10  }
0x12f: {  	s6 =	simm.s32 $0x2880;
	s25 =	simm.s32 $0x0;
	[sflag:s1] =	ssyncset.done @!p1 $0x0  }
0x130: {  	s3 =	simm.s32 $0x180;
	s26 =	sand.u32 $0x800, s25;
	[sflag:s1] =	ssyncadd.s32 @!p1 $0xFFFFFFF0  }
0x131: {  	s28 =	sand.u32 $0x380, s3;
	s7 =	sor.u32 $0x4780, s26;
	v20 =	vld [tilespmem:s6+$0x80]  }
0x132: {  	s3 =	sadd.s32 s28, s7;
	v21 =	vld [tilespmem:s6+$0x90]  }
0x133: {  	v22 =	vld [tilespmem:s3+$0x0]  }
0x134: {  	v23 =	vld [tilespmem:s3+$0x10]  }
0x135: {  	v24 =	vld [tilespmem:s6+$0xA0]  }
0x136: {  	v25 =	vld [tilespmem:s3+$0x20]  }
0x137: {  	v26 =	vld [tilespmem:s6+$0xB0]  }
0x138: {  	v27 =	vld [tilespmem:s3+$0x30]  }
0x139: {  	v28 =	vld [tilespmem:s6+$0xC0]  }
0x13a: {  	v29 =	vld [tilespmem:s3+$0x40]  }
0x13b: {  	v30 =	vld [tilespmem:s6+$0xD0]  }
0x13c: {  	v31 =	vld [tilespmem:s3+$0x50]  }
0x13d: {  	v32 =	vld [tilespmem:s6+$0xE0]  }
0x13e: {  	v33 =	vld [tilespmem:s3+$0x60]  }
0x13f: {  	s29 =	sand.u32 $0x200, s25;
	v34 =	vld [tilespmem:s6+$0xF0]  }
0x140: {  	s4 =	simm.s32 $0x80;
	s1 =	sadd.s32 s29, s7;
	v35 =	vld [tilespmem:s3+$0x70]  }
0x141: {  	s30 =	sand.u32 $0x280, s4;
	v36 =	vld [tilespmem:s1+$0x0]  }
0x142: {  	s10 =	simm.s32 $0x100;
	s4 =	sadd.s32 s30, s7;
	v37 =	vld [tilespmem:s1+$0x10]  }
0x143: {  	s31 =	sand.u32 $0x300, s10;
	v38 =	vld [tilespmem:s4+$0x0]  }
0x144: {  	s7 =	sadd.s32 s31, s7;
	v39 =	vld [tilespmem:s4+$0x10]  }
0x145: {  	v40 =	vld [tilespmem:s7+$0x0]  }
0x146: {  	v41 =	vld [tilespmem:s7+$0x10]  }
0x147: {  	v42 =	vld [tilespmem:s6+$0xFFFFFF10]  }
0x148: {  	v43 =	vld [tilespmem:s6+$0xFFFFFF80]  }
0x149: {  	v44 =	vld [tilespmem:s6+$0xFFFFFF90]  }
0x14a: {  	v45 =	vld [tilespmem:s6+$0x0]  }
0x14b: {  	v46 =	vld [tilespmem:s6+$0x10]  }
0x14c: {  	v47 =	vld [tilespmem:s6+$0xFFFFFF00]  }
0x14d: {  	v48 =	vld [tilespmem:s1+$0x20]  }
0x14e: {  	v49 =	vld [tilespmem:s4+$0x20]  }
0x14f: {  	v50 =	vld [tilespmem:s7+$0x20]  }
0x150: {  	v51 =	vld [tilespmem:s6+$0xFFFFFF20]  }
0x151: {  	v52 =	vld [tilespmem:s6+$0xFFFFFFA0]  }
0x152: {  	v53 =	vld [tilespmem:s6+$0x20]  }
0x153: {  	v54 =	vld [tilespmem:s1+$0x30]  }
0x154: {  	v55 =	vld [tilespmem:s4+$0x30]  }
0x155: {  	v56 =	vld [tilespmem:s7+$0x30]  }
0x156: {  	v57 =	vld [tilespmem:s6+$0xFFFFFF30]  }
0x157: {  	v58 =	vld [tilespmem:s6+$0xFFFFFFB0]  }
0x158: {  	v59 =	vld [tilespmem:s6+$0x30]  }
0x159: {  	v63 =	vld [tilespmem:s6+$0xFFFFFF50]  }
0x15a: {  	v61 =	vld [tilespmem:s6+$0xFFFFFF60];
	v20 =	vmul.f32 v22, v20;
	v21 =	vmul.f32 v23, v21  }
0x15b: {  	v22 =	vld [tilespmem:s1+$0x40]  }
0x15c: {  	v23 =	vld [tilespmem:s4+$0x40];
	v62 =	vmul.f32 v39, v44;
	v20 =	vadd.f32 v21, v20;
	v21 =	vmul.f32 v25, v24  }
0x15d: {  	v36 =	vmul.f32 v36, v47;
	v47 =	vmul.f32 v48, v51;
	v48 =	vld [tilespmem:s6+$0x50]  }
0x15e: {  	v49 =	vmul.f32 v49, v52;
	v51 =	vld [tilespmem:s1+$0x60];
	v20 =	vadd.f32 v21, v20;
	v21 =	vmul.f32 v27, v26  }
0x15f: {  	v52 =	vmul.f32 v50, v53;
	v53 =	vmul.f32 v54, v57;
	v54 =	vld [tilespmem:s4+$0x60]  }
0x160: {  	v57 =	vmul.f32 v55, v58;
	v58 =	vld [tilespmem:s7+$0x60];
	v20 =	vadd.f32 v21, v20;
	v21 =	vmul.f32 v29, v28  }
0x161: {  	v24 =	vld [tilespmem:s7+$0x40];
	v29 =	vmul.f32 v31, v30;
	v31 =	vmul.f32 v38, v43  }
0x162: {  	v25 =	vld [tilespmem:s6+$0xFFFFFF40];
	v20 =	vadd.f32 v21, v20  }
0x163: {  	v26 =	vld [tilespmem:s6+$0xFFFFFFC0];
	v21 =	vmul.f32 v37, v42;
	v31 =	vadd.f32 v62, v31  }
0x164: {  	v27 =	vld [tilespmem:s6+$0x40];
	v20 =	vadd.f32 v29, v20;
	v29 =	vmul.f32 v40, v45;
	v45 =	vmul.f32 v41, v46  }
0x165: {  	v28 =	vld [tilespmem:s1+$0x50];
	v21 =	vadd.f32 v21, v36  }
0x166: {  	v32 =	vmul.f32 v33, v32;
	v30 =	vld [tilespmem:s4+$0x50];
	v31 =	vadd.f32 v49, v31;
	v29 =	vadd.f32 v45, v29  }
0x167: {  	v60 =	vmul.f32 v56, v59;
	v22 =	vmul.f32 v22, v25;
	v46 =	vld [tilespmem:s6+$0xFFFFFFD0];
	v21 =	vadd.f32 v47, v21  }
0x168: {  	v37 =	vld [tilespmem:s7+$0x50];
	v23 =	vmul.f32 v23, v26;
	v31 =	vadd.f32 v57, v31;
	v29 =	vadd.f32 v52, v29  }
0x169: {  	v25 =	vmul.f32 v35, v34;
	v26 =	vld [tilespmem:s6+$0xFFFFFFE0];
	v20 =	vadd.f32 v32, v20;
	v21 =	vadd.f32 v53, v21  }
0x16a: {  	v62 =	vld [tilespmem:s6+$0x60];
	v24 =	vmul.f32 v24, v27;
	v23 =	vadd.f32 v23, v31;
	v29 =	vadd.f32 v60, v29  }
0x16b: {  	v28 =	vmul.f32 v28, v63;
	v31 =	vadd.f32 v25, v20;
	v20 =	vld [tilespmem:s7+$0x70];
	v27 =	vadd.f32 v22, v21  }
0x16c: {  	v25 =	vld [tilespmem:s6+$0xFFFFFF70];
	v24 =	vadd.f32 v24, v29;
	v29 =	vmul.f32 v30, v46  }
0x16d: {  	v63 =	vmul.f32 v51, v61;
	v22 =	vld [tilespmem:s1+$0x70];
	v30 =	vmul.f32 v37, v48;
	v28 =	vadd.f32 v28, v27  }
0x16e: {  	v19 =	vshrl.u32 v19, $0x10;
	v21 =	vld [tilespmem:s4+$0x70];
	s1 =	simm.s32 $0xAA80;
	v27 =	vadd.f32 v29, v23;
	v29 =	vmul.f32 v54, v26  }
0x16f: {  	s11 =	simm.s32 $0x200;
	s10 =	simm.s32 $0x400;
	s7 =	simm.s32 $0x0;
	[tilespmem:s1+$0x80] =	vst v31;
	v24 =	vadd.f32 v30, v24;
	v23 =	vadd.f32 v63, v28;
	v26 =	vld [tilespmem:s6+$0xFFFFFFF0];
	v28 =	vmul.f32 v58, v62  }
.LBB2_12:
0x170: {  	s3 =	sand.u32 $0x800, s10;
	s4 =	sadd.s32 $0x180, s11;
	v27 =	vadd.f32 v29, v27;
	v29 =	vld [tilespmem:s6+$0x70];
	s6 =	sadd.s32 $0x200, s6  }
0x171: {  	s7 =	sadd.s32 $0x4, s7;
	s3 =	sor.u32 $0x4780, s3;
	v30 =	vld [tilespmem:s6+$0x80];
	s4 =	sand.u32 $0x380, s4;
	v24 =	vadd.f32 v28, v24  }
0x172: {  	s13 =	sadd.s32 $0x80, s11;
	p3 =	slt.u32 s7, $0xC;
	s4 =	sadd.s32 s4, s3;
	v28 =	vld [tilespmem:s6+$0x90]  }
0x173: {  	s15 =	sand.u32 $0x200, s11;
	s18 =	sadd.s32 $0x100, s11;
	s13 =	sand.u32 $0x280, s13;
	v31 =	vld [tilespmem:s4+$0x0];
	v22 =	vmul.f32 v22, v25  }
0x174: {  	s18 =	sand.u32 $0x300, s18;
	s15 =	sadd.s32 s15, s3;
	s13 =	sadd.s32 s13, s3;
	v25 =	vld [tilespmem:s4+$0x10];
	v21 =	vmul.f32 v21, v26  }
0x175: {  	s18 =	sadd.s32 s18, s3;
	v26 =	vld [tilespmem:s6+$0xA0];
	v22 =	vadd.f32 v22, v23;
	v20 =	vmul.f32 v20, v29  }
0x176: {  	v23 =	vld [tilespmem:s4+$0x20];
	v21 =	vadd.f32 v21, v27  }
0x177: {  	v27 =	vld [tilespmem:s6+$0xB0];
	[tilespmem:s1+$0xFFFFFF00] =	vst v22;
	v20 =	vadd.f32 v20, v24  }
0x178: {  	v22 =	vld [tilespmem:s4+$0x30];
	[tilespmem:s1+$0xFFFFFF80] =	vst v21  }
0x179: {  	v21 =	vmul.f32 v31, v30;
	v24 =	vmul.f32 v25, v28;
	v25 =	vld [tilespmem:s6+$0xC0];
	[tilespmem:s1+$0x0] =	vst v20  }
0x17a: {  	v20 =	vld [tilespmem:s4+$0x40]  }
0x17b: {  	v21 =	vadd.f32 v24, v21;
	v23 =	vmul.f32 v23, v26;
	v24 =	vld [tilespmem:s6+$0xD0]  }
0x17c: {  	v26 =	vld [tilespmem:s4+$0x50]  }
0x17d: {  	v21 =	vadd.f32 v23, v21;
	v22 =	vmul.f32 v22, v27;
	v23 =	vld [tilespmem:s6+$0xE0]  }
0x17e: {  	v27 =	vld [tilespmem:s4+$0x60]  }
0x17f: {  	v21 =	vadd.f32 v22, v21;
	v20 =	vmul.f32 v20, v25;
	v22 =	vld [tilespmem:s6+$0xF0]  }
0x180: {  	v25 =	vld [tilespmem:s4+$0x70]  }
0x181: {  	v28 =	vld [tilespmem:s15+$0x0];
	v20 =	vadd.f32 v20, v21;
	v21 =	vmul.f32 v26, v24  }
0x182: {  	v24 =	vld [tilespmem:s15+$0x10]  }
0x183: {  	v26 =	vld [tilespmem:s13+$0x0];
	v20 =	vadd.f32 v21, v20;
	v21 =	vmul.f32 v27, v23  }
0x184: {  	v23 =	vld [tilespmem:s13+$0x10]  }
0x185: {  	v27 =	vld [tilespmem:s18+$0x0];
	v20 =	vadd.f32 v21, v20;
	v21 =	vmul.f32 v25, v22  }
0x186: {  	v22 =	vld [tilespmem:s18+$0x10]  }
0x187: {  	v25 =	vld [tilespmem:s6+$0xFFFFFF10];
	v20 =	vadd.f32 v21, v20  }
0x188: {  	s1 =	sadd.s32 $0x200, s1;
	v21 =	vld [tilespmem:s6+$0xFFFFFF80]  }
0x189: {  	v29 =	vld [tilespmem:s6+$0xFFFFFF90];
	[tilespmem:s1+$0x80] =	vst v20  }
0x18a: {  	v20 =	vld [tilespmem:s6+$0x0]  }
0x18b: {  	v30 =	vld [tilespmem:s6+$0x10]  }
0x18c: {  	v31 =	vld [tilespmem:s6+$0xFFFFFF00];
	v24 =	vmul.f32 v24, v25  }
0x18d: {  	v25 =	vld [tilespmem:s15+$0x20];
	v21 =	vmul.f32 v26, v21  }
0x18e: {  	v23 =	vmul.f32 v23, v29;
	v26 =	vld [tilespmem:s13+$0x20]  }
0x18f: {  	v20 =	vmul.f32 v27, v20;
	v27 =	vld [tilespmem:s18+$0x20]  }
0x190: {  	v29 =	vld [tilespmem:s6+$0xFFFFFF20];
	v21 =	vadd.f32 v23, v21;
	v22 =	vmul.f32 v22, v30  }
0x191: {  	v23 =	vmul.f32 v28, v31;
	v28 =	vld [tilespmem:s6+$0xFFFFFFA0]  }
0x192: {  	v20 =	vadd.f32 v22, v20;
	v22 =	vld [tilespmem:s6+$0x20]  }
0x193: {  	v23 =	vadd.f32 v24, v23;
	v24 =	vld [tilespmem:s15+$0x30]  }
0x194: {  	v30 =	vld [tilespmem:s13+$0x30]  }
0x195: {  	v25 =	vmul.f32 v25, v29;
	v29 =	vld [tilespmem:s18+$0x30]  }
0x196: {  	v31 =	vld [tilespmem:s6+$0xFFFFFF30];
	v26 =	vmul.f32 v26, v28  }
0x197: {  	v23 =	vadd.f32 v25, v23;
	v25 =	vld [tilespmem:s6+$0xFFFFFFB0];
	v22 =	vmul.f32 v27, v22  }
0x198: {  	v21 =	vadd.f32 v26, v21;
	v26 =	vld [tilespmem:s6+$0x30]  }
0x199: {  	v27 =	vld [tilespmem:s15+$0x40];
	v20 =	vadd.f32 v22, v20  }
0x19a: {  	v22 =	vld [tilespmem:s13+$0x40]  }
0x19b: {  	v24 =	vmul.f32 v24, v31;
	v28 =	vld [tilespmem:s18+$0x40]  }
0x19c: {  	v31 =	vld [tilespmem:s6+$0xFFFFFF40];
	v25 =	vmul.f32 v30, v25  }
0x19d: {  	v23 =	vadd.f32 v24, v23;
	v24 =	vld [tilespmem:s6+$0xFFFFFFC0];
	v26 =	vmul.f32 v29, v26  }
0x19e: {  	v21 =	vadd.f32 v25, v21;
	v25 =	vld [tilespmem:s6+$0x40]  }
0x19f: {  	v29 =	vld [tilespmem:s15+$0x50];
	v20 =	vadd.f32 v26, v20  }
0x1a0: {  	v26 =	vld [tilespmem:s13+$0x50]  }
0x1a1: {  	v27 =	vmul.f32 v27, v31;
	v30 =	vld [tilespmem:s18+$0x50]  }
0x1a2: {  	v31 =	vld [tilespmem:s6+$0xFFFFFF50];
	v22 =	vmul.f32 v22, v24  }
0x1a3: {  	v23 =	vadd.f32 v27, v23;
	v24 =	vld [tilespmem:s6+$0xFFFFFFD0];
	v25 =	vmul.f32 v28, v25  }
0x1a4: {  	v21 =	vadd.f32 v22, v21;
	v22 =	vld [tilespmem:s6+$0x50]  }
0x1a5: {  	v28 =	vld [tilespmem:s15+$0x60];
	v20 =	vadd.f32 v25, v20  }
0x1a6: {  	v32 =	vld [tilespmem:s13+$0x60]  }
0x1a7: {  	v25 =	vmul.f32 v29, v31;
	v31 =	vld [tilespmem:s18+$0x60]  }
0x1a8: {  	v29 =	vld [tilespmem:s6+$0xFFFFFF60];
	v24 =	vmul.f32 v26, v24  }
0x1a9: {  	v23 =	vadd.f32 v25, v23;
	v26 =	vld [tilespmem:s6+$0xFFFFFFE0];
	v25 =	vmul.f32 v30, v22  }
0x1aa: {  	v27 =	vadd.f32 v24, v21;
	v30 =	vld [tilespmem:s6+$0x60]  }
.Ltmp8:
0x1ab: {  	v22 =	vld [tilespmem:s15+$0x70];
	v24 =	vadd.f32 v25, v20;
	(pc) =	sbr.rel @p3 .LBB2_12-.Ltmp8, $4  }
0x1ac: {  	v21 =	vld [tilespmem:s13+$0x70]  }
0x1ad: {  	v28 =	vmul.f32 v28, v29;
	v20 =	vld [tilespmem:s18+$0x70]  }
0x1ae: {  	v25 =	vld [tilespmem:s6+$0xFFFFFF70];
	v29 =	vmul.f32 v32, v26  }
0x1af: {  	s10 =	sadd.s32 $0x400, s10;
	s11 =	sadd.s32 $0x200, s11;
	v23 =	vadd.f32 v28, v23;
	v26 =	vld [tilespmem:s6+$0xFFFFFFF0];
	v28 =	vmul.f32 v31, v30  }
0x1b0: {  	v30 =	vld [tilespmem:s6+$0x70];
	_ =	sdelay $0x2  }
0x1b1: {  	v22 =	vmul.f32 v22, v25  }
0x1b2: {  	v25 =	vadd.f32 v29, v27;
	v21 =	vmul.f32 v21, v26  }
0x1b3: {  	v24 =	vadd.f32 v28, v24;
	v22 =	vadd.f32 v22, v23;
	v20 =	vmul.f32 v20, v30  }
0x1b4: {  	v21 =	vadd.f32 v21, v25  }
0x1b5: {  	[tilespmem:s1+$0xFFFFFF00] =	vst v22;
	v20 =	vadd.f32 v20, v24  }
0x1b6: {  	[tilespmem:s1+$0xFFFFFF80] =	vst v21  }
0x1b7: {  	[tilespmem:s1+$0x0] =	vst v20  }
0x1b8: {  	v20 =	vld.idx.msk [tilespmem:v0+s9+$0x0], $0xffff  }
0x1b9: {  	v21 =	vld.idx.msk [tilespmem:v4+s9+$0x0], $0xffff;
	_ =	sdelay $0x1  }
0x1ba: {  	v22 =	vld.idx.msk [tilespmem:v5+s9+$0x0], $0xffff;
	_ =	sdelay $0x1  }
0x1bb: {  	v23 =	vld.idx.msk [tilespmem:v6+s9+$0x0], $0xffff  }
0x1bc: {  	v20 =	vadd.f32 v21, v20  }
0x1bd: {  	v21 =	vld.idx.msk [tilespmem:v7+s9+$0x0], $0xffff  }
0x1be: {  	v20 =	vadd.f32 v22, v20  }
0x1bf: {  	v22 =	vld.idx.msk [tilespmem:v8+s9+$0x0], $0xffff  }
0x1c0: {  	v20 =	vadd.f32 v23, v20  }
0x1c1: {  	v23 =	vld.idx.msk [tilespmem:v9+s9+$0x0], $0xffff  }
0x1c2: {  	v20 =	vadd.f32 v21, v20  }
0x1c3: {  	v21 =	vld.idx.msk [tilespmem:v10+s9+$0x0], $0xffff  }
0x1c4: {  	v20 =	vadd.f32 v22, v20  }
0x1c5: {  	v22 =	vld.idx.msk [tilespmem:v11+s9+$0x0], $0xffff  }
0x1c6: {  	v20 =	vadd.f32 v23, v20  }
0x1c7: {  	v23 =	vld.idx.msk [tilespmem:v12+s9+$0x0], $0xffff  }
0x1c8: {  	v20 =	vadd.f32 v21, v20  }
0x1c9: {  	v21 =	vld.idx.msk [tilespmem:v13+s9+$0x0], $0xffff  }
0x1ca: {  	v20 =	vadd.f32 v22, v20  }
0x1cb: {  	v22 =	vld.idx.msk [tilespmem:v14+s9+$0x0], $0xffff  }
0x1cc: {  	v20 =	vadd.f32 v23, v20  }
0x1cd: {  	v23 =	vld.idx.msk [tilespmem:v15+s9+$0x0], $0xffff  }
0x1ce: {  	v20 =	vadd.f32 v21, v20  }
0x1cf: {  	v21 =	vld.idx.msk [tilespmem:v16+s9+$0x0], $0xffff  }
0x1d0: {  	v20 =	vadd.f32 v22, v20  }
0x1d1: {  	v22 =	vld.idx.msk [tilespmem:v17+s9+$0x0], $0xffff  }
0x1d2: {  	v20 =	vadd.f32 v23, v20  }
0x1d3: {  	v23 =	vld.idx.msk [tilespmem:v18+s9+$0x0], $0xffff  }
0x1d4: {  	v20 =	vadd.f32 v21, v20;
	_ =	sdelay $0x1  }
0x1d5: {  	v20 =	vadd.f32 v22, v20;
	_ =	sdelay $0x1  }
0x1d6: {  	v20 =	vadd.f32 v23, v20;
	_ =	sdelay $0x1  }
0x1d7: {  	v20 =	vmul.f32 $1.442695020e+00, v20;
	_ =	sdelay $0x1  }
0x1d8: {  	(erf) = vpow2.f32 v20;
	_ =	sdelay $0x5  }
0x1d9: {  	p3 =	por $0x0, $0x0;
	s1 =	simm.s32 $0x1  }
0x1da: {  	s1 =	simm.s32 @!p3 $0x0  }
0x1db: {  	s1 =	sshll.u32 s1, $0x9  }
0x1dc: {  	s3 =	simm.s32 $0x0;
	s10 =	sadd.s32 $0x0, s1;
	v24 =	vpop (erf)  }
0x1dd: {  	s11 =	sand.u32 $0x3, s3;
	s4 =	sor.u32 $0x400, s10;
	[tilespmem:$0xA780] =	vst v24  }
0x1de: {  	s1 =	sshll.u32 s11, $0x8;
	v21 =	vld [tilespmem:s4+$0x4780]  }
0x1df: {  	s12 =	sand.u32 $0x7, s3;
	s18 =	sadd.s32 $0x100, s1  }
0x1e0: {  	s13 =	sshll.u32 s12, $0x7;
	s15 =	sor.u32 $0x400, s18;
	v20 =	vmov s3  }
0x1e1: {  	s1 =	sadd.s32 $0x0, s13;
	v20 =	vperm.xlane v24, v20;
	v22 =	vld [tilespmem:s15+$0x4780]  }
0x1e2: {  	s19 =	simm.s32 $0x2;
	s22 =	sadd.s32 $0x180, s1  }
0x1e3: {  	s20 =	sadd.s32 $0x80, s1;
	s21 =	sor.u32 $0x400, s22;
	v23 =	vmov s19;
	v25 =	vmul.f32 v21, v20  }
0x1e4: {  	s23 =	simm.s32 $0x8880;
	s24 =	sor.u32 $0x400, s20;
	v26 =	vld [tilespmem:s21+$0x4780];
	v21 =	vperm.xlane v24, v23  }
0x1e5: {  	s25 =	simm.s32 $0x3;
	s26 =	sor.u32 $0x410, s10;
	v27 =	vld [tilespmem:s24+$0x4780];
	[tilespmem:s23+$0xFFFFFF00] =	vst v25  }
0x1e6: {  	s30 =	simm.s32 $0x1;
	v23 =	vmov s25;
	v25 =	vmul.f32 v22, v21;
	v28 =	vld [tilespmem:s26+$0x4780]  }
0x1e7: {  	v23 =	vperm.xlane v24, v23;
	v22 =	vmov s30  }
0x1e8: {  	s0 =	sor.u32 $0x410, s18;
	v22 =	vperm.xlane v24, v22;
	[tilespmem:s23+$0x0] =	vst v25  }
0x1e9: {  	v26 =	vmul.f32 v26, v23;
	v25 =	vld [tilespmem:s0+$0x4780]  }
0x1ea: {  	v27 =	vmul.f32 v27, v22  }
0x1eb: {  	s3 =	sor.u32 $0x410, s22;
	[tilespmem:s23+$0x80] =	vst v26;
	v26 =	vmul.f32 v28, v20  }
0x1ec: {  	s4 =	sor.u32 $0x410, s20;
	[tilespmem:s23+$0xFFFFFF80] =	vst v27;
	v27 =	vld [tilespmem:s3+$0x4780]  }
0x1ed: {  	s5 =	sor.u32 $0x420, s10;
	v28 =	vld [tilespmem:s4+$0x4780];
	[tilespmem:s23+$0xFFFFFF10] =	vst v26  }
0x1ee: {  	v25 =	vmul.f32 v25, v21;
	v26 =	vld [tilespmem:s5+$0x4780];
	_ =	sdelay $0x1  }
0x1ef: {  	s6 =	sor.u32 $0x420, s18;
	[tilespmem:s23+$0x10] =	vst v25  }
0x1f0: {  	v27 =	vmul.f32 v27, v23;
	v25 =	vld [tilespmem:s6+$0x4780]  }
0x1f1: {  	v28 =	vmul.f32 v28, v22  }
0x1f2: {  	s7 =	sor.u32 $0x420, s22;
	[tilespmem:s23+$0x90] =	vst v27;
	v26 =	vmul.f32 v26, v20  }
0x1f3: {  	s8 =	sor.u32 $0x420, s20;
	[tilespmem:s23+$0xFFFFFF90] =	vst v28;
	v27 =	vld [tilespmem:s7+$0x4780]  }
0x1f4: {  	s11 =	sor.u32 $0x430, s10;
	v28 =	vld [tilespmem:s8+$0x4780];
	[tilespmem:s23+$0xFFFFFF20] =	vst v26  }
0x1f5: {  	v25 =	vmul.f32 v25, v21;
	v26 =	vld [tilespmem:s11+$0x4780];
	_ =	sdelay $0x1  }
0x1f6: {  	s12 =	sor.u32 $0x430, s18;
	[tilespmem:s23+$0x20] =	vst v25  }
0x1f7: {  	s28 =	simm.s32 $0x4;
	v25 =	vmul.f32 v27, v23;
	v27 =	vld [tilespmem:s12+$0x4780]  }
0x1f8: {  	s29 =	simm.s32 $0x2;
	p3 =	por !p3, !p3;
	s13 =	sand.u32 $0x7, s28;
	v28 =	vmul.f32 v28, v22  }
0x1f9: {  	s19 =	sand.u32 $0x3, s29;
	s15 =	sor.u32 $0x430, s22;
	s4 =	simm.s32 $0x1;
	[tilespmem:s23+$0xA0] =	vst v25;
	v25 =	vmul.f32 v26, v20  }
0x1fa: {  	s21 =	sor.u32 $0x430, s20;
	s4 =	simm.s32 @!p3 $0x0;
	s6 =	sshll.u32 s19, $0x8;
	[tilespmem:s23+$0xFFFFFFA0] =	vst v28;
	v26 =	vld [tilespmem:s15+$0x4780]  }
0x1fb: {  	s24 =	sor.u32 $0x440, s10;
	s4 =	sshll.u32 s4, $0x9;
	s15 =	sadd.s32 $0x500, s6;
	v28 =	vld [tilespmem:s21+$0x4780];
	[tilespmem:s23+$0xFFFFFF30] =	vst v25  }
0x1fc: {  	s1 =	sshll.u32 s13, $0x7;
	s13 =	sadd.s32 $0x400, s4;
	s25 =	sor.u32 $0x400, s15;
	v25 =	vmul.f32 v27, v21;
	v29 =	vld [tilespmem:s24+$0x4780]  }
0x1fd: {  	s1 =	sadd.s32 $0x400, s1;
	s26 =	sor.u32 $0x400, s13;
	v30 =	vld [tilespmem:s25+$0x4780]  }
0x1fe: {  	s30 =	simm.s32 $0x6;
	s0 =	sor.u32 $0x440, s18;
	v31 =	vld [tilespmem:s26+$0x4780];
	s7 =	sadd.s32 $0x180, s1;
	[tilespmem:s23+$0x30] =	vst v25  }
0x1ff: {  	s5 =	sor.u32 $0x400, s7;
	s6 =	sadd.s32 $0x80, s1;
	v25 =	vmul.f32 v26, v23;
	v26 =	vmov s30;
	v32 =	vld [tilespmem:s0+$0x4780]  }
0x200: {  	v33 =	vmov s28;
	v34 =	vld [tilespmem:s5+$0x4780];
	s8 =	sor.u32 $0x400, s6;
	v27 =	vperm.xlane v24, v26;
	v26 =	vmul.f32 v28, v22  }
0x201: {  	s11 =	simm.s32 $0x7;
	s12 =	sor.u32 $0x440, s22;
	v35 =	vld [tilespmem:s8+$0x4780];
	v28 =	vperm.xlane v24, v33;
	[tilespmem:s23+$0xB0] =	vst v25;
	v29 =	vmul.f32 v29, v20  }
0x202: {  	s19 =	simm.s32 $0x5;
	v25 =	vmov s11;
	s11 =	sor.u32 $0x440, s20;
	v30 =	vmul.f32 v30, v27;
	[tilespmem:s23+$0xFFFFFFB0] =	vst v26;
	v51 =	vld [tilespmem:s12+$0x4780]  }
0x203: {  	s1 =	simm.s32 $0x8A80;
	s21 =	sor.u32 $0x450, s10;
	v26 =	vmov s19;
	v25 =	vperm.xlane v24, v25;
	v31 =	vmul.f32 v31, v28;
	v36 =	vld [tilespmem:s11+$0x4780];
	[tilespmem:s23+$0xFFFFFF40] =	vst v29  }
0x204: {  	s24 =	sor.u32 $0x410, s15;
	v26 =	vperm.xlane v24, v26;
	[tilespmem:s1+$0x0] =	vst v30;
	v30 =	vmul.f32 v32, v21;
	v29 =	vld [tilespmem:s21+$0x4780]  }
0x205: {  	s25 =	sor.u32 $0x410, s13;
	[tilespmem:s1+$0xFFFFFF00] =	vst v31;
	v31 =	vmul.f32 v34, v25;
	v52 =	vld [tilespmem:s24+$0x4780]  }
0x206: {  	s26 =	sor.u32 $0x450, s18;
	v53 =	vmul.f32 v35, v26;
	v54 =	vld [tilespmem:s25+$0x4780];
	[tilespmem:s23+$0x40] =	vst v30  }
0x207: {  	s30 =	sor.u32 $0x410, s7;
	[tilespmem:s1+$0x80] =	vst v31;
	v30 =	vmul.f32 v51, v23;
	v31 =	vld [tilespmem:s26+$0x4780]  }
0x208: {  	s0 =	sor.u32 $0x410, s6;
	[tilespmem:s1+$0xFFFFFF80] =	vst v53;
	v56 =	vld [tilespmem:s30+$0x4780];
	v55 =	vmul.f32 v36, v22  }
0x209: {  	s5 =	sor.u32 $0x450, s22;
	v57 =	vld [tilespmem:s0+$0x4780];
	[tilespmem:s23+$0xC0] =	vst v30;
	v29 =	vmul.f32 v29, v20  }
0x20a: {  	s8 =	sor.u32 $0x450, s20;
	v30 =	vmul.f32 v52, v27;
	[tilespmem:s23+$0xFFFFFFC0] =	vst v55;
	v58 =	vld [tilespmem:s5+$0x4780]  }
0x20b: {  	s11 =	sor.u32 $0x460, s10;
	v59 =	vmul.f32 v54, v28;
	[tilespmem:s23+$0xFFFFFF50] =	vst v29;
	v29 =	vld [tilespmem:s8+$0x4780]  }
0x20c: {  	s12 =	sor.u32 $0x420, s15;
	[tilespmem:s1+$0x10] =	vst v30;
	v30 =	vmul.f32 v31, v21;
	v60 =	vld [tilespmem:s11+$0x4780]  }
0x20d: {  	[tilespmem:s1+$0xFFFFFF10] =	vst v59;
	v61 =	vmul.f32 v56, v25;
	v37 =	vld [tilespmem:s12+$0x4780]  }
0x20e: {  	s19 =	sor.u32 $0x420, s13;
	v62 =	vmul.f32 v57, v26;
	[tilespmem:s23+$0x50] =	vst v30  }
0x20f: {  	s21 =	sor.u32 $0x460, s18;
	v31 =	vld [tilespmem:s19+$0x4780];
	[tilespmem:s1+$0x90] =	vst v61;
	v30 =	vmul.f32 v58, v23  }
0x210: {  	s31 =	simm.s32 $0x8A80;
	s3 =	sor.u32 $0x460, s22;
	s24 =	sor.u32 $0x420, s7;
	[tilespmem:s1+$0xFFFFFF90] =	vst v62;
	v63 =	vmul.f32 v29, v22;
	v29 =	vld [tilespmem:s21+$0x4780]  }
0x211: {  	s25 =	sor.u32 $0x470, s10;
	s10 =	simm.s32 $0x400;
	s30 =	sor.u32 $0x420, s6;
	v34 =	vld [tilespmem:s24+$0x4780];
	[tilespmem:s23+$0xD0] =	vst v30  }
0x212: {  	s26 =	simm.s32 $0x8;
	s11 =	simm.s32 $0x500;
	s24 =	sor.u32 $0x470, s13;
	v33 =	vld [tilespmem:s30+$0x4780];
	v30 =	vmul.f32 v60, v20;
	v32 =	vmul.f32 v37, v27;
	[tilespmem:s23+$0xFFFFFFD0] =	vst v63  }
.LBB2_14:
0x213: {  	p4 =	slt.u32 s26, $0xC  }
0x214: {  	[tilespmem:s23+$0xFFFFFF60] =	vst v30;
	v30 =	vld [tilespmem:s3+$0x4780];
	s3 =	smov.u32 s26;
	s26 =	sadd.s32 $0x4, s26;
	s4 =	sor.u32 $0x470, s18  }
0x215: {  	v31 =	vmul.f32 v31, v28;
	s18 =	smov.u32 s15;
	s10 =	sadd.s32 $0x400, s10;
	v35 =	vld [tilespmem:s25+$0x4780];
	s25 =	sor.u32 $0x460, s20;
	v29 =	vmul.f32 v29, v21  }
0x216: {  	s11 =	sadd.s32 $0x400, s11;
	s29 =	sadd.s32 $0x2, s29;
	s15 =	sor.u32 $0x430, s13  }
0x217: {  	p3 =	por !p3, !p3;
	s28 =	sadd.s32 $0x4, s28;
	s0 =	sor.u32 $0x430, s7;
	[tilespmem:s1+$0xFFFFFF20] =	vst v31;
	v31 =	vmul.f32 v34, v25  }
0x218: {  	s5 =	simm.s32 $0x1;
	s21 =	sand.u32 $0x7, s28;
	v34 =	vld [tilespmem:s15+$0x4780];
	v33 =	vmul.f32 v33, v26;
	s15 =	sor.u32 $0x430, s18;
	[tilespmem:s23+$0x60] =	vst v29  }
0x219: {  	s5 =	simm.s32 @!p3 $0x0;
	s12 =	sand.u32 $0x3, s29;
	s21 =	sshll.u32 s21, $0x7;
	[tilespmem:s1+$0x20] =	vst v32;
	v29 =	vld [tilespmem:s4+$0x4780];
	v30 =	vmul.f32 v30, v23  }
0x21a: {  	s12 =	sshll.u32 s12, $0x8;
	s4 =	sshll.u32 s5, $0x9;
	s5 =	sadd.s32 s21, s10;
	v32 =	vld [tilespmem:s15+$0x4780];
	[tilespmem:s1+$0xA0] =	vst v31;
	v31 =	vmul.f32 v35, v20;
	v20 =	vmov v28  }
0x21b: {  	s21 =	sadd.s32 s4, s10;
	s4 =	sadd.s32 $0x80, s5;
	s5 =	sadd.s32 $0x180, s5;
	v28 =	vld [tilespmem:s0+$0x4780];
	[tilespmem:s23+$0xE0] =	vst v30  }
0x21c: {  	s0 =	sor.u32 $0x400, s21;
	s19 =	sor.u32 $0x400, s4;
	s30 =	sor.u32 $0x400, s5;
	[tilespmem:s1+$0xFFFFFFA0] =	vst v33;
	v30 =	vld [tilespmem:s25+$0x4780]  }
0x21d: {  	s15 =	sadd.s32 s12, s11;
	s12 =	sor.u32 $0x470, s21;
	v33 =	vld [tilespmem:s19+$0x4780];
	v34 =	vmul.f32 v34, v20;
	s19 =	sor.u32 $0x430, s6;
	[tilespmem:s23+$0xFFFFFF70] =	vst v31  }
0x21e: {  	s8 =	sor.u32 $0x400, s15;
	s25 =	smov.u32 s24;
	s24 =	smov.u32 s12;
	v31 =	vld [tilespmem:s19+$0x4780];
	v29 =	vmul.f32 v29, v21;
	v21 =	vmov v27  }
0x21f: {  	v35 =	vld [tilespmem:s8+$0x4780];
	[tilespmem:s1+$0xFFFFFF30] =	vst v34;
	s8 =	sor.u32 $0x440, s13;
	v27 =	vmul.f32 v32, v21  }
0x220: {  	s12 =	sadd.s32 $0x2, s3;
	v32 =	vld [tilespmem:s8+$0x4780];
	v34 =	vmul.f32 v28, v25;
	[tilespmem:s23+$0x70] =	vst v29;
	s8 =	sor.u32 $0x470, s22;
	s22 =	smov.u32 s7  }
0x221: {  	s19 =	sadd.s32 $0x1, s3;
	v28 =	vmov s3;
	v29 =	vmov s12;
	s3 =	sadd.s32 $0x3, s3;
	s7 =	smov.u32 s5;
	[tilespmem:s1+$0x30] =	vst v27;
	v30 =	vmul.f32 v30, v22;
	v36 =	vld [tilespmem:s8+$0x4780]  }
0x222: {  	v38 =	vmov s19;
	v28 =	vperm.xlane v24, v28;
	v27 =	vperm.xlane v24, v29;
	v37 =	vld [tilespmem:s0+$0x4780];
	s0 =	sor.u32 $0x440, s18;
	[tilespmem:s1+$0xB0] =	vst v34  }
0x223: {  	v29 =	vperm.xlane v24, v38;
	v34 =	vmov s3;
	s1 =	sadd.s32 $0x200, s1;
	v31 =	vmul.f32 v31, v26;
	v38 =	vld [tilespmem:s0+$0x4780];
	[tilespmem:s23+$0xFFFFFFE0] =	vst v30  }
0x224: {  	v34 =	vperm.xlane v24, v34;
	s0 =	sor.u32 $0x440, s22;
	v30 =	vmul.f32 v35, v27;
	v35 =	vld [tilespmem:s30+$0x4780]  }
0x225: {  	s3 =	sor.u32 $0x440, s6;
	v32 =	vmul.f32 v32, v20;
	[tilespmem:s31+$0xFFFFFFB0] =	vst v31;
	v31 =	vld [tilespmem:s0+$0x4780]  }
0x226: {  	s0 =	sor.u32 $0x410, s15;
	[tilespmem:s1+$0x0] =	vst v30;
	v30 =	vld [tilespmem:s3+$0x4780];
	v36 =	vmul.f32 v36, v23;
	v23 =	vmov v25;
	v25 =	vmov v34  }
0x227: {  	s5 =	sor.u32 $0x450, s13;
	v33 =	vmul.f32 v33, v29;
	s3 =	sor.u32 $0x410, s21;
	v34 =	vmul.f32 v37, v28;
	v37 =	vld [tilespmem:s0+$0x4780];
	s0 =	sor.u32 $0x410, s7;
	[tilespmem:s31+$0xFFFFFF40] =	vst v32  }
0x228: {  	v32 =	vld [tilespmem:s5+$0x4780];
	v38 =	vmul.f32 v38, v21;
	s5 =	sor.u32 $0x470, s20;
	[tilespmem:s23+$0xF0] =	vst v36;
	s20 =	smov.u32 s6;
	s6 =	smov.u32 s4  }
0x229: {  	[tilespmem:s1+$0xFFFFFF00] =	vst v34;
	s4 =	sor.u32 $0x410, s6;
	v34 =	vmul.f32 v35, v25;
	v35 =	vld [tilespmem:s5+$0x4780]  }
0x22a: {  	v36 =	vld [tilespmem:s3+$0x4780];
	[tilespmem:s1+$0xFFFFFF80] =	vst v33;
	v31 =	vmul.f32 v31, v23  }
0x22b: {  	s3 =	sor.u32 $0x450, s18;
	v33 =	vld [tilespmem:s4+$0x4780];
	v30 =	vmul.f32 v30, v26;
	[tilespmem:s31+$0x40] =	vst v38  }
0x22c: {  	v37 =	vmul.f32 v37, v27;
	[tilespmem:s1+$0x80] =	vst v34;
	v34 =	vld [tilespmem:s3+$0x4780]  }
0x22d: {  	v38 =	vld [tilespmem:s0+$0x4780];
	v32 =	vmul.f32 v32, v20;
	[tilespmem:s31+$0xC0] =	vst v31;
	s0 =	sor.u32 $0x450, s22  }
0x22e: {  	s3 =	sor.u32 $0x450, s20;
	[tilespmem:s31+$0xFFFFFFC0] =	vst v30;
	v30 =	vld [tilespmem:s0+$0x4780];
	v31 =	vmul.f32 v35, v22;
	v22 =	vmov v26;
	v26 =	vmov v29  }
0x22f: {  	s4 =	sor.u32 $0x460, s13;
	s13 =	smov.u32 s21;
	s0 =	sor.u32 $0x420, s21;
	v29 =	vmul.f32 v36, v28;
	[tilespmem:s31+$0xFFFFFF50] =	vst v32;
	v32 =	vld [tilespmem:s3+$0x4780]  }
0x230: {  	v33 =	vmul.f32 v33, v26;
	v35 =	vld [tilespmem:s4+$0x4780];
	[tilespmem:s23+$0xFFFFFFF0] =	vst v31;
	s23 =	smov.u32 s31;
	s31 =	smov.u32 s1  }
0x231: {  	s3 =	sor.u32 $0x420, s15;
	[tilespmem:s1+$0x10] =	vst v37;
	v34 =	vmul.f32 v34, v21  }
0x232: {  	[tilespmem:s1+$0xFFFFFF10] =	vst v29;
	v36 =	vld [tilespmem:s3+$0x4780];
	v29 =	vmul.f32 v38, v25  }
.Ltmp9:
0x233: {  	v31 =	vld [tilespmem:s0+$0x4780];
	[tilespmem:s23+$0x50] =	vst v34;
	s0 =	sor.u32 $0x460, s18;
	v37 =	vmul.f32 v30, v23;
	(pc) =	sbr.rel @p4 .LBB2_14-.Ltmp9, $4  }
0x234: {  	s3 =	sor.u32 $0x420, s6;
	[tilespmem:s1+$0x90] =	vst v29;
	v38 =	vmul.f32 v32, v22;
	v29 =	vld [tilespmem:s0+$0x4780]  }
0x235: {  	s0 =	sor.u32 $0x420, s7;
	[tilespmem:s1+$0xFFFFFF90] =	vst v33;
	v30 =	vmul.f32 v35, v20  }
0x236: {  	v34 =	vld [tilespmem:s0+$0x4780];
	[tilespmem:s23+$0xD0] =	vst v37  }
0x237: {  	v33 =	vld [tilespmem:s3+$0x4780];
	v32 =	vmul.f32 v36, v27;
	[tilespmem:s23+$0xFFFFFFD0] =	vst v38;
	s3 =	sor.u32 $0x460, s22  }
0x238: {  	_ = 	snop  }
0x239: {  	v24 =	vmul.f32 v31, v28;
	_ =	sdelay $0x1  }
0x23a: {  	s0 =	sor.u32 $0x430, s13;
	[tilespmem:s1+$0xFFFFFF20] =	vst v24;
	v24 =	vmul.f32 v34, v25  }
0x23b: {  	s21 =	sor.u32 $0x430, s15;
	[tilespmem:s1+$0x20] =	vst v32;
	v31 =	vld [tilespmem:s0+$0x4780];
	v33 =	vmul.f32 v33, v26  }
0x23c: {  	s26 =	sor.u32 $0x430, s7;
	v32 =	vld [tilespmem:s21+$0x4780];
	[tilespmem:s1+$0xA0] =	vst v24  }
0x23d: {  	s28 =	sor.u32 $0x430, s6;
	v24 =	vld [tilespmem:s26+$0x4780];
	[tilespmem:s1+$0xFFFFFFA0] =	vst v33  }
0x23e: {  	v33 =	vld [tilespmem:s28+$0x4780];
	_ =	sdelay $0x1  }
0x23f: {  	v31 =	vmul.f32 v31, v28  }
0x240: {  	v32 =	vmul.f32 v32, v27  }
0x241: {  	s29 =	sor.u32 $0x440, s13;
	[tilespmem:s1+$0xFFFFFF30] =	vst v31;
	v24 =	vmul.f32 v24, v25  }
0x242: {  	s30 =	sor.u32 $0x440, s15;
	[tilespmem:s1+$0x30] =	vst v32;
	v31 =	vld [tilespmem:s29+$0x4780];
	v50 =	vmul.f32 v33, v26  }
0x243: {  	s4 =	sor.u32 $0x440, s7;
	[tilespmem:s1+$0xB0] =	vst v24;
	v24 =	vld [tilespmem:s30+$0x4780]  }
0x244: {  	s5 =	sor.u32 $0x440, s6;
	[tilespmem:s31+$0xFFFFFFB0] =	vst v50;
	v51 =	vld [tilespmem:s4+$0x4780]  }
0x245: {  	v52 =	vld [tilespmem:s5+$0x4780];
	_ =	sdelay $0x1  }
0x246: {  	v31 =	vmul.f32 v31, v28  }
0x247: {  	v24 =	vmul.f32 v24, v27  }
0x248: {  	s8 =	sor.u32 $0x450, s13;
	[tilespmem:s31+$0xFFFFFF40] =	vst v31;
	v31 =	vmul.f32 v51, v25  }
0x249: {  	s10 =	sor.u32 $0x450, s15;
	v53 =	vld [tilespmem:s8+$0x4780];
	v33 =	vmul.f32 v52, v26;
	[tilespmem:s31+$0x40] =	vst v24  }
0x24a: {  	s11 =	sor.u32 $0x450, s7;
	v24 =	vld [tilespmem:s10+$0x4780];
	[tilespmem:s31+$0xC0] =	vst v31  }
0x24b: {  	s12 =	sor.u32 $0x450, s6;
	[tilespmem:s31+$0xFFFFFFC0] =	vst v33;
	v31 =	vld [tilespmem:s11+$0x4780]  }
0x24c: {  	v33 =	vld [tilespmem:s12+$0x4780];
	_ =	sdelay $0x1  }
0x24d: {  	v32 =	vmul.f32 v53, v28  }
0x24e: {  	v54 =	vld [tilespmem:s3+$0x4780];
	s19 =	sor.u32 $0x460, s20;
	v24 =	vmul.f32 v24, v27  }
0x24f: {  	v35 =	vld [tilespmem:s19+$0x4780];
	s21 =	sor.u32 $0x460, s13;
	[tilespmem:s31+$0xFFFFFF50] =	vst v32;
	v31 =	vmul.f32 v31, v25  }
0x250: {  	s26 =	sor.u32 $0x460, s15;
	v32 =	vld [tilespmem:s21+$0x4780];
	[tilespmem:s31+$0x50] =	vst v24;
	v24 =	vmul.f32 v33, v26  }
0x251: {  	s28 =	sor.u32 $0x460, s7;
	v55 =	vld [tilespmem:s26+$0x4780];
	[tilespmem:s31+$0xD0] =	vst v31  }
0x252: {  	v29 =	vmul.f32 v29, v21;
	s29 =	sor.u32 $0x460, s6;
	[tilespmem:s31+$0xFFFFFFD0] =	vst v24;
	v24 =	vld [tilespmem:s28+$0x4780]  }
0x253: {  	[tilespmem:s23+$0xFFFFFF60] =	vst v30;
	v30 =	vmul.f32 v54, v23;
	v31 =	vld [tilespmem:s29+$0x4780]  }
0x254: {  	v56 =	vld [tilespmem:s25+$0x4780];
	[tilespmem:s23+$0x60] =	vst v29;
	v29 =	vmul.f32 v35, v22;
	s30 =	sor.u32 $0x470, s18  }
0x255: {  	[tilespmem:s23+$0xE0] =	vst v30;
	s1 =	sor.u32 $0x470, s22;
	v57 =	vld [tilespmem:s30+$0x4780];
	v30 =	vmul.f32 v32, v28  }
0x256: {  	s3 =	sor.u32 $0x470, s20;
	[tilespmem:s23+$0xFFFFFFE0] =	vst v29;
	v58 =	vld [tilespmem:s1+$0x4780];
	v29 =	vmul.f32 v55, v27  }
0x257: {  	v59 =	vld [tilespmem:s3+$0x4780];
	[tilespmem:s31+$0xFFFFFF60] =	vst v30;
	v24 =	vmul.f32 v24, v25  }
0x258: {  	s4 =	sor.u32 $0x470, s15;
	v30 =	vld [tilespmem:s24+$0x4780];
	[tilespmem:s31+$0x60] =	vst v29;
	v29 =	vmul.f32 v31, v26  }
0x259: {  	v20 =	vmul.f32 v56, v20;
	s5 =	sor.u32 $0x470, s7;
	v31 =	vld [tilespmem:s4+$0x4780];
	[tilespmem:s31+$0xE0] =	vst v24  }
0x25a: {  	s7 =	sor.u32 $0x470, s6;
	v21 =	vmul.f32 v57, v21;
	v24 =	vld [tilespmem:s5+$0x4780];
	[tilespmem:s31+$0xFFFFFFE0] =	vst v29  }
0x25b: {  	[tilespmem:s23+$0xFFFFFF70] =	vst v20;
	v20 =	vmul.f32 v58, v23;
	v23 =	vld [tilespmem:s7+$0x4780]  }
0x25c: {  	[tilespmem:s23+$0x70] =	vst v21;
	v21 =	vmul.f32 v59, v22  }
0x25d: {  	[tilespmem:s23+$0xF0] =	vst v20;
	v20 =	vmul.f32 v30, v28  }
0x25e: {  	[tilespmem:s23+$0xFFFFFFF0] =	vst v21;
	v21 =	vmul.f32 v31, v27  }
0x25f: {  	[tilespmem:s31+$0xFFFFFF70] =	vst v20;
	v20 =	vmul.f32 v24, v25  }
0x260: {  	[tilespmem:s31+$0x70] =	vst v21;
	v21 =	vmul.f32 v23, v26  }
0x261: {  	[tilespmem:s31+$0xF0] =	vst v20  }
0x262: {  	[tilespmem:s31+$0xFFFFFFF0] =	vst v21  }
0x263: {  	v20 =	vld [tilespmem:s17+$0x40];
	_ =	sdelay $0x4  }
0x264: {  	v21 =	vshll.u32 v20, $0x1  }
0x265: {  	v22 =	vand.u32 $0x7, v20;
	v21 =	vand.u32 $0x1FFF0, v21  }
0x266: {  	v21 =	vor.u32 v22, v21  }
0x267: {  	v20 =	vshrl.u32 v20, $0x10;
	v22 =	vperm.xlane v21, v1;
	_ =	sdelay $0x1  }
0x268: {  	v21 =	vperm.xlane v21, v3;
	v22 =	vadd.s32 v2, v22;
	_ =	sdelay $0x1  }
0x269: {  	s8 =	rddreg [dreg:$0x0];
	s10 =	simm.s32 $0x0;
	s11 =	simm.s32 $0x2780;
	v21 =	vadd.s32 v2, v21  }
0x26a: {  	[tilespmem:s11], [sflag:$0x1] =	stream.indirect_vreg.gather [hbm4b:s8+s10], $0x80, v20, vm0, $0xb8;
	[tilespmem:$0x1ECF8] =	vst v63  }
0x26b: {  	s12 =	simm.s32 $0x4780  }
0x26c: {  	[tilespmem:s12], [sflag:$0x1] =	stream.indirect_vreg.gather [hbm4b:s14+s10], $0x80, v22, vm0, $0xb8;
	[tilespmem:$0x1ECF8] =	vst v63  }
0x26d: {  	s13 =	simm.s32 $0x4F80  }
0x26e: {  	[tilespmem:s13], [sflag:$0x1] =	stream.indirect_vreg.gather [hbm4b:s14+s10], $0x80, v21, vm0, $0xb8;
	[tilespmem:$0x1ECF8] =	vst v63  }
0x26f: {  	s18 =	simm.s32 $0x8780;
	s15 =	rddreg [dreg:$0x2]  }
0x270: {  	[spmem:s15] =	stream.indirect_vreg.scatter.add.f32 [tilespmem:s18], [sflag:$0x5], $0x80, v19, vm0, $0xb8;
	[tilespmem:$0x1ECF8] =	vst v63  }
0x271: {  	s20 =	simm.s32 $0xA780;
	s19 =	rddreg [dreg:$0x3];
	s21 =	simm.s32 $0x2  }
0x272: {  	[spmem:s19] =	stream.indirect_vreg.scatter.add.f32 [tilespmem:s20], [sflag:$0x5], $0x1, v19, vm0, $0xb8;
	[tilespmem:$0x1ECF8] =	vst v63  }
0x273: {  	v19 =	vld [tilespmem:s17+$0x10];
	_ =	swait.ge [sflag:s21], $0x800  }
0x274: {  	[sflag:s21] =	ssyncset.done $0x0  }
0x275: {  	[sflag:s21] =	ssyncadd.s32 $0xFFFFF800  }
0x276: {  	_ =	swait.ge [sflag:s21], $0x1000  }
0x277: {  	[sflag:s21] =	ssyncset.done $0x0  }
0x278: {  	s0 =	simm.s32 @!p1 $0x6;
	[sflag:s21] =	ssyncadd.s32 $0xFFFFF000  }
0x279: {  	_ =	swait.ge @!p1 [sflag:s0], $0x800  }
0x27a: {  	[sflag:s0] =	ssyncset.done @!p1 $0x0  }
0x27b: {  	[sflag:s0] =	ssyncadd.s32 @!p1 $0xFFFFF800  }
0x27c: {  	_ =	swait.ge @!p1 [sflag:s0], $0x10  }
0x27d: {  	s22 =	simm.s32 $0x0;
	s6 =	simm.s32 $0x3080;
	[sflag:s0] =	ssyncset.done @!p1 $0x0  }
0x27e: {  	s23 =	sand.u32 $0x800, s22;
	s24 =	simm.s32 $0x180;
	[sflag:s0] =	ssyncadd.s32 @!p1 $0xFFFFFFF0  }
0x27f: {  	s25 =	sand.u32 $0x380, s24;
	s5 =	sor.u32 $0x5780, s23;
	v20 =	vld [tilespmem:s6+$0x80]  }
0x280: {  	s3 =	sadd.s32 s25, s5;
	v21 =	vld [tilespmem:s6+$0x90]  }
0x281: {  	v22 =	vld [tilespmem:s3+$0x0]  }
0x282: {  	v23 =	vld [tilespmem:s3+$0x10]  }
0x283: {  	v24 =	vld [tilespmem:s6+$0xA0]  }
0x284: {  	v25 =	vld [tilespmem:s3+$0x20]  }
0x285: {  	v26 =	vld [tilespmem:s6+$0xB0]  }
0x286: {  	v27 =	vld [tilespmem:s3+$0x30]  }
0x287: {  	v28 =	vld [tilespmem:s6+$0xC0]  }
0x288: {  	v29 =	vld [tilespmem:s3+$0x40]  }
0x289: {  	v30 =	vld [tilespmem:s6+$0xD0]  }
0x28a: {  	v31 =	vld [tilespmem:s3+$0x50]  }
0x28b: {  	v60 =	vld [tilespmem:s6+$0xE0]  }
0x28c: {  	s4 =	simm.s32 $0x80;
	v61 =	vld [tilespmem:s3+$0x60]  }
0x28d: {  	s28 =	sand.u32 $0x280, s4;
	v34 =	vld [tilespmem:s6+$0xF0]  }
0x28e: {  	s29 =	simm.s32 $0x100;
	s4 =	sadd.s32 s28, s5;
	v35 =	vld [tilespmem:s3+$0x70]  }
0x28f: {  	s30 =	sand.u32 $0x300, s29;
	v38 =	vld [tilespmem:s4+$0x0]  }
0x290: {  	s31 =	sadd.s32 s30, s5;
	v39 =	vld [tilespmem:s4+$0x10]  }
0x291: {  	v40 =	vld [tilespmem:s31+$0x0]  }
0x292: {  	v41 =	vld [tilespmem:s31+$0x10]  }
0x293: {  	v42 =	vld [tilespmem:s6+$0xFFFFFF10]  }
0x294: {  	v43 =	vld [tilespmem:s6+$0xFFFFFF80]  }
0x295: {  	v44 =	vld [tilespmem:s6+$0xFFFFFF90]  }
0x296: {  	v45 =	vld [tilespmem:s6+$0x0]  }
0x297: {  	v46 =	vld [tilespmem:s6+$0x10]  }
0x298: {  	v47 =	vld [tilespmem:s6+$0xFFFFFF00]  }
0x299: {  	v49 =	vld [tilespmem:s4+$0x20]  }
0x29a: {  	v50 =	vld [tilespmem:s31+$0x20]  }
0x29b: {  	v51 =	vld [tilespmem:s6+$0xFFFFFF20]  }
0x29c: {  	v52 =	vld [tilespmem:s6+$0xFFFFFFA0]  }
0x29d: {  	v53 =	vld [tilespmem:s6+$0x20]  }
0x29e: {  	v55 =	vld [tilespmem:s4+$0x30]  }
0x29f: {  	v56 =	vld [tilespmem:s31+$0x30]  }
0x2a0: {  	v57 =	vld [tilespmem:s6+$0xFFFFFF30]  }
0x2a1: {  	v58 =	vld [tilespmem:s6+$0xFFFFFFB0]  }
0x2a2: {  	s0 =	sand.u32 $0x200, s22;
	v59 =	vld [tilespmem:s6+$0x30]  }
0x2a3: {  	s26 =	sadd.s32 s0, s5;
	v63 =	vld [tilespmem:s6+$0xFFFFFF50]  }
0x2a4: {  	v36 =	vld [tilespmem:s26+$0x0]  }
0x2a5: {  	v37 =	vld [tilespmem:s26+$0x10]  }
0x2a6: {  	v48 =	vld [tilespmem:s26+$0x20]  }
0x2a7: {  	v54 =	vld [tilespmem:s26+$0x30]  }
0x2a8: {  	v20 =	vmul.f32 v22, v20;
	v21 =	vmul.f32 v23, v21;
	v22 =	vld [tilespmem:s26+$0x40]  }
0x2a9: {  	v23 =	vld [tilespmem:s4+$0x40];
	v62 =	vmul.f32 v39, v44  }
0x2aa: {  	v32 =	vmul.f32 v61, v60;
	v61 =	vld [tilespmem:s6+$0xFFFFFF60];
	v20 =	vadd.f32 v21, v20;
	v21 =	vmul.f32 v25, v24  }
0x2ab: {  	v36 =	vmul.f32 v36, v47;
	v47 =	vmul.f32 v48, v51;
	v48 =	vld [tilespmem:s6+$0x50]  }
0x2ac: {  	v49 =	vmul.f32 v49, v52;
	v51 =	vld [tilespmem:s26+$0x60];
	v20 =	vadd.f32 v21, v20;
	v21 =	vmul.f32 v27, v26  }
0x2ad: {  	v52 =	vmul.f32 v50, v53;
	v53 =	vmul.f32 v54, v57;
	v54 =	vld [tilespmem:s4+$0x60]  }
0x2ae: {  	v57 =	vmul.f32 v55, v58;
	v58 =	vld [tilespmem:s31+$0x60];
	v20 =	vadd.f32 v21, v20;
	v21 =	vmul.f32 v29, v28  }
0x2af: {  	v24 =	vld [tilespmem:s31+$0x40];
	v29 =	vmul.f32 v31, v30;
	v31 =	vmul.f32 v38, v43  }
0x2b0: {  	v25 =	vld [tilespmem:s6+$0xFFFFFF40];
	v20 =	vadd.f32 v21, v20  }
0x2b1: {  	v26 =	vld [tilespmem:s6+$0xFFFFFFC0];
	v21 =	vmul.f32 v37, v42;
	v31 =	vadd.f32 v62, v31  }
0x2b2: {  	v27 =	vld [tilespmem:s6+$0x40];
	v20 =	vadd.f32 v29, v20;
	v29 =	vmul.f32 v40, v45;
	v45 =	vmul.f32 v41, v46  }
0x2b3: {  	v28 =	vld [tilespmem:s26+$0x50];
	v21 =	vadd.f32 v21, v36  }
0x2b4: {  	v30 =	vld [tilespmem:s4+$0x50];
	v31 =	vadd.f32 v49, v31;
	v29 =	vadd.f32 v45, v29  }
0x2b5: {  	v60 =	vmul.f32 v56, v59;
	v22 =	vmul.f32 v22, v25;
	v46 =	vld [tilespmem:s6+$0xFFFFFFD0];
	v21 =	vadd.f32 v47, v21  }
0x2b6: {  	v37 =	vld [tilespmem:s31+$0x50];
	v23 =	vmul.f32 v23, v26;
	v31 =	vadd.f32 v57, v31;
	v29 =	vadd.f32 v52, v29  }
0x2b7: {  	v25 =	vmul.f32 v35, v34;
	v26 =	vld [tilespmem:s6+$0xFFFFFFE0];
	v20 =	vadd.f32 v32, v20;
	v21 =	vadd.f32 v53, v21  }
0x2b8: {  	v62 =	vld [tilespmem:s6+$0x60];
	v24 =	vmul.f32 v24, v27;
	v23 =	vadd.f32 v23, v31;
	v29 =	vadd.f32 v60, v29  }
0x2b9: {  	v28 =	vmul.f32 v28, v63;
	v31 =	vadd.f32 v25, v20;
	v20 =	vld [tilespmem:s31+$0x70];
	v27 =	vadd.f32 v22, v21  }
0x2ba: {  	v25 =	vld [tilespmem:s6+$0xFFFFFF70];
	v24 =	vadd.f32 v24, v29;
	v29 =	vmul.f32 v30, v46  }
0x2bb: {  	v63 =	vmul.f32 v51, v61;
	v22 =	vld [tilespmem:s26+$0x70];
	v30 =	vmul.f32 v37, v48;
	v28 =	vadd.f32 v28, v27  }
0x2bc: {  	s1 =	simm.s32 $0xAA80;
	v19 =	vshrl.u32 v19, $0x10;
	v21 =	vld [tilespmem:s4+$0x70];
	v27 =	vadd.f32 v29, v23;
	v29 =	vmul.f32 v54, v26  }
0x2bd: {  	s7 =	simm.s32 $0x0;
	s11 =	simm.s32 $0x200;
	s10 =	simm.s32 $0x400;
	[tilespmem:s1+$0x80] =	vst v31;
	v24 =	vadd.f32 v30, v24;
	v23 =	vadd.f32 v63, v28;
	v26 =	vld [tilespmem:s6+$0xFFFFFFF0];
	v28 =	vmul.f32 v58, v62  }
.LBB2_16:
0x2be: {  	s0 =	sand.u32 $0x800, s10;
	s3 =	sadd.s32 $0x180, s11;
	v27 =	vadd.f32 v29, v27;
	v29 =	vld [tilespmem:s6+$0x70];
	s6 =	sadd.s32 $0x200, s6  }
0x2bf: {  	s7 =	sadd.s32 $0x4, s7;
	s0 =	sor.u32 $0x5780, s0;
	v30 =	vld [tilespmem:s6+$0x80];
	s3 =	sand.u32 $0x380, s3;
	v24 =	vadd.f32 v28, v24  }
0x2c0: {  	s4 =	sadd.s32 $0x80, s11;
	p3 =	slt.u32 s7, $0xC;
	s3 =	sadd.s32 s3, s0;
	v28 =	vld [tilespmem:s6+$0x90]  }
0x2c1: {  	s5 =	sand.u32 $0x200, s11;
	s8 =	sadd.s32 $0x100, s11;
	s4 =	sand.u32 $0x280, s4;
	v31 =	vld [tilespmem:s3+$0x0];
	v22 =	vmul.f32 v22, v25  }
0x2c2: {  	s15 =	sadd.s32 s5, s0;
	s13 =	sadd.s32 s4, s0;
	s4 =	sand.u32 $0x300, s8;
	v25 =	vld [tilespmem:s3+$0x10];
	v21 =	vmul.f32 v21, v26  }
0x2c3: {  	s18 =	sadd.s32 s4, s0;
	v26 =	vld [tilespmem:s6+$0xA0];
	v22 =	vadd.f32 v22, v23;
	v20 =	vmul.f32 v20, v29  }
0x2c4: {  	v23 =	vld [tilespmem:s3+$0x20];
	v21 =	vadd.f32 v21, v27  }
0x2c5: {  	v27 =	vld [tilespmem:s6+$0xB0];
	[tilespmem:s1+$0xFFFFFF00] =	vst v22;
	v20 =	vadd.f32 v20, v24  }
0x2c6: {  	v22 =	vld [tilespmem:s3+$0x30];
	[tilespmem:s1+$0xFFFFFF80] =	vst v21  }
0x2c7: {  	v21 =	vmul.f32 v31, v30;
	v24 =	vmul.f32 v25, v28;
	v25 =	vld [tilespmem:s6+$0xC0];
	[tilespmem:s1+$0x0] =	vst v20  }
0x2c8: {  	v20 =	vld [tilespmem:s3+$0x40]  }
0x2c9: {  	v21 =	vadd.f32 v24, v21;
	v23 =	vmul.f32 v23, v26;
	v24 =	vld [tilespmem:s6+$0xD0]  }
0x2ca: {  	v26 =	vld [tilespmem:s3+$0x50]  }
0x2cb: {  	v21 =	vadd.f32 v23, v21;
	v22 =	vmul.f32 v22, v27;
	v23 =	vld [tilespmem:s6+$0xE0]  }
0x2cc: {  	v27 =	vld [tilespmem:s3+$0x60]  }
0x2cd: {  	v21 =	vadd.f32 v22, v21;
	v20 =	vmul.f32 v20, v25;
	v22 =	vld [tilespmem:s6+$0xF0]  }
0x2ce: {  	v25 =	vld [tilespmem:s3+$0x70]  }
0x2cf: {  	v28 =	vld [tilespmem:s15+$0x0];
	v20 =	vadd.f32 v20, v21;
	v21 =	vmul.f32 v26, v24  }
0x2d0: {  	v24 =	vld [tilespmem:s15+$0x10]  }
0x2d1: {  	v26 =	vld [tilespmem:s13+$0x0];
	v20 =	vadd.f32 v21, v20;
	v21 =	vmul.f32 v27, v23  }
0x2d2: {  	v23 =	vld [tilespmem:s13+$0x10]  }
0x2d3: {  	v27 =	vld [tilespmem:s18+$0x0];
	v20 =	vadd.f32 v21, v20;
	v21 =	vmul.f32 v25, v22  }
0x2d4: {  	v22 =	vld [tilespmem:s18+$0x10]  }
0x2d5: {  	v25 =	vld [tilespmem:s6+$0xFFFFFF10];
	v20 =	vadd.f32 v21, v20  }
0x2d6: {  	s1 =	sadd.s32 $0x200, s1;
	v21 =	vld [tilespmem:s6+$0xFFFFFF80]  }
0x2d7: {  	v29 =	vld [tilespmem:s6+$0xFFFFFF90];
	[tilespmem:s1+$0x80] =	vst v20  }
0x2d8: {  	v20 =	vld [tilespmem:s6+$0x0]  }
0x2d9: {  	v30 =	vld [tilespmem:s6+$0x10]  }
0x2da: {  	v31 =	vld [tilespmem:s6+$0xFFFFFF00];
	v24 =	vmul.f32 v24, v25  }
0x2db: {  	v25 =	vld [tilespmem:s15+$0x20];
	v21 =	vmul.f32 v26, v21  }
0x2dc: {  	v23 =	vmul.f32 v23, v29;
	v26 =	vld [tilespmem:s13+$0x20]  }
0x2dd: {  	v20 =	vmul.f32 v27, v20;
	v27 =	vld [tilespmem:s18+$0x20]  }
0x2de: {  	v29 =	vld [tilespmem:s6+$0xFFFFFF20];
	v21 =	vadd.f32 v23, v21;
	v22 =	vmul.f32 v22, v30  }
0x2df: {  	v23 =	vmul.f32 v28, v31;
	v28 =	vld [tilespmem:s6+$0xFFFFFFA0]  }
0x2e0: {  	v20 =	vadd.f32 v22, v20;
	v22 =	vld [tilespmem:s6+$0x20]  }
0x2e1: {  	v23 =	vadd.f32 v24, v23;
	v24 =	vld [tilespmem:s15+$0x30]  }
0x2e2: {  	v30 =	vld [tilespmem:s13+$0x30]  }
0x2e3: {  	v25 =	vmul.f32 v25, v29;
	v29 =	vld [tilespmem:s18+$0x30]  }
0x2e4: {  	v31 =	vld [tilespmem:s6+$0xFFFFFF30];
	v26 =	vmul.f32 v26, v28  }
0x2e5: {  	v23 =	vadd.f32 v25, v23;
	v25 =	vld [tilespmem:s6+$0xFFFFFFB0];
	v22 =	vmul.f32 v27, v22  }
0x2e6: {  	v21 =	vadd.f32 v26, v21;
	v26 =	vld [tilespmem:s6+$0x30]  }
0x2e7: {  	v27 =	vld [tilespmem:s15+$0x40];
	v20 =	vadd.f32 v22, v20  }
0x2e8: {  	v22 =	vld [tilespmem:s13+$0x40]  }
0x2e9: {  	v24 =	vmul.f32 v24, v31;
	v28 =	vld [tilespmem:s18+$0x40]  }
0x2ea: {  	v31 =	vld [tilespmem:s6+$0xFFFFFF40];
	v25 =	vmul.f32 v30, v25  }
0x2eb: {  	v23 =	vadd.f32 v24, v23;
	v24 =	vld [tilespmem:s6+$0xFFFFFFC0];
	v26 =	vmul.f32 v29, v26  }
0x2ec: {  	v21 =	vadd.f32 v25, v21;
	v25 =	vld [tilespmem:s6+$0x40]  }
0x2ed: {  	v29 =	vld [tilespmem:s15+$0x50];
	v20 =	vadd.f32 v26, v20  }
0x2ee: {  	v26 =	vld [tilespmem:s13+$0x50]  }
0x2ef: {  	v27 =	vmul.f32 v27, v31;
	v30 =	vld [tilespmem:s18+$0x50]  }
0x2f0: {  	v31 =	vld [tilespmem:s6+$0xFFFFFF50];
	v22 =	vmul.f32 v22, v24  }
0x2f1: {  	v23 =	vadd.f32 v27, v23;
	v24 =	vld [tilespmem:s6+$0xFFFFFFD0];
	v25 =	vmul.f32 v28, v25  }
0x2f2: {  	v21 =	vadd.f32 v22, v21;
	v22 =	vld [tilespmem:s6+$0x50]  }
0x2f3: {  	v28 =	vld [tilespmem:s15+$0x60];
	v20 =	vadd.f32 v25, v20  }
0x2f4: {  	v32 =	vld [tilespmem:s13+$0x60]  }
0x2f5: {  	v25 =	vmul.f32 v29, v31;
	v31 =	vld [tilespmem:s18+$0x60]  }
0x2f6: {  	v29 =	vld [tilespmem:s6+$0xFFFFFF60];
	v24 =	vmul.f32 v26, v24  }
0x2f7: {  	v23 =	vadd.f32 v25, v23;
	v26 =	vld [tilespmem:s6+$0xFFFFFFE0];
	v25 =	vmul.f32 v30, v22  }
0x2f8: {  	v27 =	vadd.f32 v24, v21;
	v30 =	vld [tilespmem:s6+$0x60]  }
.Ltmp10:
0x2f9: {  	v22 =	vld [tilespmem:s15+$0x70];
	v24 =	vadd.f32 v25, v20;
	(pc) =	sbr.rel @p3 .LBB2_16-.Ltmp10, $4  }
0x2fa: {  	v21 =	vld [tilespmem:s13+$0x70]  }
0x2fb: {  	v28 =	vmul.f32 v28, v29;
	v20 =	vld [tilespmem:s18+$0x70]  }
0x2fc: {  	v25 =	vld [tilespmem:s6+$0xFFFFFF70];
	v29 =	vmul.f32 v32, v26  }
0x2fd: {  	s10 =	sadd.s32 $0x400, s10;
	s11 =	sadd.s32 $0x200, s11;
	v23 =	vadd.f32 v28, v23;
	v26 =	vld [tilespmem:s6+$0xFFFFFFF0];
	v28 =	vmul.f32 v31, v30  }
0x2fe: {  	v30 =	vld [tilespmem:s6+$0x70];
	_ =	sdelay $0x2  }
0x2ff: {  	v22 =	vmul.f32 v22, v25  }
0x300: {  	v25 =	vadd.f32 v29, v27;
	v21 =	vmul.f32 v21, v26  }
0x301: {  	v24 =	vadd.f32 v28, v24;
	v22 =	vadd.f32 v22, v23;
	v20 =	vmul.f32 v20, v30  }
0x302: {  	v21 =	vadd.f32 v21, v25  }
0x303: {  	[tilespmem:s1+$0xFFFFFF00] =	vst v22;
	v20 =	vadd.f32 v20, v24  }
0x304: {  	[tilespmem:s1+$0xFFFFFF80] =	vst v21  }
0x305: {  	[tilespmem:s1+$0x0] =	vst v20  }
0x306: {  	v20 =	vld.idx.msk [tilespmem:v0+s9+$0x0], $0xffff  }
0x307: {  	v21 =	vld.idx.msk [tilespmem:v4+s9+$0x0], $0xffff;
	_ =	sdelay $0x1  }
0x308: {  	v22 =	vld.idx.msk [tilespmem:v5+s9+$0x0], $0xffff;
	_ =	sdelay $0x1  }
0x309: {  	v23 =	vld.idx.msk [tilespmem:v6+s9+$0x0], $0xffff  }
0x30a: {  	v20 =	vadd.f32 v21, v20  }
0x30b: {  	v21 =	vld.idx.msk [tilespmem:v7+s9+$0x0], $0xffff  }
0x30c: {  	v20 =	vadd.f32 v22, v20  }
0x30d: {  	v22 =	vld.idx.msk [tilespmem:v8+s9+$0x0], $0xffff  }
0x30e: {  	v20 =	vadd.f32 v23, v20  }
0x30f: {  	v23 =	vld.idx.msk [tilespmem:v9+s9+$0x0], $0xffff  }
0x310: {  	v20 =	vadd.f32 v21, v20  }
0x311: {  	v21 =	vld.idx.msk [tilespmem:v10+s9+$0x0], $0xffff  }
0x312: {  	v20 =	vadd.f32 v22, v20  }
0x313: {  	v22 =	vld.idx.msk [tilespmem:v11+s9+$0x0], $0xffff  }
0x314: {  	v20 =	vadd.f32 v23, v20  }
0x315: {  	v23 =	vld.idx.msk [tilespmem:v12+s9+$0x0], $0xffff  }
0x316: {  	v20 =	vadd.f32 v21, v20  }
0x317: {  	v21 =	vld.idx.msk [tilespmem:v13+s9+$0x0], $0xffff  }
0x318: {  	v20 =	vadd.f32 v22, v20  }
0x319: {  	v22 =	vld.idx.msk [tilespmem:v14+s9+$0x0], $0xffff  }
0x31a: {  	v20 =	vadd.f32 v23, v20  }
0x31b: {  	v23 =	vld.idx.msk [tilespmem:v15+s9+$0x0], $0xffff  }
0x31c: {  	v20 =	vadd.f32 v21, v20  }
0x31d: {  	v21 =	vld.idx.msk [tilespmem:v16+s9+$0x0], $0xffff  }
0x31e: {  	v20 =	vadd.f32 v22, v20  }
0x31f: {  	v22 =	vld.idx.msk [tilespmem:v17+s9+$0x0], $0xffff  }
0x320: {  	v20 =	vadd.f32 v23, v20  }
0x321: {  	v23 =	vld.idx.msk [tilespmem:v18+s9+$0x0], $0xffff  }
0x322: {  	v20 =	vadd.f32 v21, v20;
	_ =	sdelay $0x1  }
0x323: {  	v20 =	vadd.f32 v22, v20;
	_ =	sdelay $0x1  }
0x324: {  	v20 =	vadd.f32 v23, v20;
	_ =	sdelay $0x1  }
0x325: {  	v20 =	vmul.f32 $1.442695020e+00, v20;
	_ =	sdelay $0x1  }
0x326: {  	(erf) = vpow2.f32 v20;
	_ =	sdelay $0x5  }
0x327: {  	p3 =	por $0x0, $0x0;
	s0 =	simm.s32 $0x1  }
0x328: {  	s0 =	simm.s32 @!p3 $0x0  }
0x329: {  	s0 =	sshll.u32 s0, $0x9  }
0x32a: {  	s8 =	simm.s32 $0x0;
	s10 =	sadd.s32 $0x0, s0;
	v24 =	vpop (erf)  }
0x32b: {  	s11 =	sand.u32 $0x3, s8;
	s3 =	sor.u32 $0x400, s10;
	[tilespmem:$0xA800] =	vst v24  }
0x32c: {  	s0 =	sshll.u32 s11, $0x8;
	v21 =	vld [tilespmem:s3+$0x5780]  }
0x32d: {  	s12 =	sand.u32 $0x7, s8;
	s18 =	sadd.s32 $0x100, s0  }
0x32e: {  	s13 =	sshll.u32 s12, $0x7;
	s15 =	sor.u32 $0x400, s18;
	v20 =	vmov s8  }
0x32f: {  	s0 =	sadd.s32 $0x0, s13;
	v20 =	vperm.xlane v24, v20;
	v22 =	vld [tilespmem:s15+$0x5780]  }
0x330: {  	s19 =	simm.s32 $0x2;
	s22 =	sadd.s32 $0x180, s0  }
0x331: {  	s20 =	sadd.s32 $0x80, s0;
	s21 =	sor.u32 $0x400, s22;
	v23 =	vmov s19;
	v25 =	vmul.f32 v21, v20  }
0x332: {  	s23 =	simm.s32 $0x9080;
	s24 =	sor.u32 $0x400, s20;
	v26 =	vld [tilespmem:s21+$0x5780];
	v21 =	vperm.xlane v24, v23  }
0x333: {  	s25 =	simm.s32 $0x3;
	s26 =	sor.u32 $0x410, s10;
	v27 =	vld [tilespmem:s24+$0x5780];
	[tilespmem:s23+$0xFFFFFF00] =	vst v25  }
0x334: {  	s30 =	simm.s32 $0x1;
	v23 =	vmov s25;
	v25 =	vmul.f32 v22, v21;
	v28 =	vld [tilespmem:s26+$0x5780]  }
0x335: {  	v23 =	vperm.xlane v24, v23;
	v22 =	vmov s30  }
0x336: {  	s1 =	sor.u32 $0x410, s18;
	v22 =	vperm.xlane v24, v22;
	[tilespmem:s23+$0x0] =	vst v25  }
0x337: {  	v26 =	vmul.f32 v26, v23;
	v25 =	vld [tilespmem:s1+$0x5780]  }
0x338: {  	v27 =	vmul.f32 v27, v22  }
0x339: {  	s3 =	sor.u32 $0x410, s22;
	[tilespmem:s23+$0x80] =	vst v26;
	v26 =	vmul.f32 v28, v20  }
0x33a: {  	s4 =	sor.u32 $0x410, s20;
	[tilespmem:s23+$0xFFFFFF80] =	vst v27;
	v27 =	vld [tilespmem:s3+$0x5780]  }
0x33b: {  	s5 =	sor.u32 $0x420, s10;
	v28 =	vld [tilespmem:s4+$0x5780];
	[tilespmem:s23+$0xFFFFFF10] =	vst v26  }
0x33c: {  	v25 =	vmul.f32 v25, v21;
	v26 =	vld [tilespmem:s5+$0x5780];
	_ =	sdelay $0x1  }
0x33d: {  	s6 =	sor.u32 $0x420, s18;
	[tilespmem:s23+$0x10] =	vst v25  }
0x33e: {  	v27 =	vmul.f32 v27, v23;
	v25 =	vld [tilespmem:s6+$0x5780]  }
0x33f: {  	v28 =	vmul.f32 v28, v22  }
0x340: {  	s7 =	sor.u32 $0x420, s22;
	[tilespmem:s23+$0x90] =	vst v27;
	v26 =	vmul.f32 v26, v20  }
0x341: {  	s8 =	sor.u32 $0x420, s20;
	[tilespmem:s23+$0xFFFFFF90] =	vst v28;
	v27 =	vld [tilespmem:s7+$0x5780]  }
0x342: {  	s11 =	sor.u32 $0x430, s10;
	v28 =	vld [tilespmem:s8+$0x5780];
	[tilespmem:s23+$0xFFFFFF20] =	vst v26  }
0x343: {  	v25 =	vmul.f32 v25, v21;
	v26 =	vld [tilespmem:s11+$0x5780];
	_ =	sdelay $0x1  }
0x344: {  	s12 =	sor.u32 $0x430, s18;
	[tilespmem:s23+$0x20] =	vst v25  }
0x345: {  	s28 =	simm.s32 $0x4;
	v25 =	vmul.f32 v27, v23;
	v27 =	vld [tilespmem:s12+$0x5780]  }
0x346: {  	s29 =	simm.s32 $0x2;
	p3 =	por !p3, !p3;
	s13 =	sand.u32 $0x7, s28;
	v28 =	vmul.f32 v28, v22  }
0x347: {  	s15 =	sor.u32 $0x430, s22;
	s3 =	simm.s32 $0x1;
	s4 =	sand.u32 $0x3, s29;
	[tilespmem:s23+$0xA0] =	vst v25;
	v25 =	vmul.f32 v26, v20  }
0x348: {  	s19 =	sor.u32 $0x430, s20;
	s3 =	simm.s32 @!p3 $0x0;
	s4 =	sshll.u32 s4, $0x8;
	[tilespmem:s23+$0xFFFFFFA0] =	vst v28;
	v26 =	vld [tilespmem:s15+$0x5780]  }
0x349: {  	s21 =	sor.u32 $0x440, s10;
	s3 =	sshll.u32 s3, $0x9;
	s15 =	sadd.s32 $0x500, s4;
	v28 =	vld [tilespmem:s19+$0x5780];
	[tilespmem:s23+$0xFFFFFF30] =	vst v25  }
0x34a: {  	s0 =	sshll.u32 s13, $0x7;
	s13 =	sadd.s32 $0x400, s3;
	s24 =	sor.u32 $0x400, s15;
	v25 =	vmul.f32 v27, v21;
	v29 =	vld [tilespmem:s21+$0x5780]  }
0x34b: {  	s0 =	sadd.s32 $0x400, s0;
	s25 =	sor.u32 $0x400, s13;
	v30 =	vld [tilespmem:s24+$0x5780]  }
0x34c: {  	s30 =	sor.u32 $0x440, s18;
	s26 =	simm.s32 $0x6;
	v31 =	vld [tilespmem:s25+$0x5780];
	s7 =	sadd.s32 $0x180, s0;
	[tilespmem:s23+$0x30] =	vst v25  }
0x34d: {  	s6 =	sadd.s32 $0x80, s0;
	s4 =	sor.u32 $0x400, s7;
	v25 =	vmul.f32 v26, v23;
	v26 =	vmov s26;
	v32 =	vld [tilespmem:s30+$0x5780]  }
0x34e: {  	v33 =	vmov s28;
	s5 =	sor.u32 $0x400, s6;
	v34 =	vld [tilespmem:s4+$0x5780];
	v27 =	vperm.xlane v24, v26;
	v26 =	vmul.f32 v28, v22  }
0x34f: {  	v35 =	vld [tilespmem:s5+$0x5780];
	s8 =	simm.s32 $0x7;
	s11 =	sor.u32 $0x440, s22;
	v28 =	vperm.xlane v24, v33;
	[tilespmem:s23+$0xB0] =	vst v25;
	v29 =	vmul.f32 v29, v20  }
0x350: {  	s12 =	simm.s32 $0x5;
	s19 =	sor.u32 $0x440, s20;
	v25 =	vmov s8;
	v30 =	vmul.f32 v30, v27;
	[tilespmem:s23+$0xFFFFFFB0] =	vst v26;
	v51 =	vld [tilespmem:s11+$0x5780]  }
0x351: {  	s1 =	simm.s32 $0x9280;
	s21 =	sor.u32 $0x450, s10;
	v26 =	vmov s12;
	v25 =	vperm.xlane v24, v25;
	v31 =	vmul.f32 v31, v28;
	v36 =	vld [tilespmem:s19+$0x5780];
	[tilespmem:s23+$0xFFFFFF40] =	vst v29  }
0x352: {  	s24 =	sor.u32 $0x410, s15;
	v26 =	vperm.xlane v24, v26;
	[tilespmem:s1+$0x0] =	vst v30;
	v30 =	vmul.f32 v32, v21;
	v29 =	vld [tilespmem:s21+$0x5780]  }
0x353: {  	s25 =	sor.u32 $0x410, s13;
	[tilespmem:s1+$0xFFFFFF00] =	vst v31;
	v31 =	vmul.f32 v34, v25;
	v52 =	vld [tilespmem:s24+$0x5780]  }
0x354: {  	s26 =	sor.u32 $0x450, s18;
	v53 =	vmul.f32 v35, v26;
	v54 =	vld [tilespmem:s25+$0x5780];
	[tilespmem:s23+$0x40] =	vst v30  }
0x355: {  	s30 =	sor.u32 $0x410, s7;
	[tilespmem:s1+$0x80] =	vst v31;
	v30 =	vmul.f32 v51, v23;
	v31 =	vld [tilespmem:s26+$0x5780]  }
0x356: {  	s4 =	sor.u32 $0x410, s6;
	[tilespmem:s1+$0xFFFFFF80] =	vst v53;
	v56 =	vld [tilespmem:s30+$0x5780];
	v55 =	vmul.f32 v36, v22  }
0x357: {  	s5 =	sor.u32 $0x450, s22;
	v57 =	vld [tilespmem:s4+$0x5780];
	[tilespmem:s23+$0xC0] =	vst v30;
	v29 =	vmul.f32 v29, v20  }
0x358: {  	s8 =	sor.u32 $0x450, s20;
	v30 =	vmul.f32 v52, v27;
	[tilespmem:s23+$0xFFFFFFC0] =	vst v55;
	v58 =	vld [tilespmem:s5+$0x5780]  }
0x359: {  	s11 =	sor.u32 $0x460, s10;
	v59 =	vmul.f32 v54, v28;
	[tilespmem:s23+$0xFFFFFF50] =	vst v29;
	v29 =	vld [tilespmem:s8+$0x5780]  }
0x35a: {  	s12 =	sor.u32 $0x420, s15;
	[tilespmem:s1+$0x10] =	vst v30;
	v30 =	vmul.f32 v31, v21;
	v60 =	vld [tilespmem:s11+$0x5780]  }
0x35b: {  	[tilespmem:s1+$0xFFFFFF10] =	vst v59;
	v61 =	vmul.f32 v56, v25;
	v37 =	vld [tilespmem:s12+$0x5780]  }
0x35c: {  	s19 =	sor.u32 $0x420, s13;
	v62 =	vmul.f32 v57, v26;
	[tilespmem:s23+$0x50] =	vst v30  }
0x35d: {  	s21 =	sor.u32 $0x460, s18;
	v31 =	vld [tilespmem:s19+$0x5780];
	[tilespmem:s1+$0x90] =	vst v61;
	v30 =	vmul.f32 v58, v23  }
0x35e: {  	s31 =	simm.s32 $0x9280;
	s3 =	sor.u32 $0x460, s22;
	s24 =	sor.u32 $0x420, s7;
	[tilespmem:s1+$0xFFFFFF90] =	vst v62;
	v63 =	vmul.f32 v29, v22;
	v29 =	vld [tilespmem:s21+$0x5780]  }
0x35f: {  	s25 =	sor.u32 $0x470, s10;
	s10 =	simm.s32 $0x400;
	s30 =	sor.u32 $0x420, s6;
	v34 =	vld [tilespmem:s24+$0x5780];
	[tilespmem:s23+$0xD0] =	vst v30  }
0x360: {  	s26 =	simm.s32 $0x8;
	s11 =	simm.s32 $0x500;
	s24 =	sor.u32 $0x470, s13;
	v33 =	vld [tilespmem:s30+$0x5780];
	v30 =	vmul.f32 v60, v20;
	v32 =	vmul.f32 v37, v27;
	[tilespmem:s23+$0xFFFFFFD0] =	vst v63  }
.LBB2_18:
0x361: {  	p4 =	slt.u32 s26, $0xC  }
0x362: {  	[tilespmem:s23+$0xFFFFFF60] =	vst v30;
	v30 =	vld [tilespmem:s3+$0x5780];
	s3 =	smov.u32 s26;
	s26 =	sadd.s32 $0x4, s26;
	s0 =	sor.u32 $0x460, s20  }
0x363: {  	v31 =	vmul.f32 v31, v28;
	s4 =	sor.u32 $0x470, s18;
	s18 =	smov.u32 s15;
	s10 =	sadd.s32 $0x400, s10;
	v35 =	vld [tilespmem:s25+$0x5780];
	v29 =	vmul.f32 v29, v21  }
0x364: {  	s11 =	sadd.s32 $0x400, s11;
	s29 =	sadd.s32 $0x2, s29;
	s5 =	sor.u32 $0x430, s13  }
0x365: {  	p3 =	por !p3, !p3;
	s28 =	sadd.s32 $0x4, s28;
	s12 =	sor.u32 $0x430, s7;
	[tilespmem:s1+$0xFFFFFF20] =	vst v31;
	v31 =	vmul.f32 v34, v25  }
0x366: {  	s15 =	simm.s32 $0x1;
	s8 =	sand.u32 $0x7, s28;
	v34 =	vld [tilespmem:s5+$0x5780];
	v33 =	vmul.f32 v33, v26;
	s5 =	sor.u32 $0x430, s18;
	[tilespmem:s23+$0x60] =	vst v29  }
0x367: {  	s15 =	simm.s32 @!p3 $0x0;
	s19 =	sand.u32 $0x3, s29;
	s8 =	sshll.u32 s8, $0x7;
	[tilespmem:s1+$0x20] =	vst v32;
	v29 =	vld [tilespmem:s4+$0x5780];
	v30 =	vmul.f32 v30, v23  }
0x368: {  	s8 =	sadd.s32 s8, s10;
	s4 =	sshll.u32 s15, $0x9;
	s15 =	sshll.u32 s19, $0x8;
	v32 =	vld [tilespmem:s5+$0x5780];
	[tilespmem:s1+$0xA0] =	vst v31;
	v31 =	vmul.f32 v35, v20;
	v20 =	vmov v28  }
0x369: {  	s21 =	sadd.s32 s4, s10;
	s4 =	sadd.s32 $0x80, s8;
	s5 =	sadd.s32 $0x180, s8;
	v28 =	vld [tilespmem:s12+$0x5780];
	[tilespmem:s23+$0xE0] =	vst v30  }
0x36a: {  	s8 =	sor.u32 $0x400, s21;
	s12 =	sor.u32 $0x400, s4;
	s19 =	sor.u32 $0x400, s5;
	[tilespmem:s1+$0xFFFFFFA0] =	vst v33;
	v30 =	vld [tilespmem:s0+$0x5780]  }
0x36b: {  	s15 =	sadd.s32 s15, s11;
	s0 =	sor.u32 $0x470, s21;
	v33 =	vld [tilespmem:s12+$0x5780];
	v34 =	vmul.f32 v34, v20;
	s12 =	sor.u32 $0x430, s6;
	[tilespmem:s23+$0xFFFFFF70] =	vst v31  }
0x36c: {  	s25 =	smov.u32 s24;
	s30 =	sor.u32 $0x400, s15;
	s24 =	smov.u32 s0;
	v31 =	vld [tilespmem:s12+$0x5780];
	v29 =	vmul.f32 v29, v21;
	v21 =	vmov v27  }
0x36d: {  	s0 =	sor.u32 $0x440, s13;
	v35 =	vld [tilespmem:s30+$0x5780];
	[tilespmem:s1+$0xFFFFFF30] =	vst v34;
	v27 =	vmul.f32 v32, v21  }
0x36e: {  	s12 =	sadd.s32 $0x2, s3;
	v32 =	vld [tilespmem:s0+$0x5780];
	v34 =	vmul.f32 v28, v25;
	[tilespmem:s23+$0x70] =	vst v29;
	s0 =	sor.u32 $0x470, s22;
	s22 =	smov.u32 s7  }
0x36f: {  	s30 =	sadd.s32 $0x1, s3;
	v28 =	vmov s3;
	v29 =	vmov s12;
	s3 =	sadd.s32 $0x3, s3;
	s7 =	smov.u32 s5;
	[tilespmem:s1+$0x30] =	vst v27;
	v30 =	vmul.f32 v30, v22;
	v36 =	vld [tilespmem:s0+$0x5780]  }
0x370: {  	v38 =	vmov s30;
	v28 =	vperm.xlane v24, v28;
	v27 =	vperm.xlane v24, v29;
	s0 =	sor.u32 $0x440, s18;
	v37 =	vld [tilespmem:s8+$0x5780];
	[tilespmem:s1+$0xB0] =	vst v34  }
0x371: {  	v29 =	vperm.xlane v24, v38;
	v34 =	vmov s3;
	s1 =	sadd.s32 $0x200, s1;
	v31 =	vmul.f32 v31, v26;
	v38 =	vld [tilespmem:s0+$0x5780];
	[tilespmem:s23+$0xFFFFFFE0] =	vst v30  }
0x372: {  	v34 =	vperm.xlane v24, v34;
	s0 =	sor.u32 $0x440, s22;
	v30 =	vmul.f32 v35, v27;
	v35 =	vld [tilespmem:s19+$0x5780]  }
0x373: {  	s3 =	sor.u32 $0x440, s6;
	v32 =	vmul.f32 v32, v20;
	[tilespmem:s31+$0xFFFFFFB0] =	vst v31;
	v31 =	vld [tilespmem:s0+$0x5780]  }
0x374: {  	s0 =	sor.u32 $0x410, s15;
	[tilespmem:s1+$0x0] =	vst v30;
	v30 =	vld [tilespmem:s3+$0x5780];
	v36 =	vmul.f32 v36, v23;
	v23 =	vmov v25;
	v25 =	vmov v34  }
0x375: {  	s5 =	sor.u32 $0x450, s13;
	v33 =	vmul.f32 v33, v29;
	s3 =	sor.u32 $0x410, s21;
	v34 =	vmul.f32 v37, v28;
	v37 =	vld [tilespmem:s0+$0x5780];
	s0 =	sor.u32 $0x410, s7;
	[tilespmem:s31+$0xFFFFFF40] =	vst v32  }
0x376: {  	v32 =	vld [tilespmem:s5+$0x5780];
	v38 =	vmul.f32 v38, v21;
	s5 =	sor.u32 $0x470, s20;
	[tilespmem:s23+$0xF0] =	vst v36;
	s20 =	smov.u32 s6;
	s6 =	smov.u32 s4  }
0x377: {  	[tilespmem:s1+$0xFFFFFF00] =	vst v34;
	s4 =	sor.u32 $0x410, s6;
	v34 =	vmul.f32 v35, v25;
	v35 =	vld [tilespmem:s5+$0x5780]  }
0x378: {  	v36 =	vld [tilespmem:s3+$0x5780];
	[tilespmem:s1+$0xFFFFFF80] =	vst v33;
	v31 =	vmul.f32 v31, v23  }
0x379: {  	s3 =	sor.u32 $0x450, s18;
	v33 =	vld [tilespmem:s4+$0x5780];
	v30 =	vmul.f32 v30, v26;
	[tilespmem:s31+$0x40] =	vst v38  }
0x37a: {  	v37 =	vmul.f32 v37, v27;
	[tilespmem:s1+$0x80] =	vst v34;
	v34 =	vld [tilespmem:s3+$0x5780]  }
0x37b: {  	v38 =	vld [tilespmem:s0+$0x5780];
	v32 =	vmul.f32 v32, v20;
	[tilespmem:s31+$0xC0] =	vst v31;
	s0 =	sor.u32 $0x450, s22  }
0x37c: {  	s3 =	sor.u32 $0x450, s20;
	[tilespmem:s31+$0xFFFFFFC0] =	vst v30;
	v30 =	vld [tilespmem:s0+$0x5780];
	v31 =	vmul.f32 v35, v22;
	v22 =	vmov v26;
	v26 =	vmov v29  }
0x37d: {  	s4 =	sor.u32 $0x460, s13;
	s13 =	smov.u32 s21;
	s0 =	sor.u32 $0x420, s21;
	v29 =	vmul.f32 v36, v28;
	[tilespmem:s31+$0xFFFFFF50] =	vst v32;
	v32 =	vld [tilespmem:s3+$0x5780]  }
0x37e: {  	v33 =	vmul.f32 v33, v26;
	v35 =	vld [tilespmem:s4+$0x5780];
	[tilespmem:s23+$0xFFFFFFF0] =	vst v31;
	s23 =	smov.u32 s31;
	s31 =	smov.u32 s1  }
0x37f: {  	s3 =	sor.u32 $0x420, s15;
	[tilespmem:s1+$0x10] =	vst v37;
	v34 =	vmul.f32 v34, v21  }
0x380: {  	[tilespmem:s1+$0xFFFFFF10] =	vst v29;
	v36 =	vld [tilespmem:s3+$0x5780];
	v29 =	vmul.f32 v38, v25  }
.Ltmp11:
0x381: {  	v31 =	vld [tilespmem:s0+$0x5780];
	[tilespmem:s23+$0x50] =	vst v34;
	s0 =	sor.u32 $0x460, s18;
	v37 =	vmul.f32 v30, v23;
	(pc) =	sbr.rel @p4 .LBB2_18-.Ltmp11, $4  }
0x382: {  	s3 =	sor.u32 $0x420, s6;
	[tilespmem:s1+$0x90] =	vst v29;
	v38 =	vmul.f32 v32, v22;
	v29 =	vld [tilespmem:s0+$0x5780]  }
0x383: {  	s0 =	sor.u32 $0x420, s7;
	[tilespmem:s1+$0xFFFFFF90] =	vst v33;
	v30 =	vmul.f32 v35, v20  }
0x384: {  	v34 =	vld [tilespmem:s0+$0x5780];
	[tilespmem:s23+$0xD0] =	vst v37  }
0x385: {  	v33 =	vld [tilespmem:s3+$0x5780];
	v32 =	vmul.f32 v36, v27;
	[tilespmem:s23+$0xFFFFFFD0] =	vst v38;
	s3 =	sor.u32 $0x460, s22  }
0x386: {  	_ = 	snop  }
0x387: {  	v24 =	vmul.f32 v31, v28;
	_ =	sdelay $0x1  }
0x388: {  	s0 =	sor.u32 $0x430, s13;
	[tilespmem:s1+$0xFFFFFF20] =	vst v24;
	v24 =	vmul.f32 v34, v25  }
0x389: {  	s30 =	sor.u32 $0x430, s15;
	[tilespmem:s1+$0x20] =	vst v32;
	v31 =	vld [tilespmem:s0+$0x5780];
	v33 =	vmul.f32 v33, v26  }
0x38a: {  	s4 =	sor.u32 $0x430, s7;
	v32 =	vld [tilespmem:s30+$0x5780];
	[tilespmem:s1+$0xA0] =	vst v24  }
0x38b: {  	s5 =	sor.u32 $0x430, s6;
	v24 =	vld [tilespmem:s4+$0x5780];
	[tilespmem:s1+$0xFFFFFFA0] =	vst v33  }
0x38c: {  	v33 =	vld [tilespmem:s5+$0x5780];
	_ =	sdelay $0x1  }
0x38d: {  	v31 =	vmul.f32 v31, v28  }
0x38e: {  	v32 =	vmul.f32 v32, v27  }
0x38f: {  	s8 =	sor.u32 $0x440, s13;
	[tilespmem:s1+$0xFFFFFF30] =	vst v31;
	v24 =	vmul.f32 v24, v25  }
0x390: {  	s10 =	sor.u32 $0x440, s15;
	[tilespmem:s1+$0x30] =	vst v32;
	v31 =	vld [tilespmem:s8+$0x5780];
	v50 =	vmul.f32 v33, v26  }
0x391: {  	s11 =	sor.u32 $0x440, s7;
	[tilespmem:s1+$0xB0] =	vst v24;
	v24 =	vld [tilespmem:s10+$0x5780]  }
0x392: {  	s12 =	sor.u32 $0x440, s6;
	[tilespmem:s31+$0xFFFFFFB0] =	vst v50;
	v51 =	vld [tilespmem:s11+$0x5780]  }
0x393: {  	v52 =	vld [tilespmem:s12+$0x5780];
	_ =	sdelay $0x1  }
0x394: {  	v31 =	vmul.f32 v31, v28  }
0x395: {  	v24 =	vmul.f32 v24, v27  }
0x396: {  	s19 =	sor.u32 $0x450, s13;
	[tilespmem:s31+$0xFFFFFF40] =	vst v31;
	v31 =	vmul.f32 v51, v25  }
0x397: {  	s21 =	sor.u32 $0x450, s15;
	v53 =	vld [tilespmem:s19+$0x5780];
	v33 =	vmul.f32 v52, v26;
	[tilespmem:s31+$0x40] =	vst v24  }
0x398: {  	s26 =	sor.u32 $0x450, s7;
	v24 =	vld [tilespmem:s21+$0x5780];
	[tilespmem:s31+$0xC0] =	vst v31  }
0x399: {  	s28 =	sor.u32 $0x450, s6;
	[tilespmem:s31+$0xFFFFFFC0] =	vst v33;
	v31 =	vld [tilespmem:s26+$0x5780]  }
0x39a: {  	v33 =	vld [tilespmem:s28+$0x5780];
	_ =	sdelay $0x1  }
0x39b: {  	v32 =	vmul.f32 v53, v28  }
0x39c: {  	v54 =	vld [tilespmem:s3+$0x5780];
	s29 =	sor.u32 $0x460, s20;
	v24 =	vmul.f32 v24, v27  }
0x39d: {  	v35 =	vld [tilespmem:s29+$0x5780];
	s30 =	sor.u32 $0x460, s13;
	[tilespmem:s31+$0xFFFFFF50] =	vst v32;
	v31 =	vmul.f32 v31, v25  }
0x39e: {  	s1 =	sor.u32 $0x460, s15;
	v32 =	vld [tilespmem:s30+$0x5780];
	[tilespmem:s31+$0x50] =	vst v24;
	v24 =	vmul.f32 v33, v26  }
0x39f: {  	s3 =	sor.u32 $0x460, s7;
	v55 =	vld [tilespmem:s1+$0x5780];
	[tilespmem:s31+$0xD0] =	vst v31  }
0x3a0: {  	v29 =	vmul.f32 v29, v21;
	s4 =	sor.u32 $0x460, s6;
	[tilespmem:s31+$0xFFFFFFD0] =	vst v24;
	v24 =	vld [tilespmem:s3+$0x5780]  }
0x3a1: {  	[tilespmem:s23+$0xFFFFFF60] =	vst v30;
	v30 =	vmul.f32 v54, v23;
	v31 =	vld [tilespmem:s4+$0x5780]  }
0x3a2: {  	v56 =	vld [tilespmem:s25+$0x5780];
	[tilespmem:s23+$0x60] =	vst v29;
	v29 =	vmul.f32 v35, v22;
	s5 =	sor.u32 $0x470, s18  }
0x3a3: {  	[tilespmem:s23+$0xE0] =	vst v30;
	v57 =	vld [tilespmem:s5+$0x5780];
	s8 =	sor.u32 $0x470, s22;
	v30 =	vmul.f32 v32, v28  }
0x3a4: {  	[tilespmem:s23+$0xFFFFFFE0] =	vst v29;
	v58 =	vld [tilespmem:s8+$0x5780];
	s10 =	sor.u32 $0x470, s20;
	v29 =	vmul.f32 v55, v27  }
0x3a5: {  	v59 =	vld [tilespmem:s10+$0x5780];
	[tilespmem:s31+$0xFFFFFF60] =	vst v30;
	v24 =	vmul.f32 v24, v25  }
0x3a6: {  	s11 =	sor.u32 $0x470, s15;
	v30 =	vld [tilespmem:s24+$0x5780];
	[tilespmem:s31+$0x60] =	vst v29;
	v29 =	vmul.f32 v31, v26  }
0x3a7: {  	v20 =	vmul.f32 v56, v20;
	s12 =	sor.u32 $0x470, s7;
	v31 =	vld [tilespmem:s11+$0x5780];
	[tilespmem:s31+$0xE0] =	vst v24  }
0x3a8: {  	s13 =	sor.u32 $0x470, s6;
	v21 =	vmul.f32 v57, v21;
	v24 =	vld [tilespmem:s12+$0x5780];
	[tilespmem:s31+$0xFFFFFFE0] =	vst v29  }
0x3a9: {  	[tilespmem:s23+$0xFFFFFF70] =	vst v20;
	v20 =	vmul.f32 v58, v23;
	v23 =	vld [tilespmem:s13+$0x5780]  }
0x3aa: {  	[tilespmem:s23+$0x70] =	vst v21;
	v21 =	vmul.f32 v59, v22  }
0x3ab: {  	[tilespmem:s23+$0xF0] =	vst v20;
	v20 =	vmul.f32 v30, v28  }
0x3ac: {  	[tilespmem:s23+$0xFFFFFFF0] =	vst v21;
	v21 =	vmul.f32 v31, v27  }
0x3ad: {  	[tilespmem:s31+$0xFFFFFF70] =	vst v20;
	v20 =	vmul.f32 v24, v25  }
0x3ae: {  	[tilespmem:s31+$0x70] =	vst v21;
	v21 =	vmul.f32 v23, v26  }
0x3af: {  	[tilespmem:s31+$0xF0] =	vst v20  }
0x3b0: {  	p3 =	seq.s32 s16, $0x9B;
	[tilespmem:s31+$0xFFFFFFF0] =	vst v21  }
0x3b1: {  	v20 =	vld @!p3 [tilespmem:s17+$0x50];
	_ =	sdelay $0x4  }
0x3b2: {  	v21 =	vshll.u32 @!p3 v20, $0x1  }
0x3b3: {  	v23 =	vlaneseq.u32 @!p3;
	v22 =	vand.u32 @!p3 $0x7, v20;
	v21 =	vand.u32 @!p3 $0x1FFF0, v21  }
0x3b4: {  	v24 =	vshrl.u32 @!p3 v23, $0x3;
	v21 =	vor.u32 @!p3 v22, v21;
	v22 =	vand.u32 @!p3 $0x7, v23  }
0x3b5: {  	v24 =	vmul.u32 @!p3 $0x8, v24;
	v20 =	vshrl.u32 @!p3 v20, $0x10;
	v22 =	vperm.xlane @!p3 v21, v22  }
0x3b6: {  	v23 =	vor.u32 @!p3 $0x8, v23  }
0x3b7: {  	v21 =	vperm.xlane @!p3 v21, v23;
	v22 =	vadd.s32 @!p3 v24, v22;
	_ =	sdelay $0x1  }
0x3b8: {  	vm1 =	vmmov @!p3 $0xffff;
	s0 =	simm.s32 @!p3 $0x0;
	s1 =	simm.s32 @!p3 $0x2F80;
	s3 =	rddreg [dreg:$0x0];
	v21 =	vadd.s32 @!p3 v24, v21  }
0x3b9: {  	[tilespmem:s1], [sflag:$0x2] =	stream.indirect_vreg.gather @!p3 [hbm4b:s3+s0], $0x80, v20, vm1, $0xb8;
	[tilespmem:$0x1ECF8] =	vst v63  }
0x3ba: {  	s1 =	simm.s32 @!p3 $0x5780  }
0x3bb: {  	[tilespmem:s1], [sflag:$0x2] =	stream.indirect_vreg.gather @!p3 [hbm4b:s14+s0], $0x80, v22, vm1, $0xb8;
	[tilespmem:$0x1ECF8] =	vst v63  }
0x3bc: {  	s1 =	simm.s32 @!p3 $0x5F80  }
0x3bd: {  	[tilespmem:s1], [sflag:$0x2] =	stream.indirect_vreg.gather @!p3 [hbm4b:s14+s0], $0x80, v21, vm1, $0xb8;
	[tilespmem:$0x1ECF8] =	vst v63  }
0x3be: {  	s18 =	simm.s32 $0x8F80;
	s15 =	rddreg [dreg:$0x2]  }
0x3bf: {  	[spmem:s15] =	stream.indirect_vreg.scatter.add.f32 [tilespmem:s18], [sflag:$0x6], $0x80, v19, vm0, $0xb8;
	[tilespmem:$0x1ECF8] =	vst v63  }
0x3c0: {  	s20 =	simm.s32 $0xA800;
	s19 =	rddreg [dreg:$0x3];
	s21 =	simm.s32 $0x3  }
0x3c1: {  	[spmem:s19] =	stream.indirect_vreg.scatter.add.f32 [tilespmem:s20], [sflag:$0x6], $0x1, v19, vm0, $0xb8;
	[tilespmem:$0x1ECF8] =	vst v63  }
0x3c2: {  	v19 =	vld [tilespmem:s17+$0x20];
	_ =	swait.ge [sflag:s21], $0x800  }
0x3c3: {  	[sflag:s21] =	ssyncset.done $0x0  }
0x3c4: {  	[sflag:s21] =	ssyncadd.s32 $0xFFFFF800  }
0x3c5: {  	_ =	swait.ge [sflag:s21], $0x1000  }
0x3c6: {  	[sflag:s21] =	ssyncset.done $0x0  }
0x3c7: {  	s0 =	simm.s32 @!p1 $0x7;
	[sflag:s21] =	ssyncadd.s32 $0xFFFFF000  }
0x3c8: {  	_ =	swait.ge @!p1 [sflag:s0], $0x800  }
0x3c9: {  	[sflag:s0] =	ssyncset.done @!p1 $0x0  }
0x3ca: {  	[sflag:s0] =	ssyncadd.s32 @!p1 $0xFFFFF800  }
0x3cb: {  	_ =	swait.ge @!p1 [sflag:s0], $0x10  }
0x3cc: {  	s6 =	simm.s32 $0x3880;
	s22 =	simm.s32 $0x0;
	[sflag:s0] =	ssyncset.done @!p1 $0x0  }
0x3cd: {  	s23 =	sand.u32 $0x800, s22;
	s24 =	simm.s32 $0x180;
	[sflag:s0] =	ssyncadd.s32 @!p1 $0xFFFFFFF0  }
0x3ce: {  	s5 =	sor.u32 $0x6780, s23;
	s25 =	sand.u32 $0x380, s24;
	v20 =	vld [tilespmem:s6+$0x80]  }
0x3cf: {  	s3 =	sadd.s32 s25, s5;
	v21 =	vld [tilespmem:s6+$0x90]  }
0x3d0: {  	v22 =	vld [tilespmem:s3+$0x0]  }
0x3d1: {  	v23 =	vld [tilespmem:s3+$0x10]  }
0x3d2: {  	v24 =	vld [tilespmem:s6+$0xA0]  }
0x3d3: {  	v25 =	vld [tilespmem:s3+$0x20]  }
0x3d4: {  	v26 =	vld [tilespmem:s6+$0xB0]  }
0x3d5: {  	v27 =	vld [tilespmem:s3+$0x30]  }
0x3d6: {  	v28 =	vld [tilespmem:s6+$0xC0]  }
0x3d7: {  	v29 =	vld [tilespmem:s3+$0x40]  }
0x3d8: {  	v30 =	vld [tilespmem:s6+$0xD0]  }
0x3d9: {  	v31 =	vld [tilespmem:s3+$0x50]  }
0x3da: {  	v60 =	vld [tilespmem:s6+$0xE0]  }
0x3db: {  	s4 =	simm.s32 $0x80;
	v61 =	vld [tilespmem:s3+$0x60]  }
0x3dc: {  	s28 =	sand.u32 $0x280, s4;
	v34 =	vld [tilespmem:s6+$0xF0]  }
0x3dd: {  	s29 =	simm.s32 $0x100;
	s4 =	sadd.s32 s28, s5;
	v35 =	vld [tilespmem:s3+$0x70]  }
0x3de: {  	s30 =	sand.u32 $0x300, s29;
	v38 =	vld [tilespmem:s4+$0x0]  }
0x3df: {  	s31 =	sadd.s32 s30, s5;
	v39 =	vld [tilespmem:s4+$0x10]  }
0x3e0: {  	v40 =	vld [tilespmem:s31+$0x0]  }
0x3e1: {  	v41 =	vld [tilespmem:s31+$0x10]  }
0x3e2: {  	v42 =	vld [tilespmem:s6+$0xFFFFFF10]  }
0x3e3: {  	v43 =	vld [tilespmem:s6+$0xFFFFFF80]  }
0x3e4: {  	v44 =	vld [tilespmem:s6+$0xFFFFFF90]  }
0x3e5: {  	v45 =	vld [tilespmem:s6+$0x0]  }
0x3e6: {  	v46 =	vld [tilespmem:s6+$0x10]  }
0x3e7: {  	v47 =	vld [tilespmem:s6+$0xFFFFFF00]  }
0x3e8: {  	v49 =	vld [tilespmem:s4+$0x20]  }
0x3e9: {  	v50 =	vld [tilespmem:s31+$0x20]  }
0x3ea: {  	v51 =	vld [tilespmem:s6+$0xFFFFFF20]  }
0x3eb: {  	v52 =	vld [tilespmem:s6+$0xFFFFFFA0]  }
0x3ec: {  	v53 =	vld [tilespmem:s6+$0x20]  }
0x3ed: {  	v55 =	vld [tilespmem:s4+$0x30]  }
0x3ee: {  	v56 =	vld [tilespmem:s31+$0x30]  }
0x3ef: {  	v57 =	vld [tilespmem:s6+$0xFFFFFF30]  }
0x3f0: {  	v58 =	vld [tilespmem:s6+$0xFFFFFFB0]  }
0x3f1: {  	s0 =	sand.u32 $0x200, s22;
	v59 =	vld [tilespmem:s6+$0x30]  }
0x3f2: {  	s26 =	sadd.s32 s0, s5;
	v63 =	vld [tilespmem:s6+$0xFFFFFF50]  }
0x3f3: {  	v36 =	vld [tilespmem:s26+$0x0]  }
0x3f4: {  	v37 =	vld [tilespmem:s26+$0x10]  }
0x3f5: {  	v48 =	vld [tilespmem:s26+$0x20]  }
0x3f6: {  	v54 =	vld [tilespmem:s26+$0x30]  }
0x3f7: {  	v20 =	vmul.f32 v22, v20;
	v21 =	vmul.f32 v23, v21;
	v22 =	vld [tilespmem:s26+$0x40]  }
0x3f8: {  	v23 =	vld [tilespmem:s4+$0x40];
	v62 =	vmul.f32 v39, v44  }
0x3f9: {  	v32 =	vmul.f32 v61, v60;
	v61 =	vld [tilespmem:s6+$0xFFFFFF60];
	v20 =	vadd.f32 v21, v20;
	v21 =	vmul.f32 v25, v24  }
0x3fa: {  	v36 =	vmul.f32 v36, v47;
	v47 =	vmul.f32 v48, v51;
	v48 =	vld [tilespmem:s6+$0x50]  }
0x3fb: {  	v49 =	vmul.f32 v49, v52;
	v51 =	vld [tilespmem:s26+$0x60];
	v20 =	vadd.f32 v21, v20;
	v21 =	vmul.f32 v27, v26  }
0x3fc: {  	v52 =	vmul.f32 v50, v53;
	v53 =	vmul.f32 v54, v57;
	v54 =	vld [tilespmem:s4+$0x60]  }
0x3fd: {  	v57 =	vmul.f32 v55, v58;
	v58 =	vld [tilespmem:s31+$0x60];
	v20 =	vadd.f32 v21, v20;
	v21 =	vmul.f32 v29, v28  }
0x3fe: {  	v24 =	vld [tilespmem:s31+$0x40];
	v29 =	vmul.f32 v31, v30;
	v31 =	vmul.f32 v38, v43  }
0x3ff: {  	v25 =	vld [tilespmem:s6+$0xFFFFFF40];
	v20 =	vadd.f32 v21, v20  }
0x400: {  	v26 =	vld [tilespmem:s6+$0xFFFFFFC0];
	v21 =	vmul.f32 v37, v42;
	v31 =	vadd.f32 v62, v31  }
0x401: {  	v27 =	vld [tilespmem:s6+$0x40];
	v20 =	vadd.f32 v29, v20;
	v29 =	vmul.f32 v40, v45;
	v45 =	vmul.f32 v41, v46  }
0x402: {  	v28 =	vld [tilespmem:s26+$0x50];
	v21 =	vadd.f32 v21, v36  }
0x403: {  	v30 =	vld [tilespmem:s4+$0x50];
	v31 =	vadd.f32 v49, v31;
	v29 =	vadd.f32 v45, v29  }
0x404: {  	v60 =	vmul.f32 v56, v59;
	v22 =	vmul.f32 v22, v25;
	v46 =	vld [tilespmem:s6+$0xFFFFFFD0];
	v21 =	vadd.f32 v47, v21  }
0x405: {  	v37 =	vld [tilespmem:s31+$0x50];
	v23 =	vmul.f32 v23, v26;
	v31 =	vadd.f32 v57, v31;
	v29 =	vadd.f32 v52, v29  }
0x406: {  	v25 =	vmul.f32 v35, v34;
	v26 =	vld [tilespmem:s6+$0xFFFFFFE0];
	v20 =	vadd.f32 v32, v20;
	v21 =	vadd.f32 v53, v21  }
0x407: {  	v62 =	vld [tilespmem:s6+$0x60];
	v24 =	vmul.f32 v24, v27;
	v23 =	vadd.f32 v23, v31;
	v29 =	vadd.f32 v60, v29  }
0x408: {  	v28 =	vmul.f32 v28, v63;
	v31 =	vadd.f32 v25, v20;
	v20 =	vld [tilespmem:s31+$0x70];
	v27 =	vadd.f32 v22, v21  }
0x409: {  	v25 =	vld [tilespmem:s6+$0xFFFFFF70];
	v24 =	vadd.f32 v24, v29;
	v29 =	vmul.f32 v30, v46  }
0x40a: {  	v63 =	vmul.f32 v51, v61;
	v22 =	vld [tilespmem:s26+$0x70];
	v30 =	vmul.f32 v37, v48;
	v28 =	vadd.f32 v28, v27  }
0x40b: {  	s1 =	simm.s32 $0xAA80;
	v19 =	vshrl.u32 v19, $0x10;
	v21 =	vld [tilespmem:s4+$0x70];
	v27 =	vadd.f32 v29, v23;
	v29 =	vmul.f32 v54, v26  }
0x40c: {  	s10 =	simm.s32 $0x400;
	s7 =	simm.s32 $0x0;
	s11 =	simm.s32 $0x200;
	[tilespmem:s1+$0x80] =	vst v31;
	v24 =	vadd.f32 v30, v24;
	v23 =	vadd.f32 v63, v28;
	v26 =	vld [tilespmem:s6+$0xFFFFFFF0];
	v28 =	vmul.f32 v58, v62  }
.LBB2_20:
0x40d: {  	s0 =	sand.u32 $0x800, s10;
	s3 =	sadd.s32 $0x180, s11;
	v27 =	vadd.f32 v29, v27;
	v29 =	vld [tilespmem:s6+$0x70];
	s6 =	sadd.s32 $0x200, s6  }
0x40e: {  	s7 =	sadd.s32 $0x4, s7;
	s0 =	sor.u32 $0x6780, s0;
	v30 =	vld [tilespmem:s6+$0x80];
	s3 =	sand.u32 $0x380, s3;
	v24 =	vadd.f32 v28, v24  }
0x40f: {  	s4 =	sadd.s32 $0x80, s11;
	p4 =	slt.u32 s7, $0xC;
	s3 =	sadd.s32 s3, s0;
	v28 =	vld [tilespmem:s6+$0x90]  }
0x410: {  	s5 =	sand.u32 $0x200, s11;
	s8 =	sadd.s32 $0x100, s11;
	s4 =	sand.u32 $0x280, s4;
	v31 =	vld [tilespmem:s3+$0x0];
	v22 =	vmul.f32 v22, v25  }
0x411: {  	s15 =	sadd.s32 s5, s0;
	s13 =	sadd.s32 s4, s0;
	s4 =	sand.u32 $0x300, s8;
	v25 =	vld [tilespmem:s3+$0x10];
	v21 =	vmul.f32 v21, v26  }
0x412: {  	s18 =	sadd.s32 s4, s0;
	v26 =	vld [tilespmem:s6+$0xA0];
	v22 =	vadd.f32 v22, v23;
	v20 =	vmul.f32 v20, v29  }
0x413: {  	v23 =	vld [tilespmem:s3+$0x20];
	v21 =	vadd.f32 v21, v27  }
0x414: {  	v27 =	vld [tilespmem:s6+$0xB0];
	[tilespmem:s1+$0xFFFFFF00] =	vst v22;
	v20 =	vadd.f32 v20, v24  }
0x415: {  	v22 =	vld [tilespmem:s3+$0x30];
	[tilespmem:s1+$0xFFFFFF80] =	vst v21  }
0x416: {  	v21 =	vmul.f32 v31, v30;
	v24 =	vmul.f32 v25, v28;
	v25 =	vld [tilespmem:s6+$0xC0];
	[tilespmem:s1+$0x0] =	vst v20  }
0x417: {  	v20 =	vld [tilespmem:s3+$0x40]  }
0x418: {  	v21 =	vadd.f32 v24, v21;
	v23 =	vmul.f32 v23, v26;
	v24 =	vld [tilespmem:s6+$0xD0]  }
0x419: {  	v26 =	vld [tilespmem:s3+$0x50]  }
0x41a: {  	v21 =	vadd.f32 v23, v21;
	v22 =	vmul.f32 v22, v27;
	v23 =	vld [tilespmem:s6+$0xE0]  }
0x41b: {  	v27 =	vld [tilespmem:s3+$0x60]  }
0x41c: {  	v21 =	vadd.f32 v22, v21;
	v20 =	vmul.f32 v20, v25;
	v22 =	vld [tilespmem:s6+$0xF0]  }
0x41d: {  	v25 =	vld [tilespmem:s3+$0x70]  }
0x41e: {  	v28 =	vld [tilespmem:s15+$0x0];
	v20 =	vadd.f32 v20, v21;
	v21 =	vmul.f32 v26, v24  }
0x41f: {  	v24 =	vld [tilespmem:s15+$0x10]  }
0x420: {  	v26 =	vld [tilespmem:s13+$0x0];
	v20 =	vadd.f32 v21, v20;
	v21 =	vmul.f32 v27, v23  }
0x421: {  	v23 =	vld [tilespmem:s13+$0x10]  }
0x422: {  	v27 =	vld [tilespmem:s18+$0x0];
	v20 =	vadd.f32 v21, v20;
	v21 =	vmul.f32 v25, v22  }
0x423: {  	v22 =	vld [tilespmem:s18+$0x10]  }
0x424: {  	v25 =	vld [tilespmem:s6+$0xFFFFFF10];
	v20 =	vadd.f32 v21, v20  }
0x425: {  	s1 =	sadd.s32 $0x200, s1;
	v21 =	vld [tilespmem:s6+$0xFFFFFF80]  }
0x426: {  	v29 =	vld [tilespmem:s6+$0xFFFFFF90];
	[tilespmem:s1+$0x80] =	vst v20  }
0x427: {  	v20 =	vld [tilespmem:s6+$0x0]  }
0x428: {  	v30 =	vld [tilespmem:s6+$0x10]  }
0x429: {  	v31 =	vld [tilespmem:s6+$0xFFFFFF00];
	v24 =	vmul.f32 v24, v25  }
0x42a: {  	v25 =	vld [tilespmem:s15+$0x20];
	v21 =	vmul.f32 v26, v21  }
0x42b: {  	v23 =	vmul.f32 v23, v29;
	v26 =	vld [tilespmem:s13+$0x20]  }
0x42c: {  	v20 =	vmul.f32 v27, v20;
	v27 =	vld [tilespmem:s18+$0x20]  }
0x42d: {  	v29 =	vld [tilespmem:s6+$0xFFFFFF20];
	v21 =	vadd.f32 v23, v21;
	v22 =	vmul.f32 v22, v30  }
0x42e: {  	v23 =	vmul.f32 v28, v31;
	v28 =	vld [tilespmem:s6+$0xFFFFFFA0]  }
0x42f: {  	v20 =	vadd.f32 v22, v20;
	v22 =	vld [tilespmem:s6+$0x20]  }
0x430: {  	v23 =	vadd.f32 v24, v23;
	v24 =	vld [tilespmem:s15+$0x30]  }
0x431: {  	v30 =	vld [tilespmem:s13+$0x30]  }
0x432: {  	v25 =	vmul.f32 v25, v29;
	v29 =	vld [tilespmem:s18+$0x30]  }
0x433: {  	v31 =	vld [tilespmem:s6+$0xFFFFFF30];
	v26 =	vmul.f32 v26, v28  }
0x434: {  	v23 =	vadd.f32 v25, v23;
	v25 =	vld [tilespmem:s6+$0xFFFFFFB0];
	v22 =	vmul.f32 v27, v22  }
0x435: {  	v21 =	vadd.f32 v26, v21;
	v26 =	vld [tilespmem:s6+$0x30]  }
0x436: {  	v27 =	vld [tilespmem:s15+$0x40];
	v20 =	vadd.f32 v22, v20  }
0x437: {  	v22 =	vld [tilespmem:s13+$0x40]  }
0x438: {  	v24 =	vmul.f32 v24, v31;
	v28 =	vld [tilespmem:s18+$0x40]  }
0x439: {  	v31 =	vld [tilespmem:s6+$0xFFFFFF40];
	v25 =	vmul.f32 v30, v25  }
0x43a: {  	v23 =	vadd.f32 v24, v23;
	v24 =	vld [tilespmem:s6+$0xFFFFFFC0];
	v26 =	vmul.f32 v29, v26  }
0x43b: {  	v21 =	vadd.f32 v25, v21;
	v25 =	vld [tilespmem:s6+$0x40]  }
0x43c: {  	v29 =	vld [tilespmem:s15+$0x50];
	v20 =	vadd.f32 v26, v20  }
0x43d: {  	v26 =	vld [tilespmem:s13+$0x50]  }
0x43e: {  	v27 =	vmul.f32 v27, v31;
	v30 =	vld [tilespmem:s18+$0x50]  }
0x43f: {  	v31 =	vld [tilespmem:s6+$0xFFFFFF50];
	v22 =	vmul.f32 v22, v24  }
0x440: {  	v23 =	vadd.f32 v27, v23;
	v24 =	vld [tilespmem:s6+$0xFFFFFFD0];
	v25 =	vmul.f32 v28, v25  }
0x441: {  	v21 =	vadd.f32 v22, v21;
	v22 =	vld [tilespmem:s6+$0x50]  }
0x442: {  	v28 =	vld [tilespmem:s15+$0x60];
	v20 =	vadd.f32 v25, v20  }
0x443: {  	v32 =	vld [tilespmem:s13+$0x60]  }
0x444: {  	v25 =	vmul.f32 v29, v31;
	v31 =	vld [tilespmem:s18+$0x60]  }
0x445: {  	v29 =	vld [tilespmem:s6+$0xFFFFFF60];
	v24 =	vmul.f32 v26, v24  }
0x446: {  	v23 =	vadd.f32 v25, v23;
	v26 =	vld [tilespmem:s6+$0xFFFFFFE0];
	v25 =	vmul.f32 v30, v22  }
0x447: {  	v27 =	vadd.f32 v24, v21;
	v30 =	vld [tilespmem:s6+$0x60]  }
.Ltmp12:
0x448: {  	v22 =	vld [tilespmem:s15+$0x70];
	v24 =	vadd.f32 v25, v20;
	(pc) =	sbr.rel @p4 .LBB2_20-.Ltmp12, $4  }
0x449: {  	v21 =	vld [tilespmem:s13+$0x70]  }
0x44a: {  	v28 =	vmul.f32 v28, v29;
	v20 =	vld [tilespmem:s18+$0x70]  }
0x44b: {  	v25 =	vld [tilespmem:s6+$0xFFFFFF70];
	v29 =	vmul.f32 v32, v26  }
0x44c: {  	s10 =	sadd.s32 $0x400, s10;
	s11 =	sadd.s32 $0x200, s11;
	v23 =	vadd.f32 v28, v23;
	v26 =	vld [tilespmem:s6+$0xFFFFFFF0];
	v28 =	vmul.f32 v31, v30  }
0x44d: {  	v30 =	vld [tilespmem:s6+$0x70];
	_ =	sdelay $0x2  }
0x44e: {  	v22 =	vmul.f32 v22, v25  }
0x44f: {  	v25 =	vadd.f32 v29, v27;
	v21 =	vmul.f32 v21, v26  }
0x450: {  	v24 =	vadd.f32 v28, v24;
	v22 =	vadd.f32 v22, v23;
	v20 =	vmul.f32 v20, v30  }
0x451: {  	v21 =	vadd.f32 v21, v25  }
0x452: {  	[tilespmem:s1+$0xFFFFFF00] =	vst v22;
	v20 =	vadd.f32 v20, v24  }
0x453: {  	[tilespmem:s1+$0xFFFFFF80] =	vst v21  }
0x454: {  	[tilespmem:s1+$0x0] =	vst v20  }
0x455: {  	v20 =	vld.idx.msk [tilespmem:v0+s9+$0x0], $0xffff  }
0x456: {  	v21 =	vld.idx.msk [tilespmem:v4+s9+$0x0], $0xffff;
	_ =	sdelay $0x1  }
0x457: {  	v22 =	vld.idx.msk [tilespmem:v5+s9+$0x0], $0xffff;
	_ =	sdelay $0x1  }
0x458: {  	v23 =	vld.idx.msk [tilespmem:v6+s9+$0x0], $0xffff  }
0x459: {  	v20 =	vadd.f32 v21, v20  }
0x45a: {  	v21 =	vld.idx.msk [tilespmem:v7+s9+$0x0], $0xffff  }
0x45b: {  	v20 =	vadd.f32 v22, v20  }
0x45c: {  	v22 =	vld.idx.msk [tilespmem:v8+s9+$0x0], $0xffff  }
0x45d: {  	v20 =	vadd.f32 v23, v20  }
0x45e: {  	v23 =	vld.idx.msk [tilespmem:v9+s9+$0x0], $0xffff  }
0x45f: {  	v20 =	vadd.f32 v21, v20  }
0x460: {  	v21 =	vld.idx.msk [tilespmem:v10+s9+$0x0], $0xffff  }
0x461: {  	v20 =	vadd.f32 v22, v20  }
0x462: {  	v22 =	vld.idx.msk [tilespmem:v11+s9+$0x0], $0xffff  }
0x463: {  	v20 =	vadd.f32 v23, v20  }
0x464: {  	v23 =	vld.idx.msk [tilespmem:v12+s9+$0x0], $0xffff  }
0x465: {  	v20 =	vadd.f32 v21, v20  }
0x466: {  	v21 =	vld.idx.msk [tilespmem:v13+s9+$0x0], $0xffff  }
0x467: {  	v20 =	vadd.f32 v22, v20  }
0x468: {  	v22 =	vld.idx.msk [tilespmem:v14+s9+$0x0], $0xffff  }
0x469: {  	v20 =	vadd.f32 v23, v20  }
0x46a: {  	v23 =	vld.idx.msk [tilespmem:v15+s9+$0x0], $0xffff  }
0x46b: {  	v20 =	vadd.f32 v21, v20  }
0x46c: {  	v21 =	vld.idx.msk [tilespmem:v16+s9+$0x0], $0xffff  }
0x46d: {  	v20 =	vadd.f32 v22, v20  }
0x46e: {  	v22 =	vld.idx.msk [tilespmem:v17+s9+$0x0], $0xffff  }
0x46f: {  	v20 =	vadd.f32 v23, v20  }
0x470: {  	v23 =	vld.idx.msk [tilespmem:v18+s9+$0x0], $0xffff  }
0x471: {  	v20 =	vadd.f32 v21, v20;
	_ =	sdelay $0x1  }
0x472: {  	v20 =	vadd.f32 v22, v20;
	_ =	sdelay $0x1  }
0x473: {  	v20 =	vadd.f32 v23, v20;
	_ =	sdelay $0x1  }
0x474: {  	v20 =	vmul.f32 $1.442695020e+00, v20;
	_ =	sdelay $0x1  }
0x475: {  	(erf) = vpow2.f32 v20;
	_ =	sdelay $0x5  }
0x476: {  	p4 =	por $0x0, $0x0;
	s0 =	simm.s32 $0x1  }
0x477: {  	s0 =	simm.s32 @!p4 $0x0  }
0x478: {  	s0 =	sshll.u32 s0, $0x9  }
0x479: {  	s8 =	simm.s32 $0x0;
	s10 =	sadd.s32 $0x0, s0;
	v24 =	vpop (erf)  }
0x47a: {  	s11 =	sand.u32 $0x3, s8;
	s3 =	sor.u32 $0x400, s10;
	[tilespmem:$0xA880] =	vst v24  }
0x47b: {  	s0 =	sshll.u32 s11, $0x8;
	v21 =	vld [tilespmem:s3+$0x6780]  }
0x47c: {  	s12 =	sand.u32 $0x7, s8;
	s18 =	sadd.s32 $0x100, s0  }
0x47d: {  	s13 =	sshll.u32 s12, $0x7;
	s15 =	sor.u32 $0x400, s18;
	v20 =	vmov s8  }
0x47e: {  	s0 =	sadd.s32 $0x0, s13;
	v20 =	vperm.xlane v24, v20;
	v22 =	vld [tilespmem:s15+$0x6780]  }
0x47f: {  	s19 =	simm.s32 $0x2;
	s22 =	sadd.s32 $0x180, s0  }
0x480: {  	s20 =	sadd.s32 $0x80, s0;
	s21 =	sor.u32 $0x400, s22;
	v23 =	vmov s19;
	v25 =	vmul.f32 v21, v20  }
0x481: {  	s23 =	simm.s32 $0x9880;
	s24 =	sor.u32 $0x400, s20;
	v26 =	vld [tilespmem:s21+$0x6780];
	v21 =	vperm.xlane v24, v23  }
0x482: {  	s25 =	simm.s32 $0x3;
	s26 =	sor.u32 $0x410, s10;
	v27 =	vld [tilespmem:s24+$0x6780];
	[tilespmem:s23+$0xFFFFFF00] =	vst v25  }
0x483: {  	s30 =	simm.s32 $0x1;
	v23 =	vmov s25;
	v25 =	vmul.f32 v22, v21;
	v28 =	vld [tilespmem:s26+$0x6780]  }
0x484: {  	v23 =	vperm.xlane v24, v23;
	v22 =	vmov s30  }
0x485: {  	s1 =	sor.u32 $0x410, s18;
	v22 =	vperm.xlane v24, v22;
	[tilespmem:s23+$0x0] =	vst v25  }
0x486: {  	v26 =	vmul.f32 v26, v23;
	v25 =	vld [tilespmem:s1+$0x6780]  }
0x487: {  	v27 =	vmul.f32 v27, v22  }
0x488: {  	s3 =	sor.u32 $0x410, s22;
	[tilespmem:s23+$0x80] =	vst v26;
	v26 =	vmul.f32 v28, v20  }
0x489: {  	s4 =	sor.u32 $0x410, s20;
	[tilespmem:s23+$0xFFFFFF80] =	vst v27;
	v27 =	vld [tilespmem:s3+$0x6780]  }
0x48a: {  	s5 =	sor.u32 $0x420, s10;
	v28 =	vld [tilespmem:s4+$0x6780];
	[tilespmem:s23+$0xFFFFFF10] =	vst v26  }
0x48b: {  	v25 =	vmul.f32 v25, v21;
	v26 =	vld [tilespmem:s5+$0x6780];
	_ =	sdelay $0x1  }
0x48c: {  	s6 =	sor.u32 $0x420, s18;
	[tilespmem:s23+$0x10] =	vst v25  }
0x48d: {  	v27 =	vmul.f32 v27, v23;
	v25 =	vld [tilespmem:s6+$0x6780]  }
0x48e: {  	v28 =	vmul.f32 v28, v22  }
0x48f: {  	s7 =	sor.u32 $0x420, s22;
	[tilespmem:s23+$0x90] =	vst v27;
	v26 =	vmul.f32 v26, v20  }
0x490: {  	s8 =	sor.u32 $0x420, s20;
	[tilespmem:s23+$0xFFFFFF90] =	vst v28;
	v27 =	vld [tilespmem:s7+$0x6780]  }
0x491: {  	s11 =	sor.u32 $0x430, s10;
	v28 =	vld [tilespmem:s8+$0x6780];
	[tilespmem:s23+$0xFFFFFF20] =	vst v26  }
0x492: {  	v25 =	vmul.f32 v25, v21;
	v26 =	vld [tilespmem:s11+$0x6780];
	_ =	sdelay $0x1  }
0x493: {  	s12 =	sor.u32 $0x430, s18;
	[tilespmem:s23+$0x20] =	vst v25  }
0x494: {  	s28 =	simm.s32 $0x4;
	v25 =	vmul.f32 v27, v23;
	v27 =	vld [tilespmem:s12+$0x6780]  }
0x495: {  	s29 =	simm.s32 $0x2;
	p4 =	por !p4, !p4;
	s13 =	sand.u32 $0x7, s28;
	v28 =	vmul.f32 v28, v22  }
0x496: {  	s15 =	sor.u32 $0x430, s22;
	s3 =	simm.s32 $0x1;
	s4 =	sand.u32 $0x3, s29;
	[tilespmem:s23+$0xA0] =	vst v25;
	v25 =	vmul.f32 v26, v20  }
0x497: {  	s19 =	sor.u32 $0x430, s20;
	s3 =	simm.s32 @!p4 $0x0;
	s4 =	sshll.u32 s4, $0x8;
	[tilespmem:s23+$0xFFFFFFA0] =	vst v28;
	v26 =	vld [tilespmem:s15+$0x6780]  }
0x498: {  	s21 =	sor.u32 $0x440, s10;
	s3 =	sshll.u32 s3, $0x9;
	s15 =	sadd.s32 $0x500, s4;
	v28 =	vld [tilespmem:s19+$0x6780];
	[tilespmem:s23+$0xFFFFFF30] =	vst v25  }
0x499: {  	s0 =	sshll.u32 s13, $0x7;
	s13 =	sadd.s32 $0x400, s3;
	s24 =	sor.u32 $0x400, s15;
	v25 =	vmul.f32 v27, v21;
	v29 =	vld [tilespmem:s21+$0x6780]  }
0x49a: {  	s0 =	sadd.s32 $0x400, s0;
	s25 =	sor.u32 $0x400, s13;
	v30 =	vld [tilespmem:s24+$0x6780]  }
0x49b: {  	s30 =	sor.u32 $0x440, s18;
	s26 =	simm.s32 $0x6;
	v31 =	vld [tilespmem:s25+$0x6780];
	s7 =	sadd.s32 $0x180, s0;
	[tilespmem:s23+$0x30] =	vst v25  }
0x49c: {  	s6 =	sadd.s32 $0x80, s0;
	s4 =	sor.u32 $0x400, s7;
	v25 =	vmul.f32 v26, v23;
	v26 =	vmov s26;
	v32 =	vld [tilespmem:s30+$0x6780]  }
0x49d: {  	v33 =	vmov s28;
	s5 =	sor.u32 $0x400, s6;
	v34 =	vld [tilespmem:s4+$0x6780];
	v27 =	vperm.xlane v24, v26;
	v26 =	vmul.f32 v28, v22  }
0x49e: {  	v35 =	vld [tilespmem:s5+$0x6780];
	s8 =	simm.s32 $0x7;
	s11 =	sor.u32 $0x440, s22;
	v28 =	vperm.xlane v24, v33;
	[tilespmem:s23+$0xB0] =	vst v25;
	v29 =	vmul.f32 v29, v20  }
0x49f: {  	s12 =	simm.s32 $0x5;
	s19 =	sor.u32 $0x440, s20;
	v25 =	vmov s8;
	v30 =	vmul.f32 v30, v27;
	[tilespmem:s23+$0xFFFFFFB0] =	vst v26;
	v51 =	vld [tilespmem:s11+$0x6780]  }
0x4a0: {  	s1 =	simm.s32 $0x9A80;
	s21 =	sor.u32 $0x450, s10;
	v26 =	vmov s12;
	v25 =	vperm.xlane v24, v25;
	v31 =	vmul.f32 v31, v28;
	v36 =	vld [tilespmem:s19+$0x6780];
	[tilespmem:s23+$0xFFFFFF40] =	vst v29  }
0x4a1: {  	s24 =	sor.u32 $0x410, s15;
	v26 =	vperm.xlane v24, v26;
	[tilespmem:s1+$0x0] =	vst v30;
	v30 =	vmul.f32 v32, v21;
	v29 =	vld [tilespmem:s21+$0x6780]  }
0x4a2: {  	s25 =	sor.u32 $0x410, s13;
	[tilespmem:s1+$0xFFFFFF00] =	vst v31;
	v31 =	vmul.f32 v34, v25;
	v52 =	vld [tilespmem:s24+$0x6780]  }
0x4a3: {  	s26 =	sor.u32 $0x450, s18;
	v53 =	vmul.f32 v35, v26;
	v54 =	vld [tilespmem:s25+$0x6780];
	[tilespmem:s23+$0x40] =	vst v30  }
0x4a4: {  	s30 =	sor.u32 $0x410, s7;
	[tilespmem:s1+$0x80] =	vst v31;
	v30 =	vmul.f32 v51, v23;
	v31 =	vld [tilespmem:s26+$0x6780]  }
0x4a5: {  	s4 =	sor.u32 $0x410, s6;
	[tilespmem:s1+$0xFFFFFF80] =	vst v53;
	v56 =	vld [tilespmem:s30+$0x6780];
	v55 =	vmul.f32 v36, v22  }
0x4a6: {  	s5 =	sor.u32 $0x450, s22;
	v57 =	vld [tilespmem:s4+$0x6780];
	[tilespmem:s23+$0xC0] =	vst v30;
	v29 =	vmul.f32 v29, v20  }
0x4a7: {  	s8 =	sor.u32 $0x450, s20;
	v30 =	vmul.f32 v52, v27;
	[tilespmem:s23+$0xFFFFFFC0] =	vst v55;
	v58 =	vld [tilespmem:s5+$0x6780]  }
0x4a8: {  	s11 =	sor.u32 $0x460, s10;
	v59 =	vmul.f32 v54, v28;
	[tilespmem:s23+$0xFFFFFF50] =	vst v29;
	v29 =	vld [tilespmem:s8+$0x6780]  }
0x4a9: {  	s12 =	sor.u32 $0x420, s15;
	[tilespmem:s1+$0x10] =	vst v30;
	v30 =	vmul.f32 v31, v21;
	v60 =	vld [tilespmem:s11+$0x6780]  }
0x4aa: {  	[tilespmem:s1+$0xFFFFFF10] =	vst v59;
	v61 =	vmul.f32 v56, v25;
	v37 =	vld [tilespmem:s12+$0x6780]  }
0x4ab: {  	s19 =	sor.u32 $0x420, s13;
	v62 =	vmul.f32 v57, v26;
	[tilespmem:s23+$0x50] =	vst v30  }
0x4ac: {  	s21 =	sor.u32 $0x460, s18;
	v31 =	vld [tilespmem:s19+$0x6780];
	[tilespmem:s1+$0x90] =	vst v61;
	v30 =	vmul.f32 v58, v23  }
0x4ad: {  	s31 =	simm.s32 $0x9A80;
	s3 =	sor.u32 $0x460, s22;
	s24 =	sor.u32 $0x420, s7;
	[tilespmem:s1+$0xFFFFFF90] =	vst v62;
	v63 =	vmul.f32 v29, v22;
	v29 =	vld [tilespmem:s21+$0x6780]  }
0x4ae: {  	s25 =	sor.u32 $0x470, s10;
	s10 =	simm.s32 $0x400;
	s30 =	sor.u32 $0x420, s6;
	v34 =	vld [tilespmem:s24+$0x6780];
	[tilespmem:s23+$0xD0] =	vst v30  }
0x4af: {  	s26 =	simm.s32 $0x8;
	s11 =	simm.s32 $0x500;
	s24 =	sor.u32 $0x470, s13;
	v33 =	vld [tilespmem:s30+$0x6780];
	v30 =	vmul.f32 v60, v20;
	v32 =	vmul.f32 v37, v27;
	[tilespmem:s23+$0xFFFFFFD0] =	vst v63  }
.LBB2_22:
0x4b0: {  	p5 =	slt.u32 s26, $0xC  }
0x4b1: {  	[tilespmem:s23+$0xFFFFFF60] =	vst v30;
	v30 =	vld [tilespmem:s3+$0x6780];
	s3 =	smov.u32 s26;
	s26 =	sadd.s32 $0x4, s26;
	s0 =	sor.u32 $0x460, s20  }
0x4b2: {  	v31 =	vmul.f32 v31, v28;
	s4 =	sor.u32 $0x470, s18;
	s18 =	smov.u32 s15;
	s10 =	sadd.s32 $0x400, s10;
	v35 =	vld [tilespmem:s25+$0x6780];
	v29 =	vmul.f32 v29, v21  }
0x4b3: {  	s11 =	sadd.s32 $0x400, s11;
	s29 =	sadd.s32 $0x2, s29;
	s5 =	sor.u32 $0x430, s13  }
0x4b4: {  	p4 =	por !p4, !p4;
	s28 =	sadd.s32 $0x4, s28;
	s12 =	sor.u32 $0x430, s7;
	[tilespmem:s1+$0xFFFFFF20] =	vst v31;
	v31 =	vmul.f32 v34, v25  }
0x4b5: {  	s15 =	simm.s32 $0x1;
	s8 =	sand.u32 $0x7, s28;
	v34 =	vld [tilespmem:s5+$0x6780];
	v33 =	vmul.f32 v33, v26;
	s5 =	sor.u32 $0x430, s18;
	[tilespmem:s23+$0x60] =	vst v29  }
0x4b6: {  	s15 =	simm.s32 @!p4 $0x0;
	s19 =	sand.u32 $0x3, s29;
	s8 =	sshll.u32 s8, $0x7;
	[tilespmem:s1+$0x20] =	vst v32;
	v29 =	vld [tilespmem:s4+$0x6780];
	v30 =	vmul.f32 v30, v23  }
0x4b7: {  	s8 =	sadd.s32 s8, s10;
	s4 =	sshll.u32 s15, $0x9;
	s15 =	sshll.u32 s19, $0x8;
	v32 =	vld [tilespmem:s5+$0x6780];
	[tilespmem:s1+$0xA0] =	vst v31;
	v31 =	vmul.f32 v35, v20;
	v20 =	vmov v28  }
0x4b8: {  	s21 =	sadd.s32 s4, s10;
	s4 =	sadd.s32 $0x80, s8;
	s5 =	sadd.s32 $0x180, s8;
	v28 =	vld [tilespmem:s12+$0x6780];
	[tilespmem:s23+$0xE0] =	vst v30  }
0x4b9: {  	s8 =	sor.u32 $0x400, s21;
	s12 =	sor.u32 $0x400, s4;
	s19 =	sor.u32 $0x400, s5;
	[tilespmem:s1+$0xFFFFFFA0] =	vst v33;
	v30 =	vld [tilespmem:s0+$0x6780]  }
0x4ba: {  	s15 =	sadd.s32 s15, s11;
	s0 =	sor.u32 $0x470, s21;
	v33 =	vld [tilespmem:s12+$0x6780];
	v34 =	vmul.f32 v34, v20;
	s12 =	sor.u32 $0x430, s6;
	[tilespmem:s23+$0xFFFFFF70] =	vst v31  }
0x4bb: {  	s25 =	smov.u32 s24;
	s30 =	sor.u32 $0x400, s15;
	s24 =	smov.u32 s0;
	v31 =	vld [tilespmem:s12+$0x6780];
	v29 =	vmul.f32 v29, v21;
	v21 =	vmov v27  }
0x4bc: {  	s0 =	sor.u32 $0x440, s13;
	v35 =	vld [tilespmem:s30+$0x6780];
	[tilespmem:s1+$0xFFFFFF30] =	vst v34;
	v27 =	vmul.f32 v32, v21  }
0x4bd: {  	s12 =	sadd.s32 $0x2, s3;
	v32 =	vld [tilespmem:s0+$0x6780];
	v34 =	vmul.f32 v28, v25;
	[tilespmem:s23+$0x70] =	vst v29;
	s0 =	sor.u32 $0x470, s22;
	s22 =	smov.u32 s7  }
0x4be: {  	s30 =	sadd.s32 $0x1, s3;
	v28 =	vmov s3;
	v29 =	vmov s12;
	s3 =	sadd.s32 $0x3, s3;
	s7 =	smov.u32 s5;
	[tilespmem:s1+$0x30] =	vst v27;
	v30 =	vmul.f32 v30, v22;
	v36 =	vld [tilespmem:s0+$0x6780]  }
0x4bf: {  	v38 =	vmov s30;
	v28 =	vperm.xlane v24, v28;
	v27 =	vperm.xlane v24, v29;
	s0 =	sor.u32 $0x440, s18;
	v37 =	vld [tilespmem:s8+$0x6780];
	[tilespmem:s1+$0xB0] =	vst v34  }
0x4c0: {  	v29 =	vperm.xlane v24, v38;
	v34 =	vmov s3;
	s1 =	sadd.s32 $0x200, s1;
	v31 =	vmul.f32 v31, v26;
	v38 =	vld [tilespmem:s0+$0x6780];
	[tilespmem:s23+$0xFFFFFFE0] =	vst v30  }
0x4c1: {  	v34 =	vperm.xlane v24, v34;
	s0 =	sor.u32 $0x440, s22;
	v30 =	vmul.f32 v35, v27;
	v35 =	vld [tilespmem:s19+$0x6780]  }
0x4c2: {  	s3 =	sor.u32 $0x440, s6;
	v32 =	vmul.f32 v32, v20;
	[tilespmem:s31+$0xFFFFFFB0] =	vst v31;
	v31 =	vld [tilespmem:s0+$0x6780]  }
0x4c3: {  	s0 =	sor.u32 $0x410, s15;
	[tilespmem:s1+$0x0] =	vst v30;
	v30 =	vld [tilespmem:s3+$0x6780];
	v36 =	vmul.f32 v36, v23;
	v23 =	vmov v25;
	v25 =	vmov v34  }
0x4c4: {  	s5 =	sor.u32 $0x450, s13;
	v33 =	vmul.f32 v33, v29;
	s3 =	sor.u32 $0x410, s21;
	v34 =	vmul.f32 v37, v28;
	v37 =	vld [tilespmem:s0+$0x6780];
	s0 =	sor.u32 $0x410, s7;
	[tilespmem:s31+$0xFFFFFF40] =	vst v32  }
0x4c5: {  	v32 =	vld [tilespmem:s5+$0x6780];
	v38 =	vmul.f32 v38, v21;
	s5 =	sor.u32 $0x470, s20;
	[tilespmem:s23+$0xF0] =	vst v36;
	s20 =	smov.u32 s6;
	s6 =	smov.u32 s4  }
0x4c6: {  	[tilespmem:s1+$0xFFFFFF00] =	vst v34;
	s4 =	sor.u32 $0x410, s6;
	v34 =	vmul.f32 v35, v25;
	v35 =	vld [tilespmem:s5+$0x6780]  }
0x4c7: {  	v36 =	vld [tilespmem:s3+$0x6780];
	[tilespmem:s1+$0xFFFFFF80] =	vst v33;
	v31 =	vmul.f32 v31, v23  }
0x4c8: {  	s3 =	sor.u32 $0x450, s18;
	v33 =	vld [tilespmem:s4+$0x6780];
	v30 =	vmul.f32 v30, v26;
	[tilespmem:s31+$0x40] =	vst v38  }
0x4c9: {  	v37 =	vmul.f32 v37, v27;
	[tilespmem:s1+$0x80] =	vst v34;
	v34 =	vld [tilespmem:s3+$0x6780]  }
0x4ca: {  	v38 =	vld [tilespmem:s0+$0x6780];
	v32 =	vmul.f32 v32, v20;
	[tilespmem:s31+$0xC0] =	vst v31;
	s0 =	sor.u32 $0x450, s22  }
0x4cb: {  	s3 =	sor.u32 $0x450, s20;
	[tilespmem:s31+$0xFFFFFFC0] =	vst v30;
	v30 =	vld [tilespmem:s0+$0x6780];
	v31 =	vmul.f32 v35, v22;
	v22 =	vmov v26;
	v26 =	vmov v29  }
0x4cc: {  	s4 =	sor.u32 $0x460, s13;
	s13 =	smov.u32 s21;
	s0 =	sor.u32 $0x420, s21;
	v29 =	vmul.f32 v36, v28;
	[tilespmem:s31+$0xFFFFFF50] =	vst v32;
	v32 =	vld [tilespmem:s3+$0x6780]  }
0x4cd: {  	v33 =	vmul.f32 v33, v26;
	v35 =	vld [tilespmem:s4+$0x6780];
	[tilespmem:s23+$0xFFFFFFF0] =	vst v31;
	s23 =	smov.u32 s31;
	s31 =	smov.u32 s1  }
0x4ce: {  	s3 =	sor.u32 $0x420, s15;
	[tilespmem:s1+$0x10] =	vst v37;
	v34 =	vmul.f32 v34, v21  }
0x4cf: {  	[tilespmem:s1+$0xFFFFFF10] =	vst v29;
	v36 =	vld [tilespmem:s3+$0x6780];
	v29 =	vmul.f32 v38, v25  }
.Ltmp13:
0x4d0: {  	v31 =	vld [tilespmem:s0+$0x6780];
	[tilespmem:s23+$0x50] =	vst v34;
	s0 =	sor.u32 $0x460, s18;
	v37 =	vmul.f32 v30, v23;
	(pc) =	sbr.rel @p5 .LBB2_22-.Ltmp13, $4  }
0x4d1: {  	s3 =	sor.u32 $0x420, s6;
	[tilespmem:s1+$0x90] =	vst v29;
	v38 =	vmul.f32 v32, v22;
	v29 =	vld [tilespmem:s0+$0x6780]  }
0x4d2: {  	s0 =	sor.u32 $0x420, s7;
	[tilespmem:s1+$0xFFFFFF90] =	vst v33;
	v30 =	vmul.f32 v35, v20  }
0x4d3: {  	v34 =	vld [tilespmem:s0+$0x6780];
	[tilespmem:s23+$0xD0] =	vst v37  }
0x4d4: {  	v33 =	vld [tilespmem:s3+$0x6780];
	v32 =	vmul.f32 v36, v27;
	[tilespmem:s23+$0xFFFFFFD0] =	vst v38;
	s3 =	sor.u32 $0x460, s22  }
0x4d5: {  	_ = 	snop  }
0x4d6: {  	v24 =	vmul.f32 v31, v28;
	_ =	sdelay $0x1  }
0x4d7: {  	s0 =	sor.u32 $0x430, s13;
	[tilespmem:s1+$0xFFFFFF20] =	vst v24;
	v24 =	vmul.f32 v34, v25  }
0x4d8: {  	s30 =	sor.u32 $0x430, s15;
	[tilespmem:s1+$0x20] =	vst v32;
	v31 =	vld [tilespmem:s0+$0x6780];
	v33 =	vmul.f32 v33, v26  }
0x4d9: {  	s4 =	sor.u32 $0x430, s7;
	v32 =	vld [tilespmem:s30+$0x6780];
	[tilespmem:s1+$0xA0] =	vst v24  }
0x4da: {  	s5 =	sor.u32 $0x430, s6;
	v24 =	vld [tilespmem:s4+$0x6780];
	[tilespmem:s1+$0xFFFFFFA0] =	vst v33  }
0x4db: {  	v33 =	vld [tilespmem:s5+$0x6780];
	_ =	sdelay $0x1  }
0x4dc: {  	v31 =	vmul.f32 v31, v28  }
0x4dd: {  	v32 =	vmul.f32 v32, v27  }
0x4de: {  	s8 =	sor.u32 $0x440, s13;
	[tilespmem:s1+$0xFFFFFF30] =	vst v31;
	v24 =	vmul.f32 v24, v25  }
0x4df: {  	s10 =	sor.u32 $0x440, s15;
	[tilespmem:s1+$0x30] =	vst v32;
	v31 =	vld [tilespmem:s8+$0x6780];
	v50 =	vmul.f32 v33, v26  }
0x4e0: {  	s11 =	sor.u32 $0x440, s7;
	[tilespmem:s1+$0xB0] =	vst v24;
	v24 =	vld [tilespmem:s10+$0x6780]  }
0x4e1: {  	s12 =	sor.u32 $0x440, s6;
	[tilespmem:s31+$0xFFFFFFB0] =	vst v50;
	v51 =	vld [tilespmem:s11+$0x6780]  }
0x4e2: {  	v52 =	vld [tilespmem:s12+$0x6780];
	_ =	sdelay $0x1  }
0x4e3: {  	v31 =	vmul.f32 v31, v28  }
0x4e4: {  	v24 =	vmul.f32 v24, v27  }
0x4e5: {  	s19 =	sor.u32 $0x450, s13;
	[tilespmem:s31+$0xFFFFFF40] =	vst v31;
	v31 =	vmul.f32 v51, v25  }
0x4e6: {  	s21 =	sor.u32 $0x450, s15;
	v53 =	vld [tilespmem:s19+$0x6780];
	v33 =	vmul.f32 v52, v26;
	[tilespmem:s31+$0x40] =	vst v24  }
0x4e7: {  	s26 =	sor.u32 $0x450, s7;
	v24 =	vld [tilespmem:s21+$0x6780];
	[tilespmem:s31+$0xC0] =	vst v31  }
0x4e8: {  	s28 =	sor.u32 $0x450, s6;
	[tilespmem:s31+$0xFFFFFFC0] =	vst v33;
	v31 =	vld [tilespmem:s26+$0x6780]  }
0x4e9: {  	v33 =	vld [tilespmem:s28+$0x6780];
	_ =	sdelay $0x1  }
0x4ea: {  	v32 =	vmul.f32 v53, v28  }
0x4eb: {  	v54 =	vld [tilespmem:s3+$0x6780];
	s29 =	sor.u32 $0x460, s20;
	v24 =	vmul.f32 v24, v27  }
0x4ec: {  	v35 =	vld [tilespmem:s29+$0x6780];
	s30 =	sor.u32 $0x460, s13;
	[tilespmem:s31+$0xFFFFFF50] =	vst v32;
	v31 =	vmul.f32 v31, v25  }
0x4ed: {  	s1 =	sor.u32 $0x460, s15;
	v32 =	vld [tilespmem:s30+$0x6780];
	[tilespmem:s31+$0x50] =	vst v24;
	v24 =	vmul.f32 v33, v26  }
0x4ee: {  	s3 =	sor.u32 $0x460, s7;
	v55 =	vld [tilespmem:s1+$0x6780];
	[tilespmem:s31+$0xD0] =	vst v31  }
0x4ef: {  	v29 =	vmul.f32 v29, v21;
	s4 =	sor.u32 $0x460, s6;
	[tilespmem:s31+$0xFFFFFFD0] =	vst v24;
	v24 =	vld [tilespmem:s3+$0x6780]  }
0x4f0: {  	[tilespmem:s23+$0xFFFFFF60] =	vst v30;
	v30 =	vmul.f32 v54, v23;
	v31 =	vld [tilespmem:s4+$0x6780]  }
0x4f1: {  	v56 =	vld [tilespmem:s25+$0x6780];
	[tilespmem:s23+$0x60] =	vst v29;
	v29 =	vmul.f32 v35, v22;
	s5 =	sor.u32 $0x470, s18  }
0x4f2: {  	[tilespmem:s23+$0xE0] =	vst v30;
	v57 =	vld [tilespmem:s5+$0x6780];
	s8 =	sor.u32 $0x470, s22;
	v30 =	vmul.f32 v32, v28  }
0x4f3: {  	[tilespmem:s23+$0xFFFFFFE0] =	vst v29;
	v58 =	vld [tilespmem:s8+$0x6780];
	s10 =	sor.u32 $0x470, s20;
	v29 =	vmul.f32 v55, v27  }
0x4f4: {  	v59 =	vld [tilespmem:s10+$0x6780];
	[tilespmem:s31+$0xFFFFFF60] =	vst v30;
	v24 =	vmul.f32 v24, v25  }
0x4f5: {  	s11 =	sor.u32 $0x470, s15;
	v30 =	vld [tilespmem:s24+$0x6780];
	[tilespmem:s31+$0x60] =	vst v29;
	v29 =	vmul.f32 v31, v26  }
0x4f6: {  	v20 =	vmul.f32 v56, v20;
	s12 =	sor.u32 $0x470, s7;
	v31 =	vld [tilespmem:s11+$0x6780];
	[tilespmem:s31+$0xE0] =	vst v24  }
0x4f7: {  	s13 =	sor.u32 $0x470, s6;
	v21 =	vmul.f32 v57, v21;
	v24 =	vld [tilespmem:s12+$0x6780];
	[tilespmem:s31+$0xFFFFFFE0] =	vst v29  }
0x4f8: {  	[tilespmem:s23+$0xFFFFFF70] =	vst v20;
	v20 =	vmul.f32 v58, v23;
	v23 =	vld [tilespmem:s13+$0x6780]  }
0x4f9: {  	[tilespmem:s23+$0x70] =	vst v21;
	v21 =	vmul.f32 v59, v22  }
0x4fa: {  	[tilespmem:s23+$0xF0] =	vst v20;
	v20 =	vmul.f32 v30, v28  }
0x4fb: {  	[tilespmem:s23+$0xFFFFFFF0] =	vst v21;
	v21 =	vmul.f32 v31, v27  }
0x4fc: {  	[tilespmem:s31+$0xFFFFFF70] =	vst v20;
	v20 =	vmul.f32 v24, v25  }
0x4fd: {  	[tilespmem:s31+$0x70] =	vst v21;
	v21 =	vmul.f32 v23, v26  }
0x4fe: {  	[tilespmem:s31+$0xF0] =	vst v20  }
0x4ff: {  	[tilespmem:s31+$0xFFFFFFF0] =	vst v21  }
0x500: {  	v20 =	vld @!p3 [tilespmem:s17+$0x60];
	_ =	sdelay $0x4  }
0x501: {  	v21 =	vshll.u32 @!p3 v20, $0x1  }
0x502: {  	v23 =	vlaneseq.u32 @!p3;
	v22 =	vand.u32 @!p3 $0x7, v20;
	v21 =	vand.u32 @!p3 $0x1FFF0, v21  }
0x503: {  	v24 =	vshrl.u32 @!p3 v23, $0x3;
	v21 =	vor.u32 @!p3 v22, v21;
	v22 =	vand.u32 @!p3 $0x7, v23  }
0x504: {  	v24 =	vmul.u32 @!p3 $0x8, v24;
	v20 =	vshrl.u32 @!p3 v20, $0x10;
	v22 =	vperm.xlane @!p3 v21, v22  }
0x505: {  	v23 =	vor.u32 @!p3 $0x8, v23  }
0x506: {  	v21 =	vperm.xlane @!p3 v21, v23;
	v22 =	vadd.s32 @!p3 v24, v22;
	_ =	sdelay $0x1  }
0x507: {  	s0 =	simm.s32 @!p3 $0x0;
	s1 =	simm.s32 @!p3 $0x3780;
	s3 =	rddreg [dreg:$0x0];
	v21 =	vadd.s32 @!p3 v24, v21  }
0x508: {  	[tilespmem:s1], [sflag:$0x3] =	stream.indirect_vreg.gather @!p3 [hbm4b:s3+s0], $0x80, v20, vm1, $0xb8;
	[tilespmem:$0x1ECF8] =	vst v63  }
0x509: {  	s1 =	simm.s32 @!p3 $0x6780  }
0x50a: {  	[tilespmem:s1], [sflag:$0x3] =	stream.indirect_vreg.gather @!p3 [hbm4b:s14+s0], $0x80, v22, vm1, $0xb8;
	[tilespmem:$0x1ECF8] =	vst v63  }
0x50b: {  	s1 =	simm.s32 @!p3 $0x6F80  }
0x50c: {  	[tilespmem:s1], [sflag:$0x3] =	stream.indirect_vreg.gather @!p3 [hbm4b:s14+s0], $0x80, v21, vm1, $0xb8;
	[tilespmem:$0x1ECF8] =	vst v63  }
0x50d: {  	s18 =	simm.s32 $0x9780;
	s15 =	rddreg [dreg:$0x2]  }
0x50e: {  	[spmem:s15] =	stream.indirect_vreg.scatter.add.f32 [tilespmem:s18], [sflag:$0x7], $0x80, v19, vm0, $0xb8;
	[tilespmem:$0x1ECF8] =	vst v63  }
0x50f: {  	s20 =	simm.s32 $0xA880;
	s19 =	rddreg [dreg:$0x3];
	s21 =	simm.s32 $0x4  }
0x510: {  	[spmem:s19] =	stream.indirect_vreg.scatter.add.f32 [tilespmem:s20], [sflag:$0x7], $0x1, v19, vm0, $0xb8;
	[tilespmem:$0x1ECF8] =	vst v63  }
0x511: {  	v19 =	vld [tilespmem:s17+$0x30];
	_ =	swait.ge [sflag:s21], $0x800  }
0x512: {  	[sflag:s21] =	ssyncset.done $0x0  }
0x513: {  	[sflag:s21] =	ssyncadd.s32 $0xFFFFF800  }
0x514: {  	_ =	swait.ge [sflag:s21], $0x1000  }
0x515: {  	[sflag:s21] =	ssyncset.done $0x0  }
0x516: {  	s0 =	simm.s32 @!p1 $0x8;
	[sflag:s21] =	ssyncadd.s32 $0xFFFFF000  }
0x517: {  	_ =	swait.ge @!p1 [sflag:s0], $0x800  }
0x518: {  	[sflag:s0] =	ssyncset.done @!p1 $0x0  }
0x519: {  	[sflag:s0] =	ssyncadd.s32 @!p1 $0xFFFFF800  }
0x51a: {  	_ =	swait.ge @!p1 [sflag:s0], $0x10  }
0x51b: {  	s6 =	simm.s32 $0x4080;
	s22 =	simm.s32 $0x0;
	[sflag:s0] =	ssyncset.done @!p1 $0x0  }
0x51c: {  	s23 =	sand.u32 $0x800, s22;
	s24 =	simm.s32 $0x180;
	[sflag:s0] =	ssyncadd.s32 @!p1 $0xFFFFFFF0  }
0x51d: {  	s5 =	sor.u32 $0x7780, s23;
	s25 =	sand.u32 $0x380, s24;
	v20 =	vld [tilespmem:s6+$0x80]  }
0x51e: {  	s3 =	sadd.s32 s25, s5;
	v21 =	vld [tilespmem:s6+$0x90]  }
0x51f: {  	v22 =	vld [tilespmem:s3+$0x0]  }
0x520: {  	v23 =	vld [tilespmem:s3+$0x10]  }
0x521: {  	v24 =	vld [tilespmem:s6+$0xA0]  }
0x522: {  	v25 =	vld [tilespmem:s3+$0x20]  }
0x523: {  	v26 =	vld [tilespmem:s6+$0xB0]  }
0x524: {  	v27 =	vld [tilespmem:s3+$0x30]  }
0x525: {  	v28 =	vld [tilespmem:s6+$0xC0]  }
0x526: {  	v29 =	vld [tilespmem:s3+$0x40]  }
0x527: {  	v30 =	vld [tilespmem:s6+$0xD0]  }
0x528: {  	v31 =	vld [tilespmem:s3+$0x50]  }
0x529: {  	v60 =	vld [tilespmem:s6+$0xE0]  }
0x52a: {  	s4 =	simm.s32 $0x80;
	v61 =	vld [tilespmem:s3+$0x60]  }
0x52b: {  	s28 =	sand.u32 $0x280, s4;
	v34 =	vld [tilespmem:s6+$0xF0]  }
0x52c: {  	s29 =	simm.s32 $0x100;
	s4 =	sadd.s32 s28, s5;
	v35 =	vld [tilespmem:s3+$0x70]  }
0x52d: {  	s30 =	sand.u32 $0x300, s29;
	v38 =	vld [tilespmem:s4+$0x0]  }
0x52e: {  	s31 =	sadd.s32 s30, s5;
	v39 =	vld [tilespmem:s4+$0x10]  }
0x52f: {  	v40 =	vld [tilespmem:s31+$0x0]  }
0x530: {  	v41 =	vld [tilespmem:s31+$0x10]  }
0x531: {  	v42 =	vld [tilespmem:s6+$0xFFFFFF10]  }
0x532: {  	v43 =	vld [tilespmem:s6+$0xFFFFFF80]  }
0x533: {  	v44 =	vld [tilespmem:s6+$0xFFFFFF90]  }
0x534: {  	v45 =	vld [tilespmem:s6+$0x0]  }
0x535: {  	v46 =	vld [tilespmem:s6+$0x10]  }
0x536: {  	v47 =	vld [tilespmem:s6+$0xFFFFFF00]  }
0x537: {  	v49 =	vld [tilespmem:s4+$0x20]  }
0x538: {  	v50 =	vld [tilespmem:s31+$0x20]  }
0x539: {  	v51 =	vld [tilespmem:s6+$0xFFFFFF20]  }
0x53a: {  	v52 =	vld [tilespmem:s6+$0xFFFFFFA0]  }
0x53b: {  	v53 =	vld [tilespmem:s6+$0x20]  }
0x53c: {  	v55 =	vld [tilespmem:s4+$0x30]  }
0x53d: {  	v56 =	vld [tilespmem:s31+$0x30]  }
0x53e: {  	v57 =	vld [tilespmem:s6+$0xFFFFFF30]  }
0x53f: {  	v58 =	vld [tilespmem:s6+$0xFFFFFFB0]  }
0x540: {  	s0 =	sand.u32 $0x200, s22;
	v59 =	vld [tilespmem:s6+$0x30]  }
0x541: {  	s26 =	sadd.s32 s0, s5;
	v63 =	vld [tilespmem:s6+$0xFFFFFF50]  }
0x542: {  	v36 =	vld [tilespmem:s26+$0x0]  }
0x543: {  	v37 =	vld [tilespmem:s26+$0x10]  }
0x544: {  	v48 =	vld [tilespmem:s26+$0x20]  }
0x545: {  	v54 =	vld [tilespmem:s26+$0x30]  }
0x546: {  	v20 =	vmul.f32 v22, v20;
	v21 =	vmul.f32 v23, v21;
	v22 =	vld [tilespmem:s26+$0x40]  }
0x547: {  	v23 =	vld [tilespmem:s4+$0x40];
	v62 =	vmul.f32 v39, v44  }
0x548: {  	v32 =	vmul.f32 v61, v60;
	v61 =	vld [tilespmem:s6+$0xFFFFFF60];
	v20 =	vadd.f32 v21, v20;
	v21 =	vmul.f32 v25, v24  }
0x549: {  	v36 =	vmul.f32 v36, v47;
	v47 =	vmul.f32 v48, v51;
	v48 =	vld [tilespmem:s6+$0x50]  }
0x54a: {  	v49 =	vmul.f32 v49, v52;
	v51 =	vld [tilespmem:s26+$0x60];
	v20 =	vadd.f32 v21, v20;
	v21 =	vmul.f32 v27, v26  }
0x54b: {  	v52 =	vmul.f32 v50, v53;
	v53 =	vmul.f32 v54, v57;
	v54 =	vld [tilespmem:s4+$0x60]  }
0x54c: {  	v57 =	vmul.f32 v55, v58;
	v58 =	vld [tilespmem:s31+$0x60];
	v20 =	vadd.f32 v21, v20;
	v21 =	vmul.f32 v29, v28  }
0x54d: {  	v24 =	vld [tilespmem:s31+$0x40];
	v29 =	vmul.f32 v31, v30;
	v31 =	vmul.f32 v38, v43  }
0x54e: {  	v25 =	vld [tilespmem:s6+$0xFFFFFF40];
	v20 =	vadd.f32 v21, v20  }
0x54f: {  	v26 =	vld [tilespmem:s6+$0xFFFFFFC0];
	v21 =	vmul.f32 v37, v42;
	v31 =	vadd.f32 v62, v31  }
0x550: {  	v27 =	vld [tilespmem:s6+$0x40];
	v20 =	vadd.f32 v29, v20;
	v29 =	vmul.f32 v40, v45;
	v45 =	vmul.f32 v41, v46  }
0x551: {  	v28 =	vld [tilespmem:s26+$0x50];
	v21 =	vadd.f32 v21, v36  }
0x552: {  	v30 =	vld [tilespmem:s4+$0x50];
	v31 =	vadd.f32 v49, v31;
	v29 =	vadd.f32 v45, v29  }
0x553: {  	v60 =	vmul.f32 v56, v59;
	v22 =	vmul.f32 v22, v25;
	v46 =	vld [tilespmem:s6+$0xFFFFFFD0];
	v21 =	vadd.f32 v47, v21  }
0x554: {  	v37 =	vld [tilespmem:s31+$0x50];
	v23 =	vmul.f32 v23, v26;
	v31 =	vadd.f32 v57, v31;
	v29 =	vadd.f32 v52, v29  }
0x555: {  	v25 =	vmul.f32 v35, v34;
	v26 =	vld [tilespmem:s6+$0xFFFFFFE0];
	v20 =	vadd.f32 v32, v20;
	v21 =	vadd.f32 v53, v21  }
0x556: {  	v62 =	vld [tilespmem:s6+$0x60];
	v24 =	vmul.f32 v24, v27;
	v23 =	vadd.f32 v23, v31;
	v29 =	vadd.f32 v60, v29  }
0x557: {  	v28 =	vmul.f32 v28, v63;
	v31 =	vadd.f32 v25, v20;
	v20 =	vld [tilespmem:s31+$0x70];
	v27 =	vadd.f32 v22, v21  }
0x558: {  	v25 =	vld [tilespmem:s6+$0xFFFFFF70];
	v24 =	vadd.f32 v24, v29;
	v29 =	vmul.f32 v30, v46  }
0x559: {  	v63 =	vmul.f32 v51, v61;
	v22 =	vld [tilespmem:s26+$0x70];
	v30 =	vmul.f32 v37, v48;
	v28 =	vadd.f32 v28, v27  }
0x55a: {  	s1 =	simm.s32 $0xAA80;
	v19 =	vshrl.u32 v19, $0x10;
	v21 =	vld [tilespmem:s4+$0x70];
	v27 =	vadd.f32 v29, v23;
	v29 =	vmul.f32 v54, v26  }
0x55b: {  	s10 =	simm.s32 $0x400;
	s7 =	simm.s32 $0x0;
	s11 =	simm.s32 $0x200;
	[tilespmem:s1+$0x80] =	vst v31;
	v24 =	vadd.f32 v30, v24;
	v23 =	vadd.f32 v63, v28;
	v26 =	vld [tilespmem:s6+$0xFFFFFFF0];
	v28 =	vmul.f32 v58, v62  }
.LBB2_24:
0x55c: {  	s0 =	sand.u32 $0x800, s10;
	s3 =	sadd.s32 $0x180, s11;
	v27 =	vadd.f32 v29, v27;
	v29 =	vld [tilespmem:s6+$0x70];
	s6 =	sadd.s32 $0x200, s6  }
0x55d: {  	s7 =	sadd.s32 $0x4, s7;
	s0 =	sor.u32 $0x7780, s0;
	v30 =	vld [tilespmem:s6+$0x80];
	s3 =	sand.u32 $0x380, s3;
	v24 =	vadd.f32 v28, v24  }
0x55e: {  	s4 =	sadd.s32 $0x80, s11;
	p1 =	slt.u32 s7, $0xC;
	s3 =	sadd.s32 s3, s0;
	v28 =	vld [tilespmem:s6+$0x90]  }
0x55f: {  	s5 =	sand.u32 $0x200, s11;
	s8 =	sadd.s32 $0x100, s11;
	s4 =	sand.u32 $0x280, s4;
	v31 =	vld [tilespmem:s3+$0x0];
	v22 =	vmul.f32 v22, v25  }
0x560: {  	s15 =	sadd.s32 s5, s0;
	s13 =	sadd.s32 s4, s0;
	s4 =	sand.u32 $0x300, s8;
	v25 =	vld [tilespmem:s3+$0x10];
	v21 =	vmul.f32 v21, v26  }
0x561: {  	s18 =	sadd.s32 s4, s0;
	v26 =	vld [tilespmem:s6+$0xA0];
	v22 =	vadd.f32 v22, v23;
	v20 =	vmul.f32 v20, v29  }
0x562: {  	v23 =	vld [tilespmem:s3+$0x20];
	v21 =	vadd.f32 v21, v27  }
0x563: {  	v27 =	vld [tilespmem:s6+$0xB0];
	[tilespmem:s1+$0xFFFFFF00] =	vst v22;
	v20 =	vadd.f32 v20, v24  }
0x564: {  	v22 =	vld [tilespmem:s3+$0x30];
	[tilespmem:s1+$0xFFFFFF80] =	vst v21  }
0x565: {  	v21 =	vmul.f32 v31, v30;
	v24 =	vmul.f32 v25, v28;
	v25 =	vld [tilespmem:s6+$0xC0];
	[tilespmem:s1+$0x0] =	vst v20  }
0x566: {  	v20 =	vld [tilespmem:s3+$0x40]  }
0x567: {  	v21 =	vadd.f32 v24, v21;
	v23 =	vmul.f32 v23, v26;
	v24 =	vld [tilespmem:s6+$0xD0]  }
0x568: {  	v26 =	vld [tilespmem:s3+$0x50]  }
0x569: {  	v21 =	vadd.f32 v23, v21;
	v22 =	vmul.f32 v22, v27;
	v23 =	vld [tilespmem:s6+$0xE0]  }
0x56a: {  	v27 =	vld [tilespmem:s3+$0x60]  }
0x56b: {  	v21 =	vadd.f32 v22, v21;
	v20 =	vmul.f32 v20, v25;
	v22 =	vld [tilespmem:s6+$0xF0]  }
0x56c: {  	v25 =	vld [tilespmem:s3+$0x70]  }
0x56d: {  	v28 =	vld [tilespmem:s15+$0x0];
	v20 =	vadd.f32 v20, v21;
	v21 =	vmul.f32 v26, v24  }
0x56e: {  	v24 =	vld [tilespmem:s15+$0x10]  }
0x56f: {  	v26 =	vld [tilespmem:s13+$0x0];
	v20 =	vadd.f32 v21, v20;
	v21 =	vmul.f32 v27, v23  }
0x570: {  	v23 =	vld [tilespmem:s13+$0x10]  }
0x571: {  	v27 =	vld [tilespmem:s18+$0x0];
	v20 =	vadd.f32 v21, v20;
	v21 =	vmul.f32 v25, v22  }
0x572: {  	v22 =	vld [tilespmem:s18+$0x10]  }
0x573: {  	v25 =	vld [tilespmem:s6+$0xFFFFFF10];
	v20 =	vadd.f32 v21, v20  }
0x574: {  	s1 =	sadd.s32 $0x200, s1;
	v21 =	vld [tilespmem:s6+$0xFFFFFF80]  }
0x575: {  	v29 =	vld [tilespmem:s6+$0xFFFFFF90];
	[tilespmem:s1+$0x80] =	vst v20  }
0x576: {  	v20 =	vld [tilespmem:s6+$0x0]  }
0x577: {  	v30 =	vld [tilespmem:s6+$0x10]  }
0x578: {  	v31 =	vld [tilespmem:s6+$0xFFFFFF00];
	v24 =	vmul.f32 v24, v25  }
0x579: {  	v25 =	vld [tilespmem:s15+$0x20];
	v21 =	vmul.f32 v26, v21  }
0x57a: {  	v23 =	vmul.f32 v23, v29;
	v26 =	vld [tilespmem:s13+$0x20]  }
0x57b: {  	v20 =	vmul.f32 v27, v20;
	v27 =	vld [tilespmem:s18+$0x20]  }
0x57c: {  	v29 =	vld [tilespmem:s6+$0xFFFFFF20];
	v21 =	vadd.f32 v23, v21;
	v22 =	vmul.f32 v22, v30  }
0x57d: {  	v23 =	vmul.f32 v28, v31;
	v28 =	vld [tilespmem:s6+$0xFFFFFFA0]  }
0x57e: {  	v20 =	vadd.f32 v22, v20;
	v22 =	vld [tilespmem:s6+$0x20]  }
0x57f: {  	v23 =	vadd.f32 v24, v23;
	v24 =	vld [tilespmem:s15+$0x30]  }
0x580: {  	v30 =	vld [tilespmem:s13+$0x30]  }
0x581: {  	v25 =	vmul.f32 v25, v29;
	v29 =	vld [tilespmem:s18+$0x30]  }
0x582: {  	v31 =	vld [tilespmem:s6+$0xFFFFFF30];
	v26 =	vmul.f32 v26, v28  }
0x583: {  	v23 =	vadd.f32 v25, v23;
	v25 =	vld [tilespmem:s6+$0xFFFFFFB0];
	v22 =	vmul.f32 v27, v22  }
0x584: {  	v21 =	vadd.f32 v26, v21;
	v26 =	vld [tilespmem:s6+$0x30]  }
0x585: {  	v27 =	vld [tilespmem:s15+$0x40];
	v20 =	vadd.f32 v22, v20  }
0x586: {  	v22 =	vld [tilespmem:s13+$0x40]  }
0x587: {  	v24 =	vmul.f32 v24, v31;
	v28 =	vld [tilespmem:s18+$0x40]  }
0x588: {  	v31 =	vld [tilespmem:s6+$0xFFFFFF40];
	v25 =	vmul.f32 v30, v25  }
0x589: {  	v23 =	vadd.f32 v24, v23;
	v24 =	vld [tilespmem:s6+$0xFFFFFFC0];
	v26 =	vmul.f32 v29, v26  }
0x58a: {  	v21 =	vadd.f32 v25, v21;
	v25 =	vld [tilespmem:s6+$0x40]  }
0x58b: {  	v29 =	vld [tilespmem:s15+$0x50];
	v20 =	vadd.f32 v26, v20  }
0x58c: {  	v26 =	vld [tilespmem:s13+$0x50]  }
0x58d: {  	v27 =	vmul.f32 v27, v31;
	v30 =	vld [tilespmem:s18+$0x50]  }
0x58e: {  	v31 =	vld [tilespmem:s6+$0xFFFFFF50];
	v22 =	vmul.f32 v22, v24  }
0x58f: {  	v23 =	vadd.f32 v27, v23;
	v24 =	vld [tilespmem:s6+$0xFFFFFFD0];
	v25 =	vmul.f32 v28, v25  }
0x590: {  	v21 =	vadd.f32 v22, v21;
	v22 =	vld [tilespmem:s6+$0x50]  }
0x591: {  	v28 =	vld [tilespmem:s15+$0x60];
	v20 =	vadd.f32 v25, v20  }
0x592: {  	v32 =	vld [tilespmem:s13+$0x60]  }
0x593: {  	v25 =	vmul.f32 v29, v31;
	v31 =	vld [tilespmem:s18+$0x60]  }
0x594: {  	v29 =	vld [tilespmem:s6+$0xFFFFFF60];
	v24 =	vmul.f32 v26, v24  }
0x595: {  	v23 =	vadd.f32 v25, v23;
	v26 =	vld [tilespmem:s6+$0xFFFFFFE0];
	v25 =	vmul.f32 v30, v22  }
0x596: {  	v27 =	vadd.f32 v24, v21;
	v30 =	vld [tilespmem:s6+$0x60]  }
.Ltmp14:
0x597: {  	v22 =	vld [tilespmem:s15+$0x70];
	v24 =	vadd.f32 v25, v20;
	(pc) =	sbr.rel @p1 .LBB2_24-.Ltmp14, $4  }
0x598: {  	v21 =	vld [tilespmem:s13+$0x70]  }
0x599: {  	v28 =	vmul.f32 v28, v29;
	v20 =	vld [tilespmem:s18+$0x70]  }
0x59a: {  	v25 =	vld [tilespmem:s6+$0xFFFFFF70];
	v29 =	vmul.f32 v32, v26  }
0x59b: {  	s10 =	sadd.s32 $0x400, s10;
	s11 =	sadd.s32 $0x200, s11;
	v23 =	vadd.f32 v28, v23;
	v26 =	vld [tilespmem:s6+$0xFFFFFFF0];
	v28 =	vmul.f32 v31, v30  }
0x59c: {  	v30 =	vld [tilespmem:s6+$0x70];
	_ =	sdelay $0x2  }
0x59d: {  	v22 =	vmul.f32 v22, v25  }
0x59e: {  	v25 =	vadd.f32 v29, v27;
	v21 =	vmul.f32 v21, v26  }
0x59f: {  	v24 =	vadd.f32 v28, v24;
	v22 =	vadd.f32 v22, v23;
	v20 =	vmul.f32 v20, v30  }
0x5a0: {  	v21 =	vadd.f32 v21, v25  }
0x5a1: {  	[tilespmem:s1+$0xFFFFFF00] =	vst v22;
	v20 =	vadd.f32 v20, v24  }
0x5a2: {  	[tilespmem:s1+$0xFFFFFF80] =	vst v21  }
0x5a3: {  	[tilespmem:s1+$0x0] =	vst v20  }
0x5a4: {  	v20 =	vld.idx.msk [tilespmem:v0+s9+$0x0], $0xffff  }
0x5a5: {  	v21 =	vld.idx.msk [tilespmem:v4+s9+$0x0], $0xffff;
	_ =	sdelay $0x1  }
0x5a6: {  	v22 =	vld.idx.msk [tilespmem:v5+s9+$0x0], $0xffff;
	_ =	sdelay $0x1  }
0x5a7: {  	v23 =	vld.idx.msk [tilespmem:v6+s9+$0x0], $0xffff  }
0x5a8: {  	v20 =	vadd.f32 v21, v20  }
0x5a9: {  	v21 =	vld.idx.msk [tilespmem:v7+s9+$0x0], $0xffff  }
0x5aa: {  	v20 =	vadd.f32 v22, v20  }
0x5ab: {  	v22 =	vld.idx.msk [tilespmem:v8+s9+$0x0], $0xffff  }
0x5ac: {  	v20 =	vadd.f32 v23, v20  }
0x5ad: {  	v23 =	vld.idx.msk [tilespmem:v9+s9+$0x0], $0xffff  }
0x5ae: {  	v20 =	vadd.f32 v21, v20  }
0x5af: {  	v21 =	vld.idx.msk [tilespmem:v10+s9+$0x0], $0xffff  }
0x5b0: {  	v20 =	vadd.f32 v22, v20  }
0x5b1: {  	v22 =	vld.idx.msk [tilespmem:v11+s9+$0x0], $0xffff  }
0x5b2: {  	v20 =	vadd.f32 v23, v20  }
0x5b3: {  	v23 =	vld.idx.msk [tilespmem:v12+s9+$0x0], $0xffff  }
0x5b4: {  	v20 =	vadd.f32 v21, v20  }
0x5b5: {  	v21 =	vld.idx.msk [tilespmem:v13+s9+$0x0], $0xffff  }
0x5b6: {  	v20 =	vadd.f32 v22, v20  }
0x5b7: {  	v22 =	vld.idx.msk [tilespmem:v14+s9+$0x0], $0xffff  }
0x5b8: {  	v20 =	vadd.f32 v23, v20  }
0x5b9: {  	v23 =	vld.idx.msk [tilespmem:v15+s9+$0x0], $0xffff  }
0x5ba: {  	v20 =	vadd.f32 v21, v20  }
0x5bb: {  	v21 =	vld.idx.msk [tilespmem:v16+s9+$0x0], $0xffff  }
0x5bc: {  	v20 =	vadd.f32 v22, v20  }
0x5bd: {  	v22 =	vld.idx.msk [tilespmem:v17+s9+$0x0], $0xffff  }
0x5be: {  	v20 =	vadd.f32 v23, v20  }
0x5bf: {  	v23 =	vld.idx.msk [tilespmem:v18+s9+$0x0], $0xffff  }
0x5c0: {  	v20 =	vadd.f32 v21, v20;
	_ =	sdelay $0x1  }
0x5c1: {  	v20 =	vadd.f32 v22, v20;
	_ =	sdelay $0x1  }
0x5c2: {  	v20 =	vadd.f32 v23, v20;
	_ =	sdelay $0x1  }
0x5c3: {  	v20 =	vmul.f32 $1.442695020e+00, v20;
	_ =	sdelay $0x1  }
0x5c4: {  	(erf) = vpow2.f32 v20;
	_ =	sdelay $0x5  }
0x5c5: {  	p1 =	por $0x0, $0x0;
	s0 =	simm.s32 $0x1  }
0x5c6: {  	s0 =	simm.s32 @!p1 $0x0  }
0x5c7: {  	s0 =	sshll.u32 s0, $0x9  }
0x5c8: {  	s8 =	simm.s32 $0x0;
	s10 =	sadd.s32 $0x0, s0;
	v24 =	vpop (erf)  }
0x5c9: {  	s11 =	sand.u32 $0x3, s8;
	s3 =	sor.u32 $0x400, s10;
	[tilespmem:$0xA900] =	vst v24  }
0x5ca: {  	s0 =	sshll.u32 s11, $0x8;
	v21 =	vld [tilespmem:s3+$0x7780]  }
0x5cb: {  	s12 =	sand.u32 $0x7, s8;
	s18 =	sadd.s32 $0x100, s0  }
0x5cc: {  	s13 =	sshll.u32 s12, $0x7;
	s15 =	sor.u32 $0x400, s18;
	v20 =	vmov s8  }
0x5cd: {  	s0 =	sadd.s32 $0x0, s13;
	v20 =	vperm.xlane v24, v20;
	v22 =	vld [tilespmem:s15+$0x7780]  }
0x5ce: {  	s19 =	simm.s32 $0x2;
	s22 =	sadd.s32 $0x180, s0  }
0x5cf: {  	s20 =	sadd.s32 $0x80, s0;
	s21 =	sor.u32 $0x400, s22;
	v23 =	vmov s19;
	v25 =	vmul.f32 v21, v20  }
0x5d0: {  	s23 =	simm.s32 $0xA080;
	s24 =	sor.u32 $0x400, s20;
	v26 =	vld [tilespmem:s21+$0x7780];
	v21 =	vperm.xlane v24, v23  }
0x5d1: {  	s25 =	simm.s32 $0x3;
	s26 =	sor.u32 $0x410, s10;
	v27 =	vld [tilespmem:s24+$0x7780];
	[tilespmem:s23+$0xFFFFFF00] =	vst v25  }
0x5d2: {  	s30 =	simm.s32 $0x1;
	v23 =	vmov s25;
	v25 =	vmul.f32 v22, v21;
	v28 =	vld [tilespmem:s26+$0x7780]  }
0x5d3: {  	v23 =	vperm.xlane v24, v23;
	v22 =	vmov s30  }
0x5d4: {  	s1 =	sor.u32 $0x410, s18;
	v22 =	vperm.xlane v24, v22;
	[tilespmem:s23+$0x0] =	vst v25  }
0x5d5: {  	v26 =	vmul.f32 v26, v23;
	v25 =	vld [tilespmem:s1+$0x7780]  }
0x5d6: {  	v27 =	vmul.f32 v27, v22  }
0x5d7: {  	s3 =	sor.u32 $0x410, s22;
	[tilespmem:s23+$0x80] =	vst v26;
	v26 =	vmul.f32 v28, v20  }
0x5d8: {  	s4 =	sor.u32 $0x410, s20;
	[tilespmem:s23+$0xFFFFFF80] =	vst v27;
	v27 =	vld [tilespmem:s3+$0x7780]  }
0x5d9: {  	s5 =	sor.u32 $0x420, s10;
	v28 =	vld [tilespmem:s4+$0x7780];
	[tilespmem:s23+$0xFFFFFF10] =	vst v26  }
0x5da: {  	v25 =	vmul.f32 v25, v21;
	v26 =	vld [tilespmem:s5+$0x7780];
	_ =	sdelay $0x1  }
0x5db: {  	s6 =	sor.u32 $0x420, s18;
	[tilespmem:s23+$0x10] =	vst v25  }
0x5dc: {  	v27 =	vmul.f32 v27, v23;
	v25 =	vld [tilespmem:s6+$0x7780]  }
0x5dd: {  	v28 =	vmul.f32 v28, v22  }
0x5de: {  	s7 =	sor.u32 $0x420, s22;
	[tilespmem:s23+$0x90] =	vst v27;
	v26 =	vmul.f32 v26, v20  }
0x5df: {  	s8 =	sor.u32 $0x420, s20;
	[tilespmem:s23+$0xFFFFFF90] =	vst v28;
	v27 =	vld [tilespmem:s7+$0x7780]  }
0x5e0: {  	s11 =	sor.u32 $0x430, s10;
	v28 =	vld [tilespmem:s8+$0x7780];
	[tilespmem:s23+$0xFFFFFF20] =	vst v26  }
0x5e1: {  	v25 =	vmul.f32 v25, v21;
	v26 =	vld [tilespmem:s11+$0x7780];
	_ =	sdelay $0x1  }
0x5e2: {  	s12 =	sor.u32 $0x430, s18;
	[tilespmem:s23+$0x20] =	vst v25  }
0x5e3: {  	s28 =	simm.s32 $0x4;
	v25 =	vmul.f32 v27, v23;
	v27 =	vld [tilespmem:s12+$0x7780]  }
0x5e4: {  	s29 =	simm.s32 $0x2;
	p1 =	por !p1, !p1;
	s13 =	sand.u32 $0x7, s28;
	v28 =	vmul.f32 v28, v22  }
0x5e5: {  	s15 =	sor.u32 $0x430, s22;
	s3 =	simm.s32 $0x1;
	s4 =	sand.u32 $0x3, s29;
	[tilespmem:s23+$0xA0] =	vst v25;
	v25 =	vmul.f32 v26, v20  }
0x5e6: {  	s19 =	sor.u32 $0x430, s20;
	s3 =	simm.s32 @!p1 $0x0;
	s4 =	sshll.u32 s4, $0x8;
	[tilespmem:s23+$0xFFFFFFA0] =	vst v28;
	v26 =	vld [tilespmem:s15+$0x7780]  }
0x5e7: {  	s21 =	sor.u32 $0x440, s10;
	s3 =	sshll.u32 s3, $0x9;
	s15 =	sadd.s32 $0x500, s4;
	v28 =	vld [tilespmem:s19+$0x7780];
	[tilespmem:s23+$0xFFFFFF30] =	vst v25  }
0x5e8: {  	s0 =	sshll.u32 s13, $0x7;
	s13 =	sadd.s32 $0x400, s3;
	s24 =	sor.u32 $0x400, s15;
	v25 =	vmul.f32 v27, v21;
	v29 =	vld [tilespmem:s21+$0x7780]  }
0x5e9: {  	s0 =	sadd.s32 $0x400, s0;
	s25 =	sor.u32 $0x400, s13;
	v30 =	vld [tilespmem:s24+$0x7780]  }
0x5ea: {  	s30 =	sor.u32 $0x440, s18;
	s26 =	simm.s32 $0x6;
	v31 =	vld [tilespmem:s25+$0x7780];
	s7 =	sadd.s32 $0x180, s0;
	[tilespmem:s23+$0x30] =	vst v25  }
0x5eb: {  	s6 =	sadd.s32 $0x80, s0;
	s4 =	sor.u32 $0x400, s7;
	v25 =	vmul.f32 v26, v23;
	v26 =	vmov s26;
	v32 =	vld [tilespmem:s30+$0x7780]  }
0x5ec: {  	v33 =	vmov s28;
	s5 =	sor.u32 $0x400, s6;
	v34 =	vld [tilespmem:s4+$0x7780];
	v27 =	vperm.xlane v24, v26;
	v26 =	vmul.f32 v28, v22  }
0x5ed: {  	v35 =	vld [tilespmem:s5+$0x7780];
	s8 =	simm.s32 $0x7;
	s11 =	sor.u32 $0x440, s22;
	v28 =	vperm.xlane v24, v33;
	[tilespmem:s23+$0xB0] =	vst v25;
	v29 =	vmul.f32 v29, v20  }
0x5ee: {  	s12 =	simm.s32 $0x5;
	s19 =	sor.u32 $0x440, s20;
	v25 =	vmov s8;
	v30 =	vmul.f32 v30, v27;
	[tilespmem:s23+$0xFFFFFFB0] =	vst v26;
	v51 =	vld [tilespmem:s11+$0x7780]  }
0x5ef: {  	s1 =	simm.s32 $0xA280;
	s21 =	sor.u32 $0x450, s10;
	v26 =	vmov s12;
	v25 =	vperm.xlane v24, v25;
	v31 =	vmul.f32 v31, v28;
	v36 =	vld [tilespmem:s19+$0x7780];
	[tilespmem:s23+$0xFFFFFF40] =	vst v29  }
0x5f0: {  	s24 =	sor.u32 $0x410, s15;
	v26 =	vperm.xlane v24, v26;
	[tilespmem:s1+$0x0] =	vst v30;
	v30 =	vmul.f32 v32, v21;
	v29 =	vld [tilespmem:s21+$0x7780]  }
0x5f1: {  	s25 =	sor.u32 $0x410, s13;
	[tilespmem:s1+$0xFFFFFF00] =	vst v31;
	v31 =	vmul.f32 v34, v25;
	v52 =	vld [tilespmem:s24+$0x7780]  }
0x5f2: {  	s26 =	sor.u32 $0x450, s18;
	v53 =	vmul.f32 v35, v26;
	v54 =	vld [tilespmem:s25+$0x7780];
	[tilespmem:s23+$0x40] =	vst v30  }
0x5f3: {  	s30 =	sor.u32 $0x410, s7;
	[tilespmem:s1+$0x80] =	vst v31;
	v30 =	vmul.f32 v51, v23;
	v31 =	vld [tilespmem:s26+$0x7780]  }
0x5f4: {  	s4 =	sor.u32 $0x410, s6;
	[tilespmem:s1+$0xFFFFFF80] =	vst v53;
	v56 =	vld [tilespmem:s30+$0x7780];
	v55 =	vmul.f32 v36, v22  }
0x5f5: {  	s5 =	sor.u32 $0x450, s22;
	v57 =	vld [tilespmem:s4+$0x7780];
	[tilespmem:s23+$0xC0] =	vst v30;
	v29 =	vmul.f32 v29, v20  }
0x5f6: {  	s8 =	sor.u32 $0x450, s20;
	v30 =	vmul.f32 v52, v27;
	[tilespmem:s23+$0xFFFFFFC0] =	vst v55;
	v58 =	vld [tilespmem:s5+$0x7780]  }
0x5f7: {  	s11 =	sor.u32 $0x460, s10;
	v59 =	vmul.f32 v54, v28;
	[tilespmem:s23+$0xFFFFFF50] =	vst v29;
	v29 =	vld [tilespmem:s8+$0x7780]  }
0x5f8: {  	s12 =	sor.u32 $0x420, s15;
	[tilespmem:s1+$0x10] =	vst v30;
	v30 =	vmul.f32 v31, v21;
	v60 =	vld [tilespmem:s11+$0x7780]  }
0x5f9: {  	[tilespmem:s1+$0xFFFFFF10] =	vst v59;
	v61 =	vmul.f32 v56, v25;
	v37 =	vld [tilespmem:s12+$0x7780]  }
0x5fa: {  	s19 =	sor.u32 $0x420, s13;
	v62 =	vmul.f32 v57, v26;
	[tilespmem:s23+$0x50] =	vst v30  }
0x5fb: {  	s21 =	sor.u32 $0x460, s18;
	v31 =	vld [tilespmem:s19+$0x7780];
	[tilespmem:s1+$0x90] =	vst v61;
	v30 =	vmul.f32 v58, v23  }
0x5fc: {  	s31 =	simm.s32 $0xA280;
	s3 =	sor.u32 $0x460, s22;
	s24 =	sor.u32 $0x420, s7;
	[tilespmem:s1+$0xFFFFFF90] =	vst v62;
	v63 =	vmul.f32 v29, v22;
	v29 =	vld [tilespmem:s21+$0x7780]  }
0x5fd: {  	s25 =	sor.u32 $0x470, s10;
	s10 =	simm.s32 $0x400;
	s30 =	sor.u32 $0x420, s6;
	v34 =	vld [tilespmem:s24+$0x7780];
	[tilespmem:s23+$0xD0] =	vst v30  }
0x5fe: {  	s26 =	simm.s32 $0x8;
	s11 =	simm.s32 $0x500;
	s24 =	sor.u32 $0x470, s13;
	v33 =	vld [tilespmem:s30+$0x7780];
	v30 =	vmul.f32 v60, v20;
	v32 =	vmul.f32 v37, v27;
	[tilespmem:s23+$0xFFFFFFD0] =	vst v63  }
.LBB2_26:
0x5ff: {  	p4 =	slt.u32 s26, $0xC  }
0x600: {  	[tilespmem:s23+$0xFFFFFF60] =	vst v30;
	v30 =	vld [tilespmem:s3+$0x7780];
	s3 =	smov.u32 s26;
	s26 =	sadd.s32 $0x4, s26;
	s0 =	sor.u32 $0x460, s20  }
0x601: {  	v31 =	vmul.f32 v31, v28;
	s4 =	sor.u32 $0x470, s18;
	s18 =	smov.u32 s15;
	s10 =	sadd.s32 $0x400, s10;
	v35 =	vld [tilespmem:s25+$0x7780];
	v29 =	vmul.f32 v29, v21  }
0x602: {  	s11 =	sadd.s32 $0x400, s11;
	s29 =	sadd.s32 $0x2, s29;
	s5 =	sor.u32 $0x430, s13  }
0x603: {  	p1 =	por !p1, !p1;
	s28 =	sadd.s32 $0x4, s28;
	s12 =	sor.u32 $0x430, s7;
	[tilespmem:s1+$0xFFFFFF20] =	vst v31;
	v31 =	vmul.f32 v34, v25  }
0x604: {  	s15 =	simm.s32 $0x1;
	s8 =	sand.u32 $0x7, s28;
	v34 =	vld [tilespmem:s5+$0x7780];
	v33 =	vmul.f32 v33, v26;
	s5 =	sor.u32 $0x430, s18;
	[tilespmem:s23+$0x60] =	vst v29  }
0x605: {  	s15 =	simm.s32 @!p1 $0x0;
	s19 =	sand.u32 $0x3, s29;
	s8 =	sshll.u32 s8, $0x7;
	[tilespmem:s1+$0x20] =	vst v32;
	v29 =	vld [tilespmem:s4+$0x7780];
	v30 =	vmul.f32 v30, v23  }
0x606: {  	s8 =	sadd.s32 s8, s10;
	s4 =	sshll.u32 s15, $0x9;
	s15 =	sshll.u32 s19, $0x8;
	v32 =	vld [tilespmem:s5+$0x7780];
	[tilespmem:s1+$0xA0] =	vst v31;
	v31 =	vmul.f32 v35, v20;
	v20 =	vmov v28  }
0x607: {  	s21 =	sadd.s32 s4, s10;
	s4 =	sadd.s32 $0x80, s8;
	s5 =	sadd.s32 $0x180, s8;
	v28 =	vld [tilespmem:s12+$0x7780];
	[tilespmem:s23+$0xE0] =	vst v30  }
0x608: {  	s8 =	sor.u32 $0x400, s21;
	s12 =	sor.u32 $0x400, s4;
	s19 =	sor.u32 $0x400, s5;
	[tilespmem:s1+$0xFFFFFFA0] =	vst v33;
	v30 =	vld [tilespmem:s0+$0x7780]  }
0x609: {  	s15 =	sadd.s32 s15, s11;
	s0 =	sor.u32 $0x470, s21;
	v33 =	vld [tilespmem:s12+$0x7780];
	v34 =	vmul.f32 v34, v20;
	s12 =	sor.u32 $0x430, s6;
	[tilespmem:s23+$0xFFFFFF70] =	vst v31  }
0x60a: {  	s25 =	smov.u32 s24;
	s30 =	sor.u32 $0x400, s15;
	s24 =	smov.u32 s0;
	v31 =	vld [tilespmem:s12+$0x7780];
	v29 =	vmul.f32 v29, v21;
	v21 =	vmov v27  }
0x60b: {  	s0 =	sor.u32 $0x440, s13;
	v35 =	vld [tilespmem:s30+$0x7780];
	[tilespmem:s1+$0xFFFFFF30] =	vst v34;
	v27 =	vmul.f32 v32, v21  }
0x60c: {  	s12 =	sadd.s32 $0x2, s3;
	v32 =	vld [tilespmem:s0+$0x7780];
	v34 =	vmul.f32 v28, v25;
	[tilespmem:s23+$0x70] =	vst v29;
	s0 =	sor.u32 $0x470, s22;
	s22 =	smov.u32 s7  }
0x60d: {  	s30 =	sadd.s32 $0x1, s3;
	v28 =	vmov s3;
	v29 =	vmov s12;
	s3 =	sadd.s32 $0x3, s3;
	s7 =	smov.u32 s5;
	[tilespmem:s1+$0x30] =	vst v27;
	v30 =	vmul.f32 v30, v22;
	v36 =	vld [tilespmem:s0+$0x7780]  }
0x60e: {  	v38 =	vmov s30;
	v28 =	vperm.xlane v24, v28;
	v27 =	vperm.xlane v24, v29;
	s0 =	sor.u32 $0x440, s18;
	v37 =	vld [tilespmem:s8+$0x7780];
	[tilespmem:s1+$0xB0] =	vst v34  }
0x60f: {  	v29 =	vperm.xlane v24, v38;
	v34 =	vmov s3;
	s1 =	sadd.s32 $0x200, s1;
	v31 =	vmul.f32 v31, v26;
	v38 =	vld [tilespmem:s0+$0x7780];
	[tilespmem:s23+$0xFFFFFFE0] =	vst v30  }
0x610: {  	v34 =	vperm.xlane v24, v34;
	s0 =	sor.u32 $0x440, s22;
	v30 =	vmul.f32 v35, v27;
	v35 =	vld [tilespmem:s19+$0x7780]  }
0x611: {  	s3 =	sor.u32 $0x440, s6;
	v32 =	vmul.f32 v32, v20;
	[tilespmem:s31+$0xFFFFFFB0] =	vst v31;
	v31 =	vld [tilespmem:s0+$0x7780]  }
0x612: {  	s0 =	sor.u32 $0x410, s15;
	[tilespmem:s1+$0x0] =	vst v30;
	v30 =	vld [tilespmem:s3+$0x7780];
	v36 =	vmul.f32 v36, v23;
	v23 =	vmov v25;
	v25 =	vmov v34  }
0x613: {  	s5 =	sor.u32 $0x450, s13;
	v33 =	vmul.f32 v33, v29;
	s3 =	sor.u32 $0x410, s21;
	v34 =	vmul.f32 v37, v28;
	v37 =	vld [tilespmem:s0+$0x7780];
	s0 =	sor.u32 $0x410, s7;
	[tilespmem:s31+$0xFFFFFF40] =	vst v32  }
0x614: {  	v32 =	vld [tilespmem:s5+$0x7780];
	v38 =	vmul.f32 v38, v21;
	s5 =	sor.u32 $0x470, s20;
	[tilespmem:s23+$0xF0] =	vst v36;
	s20 =	smov.u32 s6;
	s6 =	smov.u32 s4  }
0x615: {  	[tilespmem:s1+$0xFFFFFF00] =	vst v34;
	s4 =	sor.u32 $0x410, s6;
	v34 =	vmul.f32 v35, v25;
	v35 =	vld [tilespmem:s5+$0x7780]  }
0x616: {  	v36 =	vld [tilespmem:s3+$0x7780];
	[tilespmem:s1+$0xFFFFFF80] =	vst v33;
	v31 =	vmul.f32 v31, v23  }
0x617: {  	s3 =	sor.u32 $0x450, s18;
	v33 =	vld [tilespmem:s4+$0x7780];
	v30 =	vmul.f32 v30, v26;
	[tilespmem:s31+$0x40] =	vst v38  }
0x618: {  	v37 =	vmul.f32 v37, v27;
	[tilespmem:s1+$0x80] =	vst v34;
	v34 =	vld [tilespmem:s3+$0x7780]  }
0x619: {  	v38 =	vld [tilespmem:s0+$0x7780];
	v32 =	vmul.f32 v32, v20;
	[tilespmem:s31+$0xC0] =	vst v31;
	s0 =	sor.u32 $0x450, s22  }
0x61a: {  	s3 =	sor.u32 $0x450, s20;
	[tilespmem:s31+$0xFFFFFFC0] =	vst v30;
	v30 =	vld [tilespmem:s0+$0x7780];
	v31 =	vmul.f32 v35, v22;
	v22 =	vmov v26;
	v26 =	vmov v29  }
0x61b: {  	s4 =	sor.u32 $0x460, s13;
	s13 =	smov.u32 s21;
	s0 =	sor.u32 $0x420, s21;
	v29 =	vmul.f32 v36, v28;
	[tilespmem:s31+$0xFFFFFF50] =	vst v32;
	v32 =	vld [tilespmem:s3+$0x7780]  }
0x61c: {  	v33 =	vmul.f32 v33, v26;
	v35 =	vld [tilespmem:s4+$0x7780];
	[tilespmem:s23+$0xFFFFFFF0] =	vst v31;
	s23 =	smov.u32 s31;
	s31 =	smov.u32 s1  }
0x61d: {  	s3 =	sor.u32 $0x420, s15;
	[tilespmem:s1+$0x10] =	vst v37;
	v34 =	vmul.f32 v34, v21  }
0x61e: {  	[tilespmem:s1+$0xFFFFFF10] =	vst v29;
	v36 =	vld [tilespmem:s3+$0x7780];
	v29 =	vmul.f32 v38, v25  }
.Ltmp15:
0x61f: {  	v31 =	vld [tilespmem:s0+$0x7780];
	[tilespmem:s23+$0x50] =	vst v34;
	s0 =	sor.u32 $0x460, s18;
	v37 =	vmul.f32 v30, v23;
	(pc) =	sbr.rel @p4 .LBB2_26-.Ltmp15, $4  }
0x620: {  	s3 =	sor.u32 $0x420, s6;
	[tilespmem:s1+$0x90] =	vst v29;
	v38 =	vmul.f32 v32, v22;
	v29 =	vld [tilespmem:s0+$0x7780]  }
0x621: {  	s0 =	sor.u32 $0x420, s7;
	[tilespmem:s1+$0xFFFFFF90] =	vst v33;
	v30 =	vmul.f32 v35, v20  }
0x622: {  	v34 =	vld [tilespmem:s0+$0x7780];
	[tilespmem:s23+$0xD0] =	vst v37  }
0x623: {  	v33 =	vld [tilespmem:s3+$0x7780];
	v32 =	vmul.f32 v36, v27;
	[tilespmem:s23+$0xFFFFFFD0] =	vst v38;
	s3 =	sor.u32 $0x460, s22  }
0x624: {  	_ = 	snop  }
0x625: {  	v24 =	vmul.f32 v31, v28;
	_ =	sdelay $0x1  }
0x626: {  	s0 =	sor.u32 $0x430, s13;
	[tilespmem:s1+$0xFFFFFF20] =	vst v24;
	v37 =	vmul.f32 v34, v25  }
0x627: {  	s12 =	sor.u32 $0x430, s15;
	[tilespmem:s1+$0x20] =	vst v32;
	v38 =	vld [tilespmem:s0+$0x7780];
	v33 =	vmul.f32 v33, v26  }
0x628: {  	s19 =	sor.u32 $0x430, s7;
	v32 =	vld [tilespmem:s12+$0x7780];
	[tilespmem:s1+$0xA0] =	vst v37  }
0x629: {  	s21 =	sor.u32 $0x430, s6;
	v24 =	vld [tilespmem:s19+$0x7780];
	[tilespmem:s1+$0xFFFFFFA0] =	vst v33  }
0x62a: {  	v33 =	vld [tilespmem:s21+$0x7780];
	_ =	sdelay $0x1  }
0x62b: {  	v31 =	vmul.f32 v38, v28  }
0x62c: {  	v32 =	vmul.f32 v32, v27  }
0x62d: {  	s26 =	sor.u32 $0x440, s13;
	[tilespmem:s1+$0xFFFFFF30] =	vst v31;
	v24 =	vmul.f32 v24, v25  }
0x62e: {  	s28 =	sor.u32 $0x440, s15;
	[tilespmem:s1+$0x30] =	vst v32;
	v31 =	vld [tilespmem:s26+$0x7780];
	v39 =	vmul.f32 v33, v26  }
0x62f: {  	s29 =	sor.u32 $0x440, s7;
	v40 =	vld [tilespmem:s28+$0x7780];
	[tilespmem:s1+$0xB0] =	vst v24  }
0x630: {  	s30 =	sor.u32 $0x440, s6;
	[tilespmem:s31+$0xFFFFFFB0] =	vst v39;
	v41 =	vld [tilespmem:s29+$0x7780]  }
0x631: {  	v42 =	vld [tilespmem:s30+$0x7780];
	_ =	sdelay $0x1  }
0x632: {  	v31 =	vmul.f32 v31, v28  }
0x633: {  	v24 =	vmul.f32 v40, v27  }
0x634: {  	s1 =	sor.u32 $0x450, s13;
	[tilespmem:s31+$0xFFFFFF40] =	vst v31;
	v43 =	vmul.f32 v41, v25  }
0x635: {  	s4 =	sor.u32 $0x450, s15;
	[tilespmem:s31+$0x40] =	vst v24;
	v44 =	vld [tilespmem:s1+$0x7780];
	v33 =	vmul.f32 v42, v26  }
0x636: {  	s5 =	sor.u32 $0x450, s7;
	v24 =	vld [tilespmem:s4+$0x7780];
	[tilespmem:s31+$0xC0] =	vst v43  }
0x637: {  	s8 =	sor.u32 $0x450, s6;
	[tilespmem:s31+$0xFFFFFFC0] =	vst v33;
	v31 =	vld [tilespmem:s5+$0x7780]  }
0x638: {  	v33 =	vld [tilespmem:s8+$0x7780];
	_ =	sdelay $0x1  }
0x639: {  	v32 =	vmul.f32 v44, v28  }
0x63a: {  	v45 =	vld [tilespmem:s3+$0x7780];
	s10 =	sor.u32 $0x460, s20;
	v24 =	vmul.f32 v24, v27  }
0x63b: {  	s11 =	sor.u32 $0x460, s13;
	v46 =	vld [tilespmem:s10+$0x7780];
	[tilespmem:s31+$0xFFFFFF50] =	vst v32;
	v31 =	vmul.f32 v31, v25  }
0x63c: {  	s12 =	sor.u32 $0x460, s15;
	[tilespmem:s31+$0x50] =	vst v24;
	v47 =	vld [tilespmem:s11+$0x7780];
	v33 =	vmul.f32 v33, v26  }
0x63d: {  	s13 =	sor.u32 $0x460, s7;
	v48 =	vld [tilespmem:s12+$0x7780];
	[tilespmem:s31+$0xD0] =	vst v31  }
0x63e: {  	v29 =	vmul.f32 v29, v21;
	s19 =	sor.u32 $0x460, s6;
	[tilespmem:s31+$0xFFFFFFD0] =	vst v33;
	v49 =	vld [tilespmem:s13+$0x7780]  }
0x63f: {  	[tilespmem:s23+$0xFFFFFF60] =	vst v30;
	v50 =	vmul.f32 v45, v23;
	v51 =	vld [tilespmem:s19+$0x7780]  }
0x640: {  	v52 =	vld [tilespmem:s25+$0x7780];
	[tilespmem:s23+$0x60] =	vst v29;
	s21 =	sor.u32 $0x470, s18;
	v32 =	vmul.f32 v46, v22  }
0x641: {  	s25 =	sor.u32 $0x470, s22;
	[tilespmem:s23+$0xE0] =	vst v50;
	v53 =	vld [tilespmem:s21+$0x7780];
	v24 =	vmul.f32 v47, v28  }
0x642: {  	v54 =	vld [tilespmem:s25+$0x7780];
	s26 =	sor.u32 $0x470, s20;
	[tilespmem:s23+$0xFFFFFFE0] =	vst v32;
	v31 =	vmul.f32 v48, v27  }
0x643: {  	v55 =	vld [tilespmem:s26+$0x7780];
	[tilespmem:s31+$0xFFFFFF60] =	vst v24;
	v33 =	vmul.f32 v49, v25  }
0x644: {  	s28 =	sor.u32 $0x470, s15;
	[tilespmem:s31+$0x60] =	vst v31;
	v56 =	vld [tilespmem:s24+$0x7780];
	v34 =	vmul.f32 v51, v26  }
0x645: {  	v20 =	vmul.f32 v52, v20;
	s29 =	sor.u32 $0x470, s7;
	v57 =	vld [tilespmem:s28+$0x7780];
	[tilespmem:s31+$0xE0] =	vst v33  }
0x646: {  	v58 =	vmul.f32 v53, v21;
	s30 =	sor.u32 $0x470, s6;
	v59 =	vld [tilespmem:s29+$0x7780];
	[tilespmem:s31+$0xFFFFFFE0] =	vst v34  }
0x647: {  	[tilespmem:s23+$0xFFFFFF70] =	vst v20;
	v20 =	vmul.f32 v54, v23;
	v60 =	vld [tilespmem:s30+$0x7780]  }
0x648: {  	[tilespmem:s23+$0x70] =	vst v58;
	v61 =	vmul.f32 v55, v22  }
0x649: {  	[tilespmem:s23+$0xF0] =	vst v20;
	v20 =	vmul.f32 v56, v28  }
.Ltmp16:
0x64a: {  	[tilespmem:s23+$0xFFFFFFF0] =	vst v61;
	v62 =	vmul.f32 v57, v27;
	(pc) =	sbr.rel @p3 .LBB2_29-.Ltmp16, $4  }
0x64b: {  	[tilespmem:s31+$0xFFFFFF70] =	vst v20;
	v20 =	vmul.f32 v59, v25  }
0x64c: {  	[tilespmem:s31+$0x70] =	vst v62;
	v63 =	vmul.f32 v60, v26  }
0x64d: {  	[tilespmem:s31+$0xF0] =	vst v20  }
0x64e: {  	[tilespmem:s31+$0xFFFFFFF0] =	vst v63  }
0x64f: {  	v20 =	vld [tilespmem:s17+$0x70];
	_ =	sdelay $0x4  }
0x650: {  	v21 =	vshll.u32 v20, $0x1  }
0x651: {  	v22 =	vand.u32 $0x7, v20;
	v21 =	vand.u32 $0x1FFF0, v21  }
0x652: {  	v21 =	vor.u32 v22, v21  }
0x653: {  	v20 =	vshrl.u32 v20, $0x10;
	v22 =	vperm.xlane v21, v1;
	_ =	sdelay $0x1  }
0x654: {  	v21 =	vperm.xlane v21, v3;
	v22 =	vadd.s32 v2, v22;
	_ =	sdelay $0x1  }
0x655: {  	s0 =	rddreg [dreg:$0x0];
	s1 =	simm.s32 $0x0;
	s3 =	simm.s32 $0x3F80;
	v21 =	vadd.s32 v2, v21  }
0x656: {  	[tilespmem:s3], [sflag:$0x4] =	stream.indirect_vreg.gather [hbm4b:s0+s1], $0x80, v20, vm0, $0xb8;
	[tilespmem:$0x1ECF8] =	vst v63  }
0x657: {  	s25 =	simm.s32 $0x7780  }
0x658: {  	[tilespmem:s25], [sflag:$0x4] =	stream.indirect_vreg.gather [hbm4b:s14+s1], $0x80, v22, vm0, $0xb8;
	[tilespmem:$0x1ECF8] =	vst v63  }
0x659: {  	s26 =	simm.s32 $0x7F80  }
0x65a: {  	[tilespmem:s26], [sflag:$0x4] =	stream.indirect_vreg.gather [hbm4b:s14+s1], $0x80, v21, vm0, $0xb8;
	[tilespmem:$0x1ECF8] =	vst v63  }
.Ltmp17:
0x65b: {  	_ = 	snop;
	(pc) =	sbr.rel .LBB2_11-.Ltmp17, $4  }
0x65c: {  	s28 =	rddreg [dreg:$0x2];
	s29 =	simm.s32 $0x9F80  }
0x65d: {  	[spmem:s28] =	stream.indirect_vreg.scatter.add.f32 [tilespmem:s29], [sflag:$0x8], $0x80, v19, vm0, $0xb8;
	[tilespmem:$0x1ECF8] =	vst v63  }
0x65e: {  	s30 =	rddreg [dreg:$0x3];
	s31 =	simm.s32 $0xA900;
	s16 =	sadd.s32 $0x1, s16  }
0x65f: {  	[spmem:s30] =	stream.indirect_vreg.scatter.add.f32 [tilespmem:s31], [sflag:$0x8], $0x1, v19, vm0, $0xb8;
	[tilespmem:$0x1ECF8] =	vst v63  }
.LBB2_29:
0x660: {  	_ =	sdelay $0x2  }
0x661: {  	s0 =	rddreg [dreg:$0x2];
	s1 =	simm.s32 $0x9F80  }
0x662: {  	[spmem:s0] =	stream.indirect_vreg.scatter.add.f32 [tilespmem:s1], [sflag:$0x8], $0x80, v19, vm0, $0xb8;
	[tilespmem:$0x1ECF8] =	vst v63  }
0x663: {  	s20 =	rddreg [dreg:$0x3];
	s21 =	simm.s32 $0xA900;
	s22 =	simm.s32 $0x1  }
0x664: {  	[spmem:s20] =	stream.indirect_vreg.scatter.add.f32 [tilespmem:s21], [sflag:$0x8], $0x1, v19, vm0, $0xb8;
	[tilespmem:$0x1ECF8] =	vst v63  }
0x665: {  	v19 =	vld [tilespmem:$0x2700];
	_ =	swait.ge [sflag:s22], $0x800  }
0x666: {  	[sflag:s22] =	ssyncset.done $0x0  }
0x667: {  	[sflag:s22] =	ssyncadd.s32 $0xFFFFF800  }
0x668: {  	_ =	swait.ge [sflag:s22], $0x1000  }
0x669: {  	[sflag:s22] =	ssyncset.done $0x0  }
0x66a: {  	s23 =	simm.s32 $0x5;
	[sflag:s22] =	ssyncadd.s32 $0xFFFFF000  }
0x66b: {  	_ =	swait.ge [sflag:s23], $0x800  }
0x66c: {  	[sflag:s23] =	ssyncset.done $0x0  }
0x66d: {  	[sflag:s23] =	ssyncadd.s32 $0xFFFFF800  }
0x66e: {  	_ =	swait.ge [sflag:s23], $0x10  }
0x66f: {  	s24 =	simm.s32 $0x0;
	s6 =	simm.s32 $0x2880;
	[sflag:s23] =	ssyncset.done $0x0  }
0x670: {  	s3 =	simm.s32 $0x180;
	s25 =	sand.u32 $0x800, s24;
	[sflag:s23] =	ssyncadd.s32 $0xFFFFFFF0  }
0x671: {  	s26 =	sand.u32 $0x380, s3;
	s5 =	sor.u32 $0x4780, s25;
	v20 =	vld [tilespmem:s6+$0x80]  }
0x672: {  	s3 =	sadd.s32 s26, s5;
	v21 =	vld [tilespmem:s6+$0x90]  }
0x673: {  	v22 =	vld [tilespmem:s3+$0x0]  }
0x674: {  	v23 =	vld [tilespmem:s3+$0x10]  }
0x675: {  	v24 =	vld [tilespmem:s6+$0xA0]  }
0x676: {  	v25 =	vld [tilespmem:s3+$0x20]  }
0x677: {  	v26 =	vld [tilespmem:s6+$0xB0]  }
0x678: {  	v27 =	vld [tilespmem:s3+$0x30]  }
0x679: {  	v28 =	vld [tilespmem:s6+$0xC0]  }
0x67a: {  	v29 =	vld [tilespmem:s3+$0x40]  }
0x67b: {  	v30 =	vld [tilespmem:s6+$0xD0]  }
0x67c: {  	v31 =	vld [tilespmem:s3+$0x50]  }
0x67d: {  	v32 =	vld [tilespmem:s6+$0xE0]  }
0x67e: {  	v33 =	vld [tilespmem:s3+$0x60]  }
0x67f: {  	s0 =	sand.u32 $0x200, s24;
	v34 =	vld [tilespmem:s6+$0xF0]  }
0x680: {  	s4 =	simm.s32 $0x80;
	s28 =	sadd.s32 s0, s5;
	v35 =	vld [tilespmem:s3+$0x70]  }
0x681: {  	s29 =	sand.u32 $0x280, s4;
	v36 =	vld [tilespmem:s28+$0x0]  }
0x682: {  	s30 =	simm.s32 $0x100;
	s4 =	sadd.s32 s29, s5;
	v37 =	vld [tilespmem:s28+$0x10]  }
0x683: {  	s31 =	sand.u32 $0x300, s30;
	v38 =	vld [tilespmem:s4+$0x0]  }
0x684: {  	s7 =	sadd.s32 s31, s5;
	v39 =	vld [tilespmem:s4+$0x10]  }
0x685: {  	v40 =	vld [tilespmem:s7+$0x0]  }
0x686: {  	v41 =	vld [tilespmem:s7+$0x10]  }
0x687: {  	v42 =	vld [tilespmem:s6+$0xFFFFFF10]  }
0x688: {  	v43 =	vld [tilespmem:s6+$0xFFFFFF80]  }
0x689: {  	v44 =	vld [tilespmem:s6+$0xFFFFFF90]  }
0x68a: {  	v45 =	vld [tilespmem:s6+$0x0]  }
0x68b: {  	v46 =	vld [tilespmem:s6+$0x10]  }
0x68c: {  	v47 =	vld [tilespmem:s6+$0xFFFFFF00]  }
0x68d: {  	v48 =	vld [tilespmem:s28+$0x20]  }
0x68e: {  	v49 =	vld [tilespmem:s4+$0x20]  }
0x68f: {  	v50 =	vld [tilespmem:s7+$0x20]  }
0x690: {  	v51 =	vld [tilespmem:s6+$0xFFFFFF20]  }
0x691: {  	v52 =	vld [tilespmem:s6+$0xFFFFFFA0]  }
0x692: {  	v53 =	vld [tilespmem:s6+$0x20]  }
0x693: {  	v54 =	vld [tilespmem:s28+$0x30]  }
0x694: {  	v55 =	vld [tilespmem:s4+$0x30]  }
0x695: {  	v56 =	vld [tilespmem:s7+$0x30]  }
0x696: {  	v57 =	vld [tilespmem:s6+$0xFFFFFF30]  }
0x697: {  	v58 =	vld [tilespmem:s6+$0xFFFFFFB0]  }
0x698: {  	v59 =	vld [tilespmem:s6+$0x30]  }
0x699: {  	v63 =	vld [tilespmem:s6+$0xFFFFFF50]  }
0x69a: {  	v61 =	vld [tilespmem:s6+$0xFFFFFF60];
	v20 =	vmul.f32 v22, v20;
	v21 =	vmul.f32 v23, v21  }
0x69b: {  	v22 =	vld [tilespmem:s28+$0x40]  }
0x69c: {  	v23 =	vld [tilespmem:s4+$0x40];
	v62 =	vmul.f32 v39, v44;
	v20 =	vadd.f32 v21, v20;
	v21 =	vmul.f32 v25, v24  }
0x69d: {  	v36 =	vmul.f32 v36, v47;
	v47 =	vmul.f32 v48, v51;
	v48 =	vld [tilespmem:s6+$0x50]  }
0x69e: {  	v49 =	vmul.f32 v49, v52;
	v51 =	vld [tilespmem:s28+$0x60];
	v20 =	vadd.f32 v21, v20;
	v21 =	vmul.f32 v27, v26  }
0x69f: {  	v52 =	vmul.f32 v50, v53;
	v53 =	vmul.f32 v54, v57;
	v54 =	vld [tilespmem:s4+$0x60]  }
0x6a0: {  	v57 =	vmul.f32 v55, v58;
	v58 =	vld [tilespmem:s7+$0x60];
	v20 =	vadd.f32 v21, v20;
	v21 =	vmul.f32 v29, v28  }
0x6a1: {  	v24 =	vld [tilespmem:s7+$0x40];
	v29 =	vmul.f32 v31, v30;
	v31 =	vmul.f32 v38, v43  }
0x6a2: {  	v25 =	vld [tilespmem:s6+$0xFFFFFF40];
	v20 =	vadd.f32 v21, v20  }
0x6a3: {  	v26 =	vld [tilespmem:s6+$0xFFFFFFC0];
	v21 =	vmul.f32 v37, v42;
	v31 =	vadd.f32 v62, v31  }
0x6a4: {  	v27 =	vld [tilespmem:s6+$0x40];
	v20 =	vadd.f32 v29, v20;
	v29 =	vmul.f32 v40, v45;
	v45 =	vmul.f32 v41, v46  }
0x6a5: {  	v28 =	vld [tilespmem:s28+$0x50];
	v21 =	vadd.f32 v21, v36  }
0x6a6: {  	v32 =	vmul.f32 v33, v32;
	v30 =	vld [tilespmem:s4+$0x50];
	v31 =	vadd.f32 v49, v31;
	v29 =	vadd.f32 v45, v29  }
0x6a7: {  	v60 =	vmul.f32 v56, v59;
	v22 =	vmul.f32 v22, v25;
	v46 =	vld [tilespmem:s6+$0xFFFFFFD0];
	v21 =	vadd.f32 v47, v21  }
0x6a8: {  	v37 =	vld [tilespmem:s7+$0x50];
	v23 =	vmul.f32 v23, v26;
	v31 =	vadd.f32 v57, v31;
	v29 =	vadd.f32 v52, v29  }
0x6a9: {  	v25 =	vmul.f32 v35, v34;
	v26 =	vld [tilespmem:s6+$0xFFFFFFE0];
	v20 =	vadd.f32 v32, v20;
	v21 =	vadd.f32 v53, v21  }
0x6aa: {  	v62 =	vld [tilespmem:s6+$0x60];
	v24 =	vmul.f32 v24, v27;
	v23 =	vadd.f32 v23, v31;
	v29 =	vadd.f32 v60, v29  }
0x6ab: {  	v28 =	vmul.f32 v28, v63;
	v31 =	vadd.f32 v25, v20;
	v20 =	vld [tilespmem:s7+$0x70];
	v27 =	vadd.f32 v22, v21  }
0x6ac: {  	v25 =	vld [tilespmem:s6+$0xFFFFFF70];
	v24 =	vadd.f32 v24, v29;
	v29 =	vmul.f32 v30, v46  }
0x6ad: {  	v63 =	vmul.f32 v51, v61;
	v22 =	vld [tilespmem:s28+$0x70];
	v30 =	vmul.f32 v37, v48;
	v28 =	vadd.f32 v28, v27  }
0x6ae: {  	s1 =	simm.s32 $0xAA80;
	v21 =	vld [tilespmem:s4+$0x70];
	v27 =	vadd.f32 v29, v23;
	v29 =	vmul.f32 v54, v26  }
0x6af: {  	s10 =	simm.s32 $0x400;
	s11 =	simm.s32 $0x200;
	s7 =	simm.s32 $0x0;
	[tilespmem:s1+$0x80] =	vst v31;
	v24 =	vadd.f32 v30, v24;
	v23 =	vadd.f32 v63, v28;
	v26 =	vld [tilespmem:s6+$0xFFFFFFF0];
	v28 =	vmul.f32 v58, v62  }
.LBB2_30:
0x6b0: {  	s0 =	sand.u32 $0x800, s10;
	s3 =	sadd.s32 $0x180, s11;
	v27 =	vadd.f32 v29, v27;
	v29 =	vld [tilespmem:s6+$0x70];
	s6 =	sadd.s32 $0x200, s6  }
0x6b1: {  	s7 =	sadd.s32 $0x4, s7;
	s0 =	sor.u32 $0x4780, s0;
	v30 =	vld [tilespmem:s6+$0x80];
	s3 =	sand.u32 $0x380, s3;
	v24 =	vadd.f32 v28, v24  }
0x6b2: {  	s4 =	sadd.s32 $0x80, s11;
	p1 =	slt.u32 s7, $0xC;
	s3 =	sadd.s32 s3, s0;
	v28 =	vld [tilespmem:s6+$0x90]  }
0x6b3: {  	s5 =	sand.u32 $0x200, s11;
	s8 =	sadd.s32 $0x100, s11;
	s4 =	sand.u32 $0x280, s4;
	v31 =	vld [tilespmem:s3+$0x0];
	v22 =	vmul.f32 v22, v25  }
0x6b4: {  	s15 =	sadd.s32 s5, s0;
	s13 =	sadd.s32 s4, s0;
	s4 =	sand.u32 $0x300, s8;
	v25 =	vld [tilespmem:s3+$0x10];
	v21 =	vmul.f32 v21, v26  }
0x6b5: {  	s16 =	sadd.s32 s4, s0;
	v26 =	vld [tilespmem:s6+$0xA0];
	v22 =	vadd.f32 v22, v23;
	v20 =	vmul.f32 v20, v29  }
0x6b6: {  	v23 =	vld [tilespmem:s3+$0x20];
	v21 =	vadd.f32 v21, v27  }
0x6b7: {  	v27 =	vld [tilespmem:s6+$0xB0];
	[tilespmem:s1+$0xFFFFFF00] =	vst v22;
	v20 =	vadd.f32 v20, v24  }
0x6b8: {  	v22 =	vld [tilespmem:s3+$0x30];
	[tilespmem:s1+$0xFFFFFF80] =	vst v21  }
0x6b9: {  	v21 =	vmul.f32 v31, v30;
	v24 =	vmul.f32 v25, v28;
	v25 =	vld [tilespmem:s6+$0xC0];
	[tilespmem:s1+$0x0] =	vst v20  }
0x6ba: {  	v20 =	vld [tilespmem:s3+$0x40]  }
0x6bb: {  	v21 =	vadd.f32 v24, v21;
	v23 =	vmul.f32 v23, v26;
	v24 =	vld [tilespmem:s6+$0xD0]  }
0x6bc: {  	v26 =	vld [tilespmem:s3+$0x50]  }
0x6bd: {  	v21 =	vadd.f32 v23, v21;
	v22 =	vmul.f32 v22, v27;
	v23 =	vld [tilespmem:s6+$0xE0]  }
0x6be: {  	v27 =	vld [tilespmem:s3+$0x60]  }
0x6bf: {  	v21 =	vadd.f32 v22, v21;
	v20 =	vmul.f32 v20, v25;
	v22 =	vld [tilespmem:s6+$0xF0]  }
0x6c0: {  	v25 =	vld [tilespmem:s3+$0x70]  }
0x6c1: {  	v28 =	vld [tilespmem:s15+$0x0];
	v20 =	vadd.f32 v20, v21;
	v21 =	vmul.f32 v26, v24  }
0x6c2: {  	v24 =	vld [tilespmem:s15+$0x10]  }
0x6c3: {  	v26 =	vld [tilespmem:s13+$0x0];
	v20 =	vadd.f32 v21, v20;
	v21 =	vmul.f32 v27, v23  }
0x6c4: {  	v23 =	vld [tilespmem:s13+$0x10]  }
0x6c5: {  	v27 =	vld [tilespmem:s16+$0x0];
	v20 =	vadd.f32 v21, v20;
	v21 =	vmul.f32 v25, v22  }
0x6c6: {  	v22 =	vld [tilespmem:s16+$0x10]  }
0x6c7: {  	v25 =	vld [tilespmem:s6+$0xFFFFFF10];
	v20 =	vadd.f32 v21, v20  }
0x6c8: {  	s1 =	sadd.s32 $0x200, s1;
	v21 =	vld [tilespmem:s6+$0xFFFFFF80]  }
0x6c9: {  	v29 =	vld [tilespmem:s6+$0xFFFFFF90];
	[tilespmem:s1+$0x80] =	vst v20  }
0x6ca: {  	v20 =	vld [tilespmem:s6+$0x0]  }
0x6cb: {  	v30 =	vld [tilespmem:s6+$0x10]  }
0x6cc: {  	v31 =	vld [tilespmem:s6+$0xFFFFFF00];
	v24 =	vmul.f32 v24, v25  }
0x6cd: {  	v25 =	vld [tilespmem:s15+$0x20];
	v21 =	vmul.f32 v26, v21  }
0x6ce: {  	v23 =	vmul.f32 v23, v29;
	v26 =	vld [tilespmem:s13+$0x20]  }
0x6cf: {  	v20 =	vmul.f32 v27, v20;
	v27 =	vld [tilespmem:s16+$0x20]  }
0x6d0: {  	v29 =	vld [tilespmem:s6+$0xFFFFFF20];
	v21 =	vadd.f32 v23, v21;
	v22 =	vmul.f32 v22, v30  }
0x6d1: {  	v23 =	vmul.f32 v28, v31;
	v28 =	vld [tilespmem:s6+$0xFFFFFFA0]  }
0x6d2: {  	v20 =	vadd.f32 v22, v20;
	v22 =	vld [tilespmem:s6+$0x20]  }
0x6d3: {  	v23 =	vadd.f32 v24, v23;
	v24 =	vld [tilespmem:s15+$0x30]  }
0x6d4: {  	v30 =	vld [tilespmem:s13+$0x30]  }
0x6d5: {  	v25 =	vmul.f32 v25, v29;
	v29 =	vld [tilespmem:s16+$0x30]  }
0x6d6: {  	v31 =	vld [tilespmem:s6+$0xFFFFFF30];
	v26 =	vmul.f32 v26, v28  }
0x6d7: {  	v23 =	vadd.f32 v25, v23;
	v25 =	vld [tilespmem:s6+$0xFFFFFFB0];
	v22 =	vmul.f32 v27, v22  }
0x6d8: {  	v21 =	vadd.f32 v26, v21;
	v26 =	vld [tilespmem:s6+$0x30]  }
0x6d9: {  	v27 =	vld [tilespmem:s15+$0x40];
	v20 =	vadd.f32 v22, v20  }
0x6da: {  	v22 =	vld [tilespmem:s13+$0x40]  }
0x6db: {  	v24 =	vmul.f32 v24, v31;
	v28 =	vld [tilespmem:s16+$0x40]  }
0x6dc: {  	v31 =	vld [tilespmem:s6+$0xFFFFFF40];
	v25 =	vmul.f32 v30, v25  }
0x6dd: {  	v23 =	vadd.f32 v24, v23;
	v24 =	vld [tilespmem:s6+$0xFFFFFFC0];
	v26 =	vmul.f32 v29, v26  }
0x6de: {  	v21 =	vadd.f32 v25, v21;
	v25 =	vld [tilespmem:s6+$0x40]  }
0x6df: {  	v29 =	vld [tilespmem:s15+$0x50];
	v20 =	vadd.f32 v26, v20  }
0x6e0: {  	v26 =	vld [tilespmem:s13+$0x50]  }
0x6e1: {  	v27 =	vmul.f32 v27, v31;
	v30 =	vld [tilespmem:s16+$0x50]  }
0x6e2: {  	v31 =	vld [tilespmem:s6+$0xFFFFFF50];
	v22 =	vmul.f32 v22, v24  }
0x6e3: {  	v23 =	vadd.f32 v27, v23;
	v24 =	vld [tilespmem:s6+$0xFFFFFFD0];
	v25 =	vmul.f32 v28, v25  }
0x6e4: {  	v21 =	vadd.f32 v22, v21;
	v22 =	vld [tilespmem:s6+$0x50]  }
0x6e5: {  	v28 =	vld [tilespmem:s15+$0x60];
	v20 =	vadd.f32 v25, v20  }
0x6e6: {  	v32 =	vld [tilespmem:s13+$0x60]  }
0x6e7: {  	v25 =	vmul.f32 v29, v31;
	v31 =	vld [tilespmem:s16+$0x60]  }
0x6e8: {  	v29 =	vld [tilespmem:s6+$0xFFFFFF60];
	v24 =	vmul.f32 v26, v24  }
0x6e9: {  	v23 =	vadd.f32 v25, v23;
	v26 =	vld [tilespmem:s6+$0xFFFFFFE0];
	v25 =	vmul.f32 v30, v22  }
0x6ea: {  	v27 =	vadd.f32 v24, v21;
	v30 =	vld [tilespmem:s6+$0x60]  }
.Ltmp18:
0x6eb: {  	v22 =	vld [tilespmem:s15+$0x70];
	v24 =	vadd.f32 v25, v20;
	(pc) =	sbr.rel @p1 .LBB2_30-.Ltmp18, $4  }
0x6ec: {  	v21 =	vld [tilespmem:s13+$0x70]  }
0x6ed: {  	v28 =	vmul.f32 v28, v29;
	v20 =	vld [tilespmem:s16+$0x70]  }
0x6ee: {  	v25 =	vld [tilespmem:s6+$0xFFFFFF70];
	v29 =	vmul.f32 v32, v26  }
0x6ef: {  	s10 =	sadd.s32 $0x400, s10;
	s11 =	sadd.s32 $0x200, s11;
	v23 =	vadd.f32 v28, v23;
	v26 =	vld [tilespmem:s6+$0xFFFFFFF0];
	v28 =	vmul.f32 v31, v30  }
0x6f0: {  	v30 =	vld [tilespmem:s6+$0x70];
	_ =	sdelay $0x2  }
0x6f1: {  	v22 =	vmul.f32 v22, v25  }
0x6f2: {  	v25 =	vadd.f32 v29, v27;
	v21 =	vmul.f32 v21, v26  }
0x6f3: {  	v24 =	vadd.f32 v28, v24;
	v22 =	vadd.f32 v22, v23;
	v20 =	vmul.f32 v20, v30  }
0x6f4: {  	v21 =	vadd.f32 v21, v25  }
0x6f5: {  	[tilespmem:s1+$0xFFFFFF00] =	vst v22;
	v20 =	vadd.f32 v20, v24  }
0x6f6: {  	[tilespmem:s1+$0xFFFFFF80] =	vst v21  }
0x6f7: {  	[tilespmem:s1+$0x0] =	vst v20  }
0x6f8: {  	v20 =	vld.idx.msk [tilespmem:v0+s9+$0x0], $0xffff  }
0x6f9: {  	v21 =	vld.idx.msk [tilespmem:v4+s9+$0x0], $0xffff;
	_ =	sdelay $0x1  }
0x6fa: {  	v22 =	vld.idx.msk [tilespmem:v5+s9+$0x0], $0xffff;
	_ =	sdelay $0x1  }
0x6fb: {  	v23 =	vld.idx.msk [tilespmem:v6+s9+$0x0], $0xffff  }
0x6fc: {  	v20 =	vadd.f32 v21, v20  }
0x6fd: {  	v21 =	vld.idx.msk [tilespmem:v7+s9+$0x0], $0xffff  }
0x6fe: {  	v20 =	vadd.f32 v22, v20  }
0x6ff: {  	v22 =	vld.idx.msk [tilespmem:v8+s9+$0x0], $0xffff  }
0x700: {  	v20 =	vadd.f32 v23, v20  }
0x701: {  	v23 =	vld.idx.msk [tilespmem:v9+s9+$0x0], $0xffff  }
0x702: {  	v20 =	vadd.f32 v21, v20  }
0x703: {  	v21 =	vld.idx.msk [tilespmem:v10+s9+$0x0], $0xffff  }
0x704: {  	v20 =	vadd.f32 v22, v20  }
0x705: {  	v22 =	vld.idx.msk [tilespmem:v11+s9+$0x0], $0xffff  }
0x706: {  	v20 =	vadd.f32 v23, v20  }
0x707: {  	v23 =	vld.idx.msk [tilespmem:v12+s9+$0x0], $0xffff  }
0x708: {  	v20 =	vadd.f32 v21, v20  }
0x709: {  	v21 =	vld.idx.msk [tilespmem:v13+s9+$0x0], $0xffff  }
0x70a: {  	v20 =	vadd.f32 v22, v20  }
0x70b: {  	v22 =	vld.idx.msk [tilespmem:v14+s9+$0x0], $0xffff  }
0x70c: {  	v20 =	vadd.f32 v23, v20  }
0x70d: {  	v23 =	vld.idx.msk [tilespmem:v15+s9+$0x0], $0xffff  }
0x70e: {  	v20 =	vadd.f32 v21, v20  }
0x70f: {  	v21 =	vld.idx.msk [tilespmem:v16+s9+$0x0], $0xffff  }
0x710: {  	v20 =	vadd.f32 v22, v20  }
0x711: {  	v22 =	vld.idx.msk [tilespmem:v17+s9+$0x0], $0xffff  }
0x712: {  	v20 =	vadd.f32 v23, v20  }
0x713: {  	v23 =	vld.idx.msk [tilespmem:v18+s9+$0x0], $0xffff  }
0x714: {  	v20 =	vadd.f32 v21, v20;
	_ =	sdelay $0x1  }
0x715: {  	v20 =	vadd.f32 v22, v20;
	_ =	sdelay $0x1  }
0x716: {  	v20 =	vadd.f32 v23, v20;
	_ =	sdelay $0x1  }
0x717: {  	v20 =	vmul.f32 $1.442695020e+00, v20;
	_ =	sdelay $0x1  }
0x718: {  	(erf) = vpow2.f32 v20;
	_ =	sdelay $0x5  }
0x719: {  	p1 =	por $0x0, $0x0;
	s0 =	simm.s32 $0x1  }
0x71a: {  	s0 =	simm.s32 @!p1 $0x0  }
0x71b: {  	s0 =	sshll.u32 s0, $0x9  }
0x71c: {  	s12 =	simm.s32 $0x0;
	s10 =	sadd.s32 $0x0, s0;
	v24 =	vpop (erf)  }
0x71d: {  	s13 =	sand.u32 $0x3, s12;
	s3 =	sor.u32 $0x400, s10;
	[tilespmem:$0xA780] =	vst v24  }
0x71e: {  	s0 =	sshll.u32 s13, $0x8;
	v21 =	vld [tilespmem:s3+$0x4780]  }
0x71f: {  	s15 =	sand.u32 $0x7, s12;
	s17 =	sadd.s32 $0x100, s0  }
0x720: {  	s16 =	sshll.u32 s15, $0x7;
	s18 =	sor.u32 $0x400, s17;
	v20 =	vmov s12  }
0x721: {  	s0 =	sadd.s32 $0x0, s16;
	v20 =	vperm.xlane v24, v20;
	v22 =	vld [tilespmem:s18+$0x4780]  }
0x722: {  	s19 =	simm.s32 $0x2;
	s20 =	sadd.s32 $0x180, s0  }
0x723: {  	s21 =	sor.u32 $0x400, s20;
	v23 =	vmov s19;
	s18 =	sadd.s32 $0x80, s0;
	v25 =	vmul.f32 v21, v20  }
0x724: {  	s16 =	simm.s32 $0x8880;
	v26 =	vld [tilespmem:s21+$0x4780];
	s22 =	sor.u32 $0x400, s18;
	v21 =	vperm.xlane v24, v23  }
0x725: {  	s23 =	simm.s32 $0x3;
	s24 =	sor.u32 $0x410, s10;
	v27 =	vld [tilespmem:s22+$0x4780];
	[tilespmem:s16+$0xFFFFFF00] =	vst v25  }
0x726: {  	s25 =	simm.s32 $0x1;
	v23 =	vmov s23;
	v25 =	vmul.f32 v22, v21;
	v28 =	vld [tilespmem:s24+$0x4780]  }
0x727: {  	v23 =	vperm.xlane v24, v23;
	v22 =	vmov s25  }
0x728: {  	s26 =	sor.u32 $0x410, s17;
	v22 =	vperm.xlane v24, v22;
	[tilespmem:s16+$0x0] =	vst v25  }
0x729: {  	v26 =	vmul.f32 v26, v23;
	v25 =	vld [tilespmem:s26+$0x4780]  }
0x72a: {  	v27 =	vmul.f32 v27, v22  }
0x72b: {  	s28 =	sor.u32 $0x410, s20;
	[tilespmem:s16+$0x80] =	vst v26;
	v26 =	vmul.f32 v28, v20  }
0x72c: {  	s29 =	sor.u32 $0x410, s18;
	[tilespmem:s16+$0xFFFFFF80] =	vst v27;
	v27 =	vld [tilespmem:s28+$0x4780]  }
0x72d: {  	s30 =	sor.u32 $0x420, s10;
	v28 =	vld [tilespmem:s29+$0x4780];
	[tilespmem:s16+$0xFFFFFF10] =	vst v26  }
0x72e: {  	v25 =	vmul.f32 v25, v21;
	v26 =	vld [tilespmem:s30+$0x4780];
	_ =	sdelay $0x1  }
0x72f: {  	s31 =	sor.u32 $0x420, s17;
	[tilespmem:s16+$0x10] =	vst v25  }
0x730: {  	v27 =	vmul.f32 v27, v23;
	v25 =	vld [tilespmem:s31+$0x4780]  }
0x731: {  	v28 =	vmul.f32 v28, v22  }
0x732: {  	s1 =	sor.u32 $0x420, s20;
	[tilespmem:s16+$0x90] =	vst v27;
	v26 =	vmul.f32 v26, v20  }
0x733: {  	s3 =	sor.u32 $0x420, s18;
	[tilespmem:s16+$0xFFFFFF90] =	vst v28;
	v27 =	vld [tilespmem:s1+$0x4780]  }
0x734: {  	s4 =	sor.u32 $0x430, s10;
	v28 =	vld [tilespmem:s3+$0x4780];
	[tilespmem:s16+$0xFFFFFF20] =	vst v26  }
0x735: {  	v25 =	vmul.f32 v25, v21;
	v26 =	vld [tilespmem:s4+$0x4780];
	_ =	sdelay $0x1  }
0x736: {  	s5 =	sor.u32 $0x430, s17;
	[tilespmem:s16+$0x20] =	vst v25  }
0x737: {  	p1 =	por !p1, !p1;
	v25 =	vmul.f32 v27, v23;
	v27 =	vld [tilespmem:s5+$0x4780]  }
0x738: {  	s11 =	sor.u32 $0x440, s10;
	s7 =	sor.u32 $0x430, s20;
	s22 =	simm.s32 $0x2;
	v28 =	vmul.f32 v28, v22  }
0x739: {  	s21 =	simm.s32 $0x4;
	s3 =	simm.s32 $0x1;
	s4 =	sand.u32 $0x3, s22;
	[tilespmem:s16+$0xA0] =	vst v25;
	v25 =	vmul.f32 v26, v20  }
0x73a: {  	s8 =	sor.u32 $0x430, s18;
	s3 =	simm.s32 @!p1 $0x0;
	s4 =	sshll.u32 s4, $0x8;
	[tilespmem:s16+$0xFFFFFFA0] =	vst v28;
	v26 =	vld [tilespmem:s7+$0x4780]  }
0x73b: {  	s6 =	sand.u32 $0x7, s21;
	s3 =	sshll.u32 s3, $0x9;
	s15 =	sadd.s32 $0x500, s4;
	v28 =	vld [tilespmem:s8+$0x4780];
	[tilespmem:s16+$0xFFFFFF30] =	vst v25  }
0x73c: {  	s0 =	sshll.u32 s6, $0x7;
	s13 =	sadd.s32 $0x400, s3;
	s12 =	sor.u32 $0x400, s15;
	v25 =	vmul.f32 v27, v21;
	v29 =	vld [tilespmem:s11+$0x4780]  }
0x73d: {  	s0 =	sadd.s32 $0x400, s0;
	s19 =	sor.u32 $0x400, s13;
	v30 =	vld [tilespmem:s12+$0x4780]  }
0x73e: {  	s23 =	simm.s32 $0x6;
	s24 =	sor.u32 $0x440, s17;
	v31 =	vld [tilespmem:s19+$0x4780];
	s7 =	sadd.s32 $0x180, s0;
	[tilespmem:s16+$0x30] =	vst v25  }
0x73f: {  	s6 =	sadd.s32 $0x80, s0;
	s25 =	sor.u32 $0x400, s7;
	v25 =	vmul.f32 v26, v23;
	v26 =	vmov s23;
	v32 =	vld [tilespmem:s24+$0x4780]  }
0x740: {  	v33 =	vmov s21;
	s26 =	sor.u32 $0x400, s6;
	v34 =	vld [tilespmem:s25+$0x4780];
	v27 =	vperm.xlane v24, v26;
	v26 =	vmul.f32 v28, v22  }
0x741: {  	v35 =	vld [tilespmem:s26+$0x4780];
	s28 =	simm.s32 $0x7;
	s29 =	sor.u32 $0x440, s20;
	v28 =	vperm.xlane v24, v33;
	[tilespmem:s16+$0xB0] =	vst v25;
	v29 =	vmul.f32 v29, v20  }
0x742: {  	s30 =	simm.s32 $0x5;
	s31 =	sor.u32 $0x440, s18;
	v25 =	vmov s28;
	v30 =	vmul.f32 v30, v27;
	[tilespmem:s16+$0xFFFFFFB0] =	vst v26;
	v51 =	vld [tilespmem:s29+$0x4780]  }
0x743: {  	s1 =	simm.s32 $0x8A80;
	s4 =	sor.u32 $0x450, s10;
	v26 =	vmov s30;
	v25 =	vperm.xlane v24, v25;
	v31 =	vmul.f32 v31, v28;
	v36 =	vld [tilespmem:s31+$0x4780];
	[tilespmem:s16+$0xFFFFFF40] =	vst v29  }
0x744: {  	s5 =	sor.u32 $0x410, s15;
	v26 =	vperm.xlane v24, v26;
	[tilespmem:s1+$0x0] =	vst v30;
	v30 =	vmul.f32 v32, v21;
	v29 =	vld [tilespmem:s4+$0x4780]  }
0x745: {  	s8 =	sor.u32 $0x410, s13;
	[tilespmem:s1+$0xFFFFFF00] =	vst v31;
	v31 =	vmul.f32 v34, v25;
	v52 =	vld [tilespmem:s5+$0x4780]  }
0x746: {  	s11 =	sor.u32 $0x450, s17;
	v53 =	vmul.f32 v35, v26;
	v54 =	vld [tilespmem:s8+$0x4780];
	[tilespmem:s16+$0x40] =	vst v30  }
0x747: {  	s12 =	sor.u32 $0x410, s7;
	[tilespmem:s1+$0x80] =	vst v31;
	v30 =	vmul.f32 v51, v23;
	v31 =	vld [tilespmem:s11+$0x4780]  }
0x748: {  	s19 =	sor.u32 $0x410, s6;
	[tilespmem:s1+$0xFFFFFF80] =	vst v53;
	v56 =	vld [tilespmem:s12+$0x4780];
	v55 =	vmul.f32 v36, v22  }
0x749: {  	s23 =	sor.u32 $0x450, s20;
	v57 =	vld [tilespmem:s19+$0x4780];
	[tilespmem:s16+$0xC0] =	vst v30;
	v29 =	vmul.f32 v29, v20  }
0x74a: {  	s24 =	sor.u32 $0x450, s18;
	v30 =	vmul.f32 v52, v27;
	[tilespmem:s16+$0xFFFFFFC0] =	vst v55;
	v58 =	vld [tilespmem:s23+$0x4780]  }
0x74b: {  	s25 =	sor.u32 $0x460, s10;
	v59 =	vmul.f32 v54, v28;
	[tilespmem:s16+$0xFFFFFF50] =	vst v29;
	v29 =	vld [tilespmem:s24+$0x4780]  }
0x74c: {  	s26 =	sor.u32 $0x420, s15;
	[tilespmem:s1+$0x10] =	vst v30;
	v30 =	vmul.f32 v31, v21;
	v60 =	vld [tilespmem:s25+$0x4780]  }
0x74d: {  	[tilespmem:s1+$0xFFFFFF10] =	vst v59;
	v61 =	vmul.f32 v56, v25;
	v37 =	vld [tilespmem:s26+$0x4780]  }
0x74e: {  	s28 =	sor.u32 $0x420, s13;
	v62 =	vmul.f32 v57, v26;
	[tilespmem:s16+$0x50] =	vst v30  }
0x74f: {  	s29 =	sor.u32 $0x460, s17;
	v31 =	vld [tilespmem:s28+$0x4780];
	[tilespmem:s1+$0x90] =	vst v61;
	v30 =	vmul.f32 v58, v23  }
0x750: {  	s3 =	sor.u32 $0x460, s20;
	s30 =	sor.u32 $0x420, s7;
	s31 =	sor.u32 $0x420, s6;
	[tilespmem:s1+$0xFFFFFF90] =	vst v62;
	v63 =	vmul.f32 v29, v22;
	v29 =	vld [tilespmem:s29+$0x4780]  }
0x751: {  	s11 =	simm.s32 $0x500;
	s23 =	simm.s32 $0x8A80;
	s24 =	sor.u32 $0x470, s13;
	v34 =	vld [tilespmem:s30+$0x4780];
	[tilespmem:s16+$0xD0] =	vst v30  }
0x752: {  	s25 =	sor.u32 $0x470, s10;
	s26 =	simm.s32 $0x8;
	s10 =	simm.s32 $0x400;
	v33 =	vld [tilespmem:s31+$0x4780];
	v30 =	vmul.f32 v60, v20;
	v32 =	vmul.f32 v37, v27;
	[tilespmem:s16+$0xFFFFFFD0] =	vst v63  }
.LBB2_32:
0x753: {  	p3 =	slt.u32 s26, $0xC  }
0x754: {  	[tilespmem:s16+$0xFFFFFF60] =	vst v30;
	v30 =	vld [tilespmem:s3+$0x4780];
	s3 =	smov.u32 s26;
	s26 =	sadd.s32 $0x4, s26;
	s0 =	sor.u32 $0x460, s18  }
0x755: {  	v31 =	vmul.f32 v31, v28;
	s4 =	sor.u32 $0x470, s17;
	s17 =	smov.u32 s15;
	s10 =	sadd.s32 $0x400, s10;
	v35 =	vld [tilespmem:s25+$0x4780];
	v29 =	vmul.f32 v29, v21  }
0x756: {  	s11 =	sadd.s32 $0x400, s11;
	s22 =	sadd.s32 $0x2, s22;
	s5 =	sor.u32 $0x430, s13  }
0x757: {  	p1 =	por !p1, !p1;
	s21 =	sadd.s32 $0x4, s21;
	s12 =	sor.u32 $0x430, s7;
	[tilespmem:s1+$0xFFFFFF20] =	vst v31;
	v31 =	vmul.f32 v34, v25  }
0x758: {  	s15 =	simm.s32 $0x1;
	s8 =	sand.u32 $0x7, s21;
	v34 =	vld [tilespmem:s5+$0x4780];
	v33 =	vmul.f32 v33, v26;
	s5 =	sor.u32 $0x430, s17;
	[tilespmem:s16+$0x60] =	vst v29  }
0x759: {  	s15 =	simm.s32 @!p1 $0x0;
	s19 =	sand.u32 $0x3, s22;
	s8 =	sshll.u32 s8, $0x7;
	[tilespmem:s1+$0x20] =	vst v32;
	v29 =	vld [tilespmem:s4+$0x4780];
	v30 =	vmul.f32 v30, v23  }
0x75a: {  	s8 =	sadd.s32 s8, s10;
	s4 =	sshll.u32 s15, $0x9;
	s15 =	sshll.u32 s19, $0x8;
	v32 =	vld [tilespmem:s5+$0x4780];
	[tilespmem:s1+$0xA0] =	vst v31;
	v31 =	vmul.f32 v35, v20;
	v20 =	vmov v28  }
0x75b: {  	s28 =	sadd.s32 s4, s10;
	s4 =	sadd.s32 $0x80, s8;
	s5 =	sadd.s32 $0x180, s8;
	v28 =	vld [tilespmem:s12+$0x4780];
	[tilespmem:s16+$0xE0] =	vst v30  }
0x75c: {  	s8 =	sor.u32 $0x400, s28;
	s12 =	sor.u32 $0x400, s4;
	s19 =	sor.u32 $0x400, s5;
	[tilespmem:s1+$0xFFFFFFA0] =	vst v33;
	v30 =	vld [tilespmem:s0+$0x4780]  }
0x75d: {  	s15 =	sadd.s32 s15, s11;
	s0 =	sor.u32 $0x470, s28;
	v33 =	vld [tilespmem:s12+$0x4780];
	v34 =	vmul.f32 v34, v20;
	s12 =	sor.u32 $0x430, s6;
	[tilespmem:s16+$0xFFFFFF70] =	vst v31  }
0x75e: {  	s25 =	smov.u32 s24;
	s29 =	sor.u32 $0x400, s15;
	s24 =	smov.u32 s0;
	v31 =	vld [tilespmem:s12+$0x4780];
	v29 =	vmul.f32 v29, v21;
	v21 =	vmov v27  }
0x75f: {  	s0 =	sor.u32 $0x440, s13;
	v35 =	vld [tilespmem:s29+$0x4780];
	[tilespmem:s1+$0xFFFFFF30] =	vst v34;
	v27 =	vmul.f32 v32, v21  }
0x760: {  	s12 =	sadd.s32 $0x2, s3;
	v32 =	vld [tilespmem:s0+$0x4780];
	v34 =	vmul.f32 v28, v25;
	[tilespmem:s16+$0x70] =	vst v29;
	s0 =	sor.u32 $0x470, s20;
	s20 =	smov.u32 s7  }
0x761: {  	s29 =	sadd.s32 $0x1, s3;
	v28 =	vmov s3;
	v29 =	vmov s12;
	s3 =	sadd.s32 $0x3, s3;
	s7 =	smov.u32 s5;
	[tilespmem:s1+$0x30] =	vst v27;
	v30 =	vmul.f32 v30, v22;
	v36 =	vld [tilespmem:s0+$0x4780]  }
0x762: {  	v38 =	vmov s29;
	v28 =	vperm.xlane v24, v28;
	v27 =	vperm.xlane v24, v29;
	s0 =	sor.u32 $0x440, s17;
	v37 =	vld [tilespmem:s8+$0x4780];
	[tilespmem:s1+$0xB0] =	vst v34  }
0x763: {  	v29 =	vperm.xlane v24, v38;
	v34 =	vmov s3;
	s1 =	sadd.s32 $0x200, s1;
	v31 =	vmul.f32 v31, v26;
	v38 =	vld [tilespmem:s0+$0x4780];
	[tilespmem:s16+$0xFFFFFFE0] =	vst v30  }
0x764: {  	v34 =	vperm.xlane v24, v34;
	s0 =	sor.u32 $0x440, s20;
	v30 =	vmul.f32 v35, v27;
	v35 =	vld [tilespmem:s19+$0x4780]  }
0x765: {  	s3 =	sor.u32 $0x440, s6;
	v32 =	vmul.f32 v32, v20;
	[tilespmem:s23+$0xFFFFFFB0] =	vst v31;
	v31 =	vld [tilespmem:s0+$0x4780]  }
0x766: {  	s0 =	sor.u32 $0x410, s15;
	[tilespmem:s1+$0x0] =	vst v30;
	v30 =	vld [tilespmem:s3+$0x4780];
	v36 =	vmul.f32 v36, v23;
	v23 =	vmov v25;
	v25 =	vmov v34  }
0x767: {  	s5 =	sor.u32 $0x450, s13;
	v33 =	vmul.f32 v33, v29;
	s3 =	sor.u32 $0x410, s28;
	v34 =	vmul.f32 v37, v28;
	v37 =	vld [tilespmem:s0+$0x4780];
	s0 =	sor.u32 $0x410, s7;
	[tilespmem:s23+$0xFFFFFF40] =	vst v32  }
0x768: {  	v32 =	vld [tilespmem:s5+$0x4780];
	v38 =	vmul.f32 v38, v21;
	s5 =	sor.u32 $0x470, s18;
	[tilespmem:s16+$0xF0] =	vst v36;
	s18 =	smov.u32 s6;
	s6 =	smov.u32 s4  }
0x769: {  	[tilespmem:s1+$0xFFFFFF00] =	vst v34;
	s4 =	sor.u32 $0x410, s6;
	v34 =	vmul.f32 v35, v25;
	v35 =	vld [tilespmem:s5+$0x4780]  }
0x76a: {  	v36 =	vld [tilespmem:s3+$0x4780];
	[tilespmem:s1+$0xFFFFFF80] =	vst v33;
	v31 =	vmul.f32 v31, v23  }
0x76b: {  	s3 =	sor.u32 $0x450, s17;
	v33 =	vld [tilespmem:s4+$0x4780];
	v30 =	vmul.f32 v30, v26;
	[tilespmem:s23+$0x40] =	vst v38  }
0x76c: {  	v37 =	vmul.f32 v37, v27;
	[tilespmem:s1+$0x80] =	vst v34;
	v34 =	vld [tilespmem:s3+$0x4780]  }
0x76d: {  	v38 =	vld [tilespmem:s0+$0x4780];
	v32 =	vmul.f32 v32, v20;
	[tilespmem:s23+$0xC0] =	vst v31;
	s0 =	sor.u32 $0x450, s20  }
0x76e: {  	s3 =	sor.u32 $0x450, s18;
	[tilespmem:s23+$0xFFFFFFC0] =	vst v30;
	v30 =	vld [tilespmem:s0+$0x4780];
	v31 =	vmul.f32 v35, v22;
	v22 =	vmov v26;
	v26 =	vmov v29  }
0x76f: {  	s4 =	sor.u32 $0x460, s13;
	s13 =	smov.u32 s28;
	s0 =	sor.u32 $0x420, s28;
	v29 =	vmul.f32 v36, v28;
	[tilespmem:s23+$0xFFFFFF50] =	vst v32;
	v32 =	vld [tilespmem:s3+$0x4780]  }
0x770: {  	v33 =	vmul.f32 v33, v26;
	v35 =	vld [tilespmem:s4+$0x4780];
	[tilespmem:s16+$0xFFFFFFF0] =	vst v31;
	s16 =	smov.u32 s23;
	s23 =	smov.u32 s1  }
0x771: {  	s3 =	sor.u32 $0x420, s15;
	[tilespmem:s1+$0x10] =	vst v37;
	v34 =	vmul.f32 v34, v21  }
0x772: {  	[tilespmem:s1+$0xFFFFFF10] =	vst v29;
	v36 =	vld [tilespmem:s3+$0x4780];
	v29 =	vmul.f32 v38, v25  }
.Ltmp19:
0x773: {  	v31 =	vld [tilespmem:s0+$0x4780];
	[tilespmem:s16+$0x50] =	vst v34;
	s0 =	sor.u32 $0x460, s17;
	v37 =	vmul.f32 v30, v23;
	(pc) =	sbr.rel @p3 .LBB2_32-.Ltmp19, $4  }
0x774: {  	s3 =	sor.u32 $0x420, s6;
	[tilespmem:s1+$0x90] =	vst v29;
	v38 =	vmul.f32 v32, v22;
	v29 =	vld [tilespmem:s0+$0x4780]  }
0x775: {  	s0 =	sor.u32 $0x420, s7;
	[tilespmem:s1+$0xFFFFFF90] =	vst v33;
	v30 =	vmul.f32 v35, v20  }
0x776: {  	v34 =	vld [tilespmem:s0+$0x4780];
	[tilespmem:s16+$0xD0] =	vst v37  }
0x777: {  	v33 =	vld [tilespmem:s3+$0x4780];
	v32 =	vmul.f32 v36, v27;
	[tilespmem:s16+$0xFFFFFFD0] =	vst v38;
	s3 =	sor.u32 $0x460, s20  }
0x778: {  	_ = 	snop  }
0x779: {  	v24 =	vmul.f32 v31, v28;
	_ =	sdelay $0x1  }
0x77a: {  	s0 =	sor.u32 $0x430, s13;
	[tilespmem:s1+$0xFFFFFF20] =	vst v24;
	v36 =	vmul.f32 v34, v25  }
0x77b: {  	s10 =	sor.u32 $0x430, s15;
	[tilespmem:s1+$0x20] =	vst v32;
	v37 =	vld [tilespmem:s0+$0x4780];
	v33 =	vmul.f32 v33, v26  }
0x77c: {  	s11 =	sor.u32 $0x430, s7;
	v32 =	vld [tilespmem:s10+$0x4780];
	[tilespmem:s1+$0xA0] =	vst v36  }
0x77d: {  	s12 =	sor.u32 $0x430, s6;
	v24 =	vld [tilespmem:s11+$0x4780];
	[tilespmem:s1+$0xFFFFFFA0] =	vst v33  }
0x77e: {  	v33 =	vld [tilespmem:s12+$0x4780];
	_ =	sdelay $0x1  }
0x77f: {  	v31 =	vmul.f32 v37, v28  }
0x780: {  	v32 =	vmul.f32 v32, v27  }
0x781: {  	s19 =	sor.u32 $0x440, s13;
	[tilespmem:s1+$0xFFFFFF30] =	vst v31;
	v24 =	vmul.f32 v24, v25  }
0x782: {  	s21 =	sor.u32 $0x440, s15;
	[tilespmem:s1+$0x30] =	vst v32;
	v31 =	vld [tilespmem:s19+$0x4780];
	v38 =	vmul.f32 v33, v26  }
0x783: {  	s22 =	sor.u32 $0x440, s7;
	v39 =	vld [tilespmem:s21+$0x4780];
	[tilespmem:s1+$0xB0] =	vst v24  }
0x784: {  	s26 =	sor.u32 $0x440, s6;
	[tilespmem:s23+$0xFFFFFFB0] =	vst v38;
	v40 =	vld [tilespmem:s22+$0x4780]  }
0x785: {  	v41 =	vld [tilespmem:s26+$0x4780];
	_ =	sdelay $0x1  }
0x786: {  	v31 =	vmul.f32 v31, v28  }
0x787: {  	v24 =	vmul.f32 v39, v27  }
0x788: {  	s28 =	sor.u32 $0x450, s13;
	[tilespmem:s23+$0xFFFFFF40] =	vst v31;
	v42 =	vmul.f32 v40, v25  }
0x789: {  	s29 =	sor.u32 $0x450, s15;
	[tilespmem:s23+$0x40] =	vst v24;
	v43 =	vld [tilespmem:s28+$0x4780];
	v33 =	vmul.f32 v41, v26  }
0x78a: {  	s30 =	sor.u32 $0x450, s7;
	v24 =	vld [tilespmem:s29+$0x4780];
	[tilespmem:s23+$0xC0] =	vst v42  }
0x78b: {  	s31 =	sor.u32 $0x450, s6;
	[tilespmem:s23+$0xFFFFFFC0] =	vst v33;
	v31 =	vld [tilespmem:s30+$0x4780]  }
0x78c: {  	v33 =	vld [tilespmem:s31+$0x4780];
	_ =	sdelay $0x1  }
0x78d: {  	v32 =	vmul.f32 v43, v28  }
0x78e: {  	v44 =	vld [tilespmem:s3+$0x4780];
	s1 =	sor.u32 $0x460, s18;
	v24 =	vmul.f32 v24, v27  }
0x78f: {  	s3 =	sor.u32 $0x460, s13;
	v35 =	vld [tilespmem:s1+$0x4780];
	[tilespmem:s23+$0xFFFFFF50] =	vst v32;
	v31 =	vmul.f32 v31, v25  }
0x790: {  	s4 =	sor.u32 $0x460, s15;
	[tilespmem:s23+$0x50] =	vst v24;
	v32 =	vld [tilespmem:s3+$0x4780];
	v45 =	vmul.f32 v33, v26  }
0x791: {  	s5 =	sor.u32 $0x460, s7;
	v46 =	vld [tilespmem:s4+$0x4780];
	[tilespmem:s23+$0xD0] =	vst v31  }
0x792: {  	s8 =	sor.u32 $0x460, s6;
	v29 =	vmul.f32 v29, v21;
	[tilespmem:s23+$0xFFFFFFD0] =	vst v45;
	v47 =	vld [tilespmem:s5+$0x4780]  }
0x793: {  	[tilespmem:s16+$0xFFFFFF60] =	vst v30;
	v49 =	vmul.f32 v44, v23;
	v48 =	vld [tilespmem:s8+$0x4780]  }
0x794: {  	v50 =	vld [tilespmem:s25+$0x4780];
	s10 =	sor.u32 $0x470, s17;
	[tilespmem:s16+$0x60] =	vst v29;
	v51 =	vmul.f32 v35, v22  }
0x795: {  	v52 =	vld [tilespmem:s10+$0x4780];
	s11 =	sor.u32 $0x470, s20;
	[tilespmem:s16+$0xE0] =	vst v49;
	v53 =	vmul.f32 v32, v28  }
0x796: {  	s12 =	sor.u32 $0x470, s18;
	v54 =	vld [tilespmem:s11+$0x4780];
	[tilespmem:s16+$0xFFFFFFE0] =	vst v51;
	v55 =	vmul.f32 v46, v27  }
0x797: {  	v56 =	vld [tilespmem:s12+$0x4780];
	[tilespmem:s23+$0xFFFFFF60] =	vst v53;
	v24 =	vmul.f32 v47, v25  }
0x798: {  	s13 =	sor.u32 $0x470, s15;
	[tilespmem:s23+$0x60] =	vst v55;
	v30 =	vld [tilespmem:s24+$0x4780];
	v57 =	vmul.f32 v48, v26  }
0x799: {  	s15 =	sor.u32 $0x470, s7;
	v20 =	vmul.f32 v50, v20;
	v58 =	vld [tilespmem:s13+$0x4780];
	[tilespmem:s23+$0xE0] =	vst v24  }
0x79a: {  	s17 =	sor.u32 $0x470, s6;
	v59 =	vmul.f32 v52, v21;
	v24 =	vld [tilespmem:s15+$0x4780];
	[tilespmem:s23+$0xFFFFFFE0] =	vst v57  }
0x79b: {  	[tilespmem:s16+$0xFFFFFF70] =	vst v20;
	v20 =	vmul.f32 v54, v23;
	v60 =	vld [tilespmem:s17+$0x4780]  }
0x79c: {  	[tilespmem:s16+$0x70] =	vst v59;
	v61 =	vmul.f32 v56, v22  }
0x79d: {  	[tilespmem:s16+$0xF0] =	vst v20;
	v20 =	vmul.f32 v30, v28  }
0x79e: {  	v19 =	vshrl.u32 v19, $0x10;
	[tilespmem:s16+$0xFFFFFFF0] =	vst v61;
	v62 =	vmul.f32 v58, v27  }
0x79f: {  	[tilespmem:s23+$0xFFFFFF70] =	vst v20;
	v20 =	vmul.f32 v24, v25  }
0x7a0: {  	[tilespmem:s23+$0x70] =	vst v62;
	v63 =	vmul.f32 v60, v26  }
0x7a1: {  	[tilespmem:s23+$0xF0] =	vst v20  }
0x7a2: {  	s19 =	simm.s32 $0x8780;
	s18 =	rddreg [dreg:$0x2];
	[tilespmem:s23+$0xFFFFFFF0] =	vst v63  }
0x7a3: {  	[spmem:s18] =	stream.indirect_vreg.scatter.add.f32 [tilespmem:s19], [sflag:$0x5], $0x80, v19, vm0, $0xb8;
	[tilespmem:$0x1ECF8] =	vst v63  }
0x7a4: {  	s20 =	rddreg [dreg:$0x3];
	s21 =	simm.s32 $0xA780;
	s22 =	simm.s32 $0x6  }
0x7a5: {  	[spmem:s20] =	stream.indirect_vreg.scatter.add.f32 [tilespmem:s21], [sflag:$0x5], $0x1, v19, vm0, $0xb8;
	[tilespmem:$0x1ECF8] =	vst v63  }
0x7a6: {  	_ =	swait.ge [sflag:s22], $0x800  }
0x7a7: {  	[sflag:s22] =	ssyncset.done $0x0  }
0x7a8: {  	[sflag:s22] =	ssyncadd.s32 $0xFFFFF800  }
0x7a9: {  	_ =	swait.ge [sflag:s22], $0x10  }
0x7aa: {  	[sflag:s22] =	ssyncset.done $0x0  }
0x7ab: {  	s23 =	simm.s32 $0x7;
	[sflag:s22] =	ssyncadd.s32 $0xFFFFFFF0  }
0x7ac: {  	_ =	swait.ge [sflag:s23], $0x800  }
0x7ad: {  	[sflag:s23] =	ssyncset.done $0x0  }
0x7ae: {  	[sflag:s23] =	ssyncadd.s32 $0xFFFFF800  }
0x7af: {  	_ =	swait.ge [sflag:s23], $0x10  }
0x7b0: {  	[sflag:s23] =	ssyncset.done $0x0  }
0x7b1: {  	s24 =	simm.s32 $0x8;
	[sflag:s23] =	ssyncadd.s32 $0xFFFFFFF0  }
0x7b2: {  	_ =	swait.ge [sflag:s24], $0x800  }
0x7b3: {  	[sflag:s24] =	ssyncset.done $0x0  }
0x7b4: {  	[sflag:s24] =	ssyncadd.s32 $0xFFFFF800  }
0x7b5: {  	_ =	swait.ge [sflag:s24], $0x10  }
0x7b6: {  	[sflag:s24] =	ssyncset.done $0x0  }
0x7b7: {  	s25 =	simm.s32 $0x5;
	[sflag:s24] =	ssyncadd.s32 $0xFFFFFFF0  }
0x7b8: {  	_ =	swait.ge [sflag:s25], $0x800  }
0x7b9: {  	[sflag:s25] =	ssyncset.done $0x0  }
0x7ba: {  	[sflag:s25] =	ssyncadd.s32 $0xFFFFF800  }
0x7bb: {  	_ =	swait.ge [sflag:s25], $0x10  }
0x7bc: {  	[sflag:s25] =	ssyncset.done $0x0  }
0x7bd: {  	[sflag:s25] =	ssyncadd.s32 $0xFFFFFFF0  }
0x7be: {  	[bflag:$0x0] =	sbarrier.arrive $0xFFFF  }
0x7bf: {  	s29 =	sld [smem:$0x7E9]  }
0x7c0: {  	s26 =	sshll.u32 s2, $0x6  }
0x7c1: {  	s0 =	sor.u32 $0x1C09, s26;
	s28 =	rddreg [dreg:$0x5]  }
0x7c2: {  	[hbm:s28], [sflag:s0] =	dma.local [spmem:s29], $0x500  }
0x7c3: {  	s3 =	sld [smem:$0x7EA];
	_ =	sdelay $0x1  }
0x7c4: {  	s1 =	rddreg [dreg:$0x6]  }
0x7c5: {  	[hbm:s1], [sflag:s0] =	dma.local [spmem:s3], $0x500  }
0x7c6: {  	s3 =	sld [smem:$0x7EB];
	_ =	sdelay $0x1  }
0x7c7: {  	s1 =	rddreg [dreg:$0x7]  }
0x7c8: {  	[hbm:s1], [sflag:s0] =	dma.local [spmem:s3], $0x500  }
0x7c9: {  	s3 =	sld [smem:$0x7EC];
	_ =	sdelay $0x1  }
0x7ca: {  	s1 =	rddreg [dreg:$0x8]  }
0x7cb: {  	[hbm:s1], [sflag:s0] =	dma.local [spmem:s3], $0x500  }
0x7cc: {  	s3 =	sld [smem:$0x7ED];
	_ =	sdelay $0x1  }
0x7cd: {  	s1 =	rddreg [dreg:$0x9]  }
0x7ce: {  	[hbm:s1], [sflag:s0] =	dma.local [spmem:s3], $0x500  }
0x7cf: {  	s3 =	sld [smem:$0x7EE];
	_ =	sdelay $0x1  }
0x7d0: {  	s1 =	rddreg [dreg:$0xa]  }
0x7d1: {  	[hbm:s1], [sflag:s0] =	dma.local [spmem:s3], $0x500  }
0x7d2: {  	s3 =	sld [smem:$0x7EF];
	_ =	sdelay $0x1  }
0x7d3: {  	s1 =	rddreg [dreg:$0xb]  }
0x7d4: {  	[hbm:s1], [sflag:s0] =	dma.local [spmem:s3], $0x500  }
0x7d5: {  	s3 =	sld [smem:$0x7F0]  }
0x7d6: {  	s30 =	sadd.s32 $0x0, s2  }
0x7d7: {  	p1 =	sgt.u32 s30, $0x7C;
	s1 =	rddreg [dreg:$0xc]  }
0x7d8: {  	[hbm:s1], [sflag:s0] =	dma.local @!p0 [spmem:s3], $0x500  }
0x7d9: {  	s0 =	simm.s32 @!p1 $0x9;
	p1 =	por p1, p1  }
0x7da: {  	_ =	swait.ge @!p1 [sflag:s0], $0x500  }
0x7db: {  	s4 =	sld [smem:$0x7D8]  }
0x7dc: {  	[sflag:s0] =	ssyncset.done @!p1 $0x0  }
0x7dd: {  	s1 =	simm.s32 @!p1 $0xB;
	[sflag:s0] =	ssyncadd.s32 @!p1 $0xFFFFFB00;
	s0 =	simm.s32 @!p1 $0xB180  }
0x7de: {  	[tilespmem:s0], [sflag:$0xB] =	stream.linear.gather @!p1 [spmem:s4], $0x50, $0x38;
	[tilespmem:$0x1ECF8] =	vst v63  }
0x7df: {  	_ =	swait.ge @!p1 [sflag:s1], $0x50  }
0x7e0: {  	s5 =	sld [smem:$0x7D9]  }
0x7e1: {  	s31 =	sadd.s32 $0x10, s2;
	[sflag:s1] =	ssyncset.done @!p1 $0x0  }
0x7e2: {  	s6 =	simm.s32 @!p1 $0xA;
	[sflag:s1] =	ssyncadd.s32 @!p1 $0xFFFFFFB0;
	s1 =	simm.s32 @!p1 $0x0  }
0x7e3: {  	[hbm4b:s5+s1] =	stream.linear.scatter @!p1 [tilespmem:s0], [sflag:$0xA], $0x50, $0x38;
	[tilespmem:$0x1ECF8] =	vst v63  }
0x7e4: {  	p4 =	sgt.u32 s31, $0x7C;
	s3 =	simm.s32 $0x20;
	_ =	swait.ge @!p1 [sflag:s6], $0x50  }
0x7e5: {  	s4 =	sadd.s32 $0x500, s4;
	s1 =	sadd.s32 $0xA0, s5;
	[sflag:s6] =	ssyncset.done @!p1 $0x0  }
.LBB2_34:
0x7e6: {  	s0 =	simm.s32 @!p4 $0x9;
	[sflag:s6] =	ssyncadd.s32 @!p1 $0xFFFFFFB0  }
0x7e7: {  	s5 =	smov.u32 s3;
	s3 =	sadd.s32 $0x10, s3;
	p1 =	por p4, p4  }
0x7e8: {  	p3 =	sne.s32 s3, $0x80;
	_ =	swait.ge @!p1 [sflag:s0], $0x500  }
0x7e9: {  	[sflag:s0] =	ssyncset.done @!p1 $0x0  }
0x7ea: {  	s6 =	simm.s32 @!p1 $0xB;
	[sflag:s0] =	ssyncadd.s32 @!p1 $0xFFFFFB00;
	s0 =	simm.s32 @!p1 $0xB180  }
0x7eb: {  	[tilespmem:s0], [sflag:$0xB] =	stream.linear.gather @!p1 [spmem:s4], $0x50, $0x38;
	[tilespmem:$0x1ECF8] =	vst v63  }
0x7ec: {  	_ =	swait.ge @!p1 [sflag:s6], $0x50  }
.Ltmp20:
0x7ed: {  	[sflag:s6] =	ssyncset.done @!p1 $0x0;
	(pc) =	sbr.rel @p3 .LBB2_34-.Ltmp20, $4  }
0x7ee: {  	s7 =	simm.s32 @!p1 $0x0;
	[sflag:s6] =	ssyncadd.s32 @!p1 $0xFFFFFFB0;
	s6 =	simm.s32 @!p1 $0xA  }
0x7ef: {  	[hbm4b:s1+s7] =	stream.linear.scatter @!p1 [tilespmem:s0], [sflag:$0xA], $0x50, $0x38;
	[tilespmem:$0x1ECF8] =	vst v63  }
0x7f0: {  	s0 =	sadd.s32 s5, s2;
	s1 =	sadd.s32 $0xA0, s1;
	_ =	swait.ge @!p1 [sflag:s6], $0x50  }
0x7f1: {  	s4 =	sadd.s32 $0x500, s4;
	p4 =	sgt.u32 s0, $0x7C;
	[sflag:s6] =	ssyncset.done @!p1 $0x0  }
0x7f2: {  	s0 =	simm.s32 @!p4 $0x9;
	[sflag:s6] =	ssyncadd.s32 @!p1 $0xFFFFFFB0;
	p1 =	por p4, p4  }
0x7f3: {  	_ =	swait.ge @!p1 [sflag:s0], $0x500  }
0x7f4: {  	[sflag:s0] =	ssyncset.done @!p1 $0x0  }
0x7f5: {  	s3 =	simm.s32 @!p1 $0xB;
	[sflag:s0] =	ssyncadd.s32 @!p1 $0xFFFFFB00;
	s0 =	simm.s32 @!p1 $0xB180  }
0x7f6: {  	[tilespmem:s0], [sflag:$0xB] =	stream.linear.gather @!p1 [spmem:s4], $0x50, $0x38;
	[tilespmem:$0x1ECF8] =	vst v63  }
0x7f7: {  	_ =	swait.ge @!p1 [sflag:s3], $0x50  }
0x7f8: {  	[sflag:s3] =	ssyncset.done @!p1 $0x0  }
0x7f9: {  	s4 =	simm.s32 @!p1 $0xA;
	[sflag:s3] =	ssyncadd.s32 @!p1 $0xFFFFFFB0;
	s3 =	simm.s32 @!p1 $0x0  }
0x7fa: {  	[hbm4b:s1+s3] =	stream.linear.scatter @!p1 [tilespmem:s0], [sflag:$0xA], $0x50, $0x38;
	[tilespmem:$0x1ECF8] =	vst v63  }
0x7fb: {  	_ =	swait.ge @!p1 [sflag:s4], $0x50  }
0x7fc: {  	s30 =	sld [smem:$0x7D7];
	_ =	sdelay $0x2  }
0x7fd: {  	s31 =	rddreg [dreg:$0x1f];
	s1 =	sadd.s32 $0x1, s30  }
0x7fe: {  	p3 =	sne.s32 s1, s31  }
.Ltmp21:
0x7ff: {  	_ = 	snop;
	(pc) =	sbr.rel @p3 .LBB2_1-.Ltmp21, $3  }
0x800: {  	_ =	sdelay $0x1  }
0x801: {  	[sflag:s4] =	ssyncset.done @!p1 $0x0  }
0x802: {  	[sflag:s4] =	ssyncadd.s32 @!p1 $0xFFFFFFB0  }
0x803: {  	_ =	sfence.sel $0x180000  }
0x804: {  	[bflag:$0x0] =	sbarrier.arrive $0xFFFF  }
0x805: {  	_ =	strace $0x90000047  }
0x806: {  	[bflag:$0x2] =	sbarrier.arrive $0xFFFF  }
0x807: {  	p0 =	sne.s32 s2, $0x0;
	s0 =	rddreg [dreg:$0x4]  }
0x808: {  	s0 =	sadd.s32 @!p0 $0x100000, s0  }
0x809: {  	[sflag:s0] =	ssyncadd.tile.s32 @!p0 $0x1;
	_ =	shalt  }
.Lfunc_end2:
_tile_overlayer_lowered:
.L_overlay_start_2:
0x80a: {  	(tag) =	ssettag $0x2  }
0x80b: {  	s0 =	rddreg [dreg:$0x0];
	s2 =	stileid.u32  }
0x80c: {  	s1 =	rddreg [dreg:$0x1];
	p0 =	sne.s32 s2, $0x0  }
0x80d: {  	s3 =	rddreg [dreg:$0x2];
	[bflag:$0x3] =	sbarrier.arrive $0xFFFF;
	s2 =	simm.s32 @!p0 $0x1C0A  }
0x80e: {  	[timem:s3], [sflag:s2] =	dma.local @!p0 [hbm:s0], s1  }
0x80f: {  	s0 =	simm.s32 @!p0 $0xA  }
0x810: {  	_ =	swait.ge @!p0 [sflag:s0], s1  }
0x811: {  	s1 =	ssub.s32 @!p0 $0x0, s1;
	[sflag:s0] =	ssyncset.done @!p0 $0x0  }
0x812: {  	[sflag:s0] =	ssyncadd.s32 @!p0 s1  }
0x813: {  	[bflag:$0x3] =	sbarrier.arrive $0xFFFF  }
0x814: {  	_ =	shalt  }

</sc_bundles>
